<compile_context>
chip_gen: v7x
topology: tpu7x:2x2x1
jax: 0.10.2.dev20260603
libtpu: 0.0.44.dev20260713+nightly
codegen_flags: <defaults>
</compile_context>

<pallas_src>
import functools

import jax
import jax.numpy as jnp
from jax import lax
from jax.experimental import pallas as pl
from jax.experimental.pallas import tpu as pltpu
from jax.experimental.pallas import tpu_sc as plsc

B = 8
N = 2048
BN = B * N
K_NN = 20
EPS = 1e-5
NEG = -3.0e38
CP = 128

NW = 32
PTS_W = BN // NW
P_CHUNK = 4
N_CHUNK = PTS_W // P_CHUNK


R_TOPK = 256


def _topk_body(c_dim, x_ref, xt_ref, xxr_ref, xxc_ref, idx_ref, pd_ref):
    b = pl.program_id(0)
    rows = x_ref[...]
    xt = xt_ref[0]
    g = jnp.dot(rows[:, :c_dim], xt[:c_dim, :],
                preferred_element_type=jnp.float32)
    pd_ref[...] = 2.0 * g - xxc_ref[0] - xxr_ref[...]
    iota = lax.broadcasted_iota(jnp.int32, (R_TOPK, N), 1)
    outs = []
    for _ in range(K_NN):
        pd = pd_ref[...]
        mx = jnp.max(pd, axis=1, keepdims=True)
        cand = jnp.where(pd == mx, iota, N)
        arg = jnp.min(cand, axis=1, keepdims=True)
        outs.append(arg)
        pd_ref[...] = jnp.where(iota == arg, NEG, pd)
    idx_ref[...] = jnp.concatenate(outs, axis=1) + b * N


def _topk(x_pad, xt_pad, c_dim):
    xxb = jnp.sum(xt_pad[:, :c_dim, :] * xt_pad[:, :c_dim, :], axis=1)
    grid = (B, N // R_TOPK)
    return pl.pallas_call(
        functools.partial(_topk_body, c_dim),
        grid=grid,
        in_specs=[
            pl.BlockSpec((R_TOPK, CP), lambda b, i: (b * (N // R_TOPK) + i, 0)),
            pl.BlockSpec((1, CP, N), lambda b, i: (b, 0, 0)),
            pl.BlockSpec((R_TOPK, 1), lambda b, i: (b * (N // R_TOPK) + i, 0)),
            pl.BlockSpec((1, 1, N), lambda b, i: (b, 0, 0)),
        ],
        out_specs=pl.BlockSpec((R_TOPK, K_NN), lambda b, i: (b * (N // R_TOPK) + i, 0)),
        out_shape=jax.ShapeDtypeStruct((BN, K_NN), jnp.int32),
        scratch_shapes=[pltpu.VMEM((R_TOPK, N), jnp.float32)],
    )(x_pad, xt_pad, xxb.reshape(BN, 1), xxb[:, None, :])


def _make_sc_gather_simple():
    mesh = plsc.VectorSubcoreMesh(core_axis_name="c", subcore_axis_name="s")

    @functools.partial(
        pl.kernel,
        mesh=mesh,
        out_type=jax.ShapeDtypeStruct((BN * K_NN, CP), jnp.float32),
        scratch_types=[
            pltpu.VMEM((PTS_W * K_NN,), jnp.int32),
            pltpu.VMEM((P_CHUNK * K_NN, CP), jnp.float32),
            pltpu.VMEM((P_CHUNK * K_NN, CP), jnp.float32),
            pltpu.SemaphoreType.DMA,
            pltpu.SemaphoreType.DMA,
        ],
    )
    def sc_kernel(table_hbm, idx_hbm, feat_hbm,
                  idx_v, rows0_v, rows1_v, gsem, wsem):
        wid = lax.axis_index("s") * 2 + lax.axis_index("c")
        rbase = wid * (PTS_W * K_NN)
        pltpu.sync_copy(idx_hbm.at[pl.ds(rbase, PTS_W * K_NN)], idx_v)
        nrow = P_CHUNK * K_NN

        pltpu.async_copy(
            table_hbm.at[idx_v.at[pl.ds(0, nrow)]], rows0_v, gsem).wait()

        def pair(i, carry):
            ch0 = 2 * i
            g1 = pltpu.async_copy(
                table_hbm.at[idx_v.at[pl.ds((ch0 + 1) * nrow, nrow)]],
                rows1_v, gsem)
            w0 = pltpu.async_copy(
                rows0_v, feat_hbm.at[pl.ds(rbase + ch0 * nrow, nrow)], wsem)
            g1.wait()
            w0.wait()
            g2 = pltpu.async_copy(
                table_hbm.at[idx_v.at[pl.ds(((ch0 + 2) % N_CHUNK) * nrow, nrow)]],
                rows0_v, gsem)
            w1 = pltpu.async_copy(
                rows1_v, feat_hbm.at[pl.ds(rbase + (ch0 + 1) * nrow, nrow)], wsem)
            g2.wait()
            w1.wait()
            return carry

        lax.fori_loop(0, N_CHUNK // 2, pair, 0)

    return sc_kernel


_SC_GATHER = []


def _sc_gather(table, idx_flat):
    if not _SC_GATHER:
        _SC_GATHER.append(_make_sc_gather_simple())
    return _SC_GATHER[0](table, idx_flat)


P_T = 128


def _conv_body(c_dim, feat_ref, x_ref, wt_ref, m_ref, st_ref):
    i = pl.program_id(0)
    feat = feat_ref[...][:, :c_dim]
    xe = jnp.broadcast_to(x_ref[...][:, None, :c_dim], (P_T, K_NN, c_dim))
    xe = xe.reshape(P_T * K_NN, c_dim)
    f6 = jnp.concatenate([feat - xe, xe], axis=1)
    y = jnp.dot(f6, wt_ref[...], preferred_element_type=jnp.float32)
    o_dim = y.shape[1]
    m_ref[...] = jnp.max(y.reshape(P_T, K_NN, o_dim), axis=1)
    acc = jnp.concatenate(
        [
            jnp.sum(y, axis=0, keepdims=True),
            jnp.sum(y * y, axis=0, keepdims=True),
            jnp.zeros((6, o_dim), jnp.float32),
        ],
        axis=0,
    )

    @pl.when(i == 0)
    def _():
        st_ref[...] = jnp.zeros_like(st_ref)

    st_ref[...] += acc


def _conv(feat, x_pad, wt, c_dim):
    o_dim = wt.shape[1]
    return pl.pallas_call(
        functools.partial(_conv_body, c_dim),
        grid=(BN // P_T,),
        in_specs=[
            pl.BlockSpec((P_T * K_NN, CP), lambda i: (i, 0)),
            pl.BlockSpec((P_T, CP), lambda i: (i, 0)),
            pl.BlockSpec((2 * c_dim, o_dim), lambda i: (0, 0)),
        ],
        out_specs=[
            pl.BlockSpec((P_T, o_dim), lambda i: (i, 0)),
            pl.BlockSpec((8, o_dim), lambda i: (0, 0)),
        ],
        out_shape=[
            jax.ShapeDtypeStruct((BN, o_dim), jnp.float32),
            jax.ShapeDtypeStruct((8, o_dim), jnp.float32),
        ],
    )(feat, x_pad, wt)


R_NORM = 2048


def _norm_body(pad_w, m_ref, mu_ref, s_ref, g_ref, b_ref, out_ref):
    y = (g_ref[...] * (m_ref[...] - mu_ref[...])) / s_ref[...] + b_ref[...]
    yl = jnp.where(y >= 0, y, 0.2 * y)
    o_dim = yl.shape[1]
    if pad_w > o_dim:
        yl = jnp.concatenate(
            [yl, jnp.zeros((yl.shape[0], pad_w - o_dim), jnp.float32)], axis=1)
    out_ref[...] = yl


def _norm(m_arr, mu, s, g, b, pad_w):
    o_dim = m_arr.shape[1]
    return pl.pallas_call(
        functools.partial(_norm_body, pad_w),
        grid=(BN // R_NORM,),
        in_specs=[
            pl.BlockSpec((R_NORM, o_dim), lambda i: (i, 0)),
            pl.BlockSpec((1, o_dim), lambda i: (0, 0)),
            pl.BlockSpec((1, o_dim), lambda i: (0, 0)),
            pl.BlockSpec((1, o_dim), lambda i: (0, 0)),
            pl.BlockSpec((1, o_dim), lambda i: (0, 0)),
        ],
        out_specs=pl.BlockSpec((R_NORM, pad_w), lambda i: (i, 0)),
        out_shape=jax.ShapeDtypeStruct((BN, pad_w), jnp.float32),
    )(m_arr, mu, s, g, b)


def _gn_norm(y, gind_ref, g_ref, b_ref, cnt, leaky):
    stat = jnp.concatenate(
        [
            jnp.sum(y, axis=0, keepdims=True),
            jnp.sum(y * y, axis=0, keepdims=True),
            jnp.zeros((6, y.shape[1]), jnp.float32),
        ],
        axis=0,
    )
    gstat = jnp.dot(stat, gind_ref[...], preferred_element_type=jnp.float32)
    m = gstat[0:1, :] / cnt
    v = gstat[1:2, :] / cnt - m * m
    yn = (g_ref[...] * (y - m)) / jnp.sqrt(v + EPS) + b_ref[...]
    if leaky:
        return jnp.where(yn >= 0, yn, 0.2 * yn)
    return jnp.maximum(yn, 0.0)


def _head5_body(l_ref, w_ref, gind_ref, g_ref, b_ref,
                x5_ref, gmax_ref, gsum_ref):
    y = jnp.dot(l_ref[...], w_ref[...], preferred_element_type=jnp.float32)
    yl = _gn_norm(y, gind_ref, g_ref, b_ref, 8.0 * N, leaky=True)
    x5_ref[...] = yl
    gmax_ref[0] = jnp.max(yl, axis=0, keepdims=True)
    gsum_ref[0] = jnp.sum(yl, axis=0, keepdims=True)


def _head5(l_arr, w5_t, gind, g5, b5):
    return pl.pallas_call(
        _head5_body,
        grid=(B,),
        in_specs=[
            pl.BlockSpec((N, 512), lambda b: (b, 0)),
            pl.BlockSpec((512, 256), lambda b: (0, 0)),
            pl.BlockSpec((256, 256), lambda b: (0, 0)),
            pl.BlockSpec((1, 256), lambda b: (0, 0)),
            pl.BlockSpec((1, 256), lambda b: (0, 0)),
        ],
        out_specs=[
            pl.BlockSpec((N, 256), lambda b: (b, 0)),
            pl.BlockSpec((1, 1, 256), lambda b: (b, 0, 0)),
            pl.BlockSpec((1, 1, 256), lambda b: (b, 0, 0)),
        ],
        out_shape=[
            jax.ShapeDtypeStruct((BN, 256), jnp.float32),
            jax.ShapeDtypeStruct((B, 1, 256), jnp.float32),
            jax.ShapeDtypeStruct((B, 1, 256), jnp.float32),
        ],
    )(l_arr, w5_t, gind, g5, b5)


def _mlp1_body(l_ref, gv_ref, wa_ref, wb_ref, bm_ref, gind_ref, g_ref, b_ref,
               out_ref):
    y = jnp.dot(l_ref[...], wa_ref[...], preferred_element_type=jnp.float32)
    y = y + jnp.dot(gv_ref[0], wb_ref[...], preferred_element_type=jnp.float32)
    y = y + bm_ref[...]
    out_ref[...] = _gn_norm(y, gind_ref, g_ref, b_ref, 16.0 * N, leaky=False)


def _mlp1(l_arr, gv, wa_t, wb_t, bm, gind, g, b):
    return pl.pallas_call(
        _mlp1_body,
        grid=(B,),
        in_specs=[
            pl.BlockSpec((N, 512), lambda i: (i, 0)),
            pl.BlockSpec((1, 1, 512), lambda i: (i, 0, 0)),
            pl.BlockSpec((512, 512), lambda i: (0, 0)),
            pl.BlockSpec((512, 512), lambda i: (0, 0)),
            pl.BlockSpec((1, 512), lambda i: (0, 0)),
            pl.BlockSpec((512, 512), lambda i: (0, 0)),
            pl.BlockSpec((1, 512), lambda i: (0, 0)),
            pl.BlockSpec((1, 512), lambda i: (0, 0)),
        ],
        out_specs=pl.BlockSpec((N, 512), lambda i: (i, 0)),
        out_shape=jax.ShapeDtypeStruct((BN, 512), jnp.float32),
    )(l_arr, gv, wa_t, wb_t, bm, gind, g, b)


def _mlp_body(cnt, x_ref, w_ref, bm_ref, gind_ref, g_ref, b_ref, out_ref):
    y = jnp.dot(x_ref[...], w_ref[...], preferred_element_type=jnp.float32)
    y = y + bm_ref[...]
    out_ref[...] = _gn_norm(y, gind_ref, g_ref, b_ref, cnt, leaky=False)


def _mlp(x_arr, w_t, bm, gind, g, b, cnt):
    c_dim, o_dim = w_t.shape
    return pl.pallas_call(
        functools.partial(_mlp_body, cnt),
        grid=(B,),
        in_specs=[
            pl.BlockSpec((N, c_dim), lambda i: (i, 0)),
            pl.BlockSpec((c_dim, o_dim), lambda i: (0, 0)),
            pl.BlockSpec((1, o_dim), lambda i: (0, 0)),
            pl.BlockSpec((o_dim, o_dim), lambda i: (0, 0)),
            pl.BlockSpec((1, o_dim), lambda i: (0, 0)),
            pl.BlockSpec((1, o_dim), lambda i: (0, 0)),
        ],
        out_specs=pl.BlockSpec((N, o_dim), lambda i: (i, 0)),
        out_shape=jax.ShapeDtypeStruct((BN, o_dim), jnp.float32),
    )(x_arr, w_t, bm, gind, g, b)


def _edge_layer(x_pad, xt_pad, c_dim, w, g, b):
    o_dim = w.shape[0]
    wt = jnp.transpose(w)
    idx = _topk(x_pad, xt_pad, c_dim)
    feat = _sc_gather(x_pad, idx.reshape(BN * K_NN))
    m_arr, stats = _conv(feat, x_pad, wt, c_dim)
    cnt = float(BN * K_NN)
    mu = stats[0] / cnt
    var = stats[1] / cnt - mu * mu
    s = jnp.sqrt(var + EPS)
    pad_w = CP if o_dim < CP else o_dim
    xn_pad = _norm(m_arr, mu[None, :], s[None, :], g[None, :], b[None, :], pad_w)
    xt_next = jnp.transpose(xn_pad.reshape(B, N, pad_w), (0, 2, 1))
    return xn_pad, xt_next


def _group_indicator(c_dim, groups=32):
    gsz = c_dim // groups
    ar = jnp.arange(c_dim)
    return (ar[:, None] // gsz == ar[None, :] // gsz).astype(jnp.float32)


def kernel(transpose_xyz, W1, g1, b1, W2, g2, b2, W3, g3, b3, W4, g4, b4,
           W5, g5, b5, Wm1, bm1, g6, b6, Wm2, bm2, g7, b7, Wm3, bm3, g8, b8):
    xt0 = jnp.zeros((B, CP, N), jnp.float32).at[:, :3, :].set(transpose_xyz)
    x0 = jnp.transpose(xt0, (0, 2, 1)).reshape(BN, CP)
    x1, xt1 = _edge_layer(x0, xt0, 3, W1, g1, b1)
    x2, xt2 = _edge_layer(x1, xt1, 64, W2, g2, b2)
    x3, xt3 = _edge_layer(x2, xt2, 64, W3, g3, b3)
    x4, _ = _edge_layer(x3, xt3, 128, W4, g4, b4)

    l_arr = jnp.concatenate([x1[:, :64], x2[:, :64], x3, x4], axis=1)

    x5, gmax, gsum = _head5(l_arr, jnp.transpose(W5), _group_indicator(256),
                            g5[None, :], b5[None, :])
    gv = jnp.concatenate([gmax[:, 0, :], gsum[:, 0, :] / N], axis=1)

    h = _mlp1(l_arr, gv[:, None, :], jnp.transpose(Wm1[:, :512]),
              jnp.transpose(Wm1[:, 512:]), bm1[None, :], _group_indicator(512),
              g6[None, :], b6[None, :])
    h = _mlp(h, jnp.transpose(Wm2), bm2[None, :], _group_indicator(256),
             g7[None, :], b7[None, :], 8.0 * N)
    h = _mlp(h, jnp.transpose(Wm3), bm3[None, :], _group_indicator(128),
             g8[None, :], b8[None, :], 4.0 * N)

    emb = jnp.transpose(h.reshape(B, N, 128), (0, 2, 1))
    return (emb, gv[:, :, None])

# --- scband reference (transcript-rebuilt; emitter-appended) ---
"""Pipeline reference for scband-encoder-35424890257895 (READ-ONLY COPY).

The authoritative reference and input builder live on the scoring server;
editing this copy changes nothing except your own understanding.
"""

import jax, jax.numpy as jnp
import numpy as np

K_NN = 20

def _knn(x, k):
    inner = -2.0 * jnp.einsum('bcn,bcm->bnm', x, x)
    xx = jnp.sum(x * x, axis=1, keepdims=True)
    pd = -xx - inner - jnp.transpose(xx, (0, 2, 1))
    return jax.lax.top_k(pd, k)[1]

def _graph_feature(x, k):
    B, C, N = x.shape
    idx = _knn(x, k)
    xt = jnp.transpose(x, (0, 2, 1))
    feat = jax.vmap(lambda pts, ind: pts[ind])(xt, idx)
    xe = jnp.broadcast_to(xt[:, :, None, :], (B, N, k, C))
    out = jnp.concatenate([feat - xe, xe], axis=3)
    return jnp.transpose(out, (0, 3, 1, 2))

def _bn2d(x, g, b, eps=1e-5):
    m = jnp.mean(x, axis=(0, 2, 3), keepdims=True)
    v = jnp.var(x, axis=(0, 2, 3), keepdims=True)
    return g[None, :, None, None] * (x - m) / jnp.sqrt(v + eps) + b[None, :, None, None]

def _gn1d(x, g, b, groups=32, eps=1e-5):
    B, C, N = x.shape
    xg = x.reshape(B, groups, C // groups, N)
    m = jnp.mean(xg, axis=(2, 3), keepdims=True)
    v = jnp.var(xg, axis=(2, 3), keepdims=True)
    xg = (xg - m) / jnp.sqrt(v + eps)
    return xg.reshape(B, C, N) * g[None, :, None] + b[None, :, None]

def _lrelu(x):
    return jnp.where(x >= 0, x, 0.2 * x)

def setup_inputs(seed: int = 0) -> dict:
    key = jax.random.key(seed)
    ks = jax.random.split(key, 16)
    d = {}
    d['transpose_xyz'] = jax.random.normal(ks[0], (8, 3, 2048), dtype=jnp.float32)
    def w(k, shape, fan_in):
        return jax.random.normal(k, shape, dtype=jnp.float32) * (1.0 / np.sqrt(fan_in))
    d['W1'] = w(ks[1], (64, 6), 6); d['g1'] = jnp.ones((64,), jnp.float32); d['b1'] = jnp.zeros((64,), jnp.float32)
    d['W2'] = w(ks[2], (64, 128), 128); d['g2'] = jnp.ones((64,), jnp.float32); d['b2'] = jnp.zeros((64,), jnp.float32)
    d['W3'] = w(ks[3], (128, 128), 128); d['g3'] = jnp.ones((128,), jnp.float32); d['b3'] = jnp.zeros((128,), jnp.float32)
    d['W4'] = w(ks[4], (256, 256), 256); d['g4'] = jnp.ones((256,), jnp.float32); d['b4'] = jnp.zeros((256,), jnp.float32)
    d['W5'] = w(ks[5], (256, 512), 512); d['g5'] = jnp.ones((256,), jnp.float32); d['b5'] = jnp.zeros((256,), jnp.float32)
    d['Wm1'] = w(ks[6], (512, 1024), 1024); d['bm1'] = jnp.zeros((512,), jnp.float32)
    d['g6'] = jnp.ones((512,), jnp.float32); d['b6'] = jnp.zeros((512,), jnp.float32)
    d['Wm2'] = w(ks[7], (256, 512), 512); d['bm2'] = jnp.zeros((256,), jnp.float32)
    d['g7'] = jnp.ones((256,), jnp.float32); d['b7'] = jnp.zeros((256,), jnp.float32)
    d['Wm3'] = w(ks[8], (128, 256), 256); d['bm3'] = jnp.zeros((128,), jnp.float32)
    d['g8'] = jnp.ones((128,), jnp.float32); d['b8'] = jnp.zeros((128,), jnp.float32)
    return d

def reference(transpose_xyz, W1, g1, b1, W2, g2, b2, W3, g3, b3, W4, g4, b4, W5, g5, b5, Wm1, bm1, g6, b6, Wm2, bm2, g7, b7, Wm3, bm3, g8, b8):
    k = K_NN
    B = transpose_xyz.shape[0]
    N = transpose_xyz.shape[2]
    f = _graph_feature(transpose_xyz, k)
    x = _lrelu(_bn2d(jnp.einsum('oc,bcnk->bonk', W1, f), g1, b1))
    x1 = jnp.max(x, axis=-1)
    f = _graph_feature(x1, k)
    x = _lrelu(_bn2d(jnp.einsum('oc,bcnk->bonk', W2, f), g2, b2))
    x2 = jnp.max(x, axis=-1)
    f = _graph_feature(x2, k)
    x = _lrelu(_bn2d(jnp.einsum('oc,bcnk->bonk', W3, f), g3, b3))
    x3 = jnp.max(x, axis=-1)
    f = _graph_feature(x3, k)
    x = _lrelu(_bn2d(jnp.einsum('oc,bcnk->bonk', W4, f), g4, b4))
    x4 = jnp.max(x, axis=-1)
    local_concat = jnp.concatenate([x1, x2, x3, x4], axis=1)
    x = _lrelu(_gn1d(jnp.einsum('oc,bcn->bon', W5, local_concat), g5, b5))
    gmax = jnp.max(x, axis=2)
    gavg = jnp.mean(x, axis=2)
    global_vector = jnp.concatenate([gmax, gavg], axis=1)
    rep = jnp.broadcast_to(global_vector[:, :, None], (B, global_vector.shape[1], N))
    x = jnp.concatenate([local_concat, rep], axis=1)
    x = jax.nn.relu(_gn1d(jnp.einsum('oc,bcn->bon', Wm1, x) + bm1[None, :, None], g6, b6))
    x = jax.nn.relu(_gn1d(jnp.einsum('oc,bcn->bon', Wm2, x) + bm2[None, :, None], g7, b7))
    emb = jax.nn.relu(_gn1d(jnp.einsum('oc,bcn->bon', Wm3, x) + bm3[None, :, None], g8, b8))
    return (emb, global_vector[:, :, None])

if __name__ == "__main__":
    import jax
    _d = setup_inputs()
    print(jax.jit(kernel)(*tuple(_d.values())))

</pallas_src>

<mosaic_0001>
#map = affine_map<(d0, d1) -> (0, 0)>
#map1 = affine_map<(d0, d1) -> (0)>
module attributes {stable_mosaic.version = 14 : i64} {
  func.func @sc_kernel(%arg0: i32, %arg1: i32, %arg2: memref<16384x128xf32, #tpu.memory_space<hbm>>, %arg3: memref<327680xi32, #tpu.memory_space<hbm>>, %arg4: memref<327680x128xf32, #tpu.memory_space<hbm>>, %arg5: memref<10240xi32, #tpu.memory_space<vmem>>, %arg6: memref<80x128xf32, #tpu.memory_space<vmem>>, %arg7: memref<80x128xf32, #tpu.memory_space<vmem>>, %arg8: memref<!tpu.dma_semaphore, #tpu.memory_space<semaphore_mem>>, %arg9: memref<!tpu.dma_semaphore, #tpu.memory_space<semaphore_mem>>) attributes {dimension_semantics = [#tpu.dimension_semantics<core_parallel>, #tpu.dimension_semantics<subcore_parallel>], iteration_bounds = array<i64: 2, 16>, scalar_prefetch = 0 : i64, scratch_operands = 5 : i64, tpu.core_type = #tpu.core_type<sc_vector_subcore>, window_params = [{transform_indices = #map}, {transform_indices = #map1}, {transform_indices = #map}]} {
    %mul3A = arith.constant 2 : i32
    %mul3A_0 = arith.muli %arg1, %mul3A : i32
    %add3A = arith.addi %mul3A_0, %arg0 : i32
    %mul3A_1 = arith.constant 10240 : i32
    %mul3A_2 = arith.muli %add3A, %mul3A_1 : i32
    "tpu.region"() ({
      %run_scoped3A = tpu.sem_alloc : memref<!tpu.dma_semaphore, #tpu.memory_space<semaphore_mem>>
      %dma_start3A_16 = tpu.memref_slice %arg3[%mul3A_2] : memref<327680xi32, #tpu.memory_space<hbm>> -> memref<10240xi32, #tpu.memory_space<hbm>>
      %dma_start3A_17 = tpu.memref_slice %arg3[%mul3A_2] : memref<327680xi32, #tpu.memory_space<hbm>> -> memref<10240xi32, #tpu.memory_space<hbm>>
      tpu.enqueue_dma source(%dma_start3A_17 : memref<10240xi32, #tpu.memory_space<hbm>>) target(%arg5 : memref<10240xi32, #tpu.memory_space<vmem>>) target_semaphore(%run_scoped3A : memref<!tpu.dma_semaphore, #tpu.memory_space<semaphore_mem>>)
      %dma_wait3A_18 = tpu.memref_slice %arg3[%mul3A_2] : memref<327680xi32, #tpu.memory_space<hbm>> -> memref<10240xi32, #tpu.memory_space<hbm>>
      %dma_wait3A_19 = tpu.memref_slice %arg3[%mul3A_2] : memref<327680xi32, #tpu.memory_space<hbm>> -> memref<10240xi32, #tpu.memory_space<hbm>>
      tpu.wait_dma2 semaphore(%run_scoped3A : memref<!tpu.dma_semaphore, #tpu.memory_space<semaphore_mem>>) src(%dma_wait3A_19 : memref<10240xi32, #tpu.memory_space<hbm>>) dst(%arg5 : memref<10240xi32, #tpu.memory_space<vmem>>)
      tpu.yield
    }) : () -> ()
    %dma_start3A = arith.constant 0 : i32
    %dma_start3A_3 = tpu.memref_slice %arg5[%dma_start3A] : memref<10240xi32, #tpu.memory_space<vmem>> -> memref<80xi32, #tpu.memory_space<vmem>>
    %dma_start3A_4 = arith.constant 0 : i32
    %dma_start3A_5 = arith.constant 0 : i32
    %dma_start3A_6 = tpu.memref_slice %arg2[%dma_start3A_4, %dma_start3A_5] : memref<16384x128xf32, #tpu.memory_space<hbm>> -> memref<16384x128xf32, #tpu.memory_space<hbm>>
    tpu.enqueue_indirect_dma source(%dma_start3A_6 : memref<16384x128xf32, #tpu.memory_space<hbm>>) target(%arg6 : memref<80x128xf32, #tpu.memory_space<vmem>>) offsets(%dma_start3A_3 : memref<80xi32, #tpu.memory_space<vmem>>) semaphore(%arg8 : memref<!tpu.dma_semaphore, #tpu.memory_space<semaphore_mem>>)
    %dma_wait3A = arith.constant 0 : i32
    %dma_wait3A_7 = tpu.memref_slice %arg5[%dma_wait3A] : memref<10240xi32, #tpu.memory_space<vmem>> -> memref<80xi32, #tpu.memory_space<vmem>>
    %dma_wait3A_8 = arith.constant 0 : i32
    %dma_wait3A_9 = arith.constant 0 : i32
    %dma_wait3A_10 = tpu.memref_slice %arg2[%dma_wait3A_8, %dma_wait3A_9] : memref<16384x128xf32, #tpu.memory_space<hbm>> -> memref<16384x128xf32, #tpu.memory_space<hbm>>
    tpu.wait_indirect_dma semaphore(%arg8 : memref<!tpu.dma_semaphore, #tpu.memory_space<semaphore_mem>>) src(%dma_wait3A_10 : memref<16384x128xf32, #tpu.memory_space<hbm>>) dst(%arg6 : memref<80x128xf32, #tpu.memory_space<vmem>>)
    %scan3A = arith.constant 0 : i32
    %scan3A_11 = arith.constant 0 : i32
    %scan3A_12 = arith.constant 64 : i32
    %scan3A_13 = arith.addi %scan3A_11, %scan3A_12 : i32
    %scan3A_14 = arith.constant 1 : i32
    scf.for %scan3A_16 = %scan3A_11 to %scan3A_13 step %scan3A_14  : i32 {
      %mul3A_17 = arith.constant 2 : i32
      %mul3A_18 = arith.muli %mul3A_17, %scan3A_16 : i32
      %add3A_19 = arith.constant 1 : i32
      %add3A_20 = arith.addi %mul3A_18, %add3A_19 : i32
      %mul3A_21 = arith.constant 80 : i32
      %mul3A_22 = arith.muli %add3A_20, %mul3A_21 : i32
      %dma_start3A_23 = tpu.memref_slice %arg5[%mul3A_22] : memref<10240xi32, #tpu.memory_space<vmem>> -> memref<80xi32, #tpu.memory_space<vmem>>
      %dma_start3A_24 = arith.constant 0 : i32
      %dma_start3A_25 = arith.constant 0 : i32
      %dma_start3A_26 = tpu.memref_slice %arg2[%dma_start3A_24, %dma_start3A_25] : memref<16384x128xf32, #tpu.memory_space<hbm>> -> memref<16384x128xf32, #tpu.memory_space<hbm>>
      tpu.enqueue_indirect_dma source(%dma_start3A_26 : memref<16384x128xf32, #tpu.memory_space<hbm>>) target(%arg7 : memref<80x128xf32, #tpu.memory_space<vmem>>) offsets(%dma_start3A_23 : memref<80xi32, #tpu.memory_space<vmem>>) semaphore(%arg8 : memref<!tpu.dma_semaphore, #tpu.memory_space<semaphore_mem>>)
      %mul3A_27 = arith.constant 80 : i32
      %mul3A_28 = arith.muli %mul3A_18, %mul3A_27 : i32
      %add3A_29 = arith.addi %mul3A_2, %mul3A_28 : i32
      %dma_start3A_30 = arith.constant 0 : i32
      %dma_start3A_31 = tpu.memref_slice %arg4[%add3A_29, %dma_start3A_30] : memref<327680x128xf32, #tpu.memory_space<hbm>> -> memref<80x128xf32, #tpu.memory_space<hbm>>
      %dma_start3A_32 = arith.constant 0 : i32
      %dma_start3A_33 = tpu.memref_slice %arg4[%add3A_29, %dma_start3A_32] : memref<327680x128xf32, #tpu.memory_space<hbm>> -> memref<80x128xf32, #tpu.memory_space<hbm>>
      tpu.enqueue_dma source(%arg6 : memref<80x128xf32, #tpu.memory_space<vmem>>) target(%dma_start3A_33 : memref<80x128xf32, #tpu.memory_space<hbm>>) target_semaphore(%arg9 : memref<!tpu.dma_semaphore, #tpu.memory_space<semaphore_mem>>)
      %dma_wait3A_34 = tpu.memref_slice %arg5[%mul3A_22] : memref<10240xi32, #tpu.memory_space<vmem>> -> memref<80xi32, #tpu.memory_space<vmem>>
      %dma_wait3A_35 = arith.constant 0 : i32
      %dma_wait3A_36 = arith.constant 0 : i32
      %dma_wait3A_37 = tpu.memref_slice %arg2[%dma_wait3A_35, %dma_wait3A_36] : memref<16384x128xf32, #tpu.memory_space<hbm>> -> memref<16384x128xf32, #tpu.memory_space<hbm>>
      tpu.wait_indirect_dma semaphore(%arg8 : memref<!tpu.dma_semaphore, #tpu.memory_space<semaphore_mem>>) src(%dma_wait3A_37 : memref<16384x128xf32, #tpu.memory_space<hbm>>) dst(%arg7 : memref<80x128xf32, #tpu.memory_space<vmem>>)
      %dma_wait3A_38 = arith.constant 0 : i32
      %dma_wait3A_39 = tpu.memref_slice %arg4[%add3A_29, %dma_wait3A_38] : memref<327680x128xf32, #tpu.memory_space<hbm>> -> memref<80x128xf32, #tpu.memory_space<hbm>>
      %dma_wait3A_40 = arith.constant 0 : i32
      %dma_wait3A_41 = tpu.memref_slice %arg4[%add3A_29, %dma_wait3A_40] : memref<327680x128xf32, #tpu.memory_space<hbm>> -> memref<80x128xf32, #tpu.memory_space<hbm>>
      tpu.wait_dma2 semaphore(%arg9 : memref<!tpu.dma_semaphore, #tpu.memory_space<semaphore_mem>>) src(%arg6 : memref<80x128xf32, #tpu.memory_space<vmem>>) dst(%dma_wait3A_41 : memref<80x128xf32, #tpu.memory_space<hbm>>)
      %add3A_42 = arith.constant 2 : i32
      %add3A_43 = arith.addi %mul3A_18, %add3A_42 : i32
      %jit3A = arith.constant 128 : i32
      %eq3A = arith.constant 0 : i32
      %eq3A_44 = arith.cmpi eq, %jit3A, %eq3A : i32
      %jit3A_45 = arith.constant 1 : i32
      %select_n3A = arith.select %eq3A_44, %jit3A_45, %jit3A : i32
      %rem3A = arith.remsi %add3A_43, %select_n3A : i32
      %ne3A = arith.constant 0 : i32
      %ne3A_46 = arith.cmpi ne, %rem3A, %ne3A : i32
      %lt3A = arith.constant 0 : i32
      %lt3A_47 = arith.cmpi slt, %rem3A, %lt3A : i32
      %lt3A_48 = arith.constant 0 : i32
      %lt3A_49 = arith.cmpi slt, %select_n3A, %lt3A_48 : i32
      %ne3A_50 = arith.xori %lt3A_47, %lt3A_49 : i1
      %and3A = arith.andi %ne3A_50, %ne3A_46 : i1
      %add3A_51 = arith.addi %rem3A, %select_n3A : i32
      %select_n3A_52 = arith.select %and3A, %add3A_51, %rem3A : i32
      %mul3A_53 = arith.constant 80 : i32
      %mul3A_54 = arith.muli %select_n3A_52, %mul3A_53 : i32
      %dma_start3A_55 = tpu.memref_slice %arg5[%mul3A_54] : memref<10240xi32, #tpu.memory_space<vmem>> -> memref<80xi32, #tpu.memory_space<vmem>>
      %dma_start3A_56 = arith.constant 0 : i32
      %dma_start3A_57 = arith.constant 0 : i32
      %dma_start3A_58 = tpu.memref_slice %arg2[%dma_start3A_56, %dma_start3A_57] : memref<16384x128xf32, #tpu.memory_space<hbm>> -> memref<16384x128xf32, #tpu.memory_space<hbm>>
      tpu.enqueue_indirect_dma source(%dma_start3A_58 : memref<16384x128xf32, #tpu.memory_space<hbm>>) target(%arg6 : memref<80x128xf32, #tpu.memory_space<vmem>>) offsets(%dma_start3A_55 : memref<80xi32, #tpu.memory_space<vmem>>) semaphore(%arg8 : memref<!tpu.dma_semaphore, #tpu.memory_space<semaphore_mem>>)
      %add3A_59 = arith.constant 1 : i32
      %add3A_60 = arith.addi %mul3A_18, %add3A_59 : i32
      %mul3A_61 = arith.constant 80 : i32
      %mul3A_62 = arith.muli %add3A_60, %mul3A_61 : i32
      %add3A_63 = arith.addi %mul3A_2, %mul3A_62 : i32
      %dma_start3A_64 = arith.constant 0 : i32
      %dma_start3A_65 = tpu.memref_slice %arg4[%add3A_63, %dma_start3A_64] : memref<327680x128xf32, #tpu.memory_space<hbm>> -> memref<80x128xf32, #tpu.memory_space<hbm>>
      %dma_start3A_66 = arith.constant 0 : i32
      %dma_start3A_67 = tpu.memref_slice %arg4[%add3A_63, %dma_start3A_66] : memref<327680x128xf32, #tpu.memory_space<hbm>> -> memref<80x128xf32, #tpu.memory_space<hbm>>
      tpu.enqueue_dma source(%arg7 : memref<80x128xf32, #tpu.memory_space<vmem>>) target(%dma_start3A_67 : memref<80x128xf32, #tpu.memory_space<hbm>>) target_semaphore(%arg9 : memref<!tpu.dma_semaphore, #tpu.memory_space<semaphore_mem>>)
      %dma_wait3A_68 = tpu.memref_slice %arg5[%mul3A_54] : memref<10240xi32, #tpu.memory_space<vmem>> -> memref<80xi32, #tpu.memory_space<vmem>>
      %dma_wait3A_69 = arith.constant 0 : i32
      %dma_wait3A_70 = arith.constant 0 : i32
      %dma_wait3A_71 = tpu.memref_slice %arg2[%dma_wait3A_69, %dma_wait3A_70] : memref<16384x128xf32, #tpu.memory_space<hbm>> -> memref<16384x128xf32, #tpu.memory_space<hbm>>
      tpu.wait_indirect_dma semaphore(%arg8 : memref<!tpu.dma_semaphore, #tpu.memory_space<semaphore_mem>>) src(%dma_wait3A_71 : memref<16384x128xf32, #tpu.memory_space<hbm>>) dst(%arg6 : memref<80x128xf32, #tpu.memory_space<vmem>>)
      %dma_wait3A_72 = arith.constant 0 : i32
      %dma_wait3A_73 = tpu.memref_slice %arg4[%add3A_63, %dma_wait3A_72] : memref<327680x128xf32, #tpu.memory_space<hbm>> -> memref<80x128xf32, #tpu.memory_space<hbm>>
      %dma_wait3A_74 = arith.constant 0 : i32
      %dma_wait3A_75 = tpu.memref_slice %arg4[%add3A_63, %dma_wait3A_74] : memref<327680x128xf32, #tpu.memory_space<hbm>> -> memref<80x128xf32, #tpu.memory_space<hbm>>
      tpu.wait_dma2 semaphore(%arg9 : memref<!tpu.dma_semaphore, #tpu.memory_space<semaphore_mem>>) src(%arg7 : memref<80x128xf32, #tpu.memory_space<vmem>>) dst(%dma_wait3A_75 : memref<80x128xf32, #tpu.memory_space<hbm>>)
    }
    %scan3A_15 = arith.constant 64 : i32
    return
  }
}

#map = affine_map<(d0, d1) -> (0, 0)>
#map1 = affine_map<(d0, d1) -> (0)>
module attributes {stable_mosaic.version = 14 : i64} {
  func.func @sc_kernel(%arg0: i32, %arg1: i32, %arg2: memref<16384x128xf32, #tpu.memory_space<hbm>>, %arg3: memref<327680xi32, #tpu.memory_space<hbm>>, %arg4: memref<327680x128xf32, #tpu.memory_space<hbm>>, %arg5: memref<10240xi32, #tpu.memory_space<vmem>>, %arg6: memref<80x128xf32, #tpu.memory_space<vmem>>, %arg7: memref<80x128xf32, #tpu.memory_space<vmem>>, %arg8: memref<!tpu.dma_semaphore, #tpu.memory_space<semaphore_mem>>, %arg9: memref<!tpu.dma_semaphore, #tpu.memory_space<semaphore_mem>>) attributes {dimension_semantics = [#tpu.dimension_semantics<core_parallel>, #tpu.dimension_semantics<subcore_parallel>], iteration_bounds = array<i64: 2, 16>, scalar_prefetch = 0 : i64, scratch_operands = 5 : i64, tpu.core_type = #tpu.core_type<sc_vector_subcore>, window_params = [{transform_indices = #map}, {transform_indices = #map1}, {transform_indices = #map}]} {
    %mul3A = arith.constant 2 : i32
    %mul3A_0 = arith.muli %arg1, %mul3A : i32
    %add3A = arith.addi %mul3A_0, %arg0 : i32
    %mul3A_1 = arith.constant 10240 : i32
    %mul3A_2 = arith.muli %add3A, %mul3A_1 : i32
    "tpu.region"() ({
      %run_scoped3A = tpu.sem_alloc : memref<!tpu.dma_semaphore, #tpu.memory_space<semaphore_mem>>
      %dma_start3A_16 = tpu.memref_slice %arg3[%mul3A_2] : memref<327680xi32, #tpu.memory_space<hbm>> -> memref<10240xi32, #tpu.memory_space<hbm>>
      %dma_start3A_17 = tpu.memref_slice %arg3[%mul3A_2] : memref<327680xi32, #tpu.memory_space<hbm>> -> memref<10240xi32, #tpu.memory_space<hbm>>
      tpu.enqueue_dma source(%dma_start3A_17 : memref<10240xi32, #tpu.memory_space<hbm>>) target(%arg5 : memref<10240xi32, #tpu.memory_space<vmem>>) target_semaphore(%run_scoped3A : memref<!tpu.dma_semaphore, #tpu.memory_space<semaphore_mem>>)
      %dma_wait3A_18 = tpu.memref_slice %arg3[%mul3A_2] : memref<327680xi32, #tpu.memory_space<hbm>> -> memref<10240xi32, #tpu.memory_space<hbm>>
      %dma_wait3A_19 = tpu.memref_slice %arg3[%mul3A_2] : memref<327680xi32, #tpu.memory_space<hbm>> -> memref<10240xi32, #tpu.memory_space<hbm>>
      tpu.wait_dma2 semaphore(%run_scoped3A : memref<!tpu.dma_semaphore, #tpu.memory_space<semaphore_mem>>) src(%dma_wait3A_19 : memref<10240xi32, #tpu.memory_space<hbm>>) dst(%arg5 : memref<10240xi32, #tpu.memory_space<vmem>>)
      tpu.yield
    }) : () -> ()
    %dma_start3A = arith.constant 0 : i32
    %dma_start3A_3 = tpu.memref_slice %arg5[%dma_start3A] : memref<10240xi32, #tpu.memory_space<vmem>> -> memref<80xi32, #tpu.memory_space<vmem>>
    %dma_start3A_4 = arith.constant 0 : i32
    %dma_start3A_5 = arith.constant 0 : i32
    %dma_start3A_6 = tpu.memref_slice %arg2[%dma_start3A_4, %dma_start3A_5] : memref<16384x128xf32, #tpu.memory_space<hbm>> -> memref<16384x128xf32, #tpu.memory_space<hbm>>
    tpu.enqueue_indirect_dma source(%dma_start3A_6 : memref<16384x128xf32, #tpu.memory_space<hbm>>) target(%arg6 : memref<80x128xf32, #tpu.memory_space<vmem>>) offsets(%dma_start3A_3 : memref<80xi32, #tpu.memory_space<vmem>>) semaphore(%arg8 : memref<!tpu.dma_semaphore, #tpu.memory_space<semaphore_mem>>)
    %dma_wait3A = arith.constant 0 : i32
    %dma_wait3A_7 = tpu.memref_slice %arg5[%dma_wait3A] : memref<10240xi32, #tpu.memory_space<vmem>> -> memref<80xi32, #tpu.memory_space<vmem>>
    %dma_wait3A_8 = arith.constant 0 : i32
    %dma_wait3A_9 = arith.constant 0 : i32
    %dma_wait3A_10 = tpu.memref_slice %arg2[%dma_wait3A_8, %dma_wait3A_9] : memref<16384x128xf32, #tpu.memory_space<hbm>> -> memref<16384x128xf32, #tpu.memory_space<hbm>>
    tpu.wait_indirect_dma semaphore(%arg8 : memref<!tpu.dma_semaphore, #tpu.memory_space<semaphore_mem>>) src(%dma_wait3A_10 : memref<16384x128xf32, #tpu.memory_space<hbm>>) dst(%arg6 : memref<80x128xf32, #tpu.memory_space<vmem>>)
    %scan3A = arith.constant 0 : i32
    %scan3A_11 = arith.constant 0 : i32
    %scan3A_12 = arith.constant 64 : i32
    %scan3A_13 = arith.addi %scan3A_11, %scan3A_12 : i32
    %scan3A_14 = arith.constant 1 : i32
    scf.for %scan3A_16 = %scan3A_11 to %scan3A_13 step %scan3A_14  : i32 {
      %mul3A_17 = arith.constant 2 : i32
      %mul3A_18 = arith.muli %mul3A_17, %scan3A_16 : i32
      %add3A_19 = arith.constant 1 : i32
      %add3A_20 = arith.addi %mul3A_18, %add3A_19 : i32
      %mul3A_21 = arith.constant 80 : i32
      %mul3A_22 = arith.muli %add3A_20, %mul3A_21 : i32
      %dma_start3A_23 = tpu.memref_slice %arg5[%mul3A_22] : memref<10240xi32, #tpu.memory_space<vmem>> -> memref<80xi32, #tpu.memory_space<vmem>>
      %dma_start3A_24 = arith.constant 0 : i32
      %dma_start3A_25 = arith.constant 0 : i32
      %dma_start3A_26 = tpu.memref_slice %arg2[%dma_start3A_24, %dma_start3A_25] : memref<16384x128xf32, #tpu.memory_space<hbm>> -> memref<16384x128xf32, #tpu.memory_space<hbm>>
      tpu.enqueue_indirect_dma source(%dma_start3A_26 : memref<16384x128xf32, #tpu.memory_space<hbm>>) target(%arg7 : memref<80x128xf32, #tpu.memory_space<vmem>>) offsets(%dma_start3A_23 : memref<80xi32, #tpu.memory_space<vmem>>) semaphore(%arg8 : memref<!tpu.dma_semaphore, #tpu.memory_space<semaphore_mem>>)
      %mul3A_27 = arith.constant 80 : i32
      %mul3A_28 = arith.muli %mul3A_18, %mul3A_27 : i32
      %add3A_29 = arith.addi %mul3A_2, %mul3A_28 : i32
      %dma_start3A_30 = arith.constant 0 : i32
      %dma_start3A_31 = tpu.memref_slice %arg4[%add3A_29, %dma_start3A_30] : memref<327680x128xf32, #tpu.memory_space<hbm>> -> memref<80x128xf32, #tpu.memory_space<hbm>>
      %dma_start3A_32 = arith.constant 0 : i32
      %dma_start3A_33 = tpu.memref_slice %arg4[%add3A_29, %dma_start3A_32] : memref<327680x128xf32, #tpu.memory_space<hbm>> -> memref<80x128xf32, #tpu.memory_space<hbm>>
      tpu.enqueue_dma source(%arg6 : memref<80x128xf32, #tpu.memory_space<vmem>>) target(%dma_start3A_33 : memref<80x128xf32, #tpu.memory_space<hbm>>) target_semaphore(%arg9 : memref<!tpu.dma_semaphore, #tpu.memory_space<semaphore_mem>>)
      %dma_wait3A_34 = tpu.memref_slice %arg5[%mul3A_22] : memref<10240xi32, #tpu.memory_space<vmem>> -> memref<80xi32, #tpu.memory_space<vmem>>
      %dma_wait3A_35 = arith.constant 0 : i32
      %dma_wait3A_36 = arith.constant 0 : i32
      %dma_wait3A_37 = tpu.memref_slice %arg2[%dma_wait3A_35, %dma_wait3A_36] : memref<16384x128xf32, #tpu.memory_space<hbm>> -> memref<16384x128xf32, #tpu.memory_space<hbm>>
      tpu.wait_indirect_dma semaphore(%arg8 : memref<!tpu.dma_semaphore, #tpu.memory_space<semaphore_mem>>) src(%dma_wait3A_37 : memref<16384x128xf32, #tpu.memory_space<hbm>>) dst(%arg7 : memref<80x128xf32, #tpu.memory_space<vmem>>)
      %dma_wait3A_38 = arith.constant 0 : i32
      %dma_wait3A_39 = tpu.memref_slice %arg4[%add3A_29, %dma_wait3A_38] : memref<327680x128xf32, #tpu.memory_space<hbm>> -> memref<80x128xf32, #tpu.memory_space<hbm>>
      %dma_wait3A_40 = arith.constant 0 : i32
      %dma_wait3A_41 = tpu.memref_slice %arg4[%add3A_29, %dma_wait3A_40] : memref<327680x128xf32, #tpu.memory_space<hbm>> -> memref<80x128xf32, #tpu.memory_space<hbm>>
      tpu.wait_dma2 semaphore(%arg9 : memref<!tpu.dma_semaphore, #tpu.memory_space<semaphore_mem>>) src(%arg6 : memref<80x128xf32, #tpu.memory_space<vmem>>) dst(%dma_wait3A_41 : memref<80x128xf32, #tpu.memory_space<hbm>>)
      %add3A_42 = arith.constant 2 : i32
      %add3A_43 = arith.addi %mul3A_18, %add3A_42 : i32
      %jit3A = arith.constant 128 : i32
      %eq3A = arith.constant 0 : i32
      %eq3A_44 = arith.cmpi eq, %jit3A, %eq3A : i32
      %jit3A_45 = arith.constant 1 : i32
      %select_n3A = arith.select %eq3A_44, %jit3A_45, %jit3A : i32
      %rem3A = arith.remsi %add3A_43, %select_n3A : i32
      %ne3A = arith.constant 0 : i32
      %ne3A_46 = arith.cmpi ne, %rem3A, %ne3A : i32
      %lt3A = arith.constant 0 : i32
      %lt3A_47 = arith.cmpi slt, %rem3A, %lt3A : i32
      %lt3A_48 = arith.constant 0 : i32
      %lt3A_49 = arith.cmpi slt, %select_n3A, %lt3A_48 : i32
      %ne3A_50 = arith.xori %lt3A_47, %lt3A_49 : i1
      %and3A = arith.andi %ne3A_50, %ne3A_46 : i1
      %add3A_51 = arith.addi %rem3A, %select_n3A : i32
      %select_n3A_52 = arith.select %and3A, %add3A_51, %rem3A : i32
      %mul3A_53 = arith.constant 80 : i32
      %mul3A_54 = arith.muli %select_n3A_52, %mul3A_53 : i32
      %dma_start3A_55 = tpu.memref_slice %arg5[%mul3A_54] : memref<10240xi32, #tpu.memory_space<vmem>> -> memref<80xi32, #tpu.memory_space<vmem>>
      %dma_start3A_56 = arith.constant 0 : i32
      %dma_start3A_57 = arith.constant 0 : i32
      %dma_start3A_58 = tpu.memref_slice %arg2[%dma_start3A_56, %dma_start3A_57] : memref<16384x128xf32, #tpu.memory_space<hbm>> -> memref<16384x128xf32, #tpu.memory_space<hbm>>
      tpu.enqueue_indirect_dma source(%dma_start3A_58 : memref<16384x128xf32, #tpu.memory_space<hbm>>) target(%arg6 : memref<80x128xf32, #tpu.memory_space<vmem>>) offsets(%dma_start3A_55 : memref<80xi32, #tpu.memory_space<vmem>>) semaphore(%arg8 : memref<!tpu.dma_semaphore, #tpu.memory_space<semaphore_mem>>)
      %add3A_59 = arith.constant 1 : i32
      %add3A_60 = arith.addi %mul3A_18, %add3A_59 : i32
      %mul3A_61 = arith.constant 80 : i32
      %mul3A_62 = arith.muli %add3A_60, %mul3A_61 : i32
      %add3A_63 = arith.addi %mul3A_2, %mul3A_62 : i32
      %dma_start3A_64 = arith.constant 0 : i32
      %dma_start3A_65 = tpu.memref_slice %arg4[%add3A_63, %dma_start3A_64] : memref<327680x128xf32, #tpu.memory_space<hbm>> -> memref<80x128xf32, #tpu.memory_space<hbm>>
      %dma_start3A_66 = arith.constant 0 : i32
      %dma_start3A_67 = tpu.memref_slice %arg4[%add3A_63, %dma_start3A_66] : memref<327680x128xf32, #tpu.memory_space<hbm>> -> memref<80x128xf32, #tpu.memory_space<hbm>>
      tpu.enqueue_dma source(%arg7 : memref<80x128xf32, #tpu.memory_space<vmem>>) target(%dma_start3A_67 : memref<80x128xf32, #tpu.memory_space<hbm>>) target_semaphore(%arg9 : memref<!tpu.dma_semaphore, #tpu.memory_space<semaphore_mem>>)
      %dma_wait3A_68 = tpu.memref_slice %arg5[%mul3A_54] : memref<10240xi32, #tpu.memory_space<vmem>> -> memref<80xi32, #tpu.memory_space<vmem>>
      %dma_wait3A_69 = arith.constant 0 : i32
      %dma_wait3A_70 = arith.constant 0 : i32
      %dma_wait3A_71 = tpu.memref_slice %arg2[%dma_wait3A_69, %dma_wait3A_70] : memref<16384x128xf32, #tpu.memory_space<hbm>> -> memref<16384x128xf32, #tpu.memory_space<hbm>>
      tpu.wait_indirect_dma semaphore(%arg8 : memref<!tpu.dma_semaphore, #tpu.memory_space<semaphore_mem>>) src(%dma_wait3A_71 : memref<16384x128xf32, #tpu.memory_space<hbm>>) dst(%arg6 : memref<80x128xf32, #tpu.memory_space<vmem>>)
      %dma_wait3A_72 = arith.constant 0 : i32
      %dma_wait3A_73 = tpu.memref_slice %arg4[%add3A_63, %dma_wait3A_72] : memref<327680x128xf32, #tpu.memory_space<hbm>> -> memref<80x128xf32, #tpu.memory_space<hbm>>
      %dma_wait3A_74 = arith.constant 0 : i32
      %dma_wait3A_75 = tpu.memref_slice %arg4[%add3A_63, %dma_wait3A_74] : memref<327680x128xf32, #tpu.memory_space<hbm>> -> memref<80x128xf32, #tpu.memory_space<hbm>>
      tpu.wait_dma2 semaphore(%arg9 : memref<!tpu.dma_semaphore, #tpu.memory_space<semaphore_mem>>) src(%arg7 : memref<80x128xf32, #tpu.memory_space<vmem>>) dst(%dma_wait3A_75 : memref<80x128xf32, #tpu.memory_space<hbm>>)
    }
    %scan3A_15 = arith.constant 64 : i32
    return
  }
}

#map = affine_map<(d0, d1) -> (0, 0)>
#map1 = affine_map<(d0, d1) -> (0)>
module attributes {stable_mosaic.version = 14 : i64} {
  func.func @sc_kernel(%arg0: i32, %arg1: i32, %arg2: memref<16384x128xf32, #tpu.memory_space<hbm>>, %arg3: memref<327680xi32, #tpu.memory_space<hbm>>, %arg4: memref<327680x128xf32, #tpu.memory_space<hbm>>, %arg5: memref<10240xi32, #tpu.memory_space<vmem>>, %arg6: memref<80x128xf32, #tpu.memory_space<vmem>>, %arg7: memref<80x128xf32, #tpu.memory_space<vmem>>, %arg8: memref<!tpu.dma_semaphore, #tpu.memory_space<semaphore_mem>>, %arg9: memref<!tpu.dma_semaphore, #tpu.memory_space<semaphore_mem>>) attributes {dimension_semantics = [#tpu.dimension_semantics<core_parallel>, #tpu.dimension_semantics<subcore_parallel>], iteration_bounds = array<i64: 2, 16>, scalar_prefetch = 0 : i64, scratch_operands = 5 : i64, tpu.core_type = #tpu.core_type<sc_vector_subcore>, window_params = [{transform_indices = #map}, {transform_indices = #map1}, {transform_indices = #map}]} {
    %mul3A = arith.constant 2 : i32
    %mul3A_0 = arith.muli %arg1, %mul3A : i32
    %add3A = arith.addi %mul3A_0, %arg0 : i32
    %mul3A_1 = arith.constant 10240 : i32
    %mul3A_2 = arith.muli %add3A, %mul3A_1 : i32
    "tpu.region"() ({
      %run_scoped3A = tpu.sem_alloc : memref<!tpu.dma_semaphore, #tpu.memory_space<semaphore_mem>>
      %dma_start3A_16 = tpu.memref_slice %arg3[%mul3A_2] : memref<327680xi32, #tpu.memory_space<hbm>> -> memref<10240xi32, #tpu.memory_space<hbm>>
      %dma_start3A_17 = tpu.memref_slice %arg3[%mul3A_2] : memref<327680xi32, #tpu.memory_space<hbm>> -> memref<10240xi32, #tpu.memory_space<hbm>>
      tpu.enqueue_dma source(%dma_start3A_17 : memref<10240xi32, #tpu.memory_space<hbm>>) target(%arg5 : memref<10240xi32, #tpu.memory_space<vmem>>) target_semaphore(%run_scoped3A : memref<!tpu.dma_semaphore, #tpu.memory_space<semaphore_mem>>)
      %dma_wait3A_18 = tpu.memref_slice %arg3[%mul3A_2] : memref<327680xi32, #tpu.memory_space<hbm>> -> memref<10240xi32, #tpu.memory_space<hbm>>
      %dma_wait3A_19 = tpu.memref_slice %arg3[%mul3A_2] : memref<327680xi32, #tpu.memory_space<hbm>> -> memref<10240xi32, #tpu.memory_space<hbm>>
      tpu.wait_dma2 semaphore(%run_scoped3A : memref<!tpu.dma_semaphore, #tpu.memory_space<semaphore_mem>>) src(%dma_wait3A_19 : memref<10240xi32, #tpu.memory_space<hbm>>) dst(%arg5 : memref<10240xi32, #tpu.memory_space<vmem>>)
      tpu.yield
    }) : () -> ()
    %dma_start3A = arith.constant 0 : i32
    %dma_start3A_3 = tpu.memref_slice %arg5[%dma_start3A] : memref<10240xi32, #tpu.memory_space<vmem>> -> memref<80xi32, #tpu.memory_space<vmem>>
    %dma_start3A_4 = arith.constant 0 : i32
    %dma_start3A_5 = arith.constant 0 : i32
    %dma_start3A_6 = tpu.memref_slice %arg2[%dma_start3A_4, %dma_start3A_5] : memref<16384x128xf32, #tpu.memory_space<hbm>> -> memref<16384x128xf32, #tpu.memory_space<hbm>>
    tpu.enqueue_indirect_dma source(%dma_start3A_6 : memref<16384x128xf32, #tpu.memory_space<hbm>>) target(%arg6 : memref<80x128xf32, #tpu.memory_space<vmem>>) offsets(%dma_start3A_3 : memref<80xi32, #tpu.memory_space<vmem>>) semaphore(%arg8 : memref<!tpu.dma_semaphore, #tpu.memory_space<semaphore_mem>>)
    %dma_wait3A = arith.constant 0 : i32
    %dma_wait3A_7 = tpu.memref_slice %arg5[%dma_wait3A] : memref<10240xi32, #tpu.memory_space<vmem>> -> memref<80xi32, #tpu.memory_space<vmem>>
    %dma_wait3A_8 = arith.constant 0 : i32
    %dma_wait3A_9 = arith.constant 0 : i32
    %dma_wait3A_10 = tpu.memref_slice %arg2[%dma_wait3A_8, %dma_wait3A_9] : memref<16384x128xf32, #tpu.memory_space<hbm>> -> memref<16384x128xf32, #tpu.memory_space<hbm>>
    tpu.wait_indirect_dma semaphore(%arg8 : memref<!tpu.dma_semaphore, #tpu.memory_space<semaphore_mem>>) src(%dma_wait3A_10 : memref<16384x128xf32, #tpu.memory_space<hbm>>) dst(%arg6 : memref<80x128xf32, #tpu.memory_space<vmem>>)
    %scan3A = arith.constant 0 : i32
    %scan3A_11 = arith.constant 0 : i32
    %scan3A_12 = arith.constant 64 : i32
    %scan3A_13 = arith.addi %scan3A_11, %scan3A_12 : i32
    %scan3A_14 = arith.constant 1 : i32
    scf.for %scan3A_16 = %scan3A_11 to %scan3A_13 step %scan3A_14  : i32 {
      %mul3A_17 = arith.constant 2 : i32
      %mul3A_18 = arith.muli %mul3A_17, %scan3A_16 : i32
      %add3A_19 = arith.constant 1 : i32
      %add3A_20 = arith.addi %mul3A_18, %add3A_19 : i32
      %mul3A_21 = arith.constant 80 : i32
      %mul3A_22 = arith.muli %add3A_20, %mul3A_21 : i32
      %dma_start3A_23 = tpu.memref_slice %arg5[%mul3A_22] : memref<10240xi32, #tpu.memory_space<vmem>> -> memref<80xi32, #tpu.memory_space<vmem>>
      %dma_start3A_24 = arith.constant 0 : i32
      %dma_start3A_25 = arith.constant 0 : i32
      %dma_start3A_26 = tpu.memref_slice %arg2[%dma_start3A_24, %dma_start3A_25] : memref<16384x128xf32, #tpu.memory_space<hbm>> -> memref<16384x128xf32, #tpu.memory_space<hbm>>
      tpu.enqueue_indirect_dma source(%dma_start3A_26 : memref<16384x128xf32, #tpu.memory_space<hbm>>) target(%arg7 : memref<80x128xf32, #tpu.memory_space<vmem>>) offsets(%dma_start3A_23 : memref<80xi32, #tpu.memory_space<vmem>>) semaphore(%arg8 : memref<!tpu.dma_semaphore, #tpu.memory_space<semaphore_mem>>)
      %mul3A_27 = arith.constant 80 : i32
      %mul3A_28 = arith.muli %mul3A_18, %mul3A_27 : i32
      %add3A_29 = arith.addi %mul3A_2, %mul3A_28 : i32
      %dma_start3A_30 = arith.constant 0 : i32
      %dma_start3A_31 = tpu.memref_slice %arg4[%add3A_29, %dma_start3A_30] : memref<327680x128xf32, #tpu.memory_space<hbm>> -> memref<80x128xf32, #tpu.memory_space<hbm>>
      %dma_start3A_32 = arith.constant 0 : i32
      %dma_start3A_33 = tpu.memref_slice %arg4[%add3A_29, %dma_start3A_32] : memref<327680x128xf32, #tpu.memory_space<hbm>> -> memref<80x128xf32, #tpu.memory_space<hbm>>
      tpu.enqueue_dma source(%arg6 : memref<80x128xf32, #tpu.memory_space<vmem>>) target(%dma_start3A_33 : memref<80x128xf32, #tpu.memory_space<hbm>>) target_semaphore(%arg9 : memref<!tpu.dma_semaphore, #tpu.memory_space<semaphore_mem>>)
      %dma_wait3A_34 = tpu.memref_slice %arg5[%mul3A_22] : memref<10240xi32, #tpu.memory_space<vmem>> -> memref<80xi32, #tpu.memory_space<vmem>>
      %dma_wait3A_35 = arith.constant 0 : i32
      %dma_wait3A_36 = arith.constant 0 : i32
      %dma_wait3A_37 = tpu.memref_slice %arg2[%dma_wait3A_35, %dma_wait3A_36] : memref<16384x128xf32, #tpu.memory_space<hbm>> -> memref<16384x128xf32, #tpu.memory_space<hbm>>
      tpu.wait_indirect_dma semaphore(%arg8 : memref<!tpu.dma_semaphore, #tpu.memory_space<semaphore_mem>>) src(%dma_wait3A_37 : memref<16384x128xf32, #tpu.memory_space<hbm>>) dst(%arg7 : memref<80x128xf32, #tpu.memory_space<vmem>>)
      %dma_wait3A_38 = arith.constant 0 : i32
      %dma_wait3A_39 = tpu.memref_slice %arg4[%add3A_29, %dma_wait3A_38] : memref<327680x128xf32, #tpu.memory_space<hbm>> -> memref<80x128xf32, #tpu.memory_space<hbm>>
      %dma_wait3A_40 = arith.constant 0 : i32
      %dma_wait3A_41 = tpu.memref_slice %arg4[%add3A_29, %dma_wait3A_40] : memref<327680x128xf32, #tpu.memory_space<hbm>> -> memref<80x128xf32, #tpu.memory_space<hbm>>
      tpu.wait_dma2 semaphore(%arg9 : memref<!tpu.dma_semaphore, #tpu.memory_space<semaphore_mem>>) src(%arg6 : memref<80x128xf32, #tpu.memory_space<vmem>>) dst(%dma_wait3A_41 : memref<80x128xf32, #tpu.memory_space<hbm>>)
      %add3A_42 = arith.constant 2 : i32
      %add3A_43 = arith.addi %mul3A_18, %add3A_42 : i32
      %jit3A = arith.constant 128 : i32
      %eq3A = arith.constant 0 : i32
      %eq3A_44 = arith.cmpi eq, %jit3A, %eq3A : i32
      %jit3A_45 = arith.constant 1 : i32
      %select_n3A = arith.select %eq3A_44, %jit3A_45, %jit3A : i32
      %rem3A = arith.remsi %add3A_43, %select_n3A : i32
      %ne3A = arith.constant 0 : i32
      %ne3A_46 = arith.cmpi ne, %rem3A, %ne3A : i32
      %lt3A = arith.constant 0 : i32
      %lt3A_47 = arith.cmpi slt, %rem3A, %lt3A : i32
      %lt3A_48 = arith.constant 0 : i32
      %lt3A_49 = arith.cmpi slt, %select_n3A, %lt3A_48 : i32
      %ne3A_50 = arith.xori %lt3A_47, %lt3A_49 : i1
      %and3A = arith.andi %ne3A_50, %ne3A_46 : i1
      %add3A_51 = arith.addi %rem3A, %select_n3A : i32
      %select_n3A_52 = arith.select %and3A, %add3A_51, %rem3A : i32
      %mul3A_53 = arith.constant 80 : i32
      %mul3A_54 = arith.muli %select_n3A_52, %mul3A_53 : i32
      %dma_start3A_55 = tpu.memref_slice %arg5[%mul3A_54] : memref<10240xi32, #tpu.memory_space<vmem>> -> memref<80xi32, #tpu.memory_space<vmem>>
      %dma_start3A_56 = arith.constant 0 : i32
      %dma_start3A_57 = arith.constant 0 : i32
      %dma_start3A_58 = tpu.memref_slice %arg2[%dma_start3A_56, %dma_start3A_57] : memref<16384x128xf32, #tpu.memory_space<hbm>> -> memref<16384x128xf32, #tpu.memory_space<hbm>>
      tpu.enqueue_indirect_dma source(%dma_start3A_58 : memref<16384x128xf32, #tpu.memory_space<hbm>>) target(%arg6 : memref<80x128xf32, #tpu.memory_space<vmem>>) offsets(%dma_start3A_55 : memref<80xi32, #tpu.memory_space<vmem>>) semaphore(%arg8 : memref<!tpu.dma_semaphore, #tpu.memory_space<semaphore_mem>>)
      %add3A_59 = arith.constant 1 : i32
      %add3A_60 = arith.addi %mul3A_18, %add3A_59 : i32
      %mul3A_61 = arith.constant 80 : i32
      %mul3A_62 = arith.muli %add3A_60, %mul3A_61 : i32
      %add3A_63 = arith.addi %mul3A_2, %mul3A_62 : i32
      %dma_start3A_64 = arith.constant 0 : i32
      %dma_start3A_65 = tpu.memref_slice %arg4[%add3A_63, %dma_start3A_64] : memref<327680x128xf32, #tpu.memory_space<hbm>> -> memref<80x128xf32, #tpu.memory_space<hbm>>
      %dma_start3A_66 = arith.constant 0 : i32
      %dma_start3A_67 = tpu.memref_slice %arg4[%add3A_63, %dma_start3A_66] : memref<327680x128xf32, #tpu.memory_space<hbm>> -> memref<80x128xf32, #tpu.memory_space<hbm>>
      tpu.enqueue_dma source(%arg7 : memref<80x128xf32, #tpu.memory_space<vmem>>) target(%dma_start3A_67 : memref<80x128xf32, #tpu.memory_space<hbm>>) target_semaphore(%arg9 : memref<!tpu.dma_semaphore, #tpu.memory_space<semaphore_mem>>)
      %dma_wait3A_68 = tpu.memref_slice %arg5[%mul3A_54] : memref<10240xi32, #tpu.memory_space<vmem>> -> memref<80xi32, #tpu.memory_space<vmem>>
      %dma_wait3A_69 = arith.constant 0 : i32
      %dma_wait3A_70 = arith.constant 0 : i32
      %dma_wait3A_71 = tpu.memref_slice %arg2[%dma_wait3A_69, %dma_wait3A_70] : memref<16384x128xf32, #tpu.memory_space<hbm>> -> memref<16384x128xf32, #tpu.memory_space<hbm>>
      tpu.wait_indirect_dma semaphore(%arg8 : memref<!tpu.dma_semaphore, #tpu.memory_space<semaphore_mem>>) src(%dma_wait3A_71 : memref<16384x128xf32, #tpu.memory_space<hbm>>) dst(%arg6 : memref<80x128xf32, #tpu.memory_space<vmem>>)
      %dma_wait3A_72 = arith.constant 0 : i32
      %dma_wait3A_73 = tpu.memref_slice %arg4[%add3A_63, %dma_wait3A_72] : memref<327680x128xf32, #tpu.memory_space<hbm>> -> memref<80x128xf32, #tpu.memory_space<hbm>>
      %dma_wait3A_74 = arith.constant 0 : i32
      %dma_wait3A_75 = tpu.memref_slice %arg4[%add3A_63, %dma_wait3A_74] : memref<327680x128xf32, #tpu.memory_space<hbm>> -> memref<80x128xf32, #tpu.memory_space<hbm>>
      tpu.wait_dma2 semaphore(%arg9 : memref<!tpu.dma_semaphore, #tpu.memory_space<semaphore_mem>>) src(%arg7 : memref<80x128xf32, #tpu.memory_space<vmem>>) dst(%dma_wait3A_75 : memref<80x128xf32, #tpu.memory_space<hbm>>)
    }
    %scan3A_15 = arith.constant 64 : i32
    return
  }
}

#map = affine_map<(d0, d1) -> (0, 0)>
#map1 = affine_map<(d0, d1) -> (0)>
module attributes {stable_mosaic.version = 14 : i64} {
  func.func @sc_kernel(%arg0: i32, %arg1: i32, %arg2: memref<16384x128xf32, #tpu.memory_space<hbm>>, %arg3: memref<327680xi32, #tpu.memory_space<hbm>>, %arg4: memref<327680x128xf32, #tpu.memory_space<hbm>>, %arg5: memref<10240xi32, #tpu.memory_space<vmem>>, %arg6: memref<80x128xf32, #tpu.memory_space<vmem>>, %arg7: memref<80x128xf32, #tpu.memory_space<vmem>>, %arg8: memref<!tpu.dma_semaphore, #tpu.memory_space<semaphore_mem>>, %arg9: memref<!tpu.dma_semaphore, #tpu.memory_space<semaphore_mem>>) attributes {dimension_semantics = [#tpu.dimension_semantics<core_parallel>, #tpu.dimension_semantics<subcore_parallel>], iteration_bounds = array<i64: 2, 16>, scalar_prefetch = 0 : i64, scratch_operands = 5 : i64, tpu.core_type = #tpu.core_type<sc_vector_subcore>, window_params = [{transform_indices = #map}, {transform_indices = #map1}, {transform_indices = #map}]} {
    %mul3A = arith.constant 2 : i32
    %mul3A_0 = arith.muli %arg1, %mul3A : i32
    %add3A = arith.addi %mul3A_0, %arg0 : i32
    %mul3A_1 = arith.constant 10240 : i32
    %mul3A_2 = arith.muli %add3A, %mul3A_1 : i32
    "tpu.region"() ({
      %run_scoped3A = tpu.sem_alloc : memref<!tpu.dma_semaphore, #tpu.memory_space<semaphore_mem>>
      %dma_start3A_16 = tpu.memref_slice %arg3[%mul3A_2] : memref<327680xi32, #tpu.memory_space<hbm>> -> memref<10240xi32, #tpu.memory_space<hbm>>
      %dma_start3A_17 = tpu.memref_slice %arg3[%mul3A_2] : memref<327680xi32, #tpu.memory_space<hbm>> -> memref<10240xi32, #tpu.memory_space<hbm>>
      tpu.enqueue_dma source(%dma_start3A_17 : memref<10240xi32, #tpu.memory_space<hbm>>) target(%arg5 : memref<10240xi32, #tpu.memory_space<vmem>>) target_semaphore(%run_scoped3A : memref<!tpu.dma_semaphore, #tpu.memory_space<semaphore_mem>>)
      %dma_wait3A_18 = tpu.memref_slice %arg3[%mul3A_2] : memref<327680xi32, #tpu.memory_space<hbm>> -> memref<10240xi32, #tpu.memory_space<hbm>>
      %dma_wait3A_19 = tpu.memref_slice %arg3[%mul3A_2] : memref<327680xi32, #tpu.memory_space<hbm>> -> memref<10240xi32, #tpu.memory_space<hbm>>
      tpu.wait_dma2 semaphore(%run_scoped3A : memref<!tpu.dma_semaphore, #tpu.memory_space<semaphore_mem>>) src(%dma_wait3A_19 : memref<10240xi32, #tpu.memory_space<hbm>>) dst(%arg5 : memref<10240xi32, #tpu.memory_space<vmem>>)
      tpu.yield
    }) : () -> ()
    %dma_start3A = arith.constant 0 : i32
    %dma_start3A_3 = tpu.memref_slice %arg5[%dma_start3A] : memref<10240xi32, #tpu.memory_space<vmem>> -> memref<80xi32, #tpu.memory_space<vmem>>
    %dma_start3A_4 = arith.constant 0 : i32
    %dma_start3A_5 = arith.constant 0 : i32
    %dma_start3A_6 = tpu.memref_slice %arg2[%dma_start3A_4, %dma_start3A_5] : memref<16384x128xf32, #tpu.memory_space<hbm>> -> memref<16384x128xf32, #tpu.memory_space<hbm>>
    tpu.enqueue_indirect_dma source(%dma_start3A_6 : memref<16384x128xf32, #tpu.memory_space<hbm>>) target(%arg6 : memref<80x128xf32, #tpu.memory_space<vmem>>) offsets(%dma_start3A_3 : memref<80xi32, #tpu.memory_space<vmem>>) semaphore(%arg8 : memref<!tpu.dma_semaphore, #tpu.memory_space<semaphore_mem>>)
    %dma_wait3A = arith.constant 0 : i32
    %dma_wait3A_7 = tpu.memref_slice %arg5[%dma_wait3A] : memref<10240xi32, #tpu.memory_space<vmem>> -> memref<80xi32, #tpu.memory_space<vmem>>
    %dma_wait3A_8 = arith.constant 0 : i32
    %dma_wait3A_9 = arith.constant 0 : i32
    %dma_wait3A_10 = tpu.memref_slice %arg2[%dma_wait3A_8, %dma_wait3A_9] : memref<16384x128xf32, #tpu.memory_space<hbm>> -> memref<16384x128xf32, #tpu.memory_space<hbm>>
    tpu.wait_indirect_dma semaphore(%arg8 : memref<!tpu.dma_semaphore, #tpu.memory_space<semaphore_mem>>) src(%dma_wait3A_10 : memref<16384x128xf32, #tpu.memory_space<hbm>>) dst(%arg6 : memref<80x128xf32, #tpu.memory_space<vmem>>)
    %scan3A = arith.constant 0 : i32
    %scan3A_11 = arith.constant 0 : i32
    %scan3A_12 = arith.constant 64 : i32
    %scan3A_13 = arith.addi %scan3A_11, %scan3A_12 : i32
    %scan3A_14 = arith.constant 1 : i32
    scf.for %scan3A_16 = %scan3A_11 to %scan3A_13 step %scan3A_14  : i32 {
      %mul3A_17 = arith.constant 2 : i32
      %mul3A_18 = arith.muli %mul3A_17, %scan3A_16 : i32
      %add3A_19 = arith.constant 1 : i32
      %add3A_20 = arith.addi %mul3A_18, %add3A_19 : i32
      %mul3A_21 = arith.constant 80 : i32
      %mul3A_22 = arith.muli %add3A_20, %mul3A_21 : i32
      %dma_start3A_23 = tpu.memref_slice %arg5[%mul3A_22] : memref<10240xi32, #tpu.memory_space<vmem>> -> memref<80xi32, #tpu.memory_space<vmem>>
      %dma_start3A_24 = arith.constant 0 : i32
      %dma_start3A_25 = arith.constant 0 : i32
      %dma_start3A_26 = tpu.memref_slice %arg2[%dma_start3A_24, %dma_start3A_25] : memref<16384x128xf32, #tpu.memory_space<hbm>> -> memref<16384x128xf32, #tpu.memory_space<hbm>>
      tpu.enqueue_indirect_dma source(%dma_start3A_26 : memref<16384x128xf32, #tpu.memory_space<hbm>>) target(%arg7 : memref<80x128xf32, #tpu.memory_space<vmem>>) offsets(%dma_start3A_23 : memref<80xi32, #tpu.memory_space<vmem>>) semaphore(%arg8 : memref<!tpu.dma_semaphore, #tpu.memory_space<semaphore_mem>>)
      %mul3A_27 = arith.constant 80 : i32
      %mul3A_28 = arith.muli %mul3A_18, %mul3A_27 : i32
      %add3A_29 = arith.addi %mul3A_2, %mul3A_28 : i32
      %dma_start3A_30 = arith.constant 0 : i32
      %dma_start3A_31 = tpu.memref_slice %arg4[%add3A_29, %dma_start3A_30] : memref<327680x128xf32, #tpu.memory_space<hbm>> -> memref<80x128xf32, #tpu.memory_space<hbm>>
      %dma_start3A_32 = arith.constant 0 : i32
      %dma_start3A_33 = tpu.memref_slice %arg4[%add3A_29, %dma_start3A_32] : memref<327680x128xf32, #tpu.memory_space<hbm>> -> memref<80x128xf32, #tpu.memory_space<hbm>>
      tpu.enqueue_dma source(%arg6 : memref<80x128xf32, #tpu.memory_space<vmem>>) target(%dma_start3A_33 : memref<80x128xf32, #tpu.memory_space<hbm>>) target_semaphore(%arg9 : memref<!tpu.dma_semaphore, #tpu.memory_space<semaphore_mem>>)
      %dma_wait3A_34 = tpu.memref_slice %arg5[%mul3A_22] : memref<10240xi32, #tpu.memory_space<vmem>> -> memref<80xi32, #tpu.memory_space<vmem>>
      %dma_wait3A_35 = arith.constant 0 : i32
      %dma_wait3A_36 = arith.constant 0 : i32
      %dma_wait3A_37 = tpu.memref_slice %arg2[%dma_wait3A_35, %dma_wait3A_36] : memref<16384x128xf32, #tpu.memory_space<hbm>> -> memref<16384x128xf32, #tpu.memory_space<hbm>>
      tpu.wait_indirect_dma semaphore(%arg8 : memref<!tpu.dma_semaphore, #tpu.memory_space<semaphore_mem>>) src(%dma_wait3A_37 : memref<16384x128xf32, #tpu.memory_space<hbm>>) dst(%arg7 : memref<80x128xf32, #tpu.memory_space<vmem>>)
      %dma_wait3A_38 = arith.constant 0 : i32
      %dma_wait3A_39 = tpu.memref_slice %arg4[%add3A_29, %dma_wait3A_38] : memref<327680x128xf32, #tpu.memory_space<hbm>> -> memref<80x128xf32, #tpu.memory_space<hbm>>
      %dma_wait3A_40 = arith.constant 0 : i32
      %dma_wait3A_41 = tpu.memref_slice %arg4[%add3A_29, %dma_wait3A_40] : memref<327680x128xf32, #tpu.memory_space<hbm>> -> memref<80x128xf32, #tpu.memory_space<hbm>>
      tpu.wait_dma2 semaphore(%arg9 : memref<!tpu.dma_semaphore, #tpu.memory_space<semaphore_mem>>) src(%arg6 : memref<80x128xf32, #tpu.memory_space<vmem>>) dst(%dma_wait3A_41 : memref<80x128xf32, #tpu.memory_space<hbm>>)
      %add3A_42 = arith.constant 2 : i32
      %add3A_43 = arith.addi %mul3A_18, %add3A_42 : i32
      %jit3A = arith.constant 128 : i32
      %eq3A = arith.constant 0 : i32
      %eq3A_44 = arith.cmpi eq, %jit3A, %eq3A : i32
      %jit3A_45 = arith.constant 1 : i32
      %select_n3A = arith.select %eq3A_44, %jit3A_45, %jit3A : i32
      %rem3A = arith.remsi %add3A_43, %select_n3A : i32
      %ne3A = arith.constant 0 : i32
      %ne3A_46 = arith.cmpi ne, %rem3A, %ne3A : i32
      %lt3A = arith.constant 0 : i32
      %lt3A_47 = arith.cmpi slt, %rem3A, %lt3A : i32
      %lt3A_48 = arith.constant 0 : i32
      %lt3A_49 = arith.cmpi slt, %select_n3A, %lt3A_48 : i32
      %ne3A_50 = arith.xori %lt3A_47, %lt3A_49 : i1
      %and3A = arith.andi %ne3A_50, %ne3A_46 : i1
      %add3A_51 = arith.addi %rem3A, %select_n3A : i32
      %select_n3A_52 = arith.select %and3A, %add3A_51, %rem3A : i32
      %mul3A_53 = arith.constant 80 : i32
      %mul3A_54 = arith.muli %select_n3A_52, %mul3A_53 : i32
      %dma_start3A_55 = tpu.memref_slice %arg5[%mul3A_54] : memref<10240xi32, #tpu.memory_space<vmem>> -> memref<80xi32, #tpu.memory_space<vmem>>
      %dma_start3A_56 = arith.constant 0 : i32
      %dma_start3A_57 = arith.constant 0 : i32
      %dma_start3A_58 = tpu.memref_slice %arg2[%dma_start3A_56, %dma_start3A_57] : memref<16384x128xf32, #tpu.memory_space<hbm>> -> memref<16384x128xf32, #tpu.memory_space<hbm>>
      tpu.enqueue_indirect_dma source(%dma_start3A_58 : memref<16384x128xf32, #tpu.memory_space<hbm>>) target(%arg6 : memref<80x128xf32, #tpu.memory_space<vmem>>) offsets(%dma_start3A_55 : memref<80xi32, #tpu.memory_space<vmem>>) semaphore(%arg8 : memref<!tpu.dma_semaphore, #tpu.memory_space<semaphore_mem>>)
      %add3A_59 = arith.constant 1 : i32
      %add3A_60 = arith.addi %mul3A_18, %add3A_59 : i32
      %mul3A_61 = arith.constant 80 : i32
      %mul3A_62 = arith.muli %add3A_60, %mul3A_61 : i32
      %add3A_63 = arith.addi %mul3A_2, %mul3A_62 : i32
      %dma_start3A_64 = arith.constant 0 : i32
      %dma_start3A_65 = tpu.memref_slice %arg4[%add3A_63, %dma_start3A_64] : memref<327680x128xf32, #tpu.memory_space<hbm>> -> memref<80x128xf32, #tpu.memory_space<hbm>>
      %dma_start3A_66 = arith.constant 0 : i32
      %dma_start3A_67 = tpu.memref_slice %arg4[%add3A_63, %dma_start3A_66] : memref<327680x128xf32, #tpu.memory_space<hbm>> -> memref<80x128xf32, #tpu.memory_space<hbm>>
      tpu.enqueue_dma source(%arg7 : memref<80x128xf32, #tpu.memory_space<vmem>>) target(%dma_start3A_67 : memref<80x128xf32, #tpu.memory_space<hbm>>) target_semaphore(%arg9 : memref<!tpu.dma_semaphore, #tpu.memory_space<semaphore_mem>>)
      %dma_wait3A_68 = tpu.memref_slice %arg5[%mul3A_54] : memref<10240xi32, #tpu.memory_space<vmem>> -> memref<80xi32, #tpu.memory_space<vmem>>
      %dma_wait3A_69 = arith.constant 0 : i32
      %dma_wait3A_70 = arith.constant 0 : i32
      %dma_wait3A_71 = tpu.memref_slice %arg2[%dma_wait3A_69, %dma_wait3A_70] : memref<16384x128xf32, #tpu.memory_space<hbm>> -> memref<16384x128xf32, #tpu.memory_space<hbm>>
      tpu.wait_indirect_dma semaphore(%arg8 : memref<!tpu.dma_semaphore, #tpu.memory_space<semaphore_mem>>) src(%dma_wait3A_71 : memref<16384x128xf32, #tpu.memory_space<hbm>>) dst(%arg6 : memref<80x128xf32, #tpu.memory_space<vmem>>)
      %dma_wait3A_72 = arith.constant 0 : i32
      %dma_wait3A_73 = tpu.memref_slice %arg4[%add3A_63, %dma_wait3A_72] : memref<327680x128xf32, #tpu.memory_space<hbm>> -> memref<80x128xf32, #tpu.memory_space<hbm>>
      %dma_wait3A_74 = arith.constant 0 : i32
      %dma_wait3A_75 = tpu.memref_slice %arg4[%add3A_63, %dma_wait3A_74] : memref<327680x128xf32, #tpu.memory_space<hbm>> -> memref<80x128xf32, #tpu.memory_space<hbm>>
      tpu.wait_dma2 semaphore(%arg9 : memref<!tpu.dma_semaphore, #tpu.memory_space<semaphore_mem>>) src(%arg7 : memref<80x128xf32, #tpu.memory_space<vmem>>) dst(%dma_wait3A_75 : memref<80x128xf32, #tpu.memory_space<hbm>>)
    }
    %scan3A_15 = arith.constant 64 : i32
    return
  }
}

module attributes {stable_mosaic.version = 14 : i64} {
  func.func @_topk_body(%arg0: i32, %arg1: i32, %arg2: memref<256x128xf32, #tpu.memory_space<vmem>>, %arg3: memref<1x128x2048xf32, #tpu.memory_space<vmem>>, %arg4: memref<256x1xf32, #tpu.memory_space<vmem>>, %arg5: memref<1x1x2048xf32, #tpu.memory_space<vmem>>, %arg6: memref<256x20xi32, #tpu.memory_space<vmem>>, %arg7: memref<256x2048xf32, #tpu.memory_space<vmem>>) attributes {dimension_semantics = [#tpu.dimension_semantics<arbitrary>, #tpu.dimension_semantics<arbitrary>], iteration_bounds = array<i64: 8, 8>, scalar_prefetch = 0 : i64, scratch_operands = 1 : i64, tpu.core_type = #tpu.core_type<tc>, window_params = [{transform_indices = @transform_0, window_bounds = array<i64: 256, 128>}, {transform_indices = @transform_1, window_bounds = array<i64: 1, 128, 2048>}, {transform_indices = @transform_2, window_bounds = array<i64: 256, 1>}, {transform_indices = @transform_3, window_bounds = array<i64: 1, 1, 2048>}, {transform_indices = @transform_4, window_bounds = array<i64: 256, 20>}]} {
    %get3A = arith.constant 0 : index
    %get3A_0 = arith.constant 0 : index
    %get3A_1 = vector.load %arg2[%get3A, %get3A_0] : memref<256x128xf32, #tpu.memory_space<vmem>>, vector<256x128xf32>
    %get3A_2 = arith.constant 0 : index
    %get3A_3 = arith.constant 0 : index
    %get3A_4 = arith.constant 0 : index
    %get3A_5 = vector.load %arg3[%get3A_2, %get3A_3, %get3A_4] : memref<1x128x2048xf32, #tpu.memory_space<vmem>>, vector<1x128x2048xf32>
    %get3A_6 = vector.shape_cast %get3A_5 : vector<1x128x2048xf32> to vector<128x2048xf32>
    %slice3A = vector.extract_strided_slice %get3A_1 {offsets = [0, 0], sizes = [256, 3], strides = [1, 1]} : vector<256x128xf32> to vector<256x3xf32>
    %slice3A_7 = vector.extract_strided_slice %get3A_6 {offsets = [0, 0], sizes = [3, 2048], strides = [1, 1]} : vector<128x2048xf32> to vector<3x2048xf32>
    %dot_general3A = arith.constant dense<0.000000e+00> : vector<256x2048xf32>
    %dot_general3A_8 = tpu.matmul %slice3A, %slice3A_7, %dot_general3A {dimension_numbers = #tpu.dot_dimension_numbers<[1], [0], [0], [1], [0, 0, 1, 1], [], []>, transpose_lhs_hint = false} : vector<256x3xf32>, vector<3x2048xf32>, vector<256x2048xf32> -> vector<256x2048xf32>
    %mul3A = arith.constant 2.000000e+00 : f32
    %mul3A_9 = vector.broadcast %mul3A : f32 to vector<256x2048xf32>
    %mul3A_10 = arith.mulf %mul3A_9, %dot_general3A_8 : vector<256x2048xf32>
    %get3A_11 = arith.constant 0 : index
    %get3A_12 = arith.constant 0 : index
    %get3A_13 = arith.constant 0 : index
    %get3A_14 = vector.load %arg5[%get3A_11, %get3A_12, %get3A_13] : memref<1x1x2048xf32, #tpu.memory_space<vmem>>, vector<1x1x2048xf32>
    %get3A_15 = vector.shape_cast %get3A_14 : vector<1x1x2048xf32> to vector<1x2048xf32>
    %sub3A = vector.broadcast %get3A_15 : vector<1x2048xf32> to vector<256x2048xf32>
    %sub3A_16 = arith.subf %mul3A_10, %sub3A : vector<256x2048xf32>
    %get3A_17 = arith.constant 0 : index
    %get3A_18 = arith.constant 0 : index
    %get3A_19 = vector.load %arg4[%get3A_17, %get3A_18] : memref<256x1xf32, #tpu.memory_space<vmem>>, vector<256x1xf32>
    %sub3A_20 = vector.broadcast %get3A_19 : vector<256x1xf32> to vector<256x2048xf32>
    %sub3A_21 = arith.subf %sub3A_16, %sub3A_20 : vector<256x2048xf32>
    %swap3A = arith.constant 0 : index
    %swap3A_22 = arith.constant 0 : index
    %swap3A_23 = vector.load %arg7[%swap3A, %swap3A_22] : memref<256x2048xf32, #tpu.memory_space<vmem>>, vector<256x2048xf32>
    tpu.vector_store %arg7[%swap3A, %swap3A_22], %sub3A_21 {strides = array<i32>} : memref<256x2048xf32, #tpu.memory_space<vmem>>, vector<256x2048xf32>,
    %iota3A = tpu.iota {dimensions = array<i32: 1>} : vector<256x2048xi32>
    %get3A_24 = arith.constant 0 : index
    %get3A_25 = arith.constant 0 : index
    %get3A_26 = vector.load %arg7[%get3A_24, %get3A_25] : memref<256x2048xf32, #tpu.memory_space<vmem>>, vector<256x2048xf32>
    %reduce_max3A = arith.constant dense<0xFF800000> : vector<256xf32>
    %reduce_max3A_27 = vector.multi_reduction <maximumf>, %get3A_26, %reduce_max3A [1] : vector<256x2048xf32> to vector<256xf32>
    %broadcast_in_dim3A = vector.shape_cast %reduce_max3A_27 : vector<256xf32> to vector<256x1xf32>
    %eq3A = vector.broadcast %broadcast_in_dim3A : vector<256x1xf32> to vector<256x2048xf32>
    %eq3A_28 = arith.cmpf oeq, %get3A_26, %eq3A : vector<256x2048xf32>
    %jit3A = arith.constant 2048 : i32
    %broadcast_in_dim3A_29 = vector.broadcast %jit3A : i32 to vector<256x2048xi32>
    %select_n3A = arith.select %eq3A_28, %iota3A, %broadcast_in_dim3A_29 : vector<256x2048xi1>, vector<256x2048xi32>
    %reduce_min3A = arith.constant dense<2147483647> : vector<256xi32>
    %reduce_min3A_30 = vector.multi_reduction <minsi>, %select_n3A, %reduce_min3A [1] : vector<256x2048xi32> to vector<256xi32>
    %broadcast_in_dim3A_31 = vector.shape_cast %reduce_min3A_30 : vector<256xi32> to vector<256x1xi32>
    %eq3A_32 = vector.broadcast %broadcast_in_dim3A_31 : vector<256x1xi32> to vector<256x2048xi32>
    %eq3A_33 = arith.cmpi eq, %iota3A, %eq3A_32 : vector<256x2048xi32>
    %jit3A_34 = arith.constant -3.000000e+38 : f32
    %broadcast_in_dim3A_35 = vector.broadcast %jit3A_34 : f32 to vector<256x2048xf32>
    %select_n3A_36 = arith.select %eq3A_33, %broadcast_in_dim3A_35, %get3A_26 : vector<256x2048xi1>, vector<256x2048xf32>
    %swap3A_37 = arith.constant 0 : index
    %swap3A_38 = arith.constant 0 : index
    %swap3A_39 = vector.load %arg7[%swap3A_37, %swap3A_38] : memref<256x2048xf32, #tpu.memory_space<vmem>>, vector<256x2048xf32>
    tpu.vector_store %arg7[%swap3A_37, %swap3A_38], %select_n3A_36 {strides = array<i32>} : memref<256x2048xf32, #tpu.memory_space<vmem>>, vector<256x2048xf32>,
    %get3A_40 = arith.constant 0 : index
    %get3A_41 = arith.constant 0 : index
    %get3A_42 = vector.load %arg7[%get3A_40, %get3A_41] : memref<256x2048xf32, #tpu.memory_space<vmem>>, vector<256x2048xf32>
    %reduce_max3A_43 = arith.constant dense<0xFF800000> : vector<256xf32>
    %reduce_max3A_44 = vector.multi_reduction <maximumf>, %get3A_42, %reduce_max3A_43 [1] : vector<256x2048xf32> to vector<256xf32>
    %broadcast_in_dim3A_45 = vector.shape_cast %reduce_max3A_44 : vector<256xf32> to vector<256x1xf32>
    %eq3A_46 = vector.broadcast %broadcast_in_dim3A_45 : vector<256x1xf32> to vector<256x2048xf32>
    %eq3A_47 = arith.cmpf oeq, %get3A_42, %eq3A_46 : vector<256x2048xf32>
    %jit3A_48 = arith.constant 2048 : i32
    %broadcast_in_dim3A_49 = vector.broadcast %jit3A_48 : i32 to vector<256x2048xi32>
    %select_n3A_50 = arith.select %eq3A_47, %iota3A, %broadcast_in_dim3A_49 : vector<256x2048xi1>, vector<256x2048xi32>
    %reduce_min3A_51 = arith.constant dense<2147483647> : vector<256xi32>
    %reduce_min3A_52 = vector.multi_reduction <minsi>, %select_n3A_50, %reduce_min3A_51 [1] : vector<256x2048xi32> to vector<256xi32>
    %broadcast_in_dim3A_53 = vector.shape_cast %reduce_min3A_52 : vector<256xi32> to vector<256x1xi32>
    %eq3A_54 = vector.broadcast %broadcast_in_dim3A_53 : vector<256x1xi32> to vector<256x2048xi32>
    %eq3A_55 = arith.cmpi eq, %iota3A, %eq3A_54 : vector<256x2048xi32>
    %jit3A_56 = arith.constant -3.000000e+38 : f32
    %broadcast_in_dim3A_57 = vector.broadcast %jit3A_56 : f32 to vector<256x2048xf32>
    %select_n3A_58 = arith.select %eq3A_55, %broadcast_in_dim3A_57, %get3A_42 : vector<256x2048xi1>, vector<256x2048xf32>
    %swap3A_59 = arith.constant 0 : index
    %swap3A_60 = arith.constant 0 : index
    %swap3A_61 = vector.load %arg7[%swap3A_59, %swap3A_60] : memref<256x2048xf32, #tpu.memory_space<vmem>>, vector<256x2048xf32>
    tpu.vector_store %arg7[%swap3A_59, %swap3A_60], %select_n3A_58 {strides = array<i32>} : memref<256x2048xf32, #tpu.memory_space<vmem>>, vector<256x2048xf32>,
    %get3A_62 = arith.constant 0 : index
    %get3A_63 = arith.constant 0 : index
    %get3A_64 = vector.load %arg7[%get3A_62, %get3A_63] : memref<256x2048xf32, #tpu.memory_space<vmem>>, vector<256x2048xf32>
    %reduce_max3A_65 = arith.constant dense<0xFF800000> : vector<256xf32>
    %reduce_max3A_66 = vector.multi_reduction <maximumf>, %get3A_64, %reduce_max3A_65 [1] : vector<256x2048xf32> to vector<256xf32>
    %broadcast_in_dim3A_67 = vector.shape_cast %reduce_max3A_66 : vector<256xf32> to vector<256x1xf32>
    %eq3A_68 = vector.broadcast %broadcast_in_dim3A_67 : vector<256x1xf32> to vector<256x2048xf32>
    %eq3A_69 = arith.cmpf oeq, %get3A_64, %eq3A_68 : vector<256x2048xf32>
    %jit3A_70 = arith.constant 2048 : i32
    %broadcast_in_dim3A_71 = vector.broadcast %jit3A_70 : i32 to vector<256x2048xi32>
    %select_n3A_72 = arith.select %eq3A_69, %iota3A, %broadcast_in_dim3A_71 : vector<256x2048xi1>, vector<256x2048xi32>
    %reduce_min3A_73 = arith.constant dense<2147483647> : vector<256xi32>
    %reduce_min3A_74 = vector.multi_reduction <minsi>, %select_n3A_72, %reduce_min3A_73 [1] : vector<256x2048xi32> to vector<256xi32>
    %broadcast_in_dim3A_75 = vector.shape_cast %reduce_min3A_74 : vector<256xi32> to vector<256x1xi32>
    %eq3A_76 = vector.broadcast %broadcast_in_dim3A_75 : vector<256x1xi32> to vector<256x2048xi32>
    %eq3A_77 = arith.cmpi eq, %iota3A, %eq3A_76 : vector<256x2048xi32>
    %jit3A_78 = arith.constant -3.000000e+38 : f32
    %broadcast_in_dim3A_79 = vector.broadcast %jit3A_78 : f32 to vector<256x2048xf32>
    %select_n3A_80 = arith.select %eq3A_77, %broadcast_in_dim3A_79, %get3A_64 : vector<256x2048xi1>, vector<256x2048xf32>
    %swap3A_81 = arith.constant 0 : index
    %swap3A_82 = arith.constant 0 : index
    %swap3A_83 = vector.load %arg7[%swap3A_81, %swap3A_82] : memref<256x2048xf32, #tpu.memory_space<vmem>>, vector<256x2048xf32>
    tpu.vector_store %arg7[%swap3A_81, %swap3A_82], %select_n3A_80 {strides = array<i32>} : memref<256x2048xf32, #tpu.memory_space<vmem>>, vector<256x2048xf32>,
    %get3A_84 = arith.constant 0 : index
    %get3A_85 = arith.constant 0 : index
    %get3A_86 = vector.load %arg7[%get3A_84, %get3A_85] : memref<256x2048xf32, #tpu.memory_space<vmem>>, vector<256x2048xf32>
    %reduce_max3A_87 = arith.constant dense<0xFF800000> : vector<256xf32>
    %reduce_max3A_88 = vector.multi_reduction <maximumf>, %get3A_86, %reduce_max3A_87 [1] : vector<256x2048xf32> to vector<256xf32>
    %broadcast_in_dim3A_89 = vector.shape_cast %reduce_max3A_88 : vector<256xf32> to vector<256x1xf32>
    %eq3A_90 = vector.broadcast %broadcast_in_dim3A_89 : vector<256x1xf32> to vector<256x2048xf32>
    %eq3A_91 = arith.cmpf oeq, %get3A_86, %eq3A_90 : vector<256x2048xf32>
    %jit3A_92 = arith.constant 2048 : i32
    %broadcast_in_dim3A_93 = vector.broadcast %jit3A_92 : i32 to vector<256x2048xi32>
    %select_n3A_94 = arith.select %eq3A_91, %iota3A, %broadcast_in_dim3A_93 : vector<256x2048xi1>, vector<256x2048xi32>
    %reduce_min3A_95 = arith.constant dense<2147483647> : vector<256xi32>
    %reduce_min3A_96 = vector.multi_reduction <minsi>, %select_n3A_94, %reduce_min3A_95 [1] : vector<256x2048xi32> to vector<256xi32>
    %broadcast_in_dim3A_97 = vector.shape_cast %reduce_min3A_96 : vector<256xi32> to vector<256x1xi32>
    %eq3A_98 = vector.broadcast %broadcast_in_dim3A_97 : vector<256x1xi32> to vector<256x2048xi32>
    %eq3A_99 = arith.cmpi eq, %iota3A, %eq3A_98 : vector<256x2048xi32>
    %jit3A_100 = arith.constant -3.000000e+38 : f32
    %broadcast_in_dim3A_101 = vector.broadcast %jit3A_100 : f32 to vector<256x2048xf32>
    %select_n3A_102 = arith.select %eq3A_99, %broadcast_in_dim3A_101, %get3A_86 : vector<256x2048xi1>, vector<256x2048xf32>
    %swap3A_103 = arith.constant 0 : index
    %swap3A_104 = arith.constant 0 : index
    %swap3A_105 = vector.load %arg7[%swap3A_103, %swap3A_104] : memref<256x2048xf32, #tpu.memory_space<vmem>>, vector<256x2048xf32>
    tpu.vector_store %arg7[%swap3A_103, %swap3A_104], %select_n3A_102 {strides = array<i32>} : memref<256x2048xf32, #tpu.memory_space<vmem>>, vector<256x2048xf32>,
    %get3A_106 = arith.constant 0 : index
    %get3A_107 = arith.constant 0 : index
    %get3A_108 = vector.load %arg7[%get3A_106, %get3A_107] : memref<256x2048xf32, #tpu.memory_space<vmem>>, vector<256x2048xf32>
    %reduce_max3A_109 = arith.constant dense<0xFF800000> : vector<256xf32>
    %reduce_max3A_110 = vector.multi_reduction <maximumf>, %get3A_108, %reduce_max3A_109 [1] : vector<256x2048xf32> to vector<256xf32>
    %broadcast_in_dim3A_111 = vector.shape_cast %reduce_max3A_110 : vector<256xf32> to vector<256x1xf32>
    %eq3A_112 = vector.broadcast %broadcast_in_dim3A_111 : vector<256x1xf32> to vector<256x2048xf32>
    %eq3A_113 = arith.cmpf oeq, %get3A_108, %eq3A_112 : vector<256x2048xf32>
    %jit3A_114 = arith.constant 2048 : i32
    %broadcast_in_dim3A_115 = vector.broadcast %jit3A_114 : i32 to vector<256x2048xi32>
    %select_n3A_116 = arith.select %eq3A_113, %iota3A, %broadcast_in_dim3A_115 : vector<256x2048xi1>, vector<256x2048xi32>
    %reduce_min3A_117 = arith.constant dense<2147483647> : vector<256xi32>
    %reduce_min3A_118 = vector.multi_reduction <minsi>, %select_n3A_116, %reduce_min3A_117 [1] : vector<256x2048xi32> to vector<256xi32>
    %broadcast_in_dim3A_119 = vector.shape_cast %reduce_min3A_118 : vector<256xi32> to vector<256x1xi32>
    %eq3A_120 = vector.broadcast %broadcast_in_dim3A_119 : vector<256x1xi32> to vector<256x2048xi32>
    %eq3A_121 = arith.cmpi eq, %iota3A, %eq3A_120 : vector<256x2048xi32>
    %jit3A_122 = arith.constant -3.000000e+38 : f32
    %broadcast_in_dim3A_123 = vector.broadcast %jit3A_122 : f32 to vector<256x2048xf32>
    %select_n3A_124 = arith.select %eq3A_121, %broadcast_in_dim3A_123, %get3A_108 : vector<256x2048xi1>, vector<256x2048xf32>
    %swap3A_125 = arith.constant 0 : index
    %swap3A_126 = arith.constant 0 : index
    %swap3A_127 = vector.load %arg7[%swap3A_125, %swap3A_126] : memref<256x2048xf32, #tpu.memory_space<vmem>>, vector<256x2048xf32>
    tpu.vector_store %arg7[%swap3A_125, %swap3A_126], %select_n3A_124 {strides = array<i32>} : memref<256x2048xf32, #tpu.memory_space<vmem>>, vector<256x2048xf32>,
    %get3A_128 = arith.constant 0 : index
    %get3A_129 = arith.constant 0 : index
    %get3A_130 = vector.load %arg7[%get3A_128, %get3A_129] : memref<256x2048xf32, #tpu.memory_space<vmem>>, vector<256x2048xf32>
    %reduce_max3A_131 = arith.constant dense<0xFF800000> : vector<256xf32>
    %reduce_max3A_132 = vector.multi_reduction <maximumf>, %get3A_130, %reduce_max3A_131 [1] : vector<256x2048xf32> to vector<256xf32>
    %broadcast_in_dim3A_133 = vector.shape_cast %reduce_max3A_132 : vector<256xf32> to vector<256x1xf32>
    %eq3A_134 = vector.broadcast %broadcast_in_dim3A_133 : vector<256x1xf32> to vector<256x2048xf32>
    %eq3A_135 = arith.cmpf oeq, %get3A_130, %eq3A_134 : vector<256x2048xf32>
    %jit3A_136 = arith.constant 2048 : i32
    %broadcast_in_dim3A_137 = vector.broadcast %jit3A_136 : i32 to vector<256x2048xi32>
    %select_n3A_138 = arith.select %eq3A_135, %iota3A, %broadcast_in_dim3A_137 : vector<256x2048xi1>, vector<256x2048xi32>
    %reduce_min3A_139 = arith.constant dense<2147483647> : vector<256xi32>
    %reduce_min3A_140 = vector.multi_reduction <minsi>, %select_n3A_138, %reduce_min3A_139 [1] : vector<256x2048xi32> to vector<256xi32>
    %broadcast_in_dim3A_141 = vector.shape_cast %reduce_min3A_140 : vector<256xi32> to vector<256x1xi32>
    %eq3A_142 = vector.broadcast %broadcast_in_dim3A_141 : vector<256x1xi32> to vector<256x2048xi32>
    %eq3A_143 = arith.cmpi eq, %iota3A, %eq3A_142 : vector<256x2048xi32>
    %jit3A_144 = arith.constant -3.000000e+38 : f32
    %broadcast_in_dim3A_145 = vector.broadcast %jit3A_144 : f32 to vector<256x2048xf32>
    %select_n3A_146 = arith.select %eq3A_143, %broadcast_in_dim3A_145, %get3A_130 : vector<256x2048xi1>, vector<256x2048xf32>
    %swap3A_147 = arith.constant 0 : index
    %swap3A_148 = arith.constant 0 : index
    %swap3A_149 = vector.load %arg7[%swap3A_147, %swap3A_148] : memref<256x2048xf32, #tpu.memory_space<vmem>>, vector<256x2048xf32>
    tpu.vector_store %arg7[%swap3A_147, %swap3A_148], %select_n3A_146 {strides = array<i32>} : memref<256x2048xf32, #tpu.memory_space<vmem>>, vector<256x2048xf32>,
    %get3A_150 = arith.constant 0 : index
    %get3A_151 = arith.constant 0 : index
    %get3A_152 = vector.load %arg7[%get3A_150, %get3A_151] : memref<256x2048xf32, #tpu.memory_space<vmem>>, vector<256x2048xf32>
    %reduce_max3A_153 = arith.constant dense<0xFF800000> : vector<256xf32>
    %reduce_max3A_154 = vector.multi_reduction <maximumf>, %get3A_152, %reduce_max3A_153 [1] : vector<256x2048xf32> to vector<256xf32>
    %broadcast_in_dim3A_155 = vector.shape_cast %reduce_max3A_154 : vector<256xf32> to vector<256x1xf32>
    %eq3A_156 = vector.broadcast %broadcast_in_dim3A_155 : vector<256x1xf32> to vector<256x2048xf32>
    %eq3A_157 = arith.cmpf oeq, %get3A_152, %eq3A_156 : vector<256x2048xf32>
    %jit3A_158 = arith.constant 2048 : i32
    %broadcast_in_dim3A_159 = vector.broadcast %jit3A_158 : i32 to vector<256x2048xi32>
    %select_n3A_160 = arith.select %eq3A_157, %iota3A, %broadcast_in_dim3A_159 : vector<256x2048xi1>, vector<256x2048xi32>
    %reduce_min3A_161 = arith.constant dense<2147483647> : vector<256xi32>
    %reduce_min3A_162 = vector.multi_reduction <minsi>, %select_n3A_160, %reduce_min3A_161 [1] : vector<256x2048xi32> to vector<256xi32>
    %broadcast_in_dim3A_163 = vector.shape_cast %reduce_min3A_162 : vector<256xi32> to vector<256x1xi32>
    %eq3A_164 = vector.broadcast %broadcast_in_dim3A_163 : vector<256x1xi32> to vector<256x2048xi32>
    %eq3A_165 = arith.cmpi eq, %iota3A, %eq3A_164 : vector<256x2048xi32>
    %jit3A_166 = arith.constant -3.000000e+38 : f32
    %broadcast_in_dim3A_167 = vector.broadcast %jit3A_166 : f32 to vector<256x2048xf32>
    %select_n3A_168 = arith.select %eq3A_165, %broadcast_in_dim3A_167, %get3A_152 : vector<256x2048xi1>, vector<256x2048xf32>
    %swap3A_169 = arith.constant 0 : index
    %swap3A_170 = arith.constant 0 : index
    %swap3A_171 = vector.load %arg7[%swap3A_169, %swap3A_170] : memref<256x2048xf32, #tpu.memory_space<vmem>>, vector<256x2048xf32>
    tpu.vector_store %arg7[%swap3A_169, %swap3A_170], %select_n3A_168 {strides = array<i32>} : memref<256x2048xf32, #tpu.memory_space<vmem>>, vector<256x2048xf32>,
    %get3A_172 = arith.constant 0 : index
    %get3A_173 = arith.constant 0 : index
    %get3A_174 = vector.load %arg7[%get3A_172, %get3A_173] : memref<256x2048xf32, #tpu.memory_space<vmem>>, vector<256x2048xf32>
    %reduce_max3A_175 = arith.constant dense<0xFF800000> : vector<256xf32>
    %reduce_max3A_176 = vector.multi_reduction <maximumf>, %get3A_174, %reduce_max3A_175 [1] : vector<256x2048xf32> to vector<256xf32>
    %broadcast_in_dim3A_177 = vector.shape_cast %reduce_max3A_176 : vector<256xf32> to vector<256x1xf32>
    %eq3A_178 = vector.broadcast %broadcast_in_dim3A_177 : vector<256x1xf32> to vector<256x2048xf32>
    %eq3A_179 = arith.cmpf oeq, %get3A_174, %eq3A_178 : vector<256x2048xf32>
    %jit3A_180 = arith.constant 2048 : i32
    %broadcast_in_dim3A_181 = vector.broadcast %jit3A_180 : i32 to vector<256x2048xi32>
    %select_n3A_182 = arith.select %eq3A_179, %iota3A, %broadcast_in_dim3A_181 : vector<256x2048xi1>, vector<256x2048xi32>
    %reduce_min3A_183 = arith.constant dense<2147483647> : vector<256xi32>
    %reduce_min3A_184 = vector.multi_reduction <minsi>, %select_n3A_182, %reduce_min3A_183 [1] : vector<256x2048xi32> to vector<256xi32>
    %broadcast_in_dim3A_185 = vector.shape_cast %reduce_min3A_184 : vector<256xi32> to vector<256x1xi32>
    %eq3A_186 = vector.broadcast %broadcast_in_dim3A_185 : vector<256x1xi32> to vector<256x2048xi32>
    %eq3A_187 = arith.cmpi eq, %iota3A, %eq3A_186 : vector<256x2048xi32>
    %jit3A_188 = arith.constant -3.000000e+38 : f32
    %broadcast_in_dim3A_189 = vector.broadcast %jit3A_188 : f32 to vector<256x2048xf32>
    %select_n3A_190 = arith.select %eq3A_187, %broadcast_in_dim3A_189, %get3A_174 : vector<256x2048xi1>, vector<256x2048xf32>
    %swap3A_191 = arith.constant 0 : index
    %swap3A_192 = arith.constant 0 : index
    %swap3A_193 = vector.load %arg7[%swap3A_191, %swap3A_192] : memref<256x2048xf32, #tpu.memory_space<vmem>>, vector<256x2048xf32>
    tpu.vector_store %arg7[%swap3A_191, %swap3A_192], %select_n3A_190 {strides = array<i32>} : memref<256x2048xf32, #tpu.memory_space<vmem>>, vector<256x2048xf32>,
    %get3A_194 = arith.constant 0 : index
    %get3A_195 = arith.constant 0 : index
    %get3A_196 = vector.load %arg7[%get3A_194, %get3A_195] : memref<256x2048xf32, #tpu.memory_space<vmem>>, vector<256x2048xf32>
    %reduce_max3A_197 = arith.constant dense<0xFF800000> : vector<256xf32>
    %reduce_max3A_198 = vector.multi_reduction <maximumf>, %get3A_196, %reduce_max3A_197 [1] : vector<256x2048xf32> to vector<256xf32>
    %broadcast_in_dim3A_199 = vector.shape_cast %reduce_max3A_198 : vector<256xf32> to vector<256x1xf32>
    %eq3A_200 = vector.broadcast %broadcast_in_dim3A_199 : vector<256x1xf32> to vector<256x2048xf32>
    %eq3A_201 = arith.cmpf oeq, %get3A_196, %eq3A_200 : vector<256x2048xf32>
    %jit3A_202 = arith.constant 2048 : i32
    %broadcast_in_dim3A_203 = vector.broadcast %jit3A_202 : i32 to vector<256x2048xi32>
    %select_n3A_204 = arith.select %eq3A_201, %iota3A, %broadcast_in_dim3A_203 : vector<256x2048xi1>, vector<256x2048xi32>
    %reduce_min3A_205 = arith.constant dense<2147483647> : vector<256xi32>
    %reduce_min3A_206 = vector.multi_reduction <minsi>, %select_n3A_204, %reduce_min3A_205 [1] : vector<256x2048xi32> to vector<256xi32>
    %broadcast_in_dim3A_207 = vector.shape_cast %reduce_min3A_206 : vector<256xi32> to vector<256x1xi32>
    %eq3A_208 = vector.broadcast %broadcast_in_dim3A_207 : vector<256x1xi32> to vector<256x2048xi32>
    %eq3A_209 = arith.cmpi eq, %iota3A, %eq3A_208 : vector<256x2048xi32>
    %jit3A_210 = arith.constant -3.000000e+38 : f32
    %broadcast_in_dim3A_211 = vector.broadcast %jit3A_210 : f32 to vector<256x2048xf32>
    %select_n3A_212 = arith.select %eq3A_209, %broadcast_in_dim3A_211, %get3A_196 : vector<256x2048xi1>, vector<256x2048xf32>
    %swap3A_213 = arith.constant 0 : index
    %swap3A_214 = arith.constant 0 : index
    %swap3A_215 = vector.load %arg7[%swap3A_213, %swap3A_214] : memref<256x2048xf32, #tpu.memory_space<vmem>>, vector<256x2048xf32>
    tpu.vector_store %arg7[%swap3A_213, %swap3A_214], %select_n3A_212 {strides = array<i32>} : memref<256x2048xf32, #tpu.memory_space<vmem>>, vector<256x2048xf32>,
    %get3A_216 = arith.constant 0 : index
    %get3A_217 = arith.constant 0 : index
    %get3A_218 = vector.load %arg7[%get3A_216, %get3A_217] : memref<256x2048xf32, #tpu.memory_space<vmem>>, vector<256x2048xf32>
    %reduce_max3A_219 = arith.constant dense<0xFF800000> : vector<256xf32>
    %reduce_max3A_220 = vector.multi_reduction <maximumf>, %get3A_218, %reduce_max3A_219 [1] : vector<256x2048xf32> to vector<256xf32>
    %broadcast_in_dim3A_221 = vector.shape_cast %reduce_max3A_220 : vector<256xf32> to vector<256x1xf32>
    %eq3A_222 = vector.broadcast %broadcast_in_dim3A_221 : vector<256x1xf32> to vector<256x2048xf32>
    %eq3A_223 = arith.cmpf oeq, %get3A_218, %eq3A_222 : vector<256x2048xf32>
    %jit3A_224 = arith.constant 2048 : i32
    %broadcast_in_dim3A_225 = vector.broadcast %jit3A_224 : i32 to vector<256x2048xi32>
    %select_n3A_226 = arith.select %eq3A_223, %iota3A, %broadcast_in_dim3A_225 : vector<256x2048xi1>, vector<256x2048xi32>
    %reduce_min3A_227 = arith.constant dense<2147483647> : vector<256xi32>
    %reduce_min3A_228 = vector.multi_reduction <minsi>, %select_n3A_226, %reduce_min3A_227 [1] : vector<256x2048xi32> to vector<256xi32>
    %broadcast_in_dim3A_229 = vector.shape_cast %reduce_min3A_228 : vector<256xi32> to vector<256x1xi32>
    %eq3A_230 = vector.broadcast %broadcast_in_dim3A_229 : vector<256x1xi32> to vector<256x2048xi32>
    %eq3A_231 = arith.cmpi eq, %iota3A, %eq3A_230 : vector<256x2048xi32>
    %jit3A_232 = arith.constant -3.000000e+38 : f32
    %broadcast_in_dim3A_233 = vector.broadcast %jit3A_232 : f32 to vector<256x2048xf32>
    %select_n3A_234 = arith.select %eq3A_231, %broadcast_in_dim3A_233, %get3A_218 : vector<256x2048xi1>, vector<256x2048xf32>
    %swap3A_235 = arith.constant 0 : index
    %swap3A_236 = arith.constant 0 : index
    %swap3A_237 = vector.load %arg7[%swap3A_235, %swap3A_236] : memref<256x2048xf32, #tpu.memory_space<vmem>>, vector<256x2048xf32>
    tpu.vector_store %arg7[%swap3A_235, %swap3A_236], %select_n3A_234 {strides = array<i32>} : memref<256x2048xf32, #tpu.memory_space<vmem>>, vector<256x2048xf32>,
    %get3A_238 = arith.constant 0 : index
    %get3A_239 = arith.constant 0 : index
    %get3A_240 = vector.load %arg7[%get3A_238, %get3A_239] : memref<256x2048xf32, #tpu.memory_space<vmem>>, vector<256x2048xf32>
    %reduce_max3A_241 = arith.constant dense<0xFF800000> : vector<256xf32>
    %reduce_max3A_242 = vector.multi_reduction <maximumf>, %get3A_240, %reduce_max3A_241 [1] : vector<256x2048xf32> to vector<256xf32>
    %broadcast_in_dim3A_243 = vector.shape_cast %reduce_max3A_242 : vector<256xf32> to vector<256x1xf32>
    %eq3A_244 = vector.broadcast %broadcast_in_dim3A_243 : vector<256x1xf32> to vector<256x2048xf32>
    %eq3A_245 = arith.cmpf oeq, %get3A_240, %eq3A_244 : vector<256x2048xf32>
    %jit3A_246 = arith.constant 2048 : i32
    %broadcast_in_dim3A_247 = vector.broadcast %jit3A_246 : i32 to vector<256x2048xi32>
    %select_n3A_248 = arith.select %eq3A_245, %iota3A, %broadcast_in_dim3A_247 : vector<256x2048xi1>, vector<256x2048xi32>
    %reduce_min3A_249 = arith.constant dense<2147483647> : vector<256xi32>
    %reduce_min3A_250 = vector.multi_reduction <minsi>, %select_n3A_248, %reduce_min3A_249 [1] : vector<256x2048xi32> to vector<256xi32>
    %broadcast_in_dim3A_251 = vector.shape_cast %reduce_min3A_250 : vector<256xi32> to vector<256x1xi32>
    %eq3A_252 = vector.broadcast %broadcast_in_dim3A_251 : vector<256x1xi32> to vector<256x2048xi32>
    %eq3A_253 = arith.cmpi eq, %iota3A, %eq3A_252 : vector<256x2048xi32>
    %jit3A_254 = arith.constant -3.000000e+38 : f32
    %broadcast_in_dim3A_255 = vector.broadcast %jit3A_254 : f32 to vector<256x2048xf32>
    %select_n3A_256 = arith.select %eq3A_253, %broadcast_in_dim3A_255, %get3A_240 : vector<256x2048xi1>, vector<256x2048xf32>
    %swap3A_257 = arith.constant 0 : index
    %swap3A_258 = arith.constant 0 : index
    %swap3A_259 = vector.load %arg7[%swap3A_257, %swap3A_258] : memref<256x2048xf32, #tpu.memory_space<vmem>>, vector<256x2048xf32>
    tpu.vector_store %arg7[%swap3A_257, %swap3A_258], %select_n3A_256 {strides = array<i32>} : memref<256x2048xf32, #tpu.memory_space<vmem>>, vector<256x2048xf32>,
    %get3A_260 = arith.constant 0 : index
    %get3A_261 = arith.constant 0 : index
    %get3A_262 = vector.load %arg7[%get3A_260, %get3A_261] : memref<256x2048xf32, #tpu.memory_space<vmem>>, vector<256x2048xf32>
    %reduce_max3A_263 = arith.constant dense<0xFF800000> : vector<256xf32>
    %reduce_max3A_264 = vector.multi_reduction <maximumf>, %get3A_262, %reduce_max3A_263 [1] : vector<256x2048xf32> to vector<256xf32>
    %broadcast_in_dim3A_265 = vector.shape_cast %reduce_max3A_264 : vector<256xf32> to vector<256x1xf32>
    %eq3A_266 = vector.broadcast %broadcast_in_dim3A_265 : vector<256x1xf32> to vector<256x2048xf32>
    %eq3A_267 = arith.cmpf oeq, %get3A_262, %eq3A_266 : vector<256x2048xf32>
    %jit3A_268 = arith.constant 2048 : i32
    %broadcast_in_dim3A_269 = vector.broadcast %jit3A_268 : i32 to vector<256x2048xi32>
    %select_n3A_270 = arith.select %eq3A_267, %iota3A, %broadcast_in_dim3A_269 : vector<256x2048xi1>, vector<256x2048xi32>
    %reduce_min3A_271 = arith.constant dense<2147483647> : vector<256xi32>
    %reduce_min3A_272 = vector.multi_reduction <minsi>, %select_n3A_270, %reduce_min3A_271 [1] : vector<256x2048xi32> to vector<256xi32>
    %broadcast_in_dim3A_273 = vector.shape_cast %reduce_min3A_272 : vector<256xi32> to vector<256x1xi32>
    %eq3A_274 = vector.broadcast %broadcast_in_dim3A_273 : vector<256x1xi32> to vector<256x2048xi32>
    %eq3A_275 = arith.cmpi eq, %iota3A, %eq3A_274 : vector<256x2048xi32>
    %jit3A_276 = arith.constant -3.000000e+38 : f32
    %broadcast_in_dim3A_277 = vector.broadcast %jit3A_276 : f32 to vector<256x2048xf32>
    %select_n3A_278 = arith.select %eq3A_275, %broadcast_in_dim3A_277, %get3A_262 : vector<256x2048xi1>, vector<256x2048xf32>
    %swap3A_279 = arith.constant 0 : index
    %swap3A_280 = arith.constant 0 : index
    %swap3A_281 = vector.load %arg7[%swap3A_279, %swap3A_280] : memref<256x2048xf32, #tpu.memory_space<vmem>>, vector<256x2048xf32>
    tpu.vector_store %arg7[%swap3A_279, %swap3A_280], %select_n3A_278 {strides = array<i32>} : memref<256x2048xf32, #tpu.memory_space<vmem>>, vector<256x2048xf32>,
    %get3A_282 = arith.constant 0 : index
    %get3A_283 = arith.constant 0 : index
    %get3A_284 = vector.load %arg7[%get3A_282, %get3A_283] : memref<256x2048xf32, #tpu.memory_space<vmem>>, vector<256x2048xf32>
    %reduce_max3A_285 = arith.constant dense<0xFF800000> : vector<256xf32>
    %reduce_max3A_286 = vector.multi_reduction <maximumf>, %get3A_284, %reduce_max3A_285 [1] : vector<256x2048xf32> to vector<256xf32>
    %broadcast_in_dim3A_287 = vector.shape_cast %reduce_max3A_286 : vector<256xf32> to vector<256x1xf32>
    %eq3A_288 = vector.broadcast %broadcast_in_dim3A_287 : vector<256x1xf32> to vector<256x2048xf32>
    %eq3A_289 = arith.cmpf oeq, %get3A_284, %eq3A_288 : vector<256x2048xf32>
    %jit3A_290 = arith.constant 2048 : i32
    %broadcast_in_dim3A_291 = vector.broadcast %jit3A_290 : i32 to vector<256x2048xi32>
    %select_n3A_292 = arith.select %eq3A_289, %iota3A, %broadcast_in_dim3A_291 : vector<256x2048xi1>, vector<256x2048xi32>
    %reduce_min3A_293 = arith.constant dense<2147483647> : vector<256xi32>
    %reduce_min3A_294 = vector.multi_reduction <minsi>, %select_n3A_292, %reduce_min3A_293 [1] : vector<256x2048xi32> to vector<256xi32>
    %broadcast_in_dim3A_295 = vector.shape_cast %reduce_min3A_294 : vector<256xi32> to vector<256x1xi32>
    %eq3A_296 = vector.broadcast %broadcast_in_dim3A_295 : vector<256x1xi32> to vector<256x2048xi32>
    %eq3A_297 = arith.cmpi eq, %iota3A, %eq3A_296 : vector<256x2048xi32>
    %jit3A_298 = arith.constant -3.000000e+38 : f32
    %broadcast_in_dim3A_299 = vector.broadcast %jit3A_298 : f32 to vector<256x2048xf32>
    %select_n3A_300 = arith.select %eq3A_297, %broadcast_in_dim3A_299, %get3A_284 : vector<256x2048xi1>, vector<256x2048xf32>
    %swap3A_301 = arith.constant 0 : index
    %swap3A_302 = arith.constant 0 : index
    %swap3A_303 = vector.load %arg7[%swap3A_301, %swap3A_302] : memref<256x2048xf32, #tpu.memory_space<vmem>>, vector<256x2048xf32>
    tpu.vector_store %arg7[%swap3A_301, %swap3A_302], %select_n3A_300 {strides = array<i32>} : memref<256x2048xf32, #tpu.memory_space<vmem>>, vector<256x2048xf32>,
    %get3A_304 = arith.constant 0 : index
    %get3A_305 = arith.constant 0 : index
    %get3A_306 = vector.load %arg7[%get3A_304, %get3A_305] : memref<256x2048xf32, #tpu.memory_space<vmem>>, vector<256x2048xf32>
    %reduce_max3A_307 = arith.constant dense<0xFF800000> : vector<256xf32>
    %reduce_max3A_308 = vector.multi_reduction <maximumf>, %get3A_306, %reduce_max3A_307 [1] : vector<256x2048xf32> to vector<256xf32>
    %broadcast_in_dim3A_309 = vector.shape_cast %reduce_max3A_308 : vector<256xf32> to vector<256x1xf32>
    %eq3A_310 = vector.broadcast %broadcast_in_dim3A_309 : vector<256x1xf32> to vector<256x2048xf32>
    %eq3A_311 = arith.cmpf oeq, %get3A_306, %eq3A_310 : vector<256x2048xf32>
    %jit3A_312 = arith.constant 2048 : i32
    %broadcast_in_dim3A_313 = vector.broadcast %jit3A_312 : i32 to vector<256x2048xi32>
    %select_n3A_314 = arith.select %eq3A_311, %iota3A, %broadcast_in_dim3A_313 : vector<256x2048xi1>, vector<256x2048xi32>
    %reduce_min3A_315 = arith.constant dense<2147483647> : vector<256xi32>
    %reduce_min3A_316 = vector.multi_reduction <minsi>, %select_n3A_314, %reduce_min3A_315 [1] : vector<256x2048xi32> to vector<256xi32>
    %broadcast_in_dim3A_317 = vector.shape_cast %reduce_min3A_316 : vector<256xi32> to vector<256x1xi32>
    %eq3A_318 = vector.broadcast %broadcast_in_dim3A_317 : vector<256x1xi32> to vector<256x2048xi32>
    %eq3A_319 = arith.cmpi eq, %iota3A, %eq3A_318 : vector<256x2048xi32>
    %jit3A_320 = arith.constant -3.000000e+38 : f32
    %broadcast_in_dim3A_321 = vector.broadcast %jit3A_320 : f32 to vector<256x2048xf32>
    %select_n3A_322 = arith.select %eq3A_319, %broadcast_in_dim3A_321, %get3A_306 : vector<256x2048xi1>, vector<256x2048xf32>
    %swap3A_323 = arith.constant 0 : index
    %swap3A_324 = arith.constant 0 : index
    %swap3A_325 = vector.load %arg7[%swap3A_323, %swap3A_324] : memref<256x2048xf32, #tpu.memory_space<vmem>>, vector<256x2048xf32>
    tpu.vector_store %arg7[%swap3A_323, %swap3A_324], %select_n3A_322 {strides = array<i32>} : memref<256x2048xf32, #tpu.memory_space<vmem>>, vector<256x2048xf32>,
    %get3A_326 = arith.constant 0 : index
    %get3A_327 = arith.constant 0 : index
    %get3A_328 = vector.load %arg7[%get3A_326, %get3A_327] : memref<256x2048xf32, #tpu.memory_space<vmem>>, vector<256x2048xf32>
    %reduce_max3A_329 = arith.constant dense<0xFF800000> : vector<256xf32>
    %reduce_max3A_330 = vector.multi_reduction <maximumf>, %get3A_328, %reduce_max3A_329 [1] : vector<256x2048xf32> to vector<256xf32>
    %broadcast_in_dim3A_331 = vector.shape_cast %reduce_max3A_330 : vector<256xf32> to vector<256x1xf32>
    %eq3A_332 = vector.broadcast %broadcast_in_dim3A_331 : vector<256x1xf32> to vector<256x2048xf32>
    %eq3A_333 = arith.cmpf oeq, %get3A_328, %eq3A_332 : vector<256x2048xf32>
    %jit3A_334 = arith.constant 2048 : i32
    %broadcast_in_dim3A_335 = vector.broadcast %jit3A_334 : i32 to vector<256x2048xi32>
    %select_n3A_336 = arith.select %eq3A_333, %iota3A, %broadcast_in_dim3A_335 : vector<256x2048xi1>, vector<256x2048xi32>
    %reduce_min3A_337 = arith.constant dense<2147483647> : vector<256xi32>
    %reduce_min3A_338 = vector.multi_reduction <minsi>, %select_n3A_336, %reduce_min3A_337 [1] : vector<256x2048xi32> to vector<256xi32>
    %broadcast_in_dim3A_339 = vector.shape_cast %reduce_min3A_338 : vector<256xi32> to vector<256x1xi32>
    %eq3A_340 = vector.broadcast %broadcast_in_dim3A_339 : vector<256x1xi32> to vector<256x2048xi32>
    %eq3A_341 = arith.cmpi eq, %iota3A, %eq3A_340 : vector<256x2048xi32>
    %jit3A_342 = arith.constant -3.000000e+38 : f32
    %broadcast_in_dim3A_343 = vector.broadcast %jit3A_342 : f32 to vector<256x2048xf32>
    %select_n3A_344 = arith.select %eq3A_341, %broadcast_in_dim3A_343, %get3A_328 : vector<256x2048xi1>, vector<256x2048xf32>
    %swap3A_345 = arith.constant 0 : index
    %swap3A_346 = arith.constant 0 : index
    %swap3A_347 = vector.load %arg7[%swap3A_345, %swap3A_346] : memref<256x2048xf32, #tpu.memory_space<vmem>>, vector<256x2048xf32>
    tpu.vector_store %arg7[%swap3A_345, %swap3A_346], %select_n3A_344 {strides = array<i32>} : memref<256x2048xf32, #tpu.memory_space<vmem>>, vector<256x2048xf32>,
    %get3A_348 = arith.constant 0 : index
    %get3A_349 = arith.constant 0 : index
    %get3A_350 = vector.load %arg7[%get3A_348, %get3A_349] : memref<256x2048xf32, #tpu.memory_space<vmem>>, vector<256x2048xf32>
    %reduce_max3A_351 = arith.constant dense<0xFF800000> : vector<256xf32>
    %reduce_max3A_352 = vector.multi_reduction <maximumf>, %get3A_350, %reduce_max3A_351 [1] : vector<256x2048xf32> to vector<256xf32>
    %broadcast_in_dim3A_353 = vector.shape_cast %reduce_max3A_352 : vector<256xf32> to vector<256x1xf32>
    %eq3A_354 = vector.broadcast %broadcast_in_dim3A_353 : vector<256x1xf32> to vector<256x2048xf32>
    %eq3A_355 = arith.cmpf oeq, %get3A_350, %eq3A_354 : vector<256x2048xf32>
    %jit3A_356 = arith.constant 2048 : i32
    %broadcast_in_dim3A_357 = vector.broadcast %jit3A_356 : i32 to vector<256x2048xi32>
    %select_n3A_358 = arith.select %eq3A_355, %iota3A, %broadcast_in_dim3A_357 : vector<256x2048xi1>, vector<256x2048xi32>
    %reduce_min3A_359 = arith.constant dense<2147483647> : vector<256xi32>
    %reduce_min3A_360 = vector.multi_reduction <minsi>, %select_n3A_358, %reduce_min3A_359 [1] : vector<256x2048xi32> to vector<256xi32>
    %broadcast_in_dim3A_361 = vector.shape_cast %reduce_min3A_360 : vector<256xi32> to vector<256x1xi32>
    %eq3A_362 = vector.broadcast %broadcast_in_dim3A_361 : vector<256x1xi32> to vector<256x2048xi32>
    %eq3A_363 = arith.cmpi eq, %iota3A, %eq3A_362 : vector<256x2048xi32>
    %jit3A_364 = arith.constant -3.000000e+38 : f32
    %broadcast_in_dim3A_365 = vector.broadcast %jit3A_364 : f32 to vector<256x2048xf32>
    %select_n3A_366 = arith.select %eq3A_363, %broadcast_in_dim3A_365, %get3A_350 : vector<256x2048xi1>, vector<256x2048xf32>
    %swap3A_367 = arith.constant 0 : index
    %swap3A_368 = arith.constant 0 : index
    %swap3A_369 = vector.load %arg7[%swap3A_367, %swap3A_368] : memref<256x2048xf32, #tpu.memory_space<vmem>>, vector<256x2048xf32>
    tpu.vector_store %arg7[%swap3A_367, %swap3A_368], %select_n3A_366 {strides = array<i32>} : memref<256x2048xf32, #tpu.memory_space<vmem>>, vector<256x2048xf32>,
    %get3A_370 = arith.constant 0 : index
    %get3A_371 = arith.constant 0 : index
    %get3A_372 = vector.load %arg7[%get3A_370, %get3A_371] : memref<256x2048xf32, #tpu.memory_space<vmem>>, vector<256x2048xf32>
    %reduce_max3A_373 = arith.constant dense<0xFF800000> : vector<256xf32>
    %reduce_max3A_374 = vector.multi_reduction <maximumf>, %get3A_372, %reduce_max3A_373 [1] : vector<256x2048xf32> to vector<256xf32>
    %broadcast_in_dim3A_375 = vector.shape_cast %reduce_max3A_374 : vector<256xf32> to vector<256x1xf32>
    %eq3A_376 = vector.broadcast %broadcast_in_dim3A_375 : vector<256x1xf32> to vector<256x2048xf32>
    %eq3A_377 = arith.cmpf oeq, %get3A_372, %eq3A_376 : vector<256x2048xf32>
    %jit3A_378 = arith.constant 2048 : i32
    %broadcast_in_dim3A_379 = vector.broadcast %jit3A_378 : i32 to vector<256x2048xi32>
    %select_n3A_380 = arith.select %eq3A_377, %iota3A, %broadcast_in_dim3A_379 : vector<256x2048xi1>, vector<256x2048xi32>
    %reduce_min3A_381 = arith.constant dense<2147483647> : vector<256xi32>
    %reduce_min3A_382 = vector.multi_reduction <minsi>, %select_n3A_380, %reduce_min3A_381 [1] : vector<256x2048xi32> to vector<256xi32>
    %broadcast_in_dim3A_383 = vector.shape_cast %reduce_min3A_382 : vector<256xi32> to vector<256x1xi32>
    %eq3A_384 = vector.broadcast %broadcast_in_dim3A_383 : vector<256x1xi32> to vector<256x2048xi32>
    %eq3A_385 = arith.cmpi eq, %iota3A, %eq3A_384 : vector<256x2048xi32>
    %jit3A_386 = arith.constant -3.000000e+38 : f32
    %broadcast_in_dim3A_387 = vector.broadcast %jit3A_386 : f32 to vector<256x2048xf32>
    %select_n3A_388 = arith.select %eq3A_385, %broadcast_in_dim3A_387, %get3A_372 : vector<256x2048xi1>, vector<256x2048xf32>
    %swap3A_389 = arith.constant 0 : index
    %swap3A_390 = arith.constant 0 : index
    %swap3A_391 = vector.load %arg7[%swap3A_389, %swap3A_390] : memref<256x2048xf32, #tpu.memory_space<vmem>>, vector<256x2048xf32>
    tpu.vector_store %arg7[%swap3A_389, %swap3A_390], %select_n3A_388 {strides = array<i32>} : memref<256x2048xf32, #tpu.memory_space<vmem>>, vector<256x2048xf32>,
    %get3A_392 = arith.constant 0 : index
    %get3A_393 = arith.constant 0 : index
    %get3A_394 = vector.load %arg7[%get3A_392, %get3A_393] : memref<256x2048xf32, #tpu.memory_space<vmem>>, vector<256x2048xf32>
    %reduce_max3A_395 = arith.constant dense<0xFF800000> : vector<256xf32>
    %reduce_max3A_396 = vector.multi_reduction <maximumf>, %get3A_394, %reduce_max3A_395 [1] : vector<256x2048xf32> to vector<256xf32>
    %broadcast_in_dim3A_397 = vector.shape_cast %reduce_max3A_396 : vector<256xf32> to vector<256x1xf32>
    %eq3A_398 = vector.broadcast %broadcast_in_dim3A_397 : vector<256x1xf32> to vector<256x2048xf32>
    %eq3A_399 = arith.cmpf oeq, %get3A_394, %eq3A_398 : vector<256x2048xf32>
    %jit3A_400 = arith.constant 2048 : i32
    %broadcast_in_dim3A_401 = vector.broadcast %jit3A_400 : i32 to vector<256x2048xi32>
    %select_n3A_402 = arith.select %eq3A_399, %iota3A, %broadcast_in_dim3A_401 : vector<256x2048xi1>, vector<256x2048xi32>
    %reduce_min3A_403 = arith.constant dense<2147483647> : vector<256xi32>
    %reduce_min3A_404 = vector.multi_reduction <minsi>, %select_n3A_402, %reduce_min3A_403 [1] : vector<256x2048xi32> to vector<256xi32>
    %broadcast_in_dim3A_405 = vector.shape_cast %reduce_min3A_404 : vector<256xi32> to vector<256x1xi32>
    %eq3A_406 = vector.broadcast %broadcast_in_dim3A_405 : vector<256x1xi32> to vector<256x2048xi32>
    %eq3A_407 = arith.cmpi eq, %iota3A, %eq3A_406 : vector<256x2048xi32>
    %jit3A_408 = arith.constant -3.000000e+38 : f32
    %broadcast_in_dim3A_409 = vector.broadcast %jit3A_408 : f32 to vector<256x2048xf32>
    %select_n3A_410 = arith.select %eq3A_407, %broadcast_in_dim3A_409, %get3A_394 : vector<256x2048xi1>, vector<256x2048xf32>
    %swap3A_411 = arith.constant 0 : index
    %swap3A_412 = arith.constant 0 : index
    %swap3A_413 = vector.load %arg7[%swap3A_411, %swap3A_412] : memref<256x2048xf32, #tpu.memory_space<vmem>>, vector<256x2048xf32>
    tpu.vector_store %arg7[%swap3A_411, %swap3A_412], %select_n3A_410 {strides = array<i32>} : memref<256x2048xf32, #tpu.memory_space<vmem>>, vector<256x2048xf32>,
    %get3A_414 = arith.constant 0 : index
    %get3A_415 = arith.constant 0 : index
    %get3A_416 = vector.load %arg7[%get3A_414, %get3A_415] : memref<256x2048xf32, #tpu.memory_space<vmem>>, vector<256x2048xf32>
    %reduce_max3A_417 = arith.constant dense<0xFF800000> : vector<256xf32>
    %reduce_max3A_418 = vector.multi_reduction <maximumf>, %get3A_416, %reduce_max3A_417 [1] : vector<256x2048xf32> to vector<256xf32>
    %broadcast_in_dim3A_419 = vector.shape_cast %reduce_max3A_418 : vector<256xf32> to vector<256x1xf32>
    %eq3A_420 = vector.broadcast %broadcast_in_dim3A_419 : vector<256x1xf32> to vector<256x2048xf32>
    %eq3A_421 = arith.cmpf oeq, %get3A_416, %eq3A_420 : vector<256x2048xf32>
    %jit3A_422 = arith.constant 2048 : i32
    %broadcast_in_dim3A_423 = vector.broadcast %jit3A_422 : i32 to vector<256x2048xi32>
    %select_n3A_424 = arith.select %eq3A_421, %iota3A, %broadcast_in_dim3A_423 : vector<256x2048xi1>, vector<256x2048xi32>
    %reduce_min3A_425 = arith.constant dense<2147483647> : vector<256xi32>
    %reduce_min3A_426 = vector.multi_reduction <minsi>, %select_n3A_424, %reduce_min3A_425 [1] : vector<256x2048xi32> to vector<256xi32>
    %broadcast_in_dim3A_427 = vector.shape_cast %reduce_min3A_426 : vector<256xi32> to vector<256x1xi32>
    %eq3A_428 = vector.broadcast %broadcast_in_dim3A_427 : vector<256x1xi32> to vector<256x2048xi32>
    %eq3A_429 = arith.cmpi eq, %iota3A, %eq3A_428 : vector<256x2048xi32>
    %jit3A_430 = arith.constant -3.000000e+38 : f32
    %broadcast_in_dim3A_431 = vector.broadcast %jit3A_430 : f32 to vector<256x2048xf32>
    %select_n3A_432 = arith.select %eq3A_429, %broadcast_in_dim3A_431, %get3A_416 : vector<256x2048xi1>, vector<256x2048xf32>
    %swap3A_433 = arith.constant 0 : index
    %swap3A_434 = arith.constant 0 : index
    %swap3A_435 = vector.load %arg7[%swap3A_433, %swap3A_434] : memref<256x2048xf32, #tpu.memory_space<vmem>>, vector<256x2048xf32>
    tpu.vector_store %arg7[%swap3A_433, %swap3A_434], %select_n3A_432 {strides = array<i32>} : memref<256x2048xf32, #tpu.memory_space<vmem>>, vector<256x2048xf32>,
    %get3A_436 = arith.constant 0 : index
    %get3A_437 = arith.constant 0 : index
    %get3A_438 = vector.load %arg7[%get3A_436, %get3A_437] : memref<256x2048xf32, #tpu.memory_space<vmem>>, vector<256x2048xf32>
    %reduce_max3A_439 = arith.constant dense<0xFF800000> : vector<256xf32>
    %reduce_max3A_440 = vector.multi_reduction <maximumf>, %get3A_438, %reduce_max3A_439 [1] : vector<256x2048xf32> to vector<256xf32>
    %broadcast_in_dim3A_441 = vector.shape_cast %reduce_max3A_440 : vector<256xf32> to vector<256x1xf32>
    %eq3A_442 = vector.broadcast %broadcast_in_dim3A_441 : vector<256x1xf32> to vector<256x2048xf32>
    %eq3A_443 = arith.cmpf oeq, %get3A_438, %eq3A_442 : vector<256x2048xf32>
    %jit3A_444 = arith.constant 2048 : i32
    %broadcast_in_dim3A_445 = vector.broadcast %jit3A_444 : i32 to vector<256x2048xi32>
    %select_n3A_446 = arith.select %eq3A_443, %iota3A, %broadcast_in_dim3A_445 : vector<256x2048xi1>, vector<256x2048xi32>
    %reduce_min3A_447 = arith.constant dense<2147483647> : vector<256xi32>
    %reduce_min3A_448 = vector.multi_reduction <minsi>, %select_n3A_446, %reduce_min3A_447 [1] : vector<256x2048xi32> to vector<256xi32>
    %broadcast_in_dim3A_449 = vector.shape_cast %reduce_min3A_448 : vector<256xi32> to vector<256x1xi32>
    %eq3A_450 = vector.broadcast %broadcast_in_dim3A_449 : vector<256x1xi32> to vector<256x2048xi32>
    %eq3A_451 = arith.cmpi eq, %iota3A, %eq3A_450 : vector<256x2048xi32>
    %jit3A_452 = arith.constant -3.000000e+38 : f32
    %broadcast_in_dim3A_453 = vector.broadcast %jit3A_452 : f32 to vector<256x2048xf32>
    %select_n3A_454 = arith.select %eq3A_451, %broadcast_in_dim3A_453, %get3A_438 : vector<256x2048xi1>, vector<256x2048xf32>
    %swap3A_455 = arith.constant 0 : index
    %swap3A_456 = arith.constant 0 : index
    %swap3A_457 = vector.load %arg7[%swap3A_455, %swap3A_456] : memref<256x2048xf32, #tpu.memory_space<vmem>>, vector<256x2048xf32>
    tpu.vector_store %arg7[%swap3A_455, %swap3A_456], %select_n3A_454 {strides = array<i32>} : memref<256x2048xf32, #tpu.memory_space<vmem>>, vector<256x2048xf32>,
    %concatenate3A = tpu.concatenate %broadcast_in_dim3A_31, %broadcast_in_dim3A_53, %broadcast_in_dim3A_75, %broadcast_in_dim3A_97, %broadcast_in_dim3A_119, %broadcast_in_dim3A_141, %broadcast_in_dim3A_163, %broadcast_in_dim3A_185, %broadcast_in_dim3A_207, %broadcast_in_dim3A_229, %broadcast_in_dim3A_251, %broadcast_in_dim3A_273, %broadcast_in_dim3A_295, %broadcast_in_dim3A_317, %broadcast_in_dim3A_339, %broadcast_in_dim3A_361, %broadcast_in_dim3A_383, %broadcast_in_dim3A_405, %broadcast_in_dim3A_427, %broadcast_in_dim3A_449 in 1 : vector<256x1xi32>, vector<256x1xi32>, vector<256x1xi32>, vector<256x1xi32>, vector<256x1xi32>, vector<256x1xi32>, vector<256x1xi32>, vector<256x1xi32>, vector<256x1xi32>, vector<256x1xi32>, vector<256x1xi32>, vector<256x1xi32>, vector<256x1xi32>, vector<256x1xi32>, vector<256x1xi32>, vector<256x1xi32>, vector<256x1xi32>, vector<256x1xi32>, vector<256x1xi32>, vector<256x1xi32> -> vector<256x20xi32>
    %mul3A_458 = arith.constant 2048 : i32
    %mul3A_459 = arith.muli %arg0, %mul3A_458 : i32
    %add3A = vector.broadcast %mul3A_459 : i32 to vector<256x20xi32>
    %add3A_460 = arith.addi %concatenate3A, %add3A : vector<256x20xi32>
    %swap3A_461 = arith.constant 0 : index
    %swap3A_462 = arith.constant 0 : index
    %swap3A_463 = vector.load %arg6[%swap3A_461, %swap3A_462] : memref<256x20xi32, #tpu.memory_space<vmem>>, vector<256x20xi32>
    tpu.vector_store %arg6[%swap3A_461, %swap3A_462], %add3A_460 {strides = array<i32>} : memref<256x20xi32, #tpu.memory_space<vmem>>, vector<256x20xi32>,
    return
  }
  func.func @transform_0(%arg0: i32, %arg1: i32) -> (i32, i32) {
    %mul3A = arith.constant 8 : i32
    %mul3A_0 = arith.muli %arg0, %mul3A : i32
    %add3A = arith.addi %mul3A_0, %arg1 : i32
    %c0_i32 = arith.constant 0 : i32
    %c0_i32_1 = arith.constant 0 : i32
    return %add3A, %c0_i32 : i32, i32
  }
  func.func @transform_1(%arg0: i32, %arg1: i32) -> (i32, i32, i32) {
    %c0_i32 = arith.constant 0 : i32
    %c0_i32_0 = arith.constant 0 : i32
    %c0_i32_1 = arith.constant 0 : i32
    return %arg0, %c0_i32, %c0_i32_0 : i32, i32, i32
  }
  func.func @transform_2(%arg0: i32, %arg1: i32) -> (i32, i32) {
    %mul3A = arith.constant 8 : i32
    %mul3A_0 = arith.muli %arg0, %mul3A : i32
    %add3A = arith.addi %mul3A_0, %arg1 : i32
    %c0_i32 = arith.constant 0 : i32
    %c0_i32_1 = arith.constant 0 : i32
    return %add3A, %c0_i32 : i32, i32
  }
  func.func @transform_3(%arg0: i32, %arg1: i32) -> (i32, i32, i32) {
    %c0_i32 = arith.constant 0 : i32
    %c0_i32_0 = arith.constant 0 : i32
    %c0_i32_1 = arith.constant 0 : i32
    return %arg0, %c0_i32, %c0_i32_0 : i32, i32, i32
  }
  func.func @transform_4(%arg0: i32, %arg1: i32) -> (i32, i32) {
    %mul3A = arith.constant 8 : i32
    %mul3A_0 = arith.muli %arg0, %mul3A : i32
    %add3A = arith.addi %mul3A_0, %arg1 : i32
    %c0_i32 = arith.constant 0 : i32
    %c0_i32_1 = arith.constant 0 : i32
    return %add3A, %c0_i32 : i32, i32
  }
}

module attributes {stable_mosaic.version = 14 : i64} {
  func.func @_conv_body(%arg0: i32, %arg1: memref<2560x128xf32, #tpu.memory_space<vmem>>, %arg2: memref<128x128xf32, #tpu.memory_space<vmem>>, %arg3: memref<6x64xf32, #tpu.memory_space<vmem>>, %arg4: memref<128x64xf32, #tpu.memory_space<vmem>>, %arg5: memref<8x64xf32, #tpu.memory_space<vmem>>) attributes {dimension_semantics = [#tpu.dimension_semantics<arbitrary>], iteration_bounds = array<i64: 128>, scalar_prefetch = 0 : i64, scratch_operands = 0 : i64, tpu.core_type = #tpu.core_type<tc>, window_params = [{transform_indices = @transform_0, window_bounds = array<i64: 2560, 128>}, {transform_indices = @transform_1, window_bounds = array<i64: 128, 128>}, {pipeline_mode = #tpu.pipeline_mode<synchronous>, transform_indices = @transform_2, window_bounds = array<i64: 6, 64>}, {transform_indices = @transform_3, window_bounds = array<i64: 128, 64>}, {pipeline_mode = #tpu.pipeline_mode<synchronous>, transform_indices = @transform_4, window_bounds = array<i64: 8, 64>}]} {
    %get3A = arith.constant 0 : index
    %get3A_0 = arith.constant 0 : index
    %get3A_1 = vector.load %arg1[%get3A, %get3A_0] : memref<2560x128xf32, #tpu.memory_space<vmem>>, vector<2560x128xf32>
    %slice3A = vector.extract_strided_slice %get3A_1 {offsets = [0, 0], sizes = [2560, 3], strides = [1, 1]} : vector<2560x128xf32> to vector<2560x3xf32>
    %get3A_2 = arith.constant 0 : index
    %get3A_3 = arith.constant 0 : index
    %get3A_4 = vector.load %arg2[%get3A_2, %get3A_3] : memref<128x128xf32, #tpu.memory_space<vmem>>, vector<128x128xf32>
    %slice3A_5 = vector.extract_strided_slice %get3A_4 {offsets = [0, 0], sizes = [128, 3], strides = [1, 1]} : vector<128x128xf32> to vector<128x3xf32>
    %broadcast_in_dim3A = vector.shape_cast %slice3A_5 : vector<128x3xf32> to vector<128x1x3xf32>
    %broadcast_in_dim3A_6 = vector.shape_cast %broadcast_in_dim3A : vector<128x1x3xf32> to vector<128x1x3xf32>
    %broadcast_in_dim3A_7 = vector.broadcast %broadcast_in_dim3A_6 : vector<128x1x3xf32> to vector<128x20x3xf32>
    %reshape3A = vector.shape_cast %broadcast_in_dim3A_7 : vector<128x20x3xf32> to vector<2560x3xf32>
    %sub3A = arith.subf %slice3A, %reshape3A : vector<2560x3xf32>
    %concatenate3A = tpu.concatenate %sub3A, %reshape3A in 1 : vector<2560x3xf32>, vector<2560x3xf32> -> vector<2560x6xf32>
    %get3A_8 = arith.constant 0 : index
    %get3A_9 = arith.constant 0 : index
    %get3A_10 = vector.load %arg3[%get3A_8, %get3A_9] : memref<6x64xf32, #tpu.memory_space<vmem>>, vector<6x64xf32>
    %dot_general3A = arith.constant dense<0.000000e+00> : vector<2560x64xf32>
    %dot_general3A_11 = tpu.matmul %concatenate3A, %get3A_10, %dot_general3A {dimension_numbers = #tpu.dot_dimension_numbers<[1], [0], [0], [1], [0, 0, 1, 1], [], []>, transpose_lhs_hint = false} : vector<2560x6xf32>, vector<6x64xf32>, vector<2560x64xf32> -> vector<2560x64xf32>
    %reshape3A_12 = vector.shape_cast %dot_general3A_11 : vector<2560x64xf32> to vector<128x20x64xf32>
    %reduce_max3A = arith.constant dense<0xFF800000> : vector<128x64xf32>
    %reduce_max3A_13 = vector.multi_reduction <maximumf>, %reshape3A_12, %reduce_max3A [1] : vector<128x20x64xf32> to vector<128x64xf32>
    %swap3A = arith.constant 0 : index
    %swap3A_14 = arith.constant 0 : index
    %swap3A_15 = vector.load %arg4[%swap3A, %swap3A_14] : memref<128x64xf32, #tpu.memory_space<vmem>>, vector<128x64xf32>
    tpu.vector_store %arg4[%swap3A, %swap3A_14], %reduce_max3A_13 {strides = array<i32>} : memref<128x64xf32, #tpu.memory_space<vmem>>, vector<128x64xf32>,
    %reduce_sum3A = arith.constant dense<0.000000e+00> : vector<64xf32>
    %reduce_sum3A_16 = vector.multi_reduction <add>, %dot_general3A_11, %reduce_sum3A [0] : vector<2560x64xf32> to vector<64xf32>
    %broadcast_in_dim3A_17 = vector.shape_cast %reduce_sum3A_16 : vector<64xf32> to vector<1x64xf32>
    %mul3A = arith.mulf %dot_general3A_11, %dot_general3A_11 : vector<2560x64xf32>
    %reduce_sum3A_18 = arith.constant dense<0.000000e+00> : vector<64xf32>
    %reduce_sum3A_19 = vector.multi_reduction <add>, %mul3A, %reduce_sum3A_18 [0] : vector<2560x64xf32> to vector<64xf32>
    %broadcast_in_dim3A_20 = vector.shape_cast %reduce_sum3A_19 : vector<64xf32> to vector<1x64xf32>
    %broadcast_in_dim3A_21 = arith.constant 0.000000e+00 : f32
    %broadcast_in_dim3A_22 = vector.broadcast %broadcast_in_dim3A_21 : f32 to vector<6x64xf32>
    %concatenate3A_23 = tpu.concatenate %broadcast_in_dim3A_17, %broadcast_in_dim3A_20, %broadcast_in_dim3A_22 in 0 : vector<1x64xf32>, vector<1x64xf32>, vector<6x64xf32> -> vector<8x64xf32>
    %eq3A = arith.constant 0 : i32
    %eq3A_24 = arith.cmpi eq, %arg0, %eq3A : i32
    %convert_element_type3A = arith.extui %eq3A_24 : i1 to i32
    %cond3A = arith.constant 0 : i32
    %cond3A_25 = arith.cmpi ne, %convert_element_type3A, %cond3A : i32
    scf.if %cond3A_25 {
      %broadcast_in_dim3A_32 = arith.constant 0.000000e+00 : f32
      %broadcast_in_dim3A_33 = vector.broadcast %broadcast_in_dim3A_32 : f32 to vector<8x64xf32>
      %swap3A_34 = arith.constant 0 : index
      %swap3A_35 = arith.constant 0 : index
      %swap3A_36 = vector.load %arg5[%swap3A_34, %swap3A_35] : memref<8x64xf32, #tpu.memory_space<vmem>>, vector<8x64xf32>
      tpu.vector_store %arg5[%swap3A_34, %swap3A_35], %broadcast_in_dim3A_33 {strides = array<i32>} : memref<8x64xf32, #tpu.memory_space<vmem>>, vector<8x64xf32>,
    } else {
    }
    %get3A_26 = arith.constant 0 : index
    %get3A_27 = arith.constant 0 : index
    %get3A_28 = vector.load %arg5[%get3A_26, %get3A_27] : memref<8x64xf32, #tpu.memory_space<vmem>>, vector<8x64xf32>
    %add3A = arith.addf %get3A_28, %concatenate3A_23 : vector<8x64xf32>
    %swap3A_29 = arith.constant 0 : index
    %swap3A_30 = arith.constant 0 : index
    %swap3A_31 = vector.load %arg5[%swap3A_29, %swap3A_30] : memref<8x64xf32, #tpu.memory_space<vmem>>, vector<8x64xf32>
    tpu.vector_store %arg5[%swap3A_29, %swap3A_30], %add3A {strides = array<i32>} : memref<8x64xf32, #tpu.memory_space<vmem>>, vector<8x64xf32>,
    return
  }
  func.func @transform_0(%arg0: i32) -> (i32, i32) {
    %c0_i32 = arith.constant 0 : i32
    %c0_i32_0 = arith.constant 0 : i32
    return %arg0, %c0_i32 : i32, i32
  }
  func.func @transform_1(%arg0: i32) -> (i32, i32) {
    %c0_i32 = arith.constant 0 : i32
    %c0_i32_0 = arith.constant 0 : i32
    return %arg0, %c0_i32 : i32, i32
  }
  func.func @transform_2(%arg0: i32) -> (i32, i32) {
    %c0_i32 = arith.constant 0 : i32
    %c0_i32_0 = arith.constant 0 : i32
    %c0_i32_1 = arith.constant 0 : i32
    return %c0_i32, %c0_i32_0 : i32, i32
  }
  func.func @transform_3(%arg0: i32) -> (i32, i32) {
    %c0_i32 = arith.constant 0 : i32
    %c0_i32_0 = arith.constant 0 : i32
    return %arg0, %c0_i32 : i32, i32
  }
  func.func @transform_4(%arg0: i32) -> (i32, i32) {
    %c0_i32 = arith.constant 0 : i32
    %c0_i32_0 = arith.constant 0 : i32
    %c0_i32_1 = arith.constant 0 : i32
    return %c0_i32, %c0_i32_0 : i32, i32
  }
}

module attributes {stable_mosaic.version = 14 : i64} {
  func.func @_norm_body(%arg0: i32, %arg1: memref<2048x64xf32, #tpu.memory_space<vmem>>, %arg2: memref<1x64xf32, #tpu.memory_space<vmem>>, %arg3: memref<1x64xf32, #tpu.memory_space<vmem>>, %arg4: memref<1x64xf32, #tpu.memory_space<vmem>>, %arg5: memref<1x64xf32, #tpu.memory_space<vmem>>, %arg6: memref<2048x128xf32, #tpu.memory_space<vmem>>) attributes {dimension_semantics = [#tpu.dimension_semantics<arbitrary>], iteration_bounds = array<i64: 8>, scalar_prefetch = 0 : i64, scratch_operands = 0 : i64, tpu.core_type = #tpu.core_type<tc>, window_params = [{transform_indices = @transform_0, window_bounds = array<i64: 2048, 64>}, {pipeline_mode = #tpu.pipeline_mode<synchronous>, transform_indices = @transform_1, window_bounds = array<i64: 1, 64>}, {pipeline_mode = #tpu.pipeline_mode<synchronous>, transform_indices = @transform_2, window_bounds = array<i64: 1, 64>}, {pipeline_mode = #tpu.pipeline_mode<synchronous>, transform_indices = @transform_3, window_bounds = array<i64: 1, 64>}, {pipeline_mode = #tpu.pipeline_mode<synchronous>, transform_indices = @transform_4, window_bounds = array<i64: 1, 64>}, {transform_indices = @transform_5, window_bounds = array<i64: 2048, 128>}]} {
    %get3A = arith.constant 0 : index
    %get3A_0 = arith.constant 0 : index
    %get3A_1 = vector.load %arg4[%get3A, %get3A_0] : memref<1x64xf32, #tpu.memory_space<vmem>>, vector<1x64xf32>
    %get3A_2 = arith.constant 0 : index
    %get3A_3 = arith.constant 0 : index
    %get3A_4 = vector.load %arg1[%get3A_2, %get3A_3] : memref<2048x64xf32, #tpu.memory_space<vmem>>, vector<2048x64xf32>
    %get3A_5 = arith.constant 0 : index
    %get3A_6 = arith.constant 0 : index
    %get3A_7 = vector.load %arg2[%get3A_5, %get3A_6] : memref<1x64xf32, #tpu.memory_space<vmem>>, vector<1x64xf32>
    %sub3A = vector.broadcast %get3A_7 : vector<1x64xf32> to vector<2048x64xf32>
    %sub3A_8 = arith.subf %get3A_4, %sub3A : vector<2048x64xf32>
    %mul3A = vector.broadcast %get3A_1 : vector<1x64xf32> to vector<2048x64xf32>
    %mul3A_9 = arith.mulf %mul3A, %sub3A_8 : vector<2048x64xf32>
    %get3A_10 = arith.constant 0 : index
    %get3A_11 = arith.constant 0 : index
    %get3A_12 = vector.load %arg3[%get3A_10, %get3A_11] : memref<1x64xf32, #tpu.memory_space<vmem>>, vector<1x64xf32>
    %div3A = vector.broadcast %get3A_12 : vector<1x64xf32> to vector<2048x64xf32>
    %div3A_13 = arith.divf %mul3A_9, %div3A : vector<2048x64xf32>
    %get3A_14 = arith.constant 0 : index
    %get3A_15 = arith.constant 0 : index
    %get3A_16 = vector.load %arg5[%get3A_14, %get3A_15] : memref<1x64xf32, #tpu.memory_space<vmem>>, vector<1x64xf32>
    %add3A = vector.broadcast %get3A_16 : vector<1x64xf32> to vector<2048x64xf32>
    %add3A_17 = arith.addf %div3A_13, %add3A : vector<2048x64xf32>
    %ge3A = arith.constant 0.000000e+00 : f32
    %ge3A_18 = vector.broadcast %ge3A : f32 to vector<2048x64xf32>
    %ge3A_19 = arith.cmpf oge, %add3A_17, %ge3A_18 : vector<2048x64xf32>
    %mul3A_20 = arith.constant 2.000000e-01 : f32
    %mul3A_21 = vector.broadcast %mul3A_20 : f32 to vector<2048x64xf32>
    %mul3A_22 = arith.mulf %mul3A_21, %add3A_17 : vector<2048x64xf32>
    %select_n3A = arith.select %ge3A_19, %add3A_17, %mul3A_22 : vector<2048x64xi1>, vector<2048x64xf32>
    %broadcast_in_dim3A = arith.constant 0.000000e+00 : f32
    %broadcast_in_dim3A_23 = vector.broadcast %broadcast_in_dim3A : f32 to vector<2048x64xf32>
    %concatenate3A = tpu.concatenate %select_n3A, %broadcast_in_dim3A_23 in 1 : vector<2048x64xf32>, vector<2048x64xf32> -> vector<2048x128xf32>
    %swap3A = arith.constant 0 : index
    %swap3A_24 = arith.constant 0 : index
    %swap3A_25 = vector.load %arg6[%swap3A, %swap3A_24] : memref<2048x128xf32, #tpu.memory_space<vmem>>, vector<2048x128xf32>
    tpu.vector_store %arg6[%swap3A, %swap3A_24], %concatenate3A {strides = array<i32>} : memref<2048x128xf32, #tpu.memory_space<vmem>>, vector<2048x128xf32>,
    return
  }
  func.func @transform_0(%arg0: i32) -> (i32, i32) {
    %c0_i32 = arith.constant 0 : i32
    %c0_i32_0 = arith.constant 0 : i32
    return %arg0, %c0_i32 : i32, i32
  }
  func.func @transform_1(%arg0: i32) -> (i32, i32) {
    %c0_i32 = arith.constant 0 : i32
    %c0_i32_0 = arith.constant 0 : i32
    %c0_i32_1 = arith.constant 0 : i32
    return %c0_i32, %c0_i32_0 : i32, i32
  }
  func.func @transform_2(%arg0: i32) -> (i32, i32) {
    %c0_i32 = arith.constant 0 : i32
    %c0_i32_0 = arith.constant 0 : i32
    %c0_i32_1 = arith.constant 0 : i32
    return %c0_i32, %c0_i32_0 : i32, i32
  }
  func.func @transform_3(%arg0: i32) -> (i32, i32) {
    %c0_i32 = arith.constant 0 : i32
    %c0_i32_0 = arith.constant 0 : i32
    %c0_i32_1 = arith.constant 0 : i32
    return %c0_i32, %c0_i32_0 : i32, i32
  }
  func.func @transform_4(%arg0: i32) -> (i32, i32) {
    %c0_i32 = arith.constant 0 : i32
    %c0_i32_0 = arith.constant 0 : i32
    %c0_i32_1 = arith.constant 0 : i32
    return %c0_i32, %c0_i32_0 : i32, i32
  }
  func.func @transform_5(%arg0: i32) -> (i32, i32) {
    %c0_i32 = arith.constant 0 : i32
    %c0_i32_0 = arith.constant 0 : i32
    return %arg0, %c0_i32 : i32, i32
  }
}

module attributes {stable_mosaic.version = 14 : i64} {
  func.func @_topk_body(%arg0: i32, %arg1: i32, %arg2: memref<256x128xf32, #tpu.memory_space<vmem>>, %arg3: memref<1x128x2048xf32, #tpu.memory_space<vmem>>, %arg4: memref<256x1xf32, #tpu.memory_space<vmem>>, %arg5: memref<1x1x2048xf32, #tpu.memory_space<vmem>>, %arg6: memref<256x20xi32, #tpu.memory_space<vmem>>, %arg7: memref<256x2048xf32, #tpu.memory_space<vmem>>) attributes {dimension_semantics = [#tpu.dimension_semantics<arbitrary>, #tpu.dimension_semantics<arbitrary>], iteration_bounds = array<i64: 8, 8>, scalar_prefetch = 0 : i64, scratch_operands = 1 : i64, tpu.core_type = #tpu.core_type<tc>, window_params = [{transform_indices = @transform_0, window_bounds = array<i64: 256, 128>}, {transform_indices = @transform_1, window_bounds = array<i64: 1, 128, 2048>}, {transform_indices = @transform_2, window_bounds = array<i64: 256, 1>}, {transform_indices = @transform_3, window_bounds = array<i64: 1, 1, 2048>}, {transform_indices = @transform_4, window_bounds = array<i64: 256, 20>}]} {
    %get3A = arith.constant 0 : index
    %get3A_0 = arith.constant 0 : index
    %get3A_1 = vector.load %arg2[%get3A, %get3A_0] : memref<256x128xf32, #tpu.memory_space<vmem>>, vector<256x128xf32>
    %get3A_2 = arith.constant 0 : index
    %get3A_3 = arith.constant 0 : index
    %get3A_4 = arith.constant 0 : index
    %get3A_5 = vector.load %arg3[%get3A_2, %get3A_3, %get3A_4] : memref<1x128x2048xf32, #tpu.memory_space<vmem>>, vector<1x128x2048xf32>
    %get3A_6 = vector.shape_cast %get3A_5 : vector<1x128x2048xf32> to vector<128x2048xf32>
    %slice3A = vector.extract_strided_slice %get3A_1 {offsets = [0, 0], sizes = [256, 64], strides = [1, 1]} : vector<256x128xf32> to vector<256x64xf32>
    %slice3A_7 = vector.extract_strided_slice %get3A_6 {offsets = [0, 0], sizes = [64, 2048], strides = [1, 1]} : vector<128x2048xf32> to vector<64x2048xf32>
    %dot_general3A = arith.constant dense<0.000000e+00> : vector<256x2048xf32>
    %dot_general3A_8 = tpu.matmul %slice3A, %slice3A_7, %dot_general3A {dimension_numbers = #tpu.dot_dimension_numbers<[1], [0], [0], [1], [0, 0, 1, 1], [], []>, transpose_lhs_hint = false} : vector<256x64xf32>, vector<64x2048xf32>, vector<256x2048xf32> -> vector<256x2048xf32>
    %mul3A = arith.constant 2.000000e+00 : f32
    %mul3A_9 = vector.broadcast %mul3A : f32 to vector<256x2048xf32>
    %mul3A_10 = arith.mulf %mul3A_9, %dot_general3A_8 : vector<256x2048xf32>
    %get3A_11 = arith.constant 0 : index
    %get3A_12 = arith.constant 0 : index
    %get3A_13 = arith.constant 0 : index
    %get3A_14 = vector.load %arg5[%get3A_11, %get3A_12, %get3A_13] : memref<1x1x2048xf32, #tpu.memory_space<vmem>>, vector<1x1x2048xf32>
    %get3A_15 = vector.shape_cast %get3A_14 : vector<1x1x2048xf32> to vector<1x2048xf32>
    %sub3A = vector.broadcast %get3A_15 : vector<1x2048xf32> to vector<256x2048xf32>
    %sub3A_16 = arith.subf %mul3A_10, %sub3A : vector<256x2048xf32>
    %get3A_17 = arith.constant 0 : index
    %get3A_18 = arith.constant 0 : index
    %get3A_19 = vector.load %arg4[%get3A_17, %get3A_18] : memref<256x1xf32, #tpu.memory_space<vmem>>, vector<256x1xf32>
    %sub3A_20 = vector.broadcast %get3A_19 : vector<256x1xf32> to vector<256x2048xf32>
    %sub3A_21 = arith.subf %sub3A_16, %sub3A_20 : vector<256x2048xf32>
    %swap3A = arith.constant 0 : index
    %swap3A_22 = arith.constant 0 : index
    %swap3A_23 = vector.load %arg7[%swap3A, %swap3A_22] : memref<256x2048xf32, #tpu.memory_space<vmem>>, vector<256x2048xf32>
    tpu.vector_store %arg7[%swap3A, %swap3A_22], %sub3A_21 {strides = array<i32>} : memref<256x2048xf32, #tpu.memory_space<vmem>>, vector<256x2048xf32>,
    %iota3A = tpu.iota {dimensions = array<i32: 1>} : vector<256x2048xi32>
    %get3A_24 = arith.constant 0 : index
    %get3A_25 = arith.constant 0 : index
    %get3A_26 = vector.load %arg7[%get3A_24, %get3A_25] : memref<256x2048xf32, #tpu.memory_space<vmem>>, vector<256x2048xf32>
    %reduce_max3A = arith.constant dense<0xFF800000> : vector<256xf32>
    %reduce_max3A_27 = vector.multi_reduction <maximumf>, %get3A_26, %reduce_max3A [1] : vector<256x2048xf32> to vector<256xf32>
    %broadcast_in_dim3A = vector.shape_cast %reduce_max3A_27 : vector<256xf32> to vector<256x1xf32>
    %eq3A = vector.broadcast %broadcast_in_dim3A : vector<256x1xf32> to vector<256x2048xf32>
    %eq3A_28 = arith.cmpf oeq, %get3A_26, %eq3A : vector<256x2048xf32>
    %jit3A = arith.constant 2048 : i32
    %broadcast_in_dim3A_29 = vector.broadcast %jit3A : i32 to vector<256x2048xi32>
    %select_n3A = arith.select %eq3A_28, %iota3A, %broadcast_in_dim3A_29 : vector<256x2048xi1>, vector<256x2048xi32>
    %reduce_min3A = arith.constant dense<2147483647> : vector<256xi32>
    %reduce_min3A_30 = vector.multi_reduction <minsi>, %select_n3A, %reduce_min3A [1] : vector<256x2048xi32> to vector<256xi32>
    %broadcast_in_dim3A_31 = vector.shape_cast %reduce_min3A_30 : vector<256xi32> to vector<256x1xi32>
    %eq3A_32 = vector.broadcast %broadcast_in_dim3A_31 : vector<256x1xi32> to vector<256x2048xi32>
    %eq3A_33 = arith.cmpi eq, %iota3A, %eq3A_32 : vector<256x2048xi32>
    %jit3A_34 = arith.constant -3.000000e+38 : f32
    %broadcast_in_dim3A_35 = vector.broadcast %jit3A_34 : f32 to vector<256x2048xf32>
    %select_n3A_36 = arith.select %eq3A_33, %broadcast_in_dim3A_35, %get3A_26 : vector<256x2048xi1>, vector<256x2048xf32>
    %swap3A_37 = arith.constant 0 : index
    %swap3A_38 = arith.constant 0 : index
    %swap3A_39 = vector.load %arg7[%swap3A_37, %swap3A_38] : memref<256x2048xf32, #tpu.memory_space<vmem>>, vector<256x2048xf32>
    tpu.vector_store %arg7[%swap3A_37, %swap3A_38], %select_n3A_36 {strides = array<i32>} : memref<256x2048xf32, #tpu.memory_space<vmem>>, vector<256x2048xf32>,
    %get3A_40 = arith.constant 0 : index
    %get3A_41 = arith.constant 0 : index
    %get3A_42 = vector.load %arg7[%get3A_40, %get3A_41] : memref<256x2048xf32, #tpu.memory_space<vmem>>, vector<256x2048xf32>
    %reduce_max3A_43 = arith.constant dense<0xFF800000> : vector<256xf32>
    %reduce_max3A_44 = vector.multi_reduction <maximumf>, %get3A_42, %reduce_max3A_43 [1] : vector<256x2048xf32> to vector<256xf32>
    %broadcast_in_dim3A_45 = vector.shape_cast %reduce_max3A_44 : vector<256xf32> to vector<256x1xf32>
    %eq3A_46 = vector.broadcast %broadcast_in_dim3A_45 : vector<256x1xf32> to vector<256x2048xf32>
    %eq3A_47 = arith.cmpf oeq, %get3A_42, %eq3A_46 : vector<256x2048xf32>
    %jit3A_48 = arith.constant 2048 : i32
    %broadcast_in_dim3A_49 = vector.broadcast %jit3A_48 : i32 to vector<256x2048xi32>
    %select_n3A_50 = arith.select %eq3A_47, %iota3A, %broadcast_in_dim3A_49 : vector<256x2048xi1>, vector<256x2048xi32>
    %reduce_min3A_51 = arith.constant dense<2147483647> : vector<256xi32>
    %reduce_min3A_52 = vector.multi_reduction <minsi>, %select_n3A_50, %reduce_min3A_51 [1] : vector<256x2048xi32> to vector<256xi32>
    %broadcast_in_dim3A_53 = vector.shape_cast %reduce_min3A_52 : vector<256xi32> to vector<256x1xi32>
    %eq3A_54 = vector.broadcast %broadcast_in_dim3A_53 : vector<256x1xi32> to vector<256x2048xi32>
    %eq3A_55 = arith.cmpi eq, %iota3A, %eq3A_54 : vector<256x2048xi32>
    %jit3A_56 = arith.constant -3.000000e+38 : f32
    %broadcast_in_dim3A_57 = vector.broadcast %jit3A_56 : f32 to vector<256x2048xf32>
    %select_n3A_58 = arith.select %eq3A_55, %broadcast_in_dim3A_57, %get3A_42 : vector<256x2048xi1>, vector<256x2048xf32>
    %swap3A_59 = arith.constant 0 : index
    %swap3A_60 = arith.constant 0 : index
    %swap3A_61 = vector.load %arg7[%swap3A_59, %swap3A_60] : memref<256x2048xf32, #tpu.memory_space<vmem>>, vector<256x2048xf32>
    tpu.vector_store %arg7[%swap3A_59, %swap3A_60], %select_n3A_58 {strides = array<i32>} : memref<256x2048xf32, #tpu.memory_space<vmem>>, vector<256x2048xf32>,
    %get3A_62 = arith.constant 0 : index
    %get3A_63 = arith.constant 0 : index
    %get3A_64 = vector.load %arg7[%get3A_62, %get3A_63] : memref<256x2048xf32, #tpu.memory_space<vmem>>, vector<256x2048xf32>
    %reduce_max3A_65 = arith.constant dense<0xFF800000> : vector<256xf32>
    %reduce_max3A_66 = vector.multi_reduction <maximumf>, %get3A_64, %reduce_max3A_65 [1] : vector<256x2048xf32> to vector<256xf32>
    %broadcast_in_dim3A_67 = vector.shape_cast %reduce_max3A_66 : vector<256xf32> to vector<256x1xf32>
    %eq3A_68 = vector.broadcast %broadcast_in_dim3A_67 : vector<256x1xf32> to vector<256x2048xf32>
    %eq3A_69 = arith.cmpf oeq, %get3A_64, %eq3A_68 : vector<256x2048xf32>
    %jit3A_70 = arith.constant 2048 : i32
    %broadcast_in_dim3A_71 = vector.broadcast %jit3A_70 : i32 to vector<256x2048xi32>
    %select_n3A_72 = arith.select %eq3A_69, %iota3A, %broadcast_in_dim3A_71 : vector<256x2048xi1>, vector<256x2048xi32>
    %reduce_min3A_73 = arith.constant dense<2147483647> : vector<256xi32>
    %reduce_min3A_74 = vector.multi_reduction <minsi>, %select_n3A_72, %reduce_min3A_73 [1] : vector<256x2048xi32> to vector<256xi32>
    %broadcast_in_dim3A_75 = vector.shape_cast %reduce_min3A_74 : vector<256xi32> to vector<256x1xi32>
    %eq3A_76 = vector.broadcast %broadcast_in_dim3A_75 : vector<256x1xi32> to vector<256x2048xi32>
    %eq3A_77 = arith.cmpi eq, %iota3A, %eq3A_76 : vector<256x2048xi32>
    %jit3A_78 = arith.constant -3.000000e+38 : f32
    %broadcast_in_dim3A_79 = vector.broadcast %jit3A_78 : f32 to vector<256x2048xf32>
    %select_n3A_80 = arith.select %eq3A_77, %broadcast_in_dim3A_79, %get3A_64 : vector<256x2048xi1>, vector<256x2048xf32>
    %swap3A_81 = arith.constant 0 : index
    %swap3A_82 = arith.constant 0 : index
    %swap3A_83 = vector.load %arg7[%swap3A_81, %swap3A_82] : memref<256x2048xf32, #tpu.memory_space<vmem>>, vector<256x2048xf32>
    tpu.vector_store %arg7[%swap3A_81, %swap3A_82], %select_n3A_80 {strides = array<i32>} : memref<256x2048xf32, #tpu.memory_space<vmem>>, vector<256x2048xf32>,
    %get3A_84 = arith.constant 0 : index
    %get3A_85 = arith.constant 0 : index
    %get3A_86 = vector.load %arg7[%get3A_84, %get3A_85] : memref<256x2048xf32, #tpu.memory_space<vmem>>, vector<256x2048xf32>
    %reduce_max3A_87 = arith.constant dense<0xFF800000> : vector<256xf32>
    %reduce_max3A_88 = vector.multi_reduction <maximumf>, %get3A_86, %reduce_max3A_87 [1] : vector<256x2048xf32> to vector<256xf32>
    %broadcast_in_dim3A_89 = vector.shape_cast %reduce_max3A_88 : vector<256xf32> to vector<256x1xf32>
    %eq3A_90 = vector.broadcast %broadcast_in_dim3A_89 : vector<256x1xf32> to vector<256x2048xf32>
    %eq3A_91 = arith.cmpf oeq, %get3A_86, %eq3A_90 : vector<256x2048xf32>
    %jit3A_92 = arith.constant 2048 : i32
    %broadcast_in_dim3A_93 = vector.broadcast %jit3A_92 : i32 to vector<256x2048xi32>
    %select_n3A_94 = arith.select %eq3A_91, %iota3A, %broadcast_in_dim3A_93 : vector<256x2048xi1>, vector<256x2048xi32>
    %reduce_min3A_95 = arith.constant dense<2147483647> : vector<256xi32>
    %reduce_min3A_96 = vector.multi_reduction <minsi>, %select_n3A_94, %reduce_min3A_95 [1] : vector<256x2048xi32> to vector<256xi32>
    %broadcast_in_dim3A_97 = vector.shape_cast %reduce_min3A_96 : vector<256xi32> to vector<256x1xi32>
    %eq3A_98 = vector.broadcast %broadcast_in_dim3A_97 : vector<256x1xi32> to vector<256x2048xi32>
    %eq3A_99 = arith.cmpi eq, %iota3A, %eq3A_98 : vector<256x2048xi32>
    %jit3A_100 = arith.constant -3.000000e+38 : f32
    %broadcast_in_dim3A_101 = vector.broadcast %jit3A_100 : f32 to vector<256x2048xf32>
    %select_n3A_102 = arith.select %eq3A_99, %broadcast_in_dim3A_101, %get3A_86 : vector<256x2048xi1>, vector<256x2048xf32>
    %swap3A_103 = arith.constant 0 : index
    %swap3A_104 = arith.constant 0 : index
    %swap3A_105 = vector.load %arg7[%swap3A_103, %swap3A_104] : memref<256x2048xf32, #tpu.memory_space<vmem>>, vector<256x2048xf32>
    tpu.vector_store %arg7[%swap3A_103, %swap3A_104], %select_n3A_102 {strides = array<i32>} : memref<256x2048xf32, #tpu.memory_space<vmem>>, vector<256x2048xf32>,
    %get3A_106 = arith.constant 0 : index
    %get3A_107 = arith.constant 0 : index
    %get3A_108 = vector.load %arg7[%get3A_106, %get3A_107] : memref<256x2048xf32, #tpu.memory_space<vmem>>, vector<256x2048xf32>
    %reduce_max3A_109 = arith.constant dense<0xFF800000> : vector<256xf32>
    %reduce_max3A_110 = vector.multi_reduction <maximumf>, %get3A_108, %reduce_max3A_109 [1] : vector<256x2048xf32> to vector<256xf32>
    %broadcast_in_dim3A_111 = vector.shape_cast %reduce_max3A_110 : vector<256xf32> to vector<256x1xf32>
    %eq3A_112 = vector.broadcast %broadcast_in_dim3A_111 : vector<256x1xf32> to vector<256x2048xf32>
    %eq3A_113 = arith.cmpf oeq, %get3A_108, %eq3A_112 : vector<256x2048xf32>
    %jit3A_114 = arith.constant 2048 : i32
    %broadcast_in_dim3A_115 = vector.broadcast %jit3A_114 : i32 to vector<256x2048xi32>
    %select_n3A_116 = arith.select %eq3A_113, %iota3A, %broadcast_in_dim3A_115 : vector<256x2048xi1>, vector<256x2048xi32>
    %reduce_min3A_117 = arith.constant dense<2147483647> : vector<256xi32>
    %reduce_min3A_118 = vector.multi_reduction <minsi>, %select_n3A_116, %reduce_min3A_117 [1] : vector<256x2048xi32> to vector<256xi32>
    %broadcast_in_dim3A_119 = vector.shape_cast %reduce_min3A_118 : vector<256xi32> to vector<256x1xi32>
    %eq3A_120 = vector.broadcast %broadcast_in_dim3A_119 : vector<256x1xi32> to vector<256x2048xi32>
    %eq3A_121 = arith.cmpi eq, %iota3A, %eq3A_120 : vector<256x2048xi32>
    %jit3A_122 = arith.constant -3.000000e+38 : f32
    %broadcast_in_dim3A_123 = vector.broadcast %jit3A_122 : f32 to vector<256x2048xf32>
    %select_n3A_124 = arith.select %eq3A_121, %broadcast_in_dim3A_123, %get3A_108 : vector<256x2048xi1>, vector<256x2048xf32>
    %swap3A_125 = arith.constant 0 : index
    %swap3A_126 = arith.constant 0 : index
    %swap3A_127 = vector.load %arg7[%swap3A_125, %swap3A_126] : memref<256x2048xf32, #tpu.memory_space<vmem>>, vector<256x2048xf32>
    tpu.vector_store %arg7[%swap3A_125, %swap3A_126], %select_n3A_124 {strides = array<i32>} : memref<256x2048xf32, #tpu.memory_space<vmem>>, vector<256x2048xf32>,
    %get3A_128 = arith.constant 0 : index
    %get3A_129 = arith.constant 0 : index
    %get3A_130 = vector.load %arg7[%get3A_128, %get3A_129] : memref<256x2048xf32, #tpu.memory_space<vmem>>, vector<256x2048xf32>
    %reduce_max3A_131 = arith.constant dense<0xFF800000> : vector<256xf32>
    %reduce_max3A_132 = vector.multi_reduction <maximumf>, %get3A_130, %reduce_max3A_131 [1] : vector<256x2048xf32> to vector<256xf32>
    %broadcast_in_dim3A_133 = vector.shape_cast %reduce_max3A_132 : vector<256xf32> to vector<256x1xf32>
    %eq3A_134 = vector.broadcast %broadcast_in_dim3A_133 : vector<256x1xf32> to vector<256x2048xf32>
    %eq3A_135 = arith.cmpf oeq, %get3A_130, %eq3A_134 : vector<256x2048xf32>
    %jit3A_136 = arith.constant 2048 : i32
    %broadcast_in_dim3A_137 = vector.broadcast %jit3A_136 : i32 to vector<256x2048xi32>
    %select_n3A_138 = arith.select %eq3A_135, %iota3A, %broadcast_in_dim3A_137 : vector<256x2048xi1>, vector<256x2048xi32>
    %reduce_min3A_139 = arith.constant dense<2147483647> : vector<256xi32>
    %reduce_min3A_140 = vector.multi_reduction <minsi>, %select_n3A_138, %reduce_min3A_139 [1] : vector<256x2048xi32> to vector<256xi32>
    %broadcast_in_dim3A_141 = vector.shape_cast %reduce_min3A_140 : vector<256xi32> to vector<256x1xi32>
    %eq3A_142 = vector.broadcast %broadcast_in_dim3A_141 : vector<256x1xi32> to vector<256x2048xi32>
    %eq3A_143 = arith.cmpi eq, %iota3A, %eq3A_142 : vector<256x2048xi32>
    %jit3A_144 = arith.constant -3.000000e+38 : f32
    %broadcast_in_dim3A_145 = vector.broadcast %jit3A_144 : f32 to vector<256x2048xf32>
    %select_n3A_146 = arith.select %eq3A_143, %broadcast_in_dim3A_145, %get3A_130 : vector<256x2048xi1>, vector<256x2048xf32>
    %swap3A_147 = arith.constant 0 : index
    %swap3A_148 = arith.constant 0 : index
    %swap3A_149 = vector.load %arg7[%swap3A_147, %swap3A_148] : memref<256x2048xf32, #tpu.memory_space<vmem>>, vector<256x2048xf32>
    tpu.vector_store %arg7[%swap3A_147, %swap3A_148], %select_n3A_146 {strides = array<i32>} : memref<256x2048xf32, #tpu.memory_space<vmem>>, vector<256x2048xf32>,
    %get3A_150 = arith.constant 0 : index
    %get3A_151 = arith.constant 0 : index
    %get3A_152 = vector.load %arg7[%get3A_150, %get3A_151] : memref<256x2048xf32, #tpu.memory_space<vmem>>, vector<256x2048xf32>
    %reduce_max3A_153 = arith.constant dense<0xFF800000> : vector<256xf32>
    %reduce_max3A_154 = vector.multi_reduction <maximumf>, %get3A_152, %reduce_max3A_153 [1] : vector<256x2048xf32> to vector<256xf32>
    %broadcast_in_dim3A_155 = vector.shape_cast %reduce_max3A_154 : vector<256xf32> to vector<256x1xf32>
    %eq3A_156 = vector.broadcast %broadcast_in_dim3A_155 : vector<256x1xf32> to vector<256x2048xf32>
    %eq3A_157 = arith.cmpf oeq, %get3A_152, %eq3A_156 : vector<256x2048xf32>
    %jit3A_158 = arith.constant 2048 : i32
    %broadcast_in_dim3A_159 = vector.broadcast %jit3A_158 : i32 to vector<256x2048xi32>
    %select_n3A_160 = arith.select %eq3A_157, %iota3A, %broadcast_in_dim3A_159 : vector<256x2048xi1>, vector<256x2048xi32>
    %reduce_min3A_161 = arith.constant dense<2147483647> : vector<256xi32>
    %reduce_min3A_162 = vector.multi_reduction <minsi>, %select_n3A_160, %reduce_min3A_161 [1] : vector<256x2048xi32> to vector<256xi32>
    %broadcast_in_dim3A_163 = vector.shape_cast %reduce_min3A_162 : vector<256xi32> to vector<256x1xi32>
    %eq3A_164 = vector.broadcast %broadcast_in_dim3A_163 : vector<256x1xi32> to vector<256x2048xi32>
    %eq3A_165 = arith.cmpi eq, %iota3A, %eq3A_164 : vector<256x2048xi32>
    %jit3A_166 = arith.constant -3.000000e+38 : f32
    %broadcast_in_dim3A_167 = vector.broadcast %jit3A_166 : f32 to vector<256x2048xf32>
    %select_n3A_168 = arith.select %eq3A_165, %broadcast_in_dim3A_167, %get3A_152 : vector<256x2048xi1>, vector<256x2048xf32>
    %swap3A_169 = arith.constant 0 : index
    %swap3A_170 = arith.constant 0 : index
    %swap3A_171 = vector.load %arg7[%swap3A_169, %swap3A_170] : memref<256x2048xf32, #tpu.memory_space<vmem>>, vector<256x2048xf32>
    tpu.vector_store %arg7[%swap3A_169, %swap3A_170], %select_n3A_168 {strides = array<i32>} : memref<256x2048xf32, #tpu.memory_space<vmem>>, vector<256x2048xf32>,
    %get3A_172 = arith.constant 0 : index
    %get3A_173 = arith.constant 0 : index
    %get3A_174 = vector.load %arg7[%get3A_172, %get3A_173] : memref<256x2048xf32, #tpu.memory_space<vmem>>, vector<256x2048xf32>
    %reduce_max3A_175 = arith.constant dense<0xFF800000> : vector<256xf32>
    %reduce_max3A_176 = vector.multi_reduction <maximumf>, %get3A_174, %reduce_max3A_175 [1] : vector<256x2048xf32> to vector<256xf32>
    %broadcast_in_dim3A_177 = vector.shape_cast %reduce_max3A_176 : vector<256xf32> to vector<256x1xf32>
    %eq3A_178 = vector.broadcast %broadcast_in_dim3A_177 : vector<256x1xf32> to vector<256x2048xf32>
    %eq3A_179 = arith.cmpf oeq, %get3A_174, %eq3A_178 : vector<256x2048xf32>
    %jit3A_180 = arith.constant 2048 : i32
    %broadcast_in_dim3A_181 = vector.broadcast %jit3A_180 : i32 to vector<256x2048xi32>
    %select_n3A_182 = arith.select %eq3A_179, %iota3A, %broadcast_in_dim3A_181 : vector<256x2048xi1>, vector<256x2048xi32>
    %reduce_min3A_183 = arith.constant dense<2147483647> : vector<256xi32>
    %reduce_min3A_184 = vector.multi_reduction <minsi>, %select_n3A_182, %reduce_min3A_183 [1] : vector<256x2048xi32> to vector<256xi32>
    %broadcast_in_dim3A_185 = vector.shape_cast %reduce_min3A_184 : vector<256xi32> to vector<256x1xi32>
    %eq3A_186 = vector.broadcast %broadcast_in_dim3A_185 : vector<256x1xi32> to vector<256x2048xi32>
    %eq3A_187 = arith.cmpi eq, %iota3A, %eq3A_186 : vector<256x2048xi32>
    %jit3A_188 = arith.constant -3.000000e+38 : f32
    %broadcast_in_dim3A_189 = vector.broadcast %jit3A_188 : f32 to vector<256x2048xf32>
    %select_n3A_190 = arith.select %eq3A_187, %broadcast_in_dim3A_189, %get3A_174 : vector<256x2048xi1>, vector<256x2048xf32>
    %swap3A_191 = arith.constant 0 : index
    %swap3A_192 = arith.constant 0 : index
    %swap3A_193 = vector.load %arg7[%swap3A_191, %swap3A_192] : memref<256x2048xf32, #tpu.memory_space<vmem>>, vector<256x2048xf32>
    tpu.vector_store %arg7[%swap3A_191, %swap3A_192], %select_n3A_190 {strides = array<i32>} : memref<256x2048xf32, #tpu.memory_space<vmem>>, vector<256x2048xf32>,
    %get3A_194 = arith.constant 0 : index
    %get3A_195 = arith.constant 0 : index
    %get3A_196 = vector.load %arg7[%get3A_194, %get3A_195] : memref<256x2048xf32, #tpu.memory_space<vmem>>, vector<256x2048xf32>
    %reduce_max3A_197 = arith.constant dense<0xFF800000> : vector<256xf32>
    %reduce_max3A_198 = vector.multi_reduction <maximumf>, %get3A_196, %reduce_max3A_197 [1] : vector<256x2048xf32> to vector<256xf32>
    %broadcast_in_dim3A_199 = vector.shape_cast %reduce_max3A_198 : vector<256xf32> to vector<256x1xf32>
    %eq3A_200 = vector.broadcast %broadcast_in_dim3A_199 : vector<256x1xf32> to vector<256x2048xf32>
    %eq3A_201 = arith.cmpf oeq, %get3A_196, %eq3A_200 : vector<256x2048xf32>
    %jit3A_202 = arith.constant 2048 : i32
    %broadcast_in_dim3A_203 = vector.broadcast %jit3A_202 : i32 to vector<256x2048xi32>
    %select_n3A_204 = arith.select %eq3A_201, %iota3A, %broadcast_in_dim3A_203 : vector<256x2048xi1>, vector<256x2048xi32>
    %reduce_min3A_205 = arith.constant dense<2147483647> : vector<256xi32>
    %reduce_min3A_206 = vector.multi_reduction <minsi>, %select_n3A_204, %reduce_min3A_205 [1] : vector<256x2048xi32> to vector<256xi32>
    %broadcast_in_dim3A_207 = vector.shape_cast %reduce_min3A_206 : vector<256xi32> to vector<256x1xi32>
    %eq3A_208 = vector.broadcast %broadcast_in_dim3A_207 : vector<256x1xi32> to vector<256x2048xi32>
    %eq3A_209 = arith.cmpi eq, %iota3A, %eq3A_208 : vector<256x2048xi32>
    %jit3A_210 = arith.constant -3.000000e+38 : f32
    %broadcast_in_dim3A_211 = vector.broadcast %jit3A_210 : f32 to vector<256x2048xf32>
    %select_n3A_212 = arith.select %eq3A_209, %broadcast_in_dim3A_211, %get3A_196 : vector<256x2048xi1>, vector<256x2048xf32>
    %swap3A_213 = arith.constant 0 : index
    %swap3A_214 = arith.constant 0 : index
    %swap3A_215 = vector.load %arg7[%swap3A_213, %swap3A_214] : memref<256x2048xf32, #tpu.memory_space<vmem>>, vector<256x2048xf32>
    tpu.vector_store %arg7[%swap3A_213, %swap3A_214], %select_n3A_212 {strides = array<i32>} : memref<256x2048xf32, #tpu.memory_space<vmem>>, vector<256x2048xf32>,
    %get3A_216 = arith.constant 0 : index
    %get3A_217 = arith.constant 0 : index
    %get3A_218 = vector.load %arg7[%get3A_216, %get3A_217] : memref<256x2048xf32, #tpu.memory_space<vmem>>, vector<256x2048xf32>
    %reduce_max3A_219 = arith.constant dense<0xFF800000> : vector<256xf32>
    %reduce_max3A_220 = vector.multi_reduction <maximumf>, %get3A_218, %reduce_max3A_219 [1] : vector<256x2048xf32> to vector<256xf32>
    %broadcast_in_dim3A_221 = vector.shape_cast %reduce_max3A_220 : vector<256xf32> to vector<256x1xf32>
    %eq3A_222 = vector.broadcast %broadcast_in_dim3A_221 : vector<256x1xf32> to vector<256x2048xf32>
    %eq3A_223 = arith.cmpf oeq, %get3A_218, %eq3A_222 : vector<256x2048xf32>
    %jit3A_224 = arith.constant 2048 : i32
    %broadcast_in_dim3A_225 = vector.broadcast %jit3A_224 : i32 to vector<256x2048xi32>
    %select_n3A_226 = arith.select %eq3A_223, %iota3A, %broadcast_in_dim3A_225 : vector<256x2048xi1>, vector<256x2048xi32>
    %reduce_min3A_227 = arith.constant dense<2147483647> : vector<256xi32>
    %reduce_min3A_228 = vector.multi_reduction <minsi>, %select_n3A_226, %reduce_min3A_227 [1] : vector<256x2048xi32> to vector<256xi32>
    %broadcast_in_dim3A_229 = vector.shape_cast %reduce_min3A_228 : vector<256xi32> to vector<256x1xi32>
    %eq3A_230 = vector.broadcast %broadcast_in_dim3A_229 : vector<256x1xi32> to vector<256x2048xi32>
    %eq3A_231 = arith.cmpi eq, %iota3A, %eq3A_230 : vector<256x2048xi32>
    %jit3A_232 = arith.constant -3.000000e+38 : f32
    %broadcast_in_dim3A_233 = vector.broadcast %jit3A_232 : f32 to vector<256x2048xf32>
    %select_n3A_234 = arith.select %eq3A_231, %broadcast_in_dim3A_233, %get3A_218 : vector<256x2048xi1>, vector<256x2048xf32>
    %swap3A_235 = arith.constant 0 : index
    %swap3A_236 = arith.constant 0 : index
    %swap3A_237 = vector.load %arg7[%swap3A_235, %swap3A_236] : memref<256x2048xf32, #tpu.memory_space<vmem>>, vector<256x2048xf32>
    tpu.vector_store %arg7[%swap3A_235, %swap3A_236], %select_n3A_234 {strides = array<i32>} : memref<256x2048xf32, #tpu.memory_space<vmem>>, vector<256x2048xf32>,
    %get3A_238 = arith.constant 0 : index
    %get3A_239 = arith.constant 0 : index
    %get3A_240 = vector.load %arg7[%get3A_238, %get3A_239] : memref<256x2048xf32, #tpu.memory_space<vmem>>, vector<256x2048xf32>
    %reduce_max3A_241 = arith.constant dense<0xFF800000> : vector<256xf32>
    %reduce_max3A_242 = vector.multi_reduction <maximumf>, %get3A_240, %reduce_max3A_241 [1] : vector<256x2048xf32> to vector<256xf32>
    %broadcast_in_dim3A_243 = vector.shape_cast %reduce_max3A_242 : vector<256xf32> to vector<256x1xf32>
    %eq3A_244 = vector.broadcast %broadcast_in_dim3A_243 : vector<256x1xf32> to vector<256x2048xf32>
    %eq3A_245 = arith.cmpf oeq, %get3A_240, %eq3A_244 : vector<256x2048xf32>
    %jit3A_246 = arith.constant 2048 : i32
    %broadcast_in_dim3A_247 = vector.broadcast %jit3A_246 : i32 to vector<256x2048xi32>
    %select_n3A_248 = arith.select %eq3A_245, %iota3A, %broadcast_in_dim3A_247 : vector<256x2048xi1>, vector<256x2048xi32>
    %reduce_min3A_249 = arith.constant dense<2147483647> : vector<256xi32>
    %reduce_min3A_250 = vector.multi_reduction <minsi>, %select_n3A_248, %reduce_min3A_249 [1] : vector<256x2048xi32> to vector<256xi32>
    %broadcast_in_dim3A_251 = vector.shape_cast %reduce_min3A_250 : vector<256xi32> to vector<256x1xi32>
    %eq3A_252 = vector.broadcast %broadcast_in_dim3A_251 : vector<256x1xi32> to vector<256x2048xi32>
    %eq3A_253 = arith.cmpi eq, %iota3A, %eq3A_252 : vector<256x2048xi32>
    %jit3A_254 = arith.constant -3.000000e+38 : f32
    %broadcast_in_dim3A_255 = vector.broadcast %jit3A_254 : f32 to vector<256x2048xf32>
    %select_n3A_256 = arith.select %eq3A_253, %broadcast_in_dim3A_255, %get3A_240 : vector<256x2048xi1>, vector<256x2048xf32>
    %swap3A_257 = arith.constant 0 : index
    %swap3A_258 = arith.constant 0 : index
    %swap3A_259 = vector.load %arg7[%swap3A_257, %swap3A_258] : memref<256x2048xf32, #tpu.memory_space<vmem>>, vector<256x2048xf32>
    tpu.vector_store %arg7[%swap3A_257, %swap3A_258], %select_n3A_256 {strides = array<i32>} : memref<256x2048xf32, #tpu.memory_space<vmem>>, vector<256x2048xf32>,
    %get3A_260 = arith.constant 0 : index
    %get3A_261 = arith.constant 0 : index
    %get3A_262 = vector.load %arg7[%get3A_260, %get3A_261] : memref<256x2048xf32, #tpu.memory_space<vmem>>, vector<256x2048xf32>
    %reduce_max3A_263 = arith.constant dense<0xFF800000> : vector<256xf32>
    %reduce_max3A_264 = vector.multi_reduction <maximumf>, %get3A_262, %reduce_max3A_263 [1] : vector<256x2048xf32> to vector<256xf32>
    %broadcast_in_dim3A_265 = vector.shape_cast %reduce_max3A_264 : vector<256xf32> to vector<256x1xf32>
    %eq3A_266 = vector.broadcast %broadcast_in_dim3A_265 : vector<256x1xf32> to vector<256x2048xf32>
    %eq3A_267 = arith.cmpf oeq, %get3A_262, %eq3A_266 : vector<256x2048xf32>
    %jit3A_268 = arith.constant 2048 : i32
    %broadcast_in_dim3A_269 = vector.broadcast %jit3A_268 : i32 to vector<256x2048xi32>
    %select_n3A_270 = arith.select %eq3A_267, %iota3A, %broadcast_in_dim3A_269 : vector<256x2048xi1>, vector<256x2048xi32>
    %reduce_min3A_271 = arith.constant dense<2147483647> : vector<256xi32>
    %reduce_min3A_272 = vector.multi_reduction <minsi>, %select_n3A_270, %reduce_min3A_271 [1] : vector<256x2048xi32> to vector<256xi32>
    %broadcast_in_dim3A_273 = vector.shape_cast %reduce_min3A_272 : vector<256xi32> to vector<256x1xi32>
    %eq3A_274 = vector.broadcast %broadcast_in_dim3A_273 : vector<256x1xi32> to vector<256x2048xi32>
    %eq3A_275 = arith.cmpi eq, %iota3A, %eq3A_274 : vector<256x2048xi32>
    %jit3A_276 = arith.constant -3.000000e+38 : f32
    %broadcast_in_dim3A_277 = vector.broadcast %jit3A_276 : f32 to vector<256x2048xf32>
    %select_n3A_278 = arith.select %eq3A_275, %broadcast_in_dim3A_277, %get3A_262 : vector<256x2048xi1>, vector<256x2048xf32>
    %swap3A_279 = arith.constant 0 : index
    %swap3A_280 = arith.constant 0 : index
    %swap3A_281 = vector.load %arg7[%swap3A_279, %swap3A_280] : memref<256x2048xf32, #tpu.memory_space<vmem>>, vector<256x2048xf32>
    tpu.vector_store %arg7[%swap3A_279, %swap3A_280], %select_n3A_278 {strides = array<i32>} : memref<256x2048xf32, #tpu.memory_space<vmem>>, vector<256x2048xf32>,
    %get3A_282 = arith.constant 0 : index
    %get3A_283 = arith.constant 0 : index
    %get3A_284 = vector.load %arg7[%get3A_282, %get3A_283] : memref<256x2048xf32, #tpu.memory_space<vmem>>, vector<256x2048xf32>
    %reduce_max3A_285 = arith.constant dense<0xFF800000> : vector<256xf32>
    %reduce_max3A_286 = vector.multi_reduction <maximumf>, %get3A_284, %reduce_max3A_285 [1] : vector<256x2048xf32> to vector<256xf32>
    %broadcast_in_dim3A_287 = vector.shape_cast %reduce_max3A_286 : vector<256xf32> to vector<256x1xf32>
    %eq3A_288 = vector.broadcast %broadcast_in_dim3A_287 : vector<256x1xf32> to vector<256x2048xf32>
    %eq3A_289 = arith.cmpf oeq, %get3A_284, %eq3A_288 : vector<256x2048xf32>
    %jit3A_290 = arith.constant 2048 : i32
    %broadcast_in_dim3A_291 = vector.broadcast %jit3A_290 : i32 to vector<256x2048xi32>
    %select_n3A_292 = arith.select %eq3A_289, %iota3A, %broadcast_in_dim3A_291 : vector<256x2048xi1>, vector<256x2048xi32>
    %reduce_min3A_293 = arith.constant dense<2147483647> : vector<256xi32>
    %reduce_min3A_294 = vector.multi_reduction <minsi>, %select_n3A_292, %reduce_min3A_293 [1] : vector<256x2048xi32> to vector<256xi32>
    %broadcast_in_dim3A_295 = vector.shape_cast %reduce_min3A_294 : vector<256xi32> to vector<256x1xi32>
    %eq3A_296 = vector.broadcast %broadcast_in_dim3A_295 : vector<256x1xi32> to vector<256x2048xi32>
    %eq3A_297 = arith.cmpi eq, %iota3A, %eq3A_296 : vector<256x2048xi32>
    %jit3A_298 = arith.constant -3.000000e+38 : f32
    %broadcast_in_dim3A_299 = vector.broadcast %jit3A_298 : f32 to vector<256x2048xf32>
    %select_n3A_300 = arith.select %eq3A_297, %broadcast_in_dim3A_299, %get3A_284 : vector<256x2048xi1>, vector<256x2048xf32>
    %swap3A_301 = arith.constant 0 : index
    %swap3A_302 = arith.constant 0 : index
    %swap3A_303 = vector.load %arg7[%swap3A_301, %swap3A_302] : memref<256x2048xf32, #tpu.memory_space<vmem>>, vector<256x2048xf32>
    tpu.vector_store %arg7[%swap3A_301, %swap3A_302], %select_n3A_300 {strides = array<i32>} : memref<256x2048xf32, #tpu.memory_space<vmem>>, vector<256x2048xf32>,
    %get3A_304 = arith.constant 0 : index
    %get3A_305 = arith.constant 0 : index
    %get3A_306 = vector.load %arg7[%get3A_304, %get3A_305] : memref<256x2048xf32, #tpu.memory_space<vmem>>, vector<256x2048xf32>
    %reduce_max3A_307 = arith.constant dense<0xFF800000> : vector<256xf32>
    %reduce_max3A_308 = vector.multi_reduction <maximumf>, %get3A_306, %reduce_max3A_307 [1] : vector<256x2048xf32> to vector<256xf32>
    %broadcast_in_dim3A_309 = vector.shape_cast %reduce_max3A_308 : vector<256xf32> to vector<256x1xf32>
    %eq3A_310 = vector.broadcast %broadcast_in_dim3A_309 : vector<256x1xf32> to vector<256x2048xf32>
    %eq3A_311 = arith.cmpf oeq, %get3A_306, %eq3A_310 : vector<256x2048xf32>
    %jit3A_312 = arith.constant 2048 : i32
    %broadcast_in_dim3A_313 = vector.broadcast %jit3A_312 : i32 to vector<256x2048xi32>
    %select_n3A_314 = arith.select %eq3A_311, %iota3A, %broadcast_in_dim3A_313 : vector<256x2048xi1>, vector<256x2048xi32>
    %reduce_min3A_315 = arith.constant dense<2147483647> : vector<256xi32>
    %reduce_min3A_316 = vector.multi_reduction <minsi>, %select_n3A_314, %reduce_min3A_315 [1] : vector<256x2048xi32> to vector<256xi32>
    %broadcast_in_dim3A_317 = vector.shape_cast %reduce_min3A_316 : vector<256xi32> to vector<256x1xi32>
    %eq3A_318 = vector.broadcast %broadcast_in_dim3A_317 : vector<256x1xi32> to vector<256x2048xi32>
    %eq3A_319 = arith.cmpi eq, %iota3A, %eq3A_318 : vector<256x2048xi32>
    %jit3A_320 = arith.constant -3.000000e+38 : f32
    %broadcast_in_dim3A_321 = vector.broadcast %jit3A_320 : f32 to vector<256x2048xf32>
    %select_n3A_322 = arith.select %eq3A_319, %broadcast_in_dim3A_321, %get3A_306 : vector<256x2048xi1>, vector<256x2048xf32>
    %swap3A_323 = arith.constant 0 : index
    %swap3A_324 = arith.constant 0 : index
    %swap3A_325 = vector.load %arg7[%swap3A_323, %swap3A_324] : memref<256x2048xf32, #tpu.memory_space<vmem>>, vector<256x2048xf32>
    tpu.vector_store %arg7[%swap3A_323, %swap3A_324], %select_n3A_322 {strides = array<i32>} : memref<256x2048xf32, #tpu.memory_space<vmem>>, vector<256x2048xf32>,
    %get3A_326 = arith.constant 0 : index
    %get3A_327 = arith.constant 0 : index
    %get3A_328 = vector.load %arg7[%get3A_326, %get3A_327] : memref<256x2048xf32, #tpu.memory_space<vmem>>, vector<256x2048xf32>
    %reduce_max3A_329 = arith.constant dense<0xFF800000> : vector<256xf32>
    %reduce_max3A_330 = vector.multi_reduction <maximumf>, %get3A_328, %reduce_max3A_329 [1] : vector<256x2048xf32> to vector<256xf32>
    %broadcast_in_dim3A_331 = vector.shape_cast %reduce_max3A_330 : vector<256xf32> to vector<256x1xf32>
    %eq3A_332 = vector.broadcast %broadcast_in_dim3A_331 : vector<256x1xf32> to vector<256x2048xf32>
    %eq3A_333 = arith.cmpf oeq, %get3A_328, %eq3A_332 : vector<256x2048xf32>
    %jit3A_334 = arith.constant 2048 : i32
    %broadcast_in_dim3A_335 = vector.broadcast %jit3A_334 : i32 to vector<256x2048xi32>
    %select_n3A_336 = arith.select %eq3A_333, %iota3A, %broadcast_in_dim3A_335 : vector<256x2048xi1>, vector<256x2048xi32>
    %reduce_min3A_337 = arith.constant dense<2147483647> : vector<256xi32>
    %reduce_min3A_338 = vector.multi_reduction <minsi>, %select_n3A_336, %reduce_min3A_337 [1] : vector<256x2048xi32> to vector<256xi32>
    %broadcast_in_dim3A_339 = vector.shape_cast %reduce_min3A_338 : vector<256xi32> to vector<256x1xi32>
    %eq3A_340 = vector.broadcast %broadcast_in_dim3A_339 : vector<256x1xi32> to vector<256x2048xi32>
    %eq3A_341 = arith.cmpi eq, %iota3A, %eq3A_340 : vector<256x2048xi32>
    %jit3A_342 = arith.constant -3.000000e+38 : f32
    %broadcast_in_dim3A_343 = vector.broadcast %jit3A_342 : f32 to vector<256x2048xf32>
    %select_n3A_344 = arith.select %eq3A_341, %broadcast_in_dim3A_343, %get3A_328 : vector<256x2048xi1>, vector<256x2048xf32>
    %swap3A_345 = arith.constant 0 : index
    %swap3A_346 = arith.constant 0 : index
    %swap3A_347 = vector.load %arg7[%swap3A_345, %swap3A_346] : memref<256x2048xf32, #tpu.memory_space<vmem>>, vector<256x2048xf32>
    tpu.vector_store %arg7[%swap3A_345, %swap3A_346], %select_n3A_344 {strides = array<i32>} : memref<256x2048xf32, #tpu.memory_space<vmem>>, vector<256x2048xf32>,
    %get3A_348 = arith.constant 0 : index
    %get3A_349 = arith.constant 0 : index
    %get3A_350 = vector.load %arg7[%get3A_348, %get3A_349] : memref<256x2048xf32, #tpu.memory_space<vmem>>, vector<256x2048xf32>
    %reduce_max3A_351 = arith.constant dense<0xFF800000> : vector<256xf32>
    %reduce_max3A_352 = vector.multi_reduction <maximumf>, %get3A_350, %reduce_max3A_351 [1] : vector<256x2048xf32> to vector<256xf32>
    %broadcast_in_dim3A_353 = vector.shape_cast %reduce_max3A_352 : vector<256xf32> to vector<256x1xf32>
    %eq3A_354 = vector.broadcast %broadcast_in_dim3A_353 : vector<256x1xf32> to vector<256x2048xf32>
    %eq3A_355 = arith.cmpf oeq, %get3A_350, %eq3A_354 : vector<256x2048xf32>
    %jit3A_356 = arith.constant 2048 : i32
    %broadcast_in_dim3A_357 = vector.broadcast %jit3A_356 : i32 to vector<256x2048xi32>
    %select_n3A_358 = arith.select %eq3A_355, %iota3A, %broadcast_in_dim3A_357 : vector<256x2048xi1>, vector<256x2048xi32>
    %reduce_min3A_359 = arith.constant dense<2147483647> : vector<256xi32>
    %reduce_min3A_360 = vector.multi_reduction <minsi>, %select_n3A_358, %reduce_min3A_359 [1] : vector<256x2048xi32> to vector<256xi32>
    %broadcast_in_dim3A_361 = vector.shape_cast %reduce_min3A_360 : vector<256xi32> to vector<256x1xi32>
    %eq3A_362 = vector.broadcast %broadcast_in_dim3A_361 : vector<256x1xi32> to vector<256x2048xi32>
    %eq3A_363 = arith.cmpi eq, %iota3A, %eq3A_362 : vector<256x2048xi32>
    %jit3A_364 = arith.constant -3.000000e+38 : f32
    %broadcast_in_dim3A_365 = vector.broadcast %jit3A_364 : f32 to vector<256x2048xf32>
    %select_n3A_366 = arith.select %eq3A_363, %broadcast_in_dim3A_365, %get3A_350 : vector<256x2048xi1>, vector<256x2048xf32>
    %swap3A_367 = arith.constant 0 : index
    %swap3A_368 = arith.constant 0 : index
    %swap3A_369 = vector.load %arg7[%swap3A_367, %swap3A_368] : memref<256x2048xf32, #tpu.memory_space<vmem>>, vector<256x2048xf32>
    tpu.vector_store %arg7[%swap3A_367, %swap3A_368], %select_n3A_366 {strides = array<i32>} : memref<256x2048xf32, #tpu.memory_space<vmem>>, vector<256x2048xf32>,
    %get3A_370 = arith.constant 0 : index
    %get3A_371 = arith.constant 0 : index
    %get3A_372 = vector.load %arg7[%get3A_370, %get3A_371] : memref<256x2048xf32, #tpu.memory_space<vmem>>, vector<256x2048xf32>
    %reduce_max3A_373 = arith.constant dense<0xFF800000> : vector<256xf32>
    %reduce_max3A_374 = vector.multi_reduction <maximumf>, %get3A_372, %reduce_max3A_373 [1] : vector<256x2048xf32> to vector<256xf32>
    %broadcast_in_dim3A_375 = vector.shape_cast %reduce_max3A_374 : vector<256xf32> to vector<256x1xf32>
    %eq3A_376 = vector.broadcast %broadcast_in_dim3A_375 : vector<256x1xf32> to vector<256x2048xf32>
    %eq3A_377 = arith.cmpf oeq, %get3A_372, %eq3A_376 : vector<256x2048xf32>
    %jit3A_378 = arith.constant 2048 : i32
    %broadcast_in_dim3A_379 = vector.broadcast %jit3A_378 : i32 to vector<256x2048xi32>
    %select_n3A_380 = arith.select %eq3A_377, %iota3A, %broadcast_in_dim3A_379 : vector<256x2048xi1>, vector<256x2048xi32>
    %reduce_min3A_381 = arith.constant dense<2147483647> : vector<256xi32>
    %reduce_min3A_382 = vector.multi_reduction <minsi>, %select_n3A_380, %reduce_min3A_381 [1] : vector<256x2048xi32> to vector<256xi32>
    %broadcast_in_dim3A_383 = vector.shape_cast %reduce_min3A_382 : vector<256xi32> to vector<256x1xi32>
    %eq3A_384 = vector.broadcast %broadcast_in_dim3A_383 : vector<256x1xi32> to vector<256x2048xi32>
    %eq3A_385 = arith.cmpi eq, %iota3A, %eq3A_384 : vector<256x2048xi32>
    %jit3A_386 = arith.constant -3.000000e+38 : f32
    %broadcast_in_dim3A_387 = vector.broadcast %jit3A_386 : f32 to vector<256x2048xf32>
    %select_n3A_388 = arith.select %eq3A_385, %broadcast_in_dim3A_387, %get3A_372 : vector<256x2048xi1>, vector<256x2048xf32>
    %swap3A_389 = arith.constant 0 : index
    %swap3A_390 = arith.constant 0 : index
    %swap3A_391 = vector.load %arg7[%swap3A_389, %swap3A_390] : memref<256x2048xf32, #tpu.memory_space<vmem>>, vector<256x2048xf32>
    tpu.vector_store %arg7[%swap3A_389, %swap3A_390], %select_n3A_388 {strides = array<i32>} : memref<256x2048xf32, #tpu.memory_space<vmem>>, vector<256x2048xf32>,
    %get3A_392 = arith.constant 0 : index
    %get3A_393 = arith.constant 0 : index
    %get3A_394 = vector.load %arg7[%get3A_392, %get3A_393] : memref<256x2048xf32, #tpu.memory_space<vmem>>, vector<256x2048xf32>
    %reduce_max3A_395 = arith.constant dense<0xFF800000> : vector<256xf32>
    %reduce_max3A_396 = vector.multi_reduction <maximumf>, %get3A_394, %reduce_max3A_395 [1] : vector<256x2048xf32> to vector<256xf32>
    %broadcast_in_dim3A_397 = vector.shape_cast %reduce_max3A_396 : vector<256xf32> to vector<256x1xf32>
    %eq3A_398 = vector.broadcast %broadcast_in_dim3A_397 : vector<256x1xf32> to vector<256x2048xf32>
    %eq3A_399 = arith.cmpf oeq, %get3A_394, %eq3A_398 : vector<256x2048xf32>
    %jit3A_400 = arith.constant 2048 : i32
    %broadcast_in_dim3A_401 = vector.broadcast %jit3A_400 : i32 to vector<256x2048xi32>
    %select_n3A_402 = arith.select %eq3A_399, %iota3A, %broadcast_in_dim3A_401 : vector<256x2048xi1>, vector<256x2048xi32>
    %reduce_min3A_403 = arith.constant dense<2147483647> : vector<256xi32>
    %reduce_min3A_404 = vector.multi_reduction <minsi>, %select_n3A_402, %reduce_min3A_403 [1] : vector<256x2048xi32> to vector<256xi32>
    %broadcast_in_dim3A_405 = vector.shape_cast %reduce_min3A_404 : vector<256xi32> to vector<256x1xi32>
    %eq3A_406 = vector.broadcast %broadcast_in_dim3A_405 : vector<256x1xi32> to vector<256x2048xi32>
    %eq3A_407 = arith.cmpi eq, %iota3A, %eq3A_406 : vector<256x2048xi32>
    %jit3A_408 = arith.constant -3.000000e+38 : f32
    %broadcast_in_dim3A_409 = vector.broadcast %jit3A_408 : f32 to vector<256x2048xf32>
    %select_n3A_410 = arith.select %eq3A_407, %broadcast_in_dim3A_409, %get3A_394 : vector<256x2048xi1>, vector<256x2048xf32>
    %swap3A_411 = arith.constant 0 : index
    %swap3A_412 = arith.constant 0 : index
    %swap3A_413 = vector.load %arg7[%swap3A_411, %swap3A_412] : memref<256x2048xf32, #tpu.memory_space<vmem>>, vector<256x2048xf32>
    tpu.vector_store %arg7[%swap3A_411, %swap3A_412], %select_n3A_410 {strides = array<i32>} : memref<256x2048xf32, #tpu.memory_space<vmem>>, vector<256x2048xf32>,
    %get3A_414 = arith.constant 0 : index
    %get3A_415 = arith.constant 0 : index
    %get3A_416 = vector.load %arg7[%get3A_414, %get3A_415] : memref<256x2048xf32, #tpu.memory_space<vmem>>, vector<256x2048xf32>
    %reduce_max3A_417 = arith.constant dense<0xFF800000> : vector<256xf32>
    %reduce_max3A_418 = vector.multi_reduction <maximumf>, %get3A_416, %reduce_max3A_417 [1] : vector<256x2048xf32> to vector<256xf32>
    %broadcast_in_dim3A_419 = vector.shape_cast %reduce_max3A_418 : vector<256xf32> to vector<256x1xf32>
    %eq3A_420 = vector.broadcast %broadcast_in_dim3A_419 : vector<256x1xf32> to vector<256x2048xf32>
    %eq3A_421 = arith.cmpf oeq, %get3A_416, %eq3A_420 : vector<256x2048xf32>
    %jit3A_422 = arith.constant 2048 : i32
    %broadcast_in_dim3A_423 = vector.broadcast %jit3A_422 : i32 to vector<256x2048xi32>
    %select_n3A_424 = arith.select %eq3A_421, %iota3A, %broadcast_in_dim3A_423 : vector<256x2048xi1>, vector<256x2048xi32>
    %reduce_min3A_425 = arith.constant dense<2147483647> : vector<256xi32>
    %reduce_min3A_426 = vector.multi_reduction <minsi>, %select_n3A_424, %reduce_min3A_425 [1] : vector<256x2048xi32> to vector<256xi32>
    %broadcast_in_dim3A_427 = vector.shape_cast %reduce_min3A_426 : vector<256xi32> to vector<256x1xi32>
    %eq3A_428 = vector.broadcast %broadcast_in_dim3A_427 : vector<256x1xi32> to vector<256x2048xi32>
    %eq3A_429 = arith.cmpi eq, %iota3A, %eq3A_428 : vector<256x2048xi32>
    %jit3A_430 = arith.constant -3.000000e+38 : f32
    %broadcast_in_dim3A_431 = vector.broadcast %jit3A_430 : f32 to vector<256x2048xf32>
    %select_n3A_432 = arith.select %eq3A_429, %broadcast_in_dim3A_431, %get3A_416 : vector<256x2048xi1>, vector<256x2048xf32>
    %swap3A_433 = arith.constant 0 : index
    %swap3A_434 = arith.constant 0 : index
    %swap3A_435 = vector.load %arg7[%swap3A_433, %swap3A_434] : memref<256x2048xf32, #tpu.memory_space<vmem>>, vector<256x2048xf32>
    tpu.vector_store %arg7[%swap3A_433, %swap3A_434], %select_n3A_432 {strides = array<i32>} : memref<256x2048xf32, #tpu.memory_space<vmem>>, vector<256x2048xf32>,
    %get3A_436 = arith.constant 0 : index
    %get3A_437 = arith.constant 0 : index
    %get3A_438 = vector.load %arg7[%get3A_436, %get3A_437] : memref<256x2048xf32, #tpu.memory_space<vmem>>, vector<256x2048xf32>
    %reduce_max3A_439 = arith.constant dense<0xFF800000> : vector<256xf32>
    %reduce_max3A_440 = vector.multi_reduction <maximumf>, %get3A_438, %reduce_max3A_439 [1] : vector<256x2048xf32> to vector<256xf32>
    %broadcast_in_dim3A_441 = vector.shape_cast %reduce_max3A_440 : vector<256xf32> to vector<256x1xf32>
    %eq3A_442 = vector.broadcast %broadcast_in_dim3A_441 : vector<256x1xf32> to vector<256x2048xf32>
    %eq3A_443 = arith.cmpf oeq, %get3A_438, %eq3A_442 : vector<256x2048xf32>
    %jit3A_444 = arith.constant 2048 : i32
    %broadcast_in_dim3A_445 = vector.broadcast %jit3A_444 : i32 to vector<256x2048xi32>
    %select_n3A_446 = arith.select %eq3A_443, %iota3A, %broadcast_in_dim3A_445 : vector<256x2048xi1>, vector<256x2048xi32>
    %reduce_min3A_447 = arith.constant dense<2147483647> : vector<256xi32>
    %reduce_min3A_448 = vector.multi_reduction <minsi>, %select_n3A_446, %reduce_min3A_447 [1] : vector<256x2048xi32> to vector<256xi32>
    %broadcast_in_dim3A_449 = vector.shape_cast %reduce_min3A_448 : vector<256xi32> to vector<256x1xi32>
    %eq3A_450 = vector.broadcast %broadcast_in_dim3A_449 : vector<256x1xi32> to vector<256x2048xi32>
    %eq3A_451 = arith.cmpi eq, %iota3A, %eq3A_450 : vector<256x2048xi32>
    %jit3A_452 = arith.constant -3.000000e+38 : f32
    %broadcast_in_dim3A_453 = vector.broadcast %jit3A_452 : f32 to vector<256x2048xf32>
    %select_n3A_454 = arith.select %eq3A_451, %broadcast_in_dim3A_453, %get3A_438 : vector<256x2048xi1>, vector<256x2048xf32>
    %swap3A_455 = arith.constant 0 : index
    %swap3A_456 = arith.constant 0 : index
    %swap3A_457 = vector.load %arg7[%swap3A_455, %swap3A_456] : memref<256x2048xf32, #tpu.memory_space<vmem>>, vector<256x2048xf32>
    tpu.vector_store %arg7[%swap3A_455, %swap3A_456], %select_n3A_454 {strides = array<i32>} : memref<256x2048xf32, #tpu.memory_space<vmem>>, vector<256x2048xf32>,
    %concatenate3A = tpu.concatenate %broadcast_in_dim3A_31, %broadcast_in_dim3A_53, %broadcast_in_dim3A_75, %broadcast_in_dim3A_97, %broadcast_in_dim3A_119, %broadcast_in_dim3A_141, %broadcast_in_dim3A_163, %broadcast_in_dim3A_185, %broadcast_in_dim3A_207, %broadcast_in_dim3A_229, %broadcast_in_dim3A_251, %broadcast_in_dim3A_273, %broadcast_in_dim3A_295, %broadcast_in_dim3A_317, %broadcast_in_dim3A_339, %broadcast_in_dim3A_361, %broadcast_in_dim3A_383, %broadcast_in_dim3A_405, %broadcast_in_dim3A_427, %broadcast_in_dim3A_449 in 1 : vector<256x1xi32>, vector<256x1xi32>, vector<256x1xi32>, vector<256x1xi32>, vector<256x1xi32>, vector<256x1xi32>, vector<256x1xi32>, vector<256x1xi32>, vector<256x1xi32>, vector<256x1xi32>, vector<256x1xi32>, vector<256x1xi32>, vector<256x1xi32>, vector<256x1xi32>, vector<256x1xi32>, vector<256x1xi32>, vector<256x1xi32>, vector<256x1xi32>, vector<256x1xi32>, vector<256x1xi32> -> vector<256x20xi32>
    %mul3A_458 = arith.constant 2048 : i32
    %mul3A_459 = arith.muli %arg0, %mul3A_458 : i32
    %add3A = vector.broadcast %mul3A_459 : i32 to vector<256x20xi32>
    %add3A_460 = arith.addi %concatenate3A, %add3A : vector<256x20xi32>
    %swap3A_461 = arith.constant 0 : index
    %swap3A_462 = arith.constant 0 : index
    %swap3A_463 = vector.load %arg6[%swap3A_461, %swap3A_462] : memref<256x20xi32, #tpu.memory_space<vmem>>, vector<256x20xi32>
    tpu.vector_store %arg6[%swap3A_461, %swap3A_462], %add3A_460 {strides = array<i32>} : memref<256x20xi32, #tpu.memory_space<vmem>>, vector<256x20xi32>,
    return
  }
  func.func @transform_0(%arg0: i32, %arg1: i32) -> (i32, i32) {
    %mul3A = arith.constant 8 : i32
    %mul3A_0 = arith.muli %arg0, %mul3A : i32
    %add3A = arith.addi %mul3A_0, %arg1 : i32
    %c0_i32 = arith.constant 0 : i32
    %c0_i32_1 = arith.constant 0 : i32
    return %add3A, %c0_i32 : i32, i32
  }
  func.func @transform_1(%arg0: i32, %arg1: i32) -> (i32, i32, i32) {
    %c0_i32 = arith.constant 0 : i32
    %c0_i32_0 = arith.constant 0 : i32
    %c0_i32_1 = arith.constant 0 : i32
    return %arg0, %c0_i32, %c0_i32_0 : i32, i32, i32
  }
  func.func @transform_2(%arg0: i32, %arg1: i32) -> (i32, i32) {
    %mul3A = arith.constant 8 : i32
    %mul3A_0 = arith.muli %arg0, %mul3A : i32
    %add3A = arith.addi %mul3A_0, %arg1 : i32
    %c0_i32 = arith.constant 0 : i32
    %c0_i32_1 = arith.constant 0 : i32
    return %add3A, %c0_i32 : i32, i32
  }
  func.func @transform_3(%arg0: i32, %arg1: i32) -> (i32, i32, i32) {
    %c0_i32 = arith.constant 0 : i32
    %c0_i32_0 = arith.constant 0 : i32
    %c0_i32_1 = arith.constant 0 : i32
    return %arg0, %c0_i32, %c0_i32_0 : i32, i32, i32
  }
  func.func @transform_4(%arg0: i32, %arg1: i32) -> (i32, i32) {
    %mul3A = arith.constant 8 : i32
    %mul3A_0 = arith.muli %arg0, %mul3A : i32
    %add3A = arith.addi %mul3A_0, %arg1 : i32
    %c0_i32 = arith.constant 0 : i32
    %c0_i32_1 = arith.constant 0 : i32
    return %add3A, %c0_i32 : i32, i32
  }
}

module attributes {stable_mosaic.version = 14 : i64} {
  func.func @_conv_body(%arg0: i32, %arg1: memref<2560x128xf32, #tpu.memory_space<vmem>>, %arg2: memref<128x128xf32, #tpu.memory_space<vmem>>, %arg3: memref<128x64xf32, #tpu.memory_space<vmem>>, %arg4: memref<128x64xf32, #tpu.memory_space<vmem>>, %arg5: memref<8x64xf32, #tpu.memory_space<vmem>>) attributes {dimension_semantics = [#tpu.dimension_semantics<arbitrary>], iteration_bounds = array<i64: 128>, scalar_prefetch = 0 : i64, scratch_operands = 0 : i64, tpu.core_type = #tpu.core_type<tc>, window_params = [{transform_indices = @transform_0, window_bounds = array<i64: 2560, 128>}, {transform_indices = @transform_1, window_bounds = array<i64: 128, 128>}, {pipeline_mode = #tpu.pipeline_mode<synchronous>, transform_indices = @transform_2, window_bounds = array<i64: 128, 64>}, {transform_indices = @transform_3, window_bounds = array<i64: 128, 64>}, {pipeline_mode = #tpu.pipeline_mode<synchronous>, transform_indices = @transform_4, window_bounds = array<i64: 8, 64>}]} {
    %get3A = arith.constant 0 : index
    %get3A_0 = arith.constant 0 : index
    %get3A_1 = vector.load %arg1[%get3A, %get3A_0] : memref<2560x128xf32, #tpu.memory_space<vmem>>, vector<2560x128xf32>
    %slice3A = vector.extract_strided_slice %get3A_1 {offsets = [0, 0], sizes = [2560, 64], strides = [1, 1]} : vector<2560x128xf32> to vector<2560x64xf32>
    %get3A_2 = arith.constant 0 : index
    %get3A_3 = arith.constant 0 : index
    %get3A_4 = vector.load %arg2[%get3A_2, %get3A_3] : memref<128x128xf32, #tpu.memory_space<vmem>>, vector<128x128xf32>
    %slice3A_5 = vector.extract_strided_slice %get3A_4 {offsets = [0, 0], sizes = [128, 64], strides = [1, 1]} : vector<128x128xf32> to vector<128x64xf32>
    %broadcast_in_dim3A = vector.shape_cast %slice3A_5 : vector<128x64xf32> to vector<128x1x64xf32>
    %broadcast_in_dim3A_6 = vector.shape_cast %broadcast_in_dim3A : vector<128x1x64xf32> to vector<128x1x64xf32>
    %broadcast_in_dim3A_7 = vector.broadcast %broadcast_in_dim3A_6 : vector<128x1x64xf32> to vector<128x20x64xf32>
    %reshape3A = vector.shape_cast %broadcast_in_dim3A_7 : vector<128x20x64xf32> to vector<2560x64xf32>
    %sub3A = arith.subf %slice3A, %reshape3A : vector<2560x64xf32>
    %concatenate3A = tpu.concatenate %sub3A, %reshape3A in 1 : vector<2560x64xf32>, vector<2560x64xf32> -> vector<2560x128xf32>
    %get3A_8 = arith.constant 0 : index
    %get3A_9 = arith.constant 0 : index
    %get3A_10 = vector.load %arg3[%get3A_8, %get3A_9] : memref<128x64xf32, #tpu.memory_space<vmem>>, vector<128x64xf32>
    %dot_general3A = arith.constant dense<0.000000e+00> : vector<2560x64xf32>
    %dot_general3A_11 = tpu.matmul %concatenate3A, %get3A_10, %dot_general3A {dimension_numbers = #tpu.dot_dimension_numbers<[1], [0], [0], [1], [0, 0, 1, 1], [], []>, transpose_lhs_hint = false} : vector<2560x128xf32>, vector<128x64xf32>, vector<2560x64xf32> -> vector<2560x64xf32>
    %reshape3A_12 = vector.shape_cast %dot_general3A_11 : vector<2560x64xf32> to vector<128x20x64xf32>
    %reduce_max3A = arith.constant dense<0xFF800000> : vector<128x64xf32>
    %reduce_max3A_13 = vector.multi_reduction <maximumf>, %reshape3A_12, %reduce_max3A [1] : vector<128x20x64xf32> to vector<128x64xf32>
    %swap3A = arith.constant 0 : index
    %swap3A_14 = arith.constant 0 : index
    %swap3A_15 = vector.load %arg4[%swap3A, %swap3A_14] : memref<128x64xf32, #tpu.memory_space<vmem>>, vector<128x64xf32>
    tpu.vector_store %arg4[%swap3A, %swap3A_14], %reduce_max3A_13 {strides = array<i32>} : memref<128x64xf32, #tpu.memory_space<vmem>>, vector<128x64xf32>,
    %reduce_sum3A = arith.constant dense<0.000000e+00> : vector<64xf32>
    %reduce_sum3A_16 = vector.multi_reduction <add>, %dot_general3A_11, %reduce_sum3A [0] : vector<2560x64xf32> to vector<64xf32>
    %broadcast_in_dim3A_17 = vector.shape_cast %reduce_sum3A_16 : vector<64xf32> to vector<1x64xf32>
    %mul3A = arith.mulf %dot_general3A_11, %dot_general3A_11 : vector<2560x64xf32>
    %reduce_sum3A_18 = arith.constant dense<0.000000e+00> : vector<64xf32>
    %reduce_sum3A_19 = vector.multi_reduction <add>, %mul3A, %reduce_sum3A_18 [0] : vector<2560x64xf32> to vector<64xf32>
    %broadcast_in_dim3A_20 = vector.shape_cast %reduce_sum3A_19 : vector<64xf32> to vector<1x64xf32>
    %broadcast_in_dim3A_21 = arith.constant 0.000000e+00 : f32
    %broadcast_in_dim3A_22 = vector.broadcast %broadcast_in_dim3A_21 : f32 to vector<6x64xf32>
    %concatenate3A_23 = tpu.concatenate %broadcast_in_dim3A_17, %broadcast_in_dim3A_20, %broadcast_in_dim3A_22 in 0 : vector<1x64xf32>, vector<1x64xf32>, vector<6x64xf32> -> vector<8x64xf32>
    %eq3A = arith.constant 0 : i32
    %eq3A_24 = arith.cmpi eq, %arg0, %eq3A : i32
    %convert_element_type3A = arith.extui %eq3A_24 : i1 to i32
    %cond3A = arith.constant 0 : i32
    %cond3A_25 = arith.cmpi ne, %convert_element_type3A, %cond3A : i32
    scf.if %cond3A_25 {
      %broadcast_in_dim3A_32 = arith.constant 0.000000e+00 : f32
      %broadcast_in_dim3A_33 = vector.broadcast %broadcast_in_dim3A_32 : f32 to vector<8x64xf32>
      %swap3A_34 = arith.constant 0 : index
      %swap3A_35 = arith.constant 0 : index
      %swap3A_36 = vector.load %arg5[%swap3A_34, %swap3A_35] : memref<8x64xf32, #tpu.memory_space<vmem>>, vector<8x64xf32>
      tpu.vector_store %arg5[%swap3A_34, %swap3A_35], %broadcast_in_dim3A_33 {strides = array<i32>} : memref<8x64xf32, #tpu.memory_space<vmem>>, vector<8x64xf32>,
    } else {
    }
    %get3A_26 = arith.constant 0 : index
    %get3A_27 = arith.constant 0 : index
    %get3A_28 = vector.load %arg5[%get3A_26, %get3A_27] : memref<8x64xf32, #tpu.memory_space<vmem>>, vector<8x64xf32>
    %add3A = arith.addf %get3A_28, %concatenate3A_23 : vector<8x64xf32>
    %swap3A_29 = arith.constant 0 : index
    %swap3A_30 = arith.constant 0 : index
    %swap3A_31 = vector.load %arg5[%swap3A_29, %swap3A_30] : memref<8x64xf32, #tpu.memory_space<vmem>>, vector<8x64xf32>
    tpu.vector_store %arg5[%swap3A_29, %swap3A_30], %add3A {strides = array<i32>} : memref<8x64xf32, #tpu.memory_space<vmem>>, vector<8x64xf32>,
    return
  }
  func.func @transform_0(%arg0: i32) -> (i32, i32) {
    %c0_i32 = arith.constant 0 : i32
    %c0_i32_0 = arith.constant 0 : i32
    return %arg0, %c0_i32 : i32, i32
  }
  func.func @transform_1(%arg0: i32) -> (i32, i32) {
    %c0_i32 = arith.constant 0 : i32
    %c0_i32_0 = arith.constant 0 : i32
    return %arg0, %c0_i32 : i32, i32
  }
  func.func @transform_2(%arg0: i32) -> (i32, i32) {
    %c0_i32 = arith.constant 0 : i32
    %c0_i32_0 = arith.constant 0 : i32
    %c0_i32_1 = arith.constant 0 : i32
    return %c0_i32, %c0_i32_0 : i32, i32
  }
  func.func @transform_3(%arg0: i32) -> (i32, i32) {
    %c0_i32 = arith.constant 0 : i32
    %c0_i32_0 = arith.constant 0 : i32
    return %arg0, %c0_i32 : i32, i32
  }
  func.func @transform_4(%arg0: i32) -> (i32, i32) {
    %c0_i32 = arith.constant 0 : i32
    %c0_i32_0 = arith.constant 0 : i32
    %c0_i32_1 = arith.constant 0 : i32
    return %c0_i32, %c0_i32_0 : i32, i32
  }
}

module attributes {stable_mosaic.version = 14 : i64} {
  func.func @_conv_body(%arg0: i32, %arg1: memref<2560x128xf32, #tpu.memory_space<vmem>>, %arg2: memref<128x128xf32, #tpu.memory_space<vmem>>, %arg3: memref<128x128xf32, #tpu.memory_space<vmem>>, %arg4: memref<128x128xf32, #tpu.memory_space<vmem>>, %arg5: memref<8x128xf32, #tpu.memory_space<vmem>>) attributes {dimension_semantics = [#tpu.dimension_semantics<arbitrary>], iteration_bounds = array<i64: 128>, scalar_prefetch = 0 : i64, scratch_operands = 0 : i64, tpu.core_type = #tpu.core_type<tc>, window_params = [{transform_indices = @transform_0, window_bounds = array<i64: 2560, 128>}, {transform_indices = @transform_1, window_bounds = array<i64: 128, 128>}, {pipeline_mode = #tpu.pipeline_mode<synchronous>, transform_indices = @transform_2, window_bounds = array<i64: 128, 128>}, {transform_indices = @transform_3, window_bounds = array<i64: 128, 128>}, {pipeline_mode = #tpu.pipeline_mode<synchronous>, transform_indices = @transform_4, window_bounds = array<i64: 8, 128>}]} {
    %get3A = arith.constant 0 : index
    %get3A_0 = arith.constant 0 : index
    %get3A_1 = vector.load %arg1[%get3A, %get3A_0] : memref<2560x128xf32, #tpu.memory_space<vmem>>, vector<2560x128xf32>
    %slice3A = vector.extract_strided_slice %get3A_1 {offsets = [0, 0], sizes = [2560, 64], strides = [1, 1]} : vector<2560x128xf32> to vector<2560x64xf32>
    %get3A_2 = arith.constant 0 : index
    %get3A_3 = arith.constant 0 : index
    %get3A_4 = vector.load %arg2[%get3A_2, %get3A_3] : memref<128x128xf32, #tpu.memory_space<vmem>>, vector<128x128xf32>
    %slice3A_5 = vector.extract_strided_slice %get3A_4 {offsets = [0, 0], sizes = [128, 64], strides = [1, 1]} : vector<128x128xf32> to vector<128x64xf32>
    %broadcast_in_dim3A = vector.shape_cast %slice3A_5 : vector<128x64xf32> to vector<128x1x64xf32>
    %broadcast_in_dim3A_6 = vector.shape_cast %broadcast_in_dim3A : vector<128x1x64xf32> to vector<128x1x64xf32>
    %broadcast_in_dim3A_7 = vector.broadcast %broadcast_in_dim3A_6 : vector<128x1x64xf32> to vector<128x20x64xf32>
    %reshape3A = vector.shape_cast %broadcast_in_dim3A_7 : vector<128x20x64xf32> to vector<2560x64xf32>
    %sub3A = arith.subf %slice3A, %reshape3A : vector<2560x64xf32>
    %concatenate3A = tpu.concatenate %sub3A, %reshape3A in 1 : vector<2560x64xf32>, vector<2560x64xf32> -> vector<2560x128xf32>
    %get3A_8 = arith.constant 0 : index
    %get3A_9 = arith.constant 0 : index
    %get3A_10 = vector.load %arg3[%get3A_8, %get3A_9] : memref<128x128xf32, #tpu.memory_space<vmem>>, vector<128x128xf32>
    %dot_general3A = arith.constant dense<0.000000e+00> : vector<2560x128xf32>
    %dot_general3A_11 = tpu.matmul %concatenate3A, %get3A_10, %dot_general3A {dimension_numbers = #tpu.dot_dimension_numbers<[1], [0], [0], [1], [0, 0, 1, 1], [], []>, transpose_lhs_hint = false} : vector<2560x128xf32>, vector<128x128xf32>, vector<2560x128xf32> -> vector<2560x128xf32>
    %reshape3A_12 = vector.shape_cast %dot_general3A_11 : vector<2560x128xf32> to vector<128x20x128xf32>
    %reduce_max3A = arith.constant dense<0xFF800000> : vector<128x128xf32>
    %reduce_max3A_13 = vector.multi_reduction <maximumf>, %reshape3A_12, %reduce_max3A [1] : vector<128x20x128xf32> to vector<128x128xf32>
    %swap3A = arith.constant 0 : index
    %swap3A_14 = arith.constant 0 : index
    %swap3A_15 = vector.load %arg4[%swap3A, %swap3A_14] : memref<128x128xf32, #tpu.memory_space<vmem>>, vector<128x128xf32>
    tpu.vector_store %arg4[%swap3A, %swap3A_14], %reduce_max3A_13 {strides = array<i32>} : memref<128x128xf32, #tpu.memory_space<vmem>>, vector<128x128xf32>,
    %reduce_sum3A = arith.constant dense<0.000000e+00> : vector<128xf32>
    %reduce_sum3A_16 = vector.multi_reduction <add>, %dot_general3A_11, %reduce_sum3A [0] : vector<2560x128xf32> to vector<128xf32>
    %broadcast_in_dim3A_17 = vector.shape_cast %reduce_sum3A_16 : vector<128xf32> to vector<1x128xf32>
    %mul3A = arith.mulf %dot_general3A_11, %dot_general3A_11 : vector<2560x128xf32>
    %reduce_sum3A_18 = arith.constant dense<0.000000e+00> : vector<128xf32>
    %reduce_sum3A_19 = vector.multi_reduction <add>, %mul3A, %reduce_sum3A_18 [0] : vector<2560x128xf32> to vector<128xf32>
    %broadcast_in_dim3A_20 = vector.shape_cast %reduce_sum3A_19 : vector<128xf32> to vector<1x128xf32>
    %broadcast_in_dim3A_21 = arith.constant 0.000000e+00 : f32
    %broadcast_in_dim3A_22 = vector.broadcast %broadcast_in_dim3A_21 : f32 to vector<6x128xf32>
    %concatenate3A_23 = tpu.concatenate %broadcast_in_dim3A_17, %broadcast_in_dim3A_20, %broadcast_in_dim3A_22 in 0 : vector<1x128xf32>, vector<1x128xf32>, vector<6x128xf32> -> vector<8x128xf32>
    %eq3A = arith.constant 0 : i32
    %eq3A_24 = arith.cmpi eq, %arg0, %eq3A : i32
    %convert_element_type3A = arith.extui %eq3A_24 : i1 to i32
    %cond3A = arith.constant 0 : i32
    %cond3A_25 = arith.cmpi ne, %convert_element_type3A, %cond3A : i32
    scf.if %cond3A_25 {
      %broadcast_in_dim3A_32 = arith.constant 0.000000e+00 : f32
      %broadcast_in_dim3A_33 = vector.broadcast %broadcast_in_dim3A_32 : f32 to vector<8x128xf32>
      %swap3A_34 = arith.constant 0 : index
      %swap3A_35 = arith.constant 0 : index
      %swap3A_36 = vector.load %arg5[%swap3A_34, %swap3A_35] : memref<8x128xf32, #tpu.memory_space<vmem>>, vector<8x128xf32>
      tpu.vector_store %arg5[%swap3A_34, %swap3A_35], %broadcast_in_dim3A_33 {strides = array<i32>} : memref<8x128xf32, #tpu.memory_space<vmem>>, vector<8x128xf32>,
    } else {
    }
    %get3A_26 = arith.constant 0 : index
    %get3A_27 = arith.constant 0 : index
    %get3A_28 = vector.load %arg5[%get3A_26, %get3A_27] : memref<8x128xf32, #tpu.memory_space<vmem>>, vector<8x128xf32>
    %add3A = arith.addf %get3A_28, %concatenate3A_23 : vector<8x128xf32>
    %swap3A_29 = arith.constant 0 : index
    %swap3A_30 = arith.constant 0 : index
    %swap3A_31 = vector.load %arg5[%swap3A_29, %swap3A_30] : memref<8x128xf32, #tpu.memory_space<vmem>>, vector<8x128xf32>
    tpu.vector_store %arg5[%swap3A_29, %swap3A_30], %add3A {strides = array<i32>} : memref<8x128xf32, #tpu.memory_space<vmem>>, vector<8x128xf32>,
    return
  }
  func.func @transform_0(%arg0: i32) -> (i32, i32) {
    %c0_i32 = arith.constant 0 : i32
    %c0_i32_0 = arith.constant 0 : i32
    return %arg0, %c0_i32 : i32, i32
  }
  func.func @transform_1(%arg0: i32) -> (i32, i32) {
    %c0_i32 = arith.constant 0 : i32
    %c0_i32_0 = arith.constant 0 : i32
    return %arg0, %c0_i32 : i32, i32
  }
  func.func @transform_2(%arg0: i32) -> (i32, i32) {
    %c0_i32 = arith.constant 0 : i32
    %c0_i32_0 = arith.constant 0 : i32
    %c0_i32_1 = arith.constant 0 : i32
    return %c0_i32, %c0_i32_0 : i32, i32
  }
  func.func @transform_3(%arg0: i32) -> (i32, i32) {
    %c0_i32 = arith.constant 0 : i32
    %c0_i32_0 = arith.constant 0 : i32
    return %arg0, %c0_i32 : i32, i32
  }
  func.func @transform_4(%arg0: i32) -> (i32, i32) {
    %c0_i32 = arith.constant 0 : i32
    %c0_i32_0 = arith.constant 0 : i32
    %c0_i32_1 = arith.constant 0 : i32
    return %c0_i32, %c0_i32_0 : i32, i32
  }
}

module attributes {stable_mosaic.version = 14 : i64} {
  func.func @_norm_body(%arg0: i32, %arg1: memref<2048x128xf32, #tpu.memory_space<vmem>>, %arg2: memref<1x128xf32, #tpu.memory_space<vmem>>, %arg3: memref<1x128xf32, #tpu.memory_space<vmem>>, %arg4: memref<1x128xf32, #tpu.memory_space<vmem>>, %arg5: memref<1x128xf32, #tpu.memory_space<vmem>>, %arg6: memref<2048x128xf32, #tpu.memory_space<vmem>>) attributes {dimension_semantics = [#tpu.dimension_semantics<arbitrary>], iteration_bounds = array<i64: 8>, scalar_prefetch = 0 : i64, scratch_operands = 0 : i64, tpu.core_type = #tpu.core_type<tc>, window_params = [{transform_indices = @transform_0, window_bounds = array<i64: 2048, 128>}, {pipeline_mode = #tpu.pipeline_mode<synchronous>, transform_indices = @transform_1, window_bounds = array<i64: 1, 128>}, {pipeline_mode = #tpu.pipeline_mode<synchronous>, transform_indices = @transform_2, window_bounds = array<i64: 1, 128>}, {pipeline_mode = #tpu.pipeline_mode<synchronous>, transform_indices = @transform_3, window_bounds = array<i64: 1, 128>}, {pipeline_mode = #tpu.pipeline_mode<synchronous>, transform_indices = @transform_4, window_bounds = array<i64: 1, 128>}, {transform_indices = @transform_5, window_bounds = array<i64: 2048, 128>}]} {
    %get3A = arith.constant 0 : index
    %get3A_0 = arith.constant 0 : index
    %get3A_1 = vector.load %arg4[%get3A, %get3A_0] : memref<1x128xf32, #tpu.memory_space<vmem>>, vector<1x128xf32>
    %get3A_2 = arith.constant 0 : index
    %get3A_3 = arith.constant 0 : index
    %get3A_4 = vector.load %arg1[%get3A_2, %get3A_3] : memref<2048x128xf32, #tpu.memory_space<vmem>>, vector<2048x128xf32>
    %get3A_5 = arith.constant 0 : index
    %get3A_6 = arith.constant 0 : index
    %get3A_7 = vector.load %arg2[%get3A_5, %get3A_6] : memref<1x128xf32, #tpu.memory_space<vmem>>, vector<1x128xf32>
    %sub3A = vector.broadcast %get3A_7 : vector<1x128xf32> to vector<2048x128xf32>
    %sub3A_8 = arith.subf %get3A_4, %sub3A : vector<2048x128xf32>
    %mul3A = vector.broadcast %get3A_1 : vector<1x128xf32> to vector<2048x128xf32>
    %mul3A_9 = arith.mulf %mul3A, %sub3A_8 : vector<2048x128xf32>
    %get3A_10 = arith.constant 0 : index
    %get3A_11 = arith.constant 0 : index
    %get3A_12 = vector.load %arg3[%get3A_10, %get3A_11] : memref<1x128xf32, #tpu.memory_space<vmem>>, vector<1x128xf32>
    %div3A = vector.broadcast %get3A_12 : vector<1x128xf32> to vector<2048x128xf32>
    %div3A_13 = arith.divf %mul3A_9, %div3A : vector<2048x128xf32>
    %get3A_14 = arith.constant 0 : index
    %get3A_15 = arith.constant 0 : index
    %get3A_16 = vector.load %arg5[%get3A_14, %get3A_15] : memref<1x128xf32, #tpu.memory_space<vmem>>, vector<1x128xf32>
    %add3A = vector.broadcast %get3A_16 : vector<1x128xf32> to vector<2048x128xf32>
    %add3A_17 = arith.addf %div3A_13, %add3A : vector<2048x128xf32>
    %ge3A = arith.constant 0.000000e+00 : f32
    %ge3A_18 = vector.broadcast %ge3A : f32 to vector<2048x128xf32>
    %ge3A_19 = arith.cmpf oge, %add3A_17, %ge3A_18 : vector<2048x128xf32>
    %mul3A_20 = arith.constant 2.000000e-01 : f32
    %mul3A_21 = vector.broadcast %mul3A_20 : f32 to vector<2048x128xf32>
    %mul3A_22 = arith.mulf %mul3A_21, %add3A_17 : vector<2048x128xf32>
    %select_n3A = arith.select %ge3A_19, %add3A_17, %mul3A_22 : vector<2048x128xi1>, vector<2048x128xf32>
    %swap3A = arith.constant 0 : index
    %swap3A_23 = arith.constant 0 : index
    %swap3A_24 = vector.load %arg6[%swap3A, %swap3A_23] : memref<2048x128xf32, #tpu.memory_space<vmem>>, vector<2048x128xf32>
    tpu.vector_store %arg6[%swap3A, %swap3A_23], %select_n3A {strides = array<i32>} : memref<2048x128xf32, #tpu.memory_space<vmem>>, vector<2048x128xf32>,
    return
  }
  func.func @transform_0(%arg0: i32) -> (i32, i32) {
    %c0_i32 = arith.constant 0 : i32
    %c0_i32_0 = arith.constant 0 : i32
    return %arg0, %c0_i32 : i32, i32
  }
  func.func @transform_1(%arg0: i32) -> (i32, i32) {
    %c0_i32 = arith.constant 0 : i32
    %c0_i32_0 = arith.constant 0 : i32
    %c0_i32_1 = arith.constant 0 : i32
    return %c0_i32, %c0_i32_0 : i32, i32
  }
  func.func @transform_2(%arg0: i32) -> (i32, i32) {
    %c0_i32 = arith.constant 0 : i32
    %c0_i32_0 = arith.constant 0 : i32
    %c0_i32_1 = arith.constant 0 : i32
    return %c0_i32, %c0_i32_0 : i32, i32
  }
  func.func @transform_3(%arg0: i32) -> (i32, i32) {
    %c0_i32 = arith.constant 0 : i32
    %c0_i32_0 = arith.constant 0 : i32
    %c0_i32_1 = arith.constant 0 : i32
    return %c0_i32, %c0_i32_0 : i32, i32
  }
  func.func @transform_4(%arg0: i32) -> (i32, i32) {
    %c0_i32 = arith.constant 0 : i32
    %c0_i32_0 = arith.constant 0 : i32
    %c0_i32_1 = arith.constant 0 : i32
    return %c0_i32, %c0_i32_0 : i32, i32
  }
  func.func @transform_5(%arg0: i32) -> (i32, i32) {
    %c0_i32 = arith.constant 0 : i32
    %c0_i32_0 = arith.constant 0 : i32
    return %arg0, %c0_i32 : i32, i32
  }
}

module attributes {stable_mosaic.version = 14 : i64} {
  func.func @_topk_body(%arg0: i32, %arg1: i32, %arg2: memref<256x128xf32, #tpu.memory_space<vmem>>, %arg3: memref<1x128x2048xf32, #tpu.memory_space<vmem>>, %arg4: memref<256x1xf32, #tpu.memory_space<vmem>>, %arg5: memref<1x1x2048xf32, #tpu.memory_space<vmem>>, %arg6: memref<256x20xi32, #tpu.memory_space<vmem>>, %arg7: memref<256x2048xf32, #tpu.memory_space<vmem>>) attributes {dimension_semantics = [#tpu.dimension_semantics<arbitrary>, #tpu.dimension_semantics<arbitrary>], iteration_bounds = array<i64: 8, 8>, scalar_prefetch = 0 : i64, scratch_operands = 1 : i64, tpu.core_type = #tpu.core_type<tc>, window_params = [{transform_indices = @transform_0, window_bounds = array<i64: 256, 128>}, {transform_indices = @transform_1, window_bounds = array<i64: 1, 128, 2048>}, {transform_indices = @transform_2, window_bounds = array<i64: 256, 1>}, {transform_indices = @transform_3, window_bounds = array<i64: 1, 1, 2048>}, {transform_indices = @transform_4, window_bounds = array<i64: 256, 20>}]} {
    %get3A = arith.constant 0 : index
    %get3A_0 = arith.constant 0 : index
    %get3A_1 = vector.load %arg2[%get3A, %get3A_0] : memref<256x128xf32, #tpu.memory_space<vmem>>, vector<256x128xf32>
    %get3A_2 = arith.constant 0 : index
    %get3A_3 = arith.constant 0 : index
    %get3A_4 = arith.constant 0 : index
    %get3A_5 = vector.load %arg3[%get3A_2, %get3A_3, %get3A_4] : memref<1x128x2048xf32, #tpu.memory_space<vmem>>, vector<1x128x2048xf32>
    %get3A_6 = vector.shape_cast %get3A_5 : vector<1x128x2048xf32> to vector<128x2048xf32>
    %dot_general3A = arith.constant dense<0.000000e+00> : vector<256x2048xf32>
    %dot_general3A_7 = tpu.matmul %get3A_1, %get3A_6, %dot_general3A {dimension_numbers = #tpu.dot_dimension_numbers<[1], [0], [0], [1], [0, 0, 1, 1], [], []>, transpose_lhs_hint = false} : vector<256x128xf32>, vector<128x2048xf32>, vector<256x2048xf32> -> vector<256x2048xf32>
    %mul3A = arith.constant 2.000000e+00 : f32
    %mul3A_8 = vector.broadcast %mul3A : f32 to vector<256x2048xf32>
    %mul3A_9 = arith.mulf %mul3A_8, %dot_general3A_7 : vector<256x2048xf32>
    %get3A_10 = arith.constant 0 : index
    %get3A_11 = arith.constant 0 : index
    %get3A_12 = arith.constant 0 : index
    %get3A_13 = vector.load %arg5[%get3A_10, %get3A_11, %get3A_12] : memref<1x1x2048xf32, #tpu.memory_space<vmem>>, vector<1x1x2048xf32>
    %get3A_14 = vector.shape_cast %get3A_13 : vector<1x1x2048xf32> to vector<1x2048xf32>
    %sub3A = vector.broadcast %get3A_14 : vector<1x2048xf32> to vector<256x2048xf32>
    %sub3A_15 = arith.subf %mul3A_9, %sub3A : vector<256x2048xf32>
    %get3A_16 = arith.constant 0 : index
    %get3A_17 = arith.constant 0 : index
    %get3A_18 = vector.load %arg4[%get3A_16, %get3A_17] : memref<256x1xf32, #tpu.memory_space<vmem>>, vector<256x1xf32>
    %sub3A_19 = vector.broadcast %get3A_18 : vector<256x1xf32> to vector<256x2048xf32>
    %sub3A_20 = arith.subf %sub3A_15, %sub3A_19 : vector<256x2048xf32>
    %swap3A = arith.constant 0 : index
    %swap3A_21 = arith.constant 0 : index
    %swap3A_22 = vector.load %arg7[%swap3A, %swap3A_21] : memref<256x2048xf32, #tpu.memory_space<vmem>>, vector<256x2048xf32>
    tpu.vector_store %arg7[%swap3A, %swap3A_21], %sub3A_20 {strides = array<i32>} : memref<256x2048xf32, #tpu.memory_space<vmem>>, vector<256x2048xf32>,
    %iota3A = tpu.iota {dimensions = array<i32: 1>} : vector<256x2048xi32>
    %get3A_23 = arith.constant 0 : index
    %get3A_24 = arith.constant 0 : index
    %get3A_25 = vector.load %arg7[%get3A_23, %get3A_24] : memref<256x2048xf32, #tpu.memory_space<vmem>>, vector<256x2048xf32>
    %reduce_max3A = arith.constant dense<0xFF800000> : vector<256xf32>
    %reduce_max3A_26 = vector.multi_reduction <maximumf>, %get3A_25, %reduce_max3A [1] : vector<256x2048xf32> to vector<256xf32>
    %broadcast_in_dim3A = vector.shape_cast %reduce_max3A_26 : vector<256xf32> to vector<256x1xf32>
    %eq3A = vector.broadcast %broadcast_in_dim3A : vector<256x1xf32> to vector<256x2048xf32>
    %eq3A_27 = arith.cmpf oeq, %get3A_25, %eq3A : vector<256x2048xf32>
    %jit3A = arith.constant 2048 : i32
    %broadcast_in_dim3A_28 = vector.broadcast %jit3A : i32 to vector<256x2048xi32>
    %select_n3A = arith.select %eq3A_27, %iota3A, %broadcast_in_dim3A_28 : vector<256x2048xi1>, vector<256x2048xi32>
    %reduce_min3A = arith.constant dense<2147483647> : vector<256xi32>
    %reduce_min3A_29 = vector.multi_reduction <minsi>, %select_n3A, %reduce_min3A [1] : vector<256x2048xi32> to vector<256xi32>
    %broadcast_in_dim3A_30 = vector.shape_cast %reduce_min3A_29 : vector<256xi32> to vector<256x1xi32>
    %eq3A_31 = vector.broadcast %broadcast_in_dim3A_30 : vector<256x1xi32> to vector<256x2048xi32>
    %eq3A_32 = arith.cmpi eq, %iota3A, %eq3A_31 : vector<256x2048xi32>
    %jit3A_33 = arith.constant -3.000000e+38 : f32
    %broadcast_in_dim3A_34 = vector.broadcast %jit3A_33 : f32 to vector<256x2048xf32>
    %select_n3A_35 = arith.select %eq3A_32, %broadcast_in_dim3A_34, %get3A_25 : vector<256x2048xi1>, vector<256x2048xf32>
    %swap3A_36 = arith.constant 0 : index
    %swap3A_37 = arith.constant 0 : index
    %swap3A_38 = vector.load %arg7[%swap3A_36, %swap3A_37] : memref<256x2048xf32, #tpu.memory_space<vmem>>, vector<256x2048xf32>
    tpu.vector_store %arg7[%swap3A_36, %swap3A_37], %select_n3A_35 {strides = array<i32>} : memref<256x2048xf32, #tpu.memory_space<vmem>>, vector<256x2048xf32>,
    %get3A_39 = arith.constant 0 : index
    %get3A_40 = arith.constant 0 : index
    %get3A_41 = vector.load %arg7[%get3A_39, %get3A_40] : memref<256x2048xf32, #tpu.memory_space<vmem>>, vector<256x2048xf32>
    %reduce_max3A_42 = arith.constant dense<0xFF800000> : vector<256xf32>
    %reduce_max3A_43 = vector.multi_reduction <maximumf>, %get3A_41, %reduce_max3A_42 [1] : vector<256x2048xf32> to vector<256xf32>
    %broadcast_in_dim3A_44 = vector.shape_cast %reduce_max3A_43 : vector<256xf32> to vector<256x1xf32>
    %eq3A_45 = vector.broadcast %broadcast_in_dim3A_44 : vector<256x1xf32> to vector<256x2048xf32>
    %eq3A_46 = arith.cmpf oeq, %get3A_41, %eq3A_45 : vector<256x2048xf32>
    %jit3A_47 = arith.constant 2048 : i32
    %broadcast_in_dim3A_48 = vector.broadcast %jit3A_47 : i32 to vector<256x2048xi32>
    %select_n3A_49 = arith.select %eq3A_46, %iota3A, %broadcast_in_dim3A_48 : vector<256x2048xi1>, vector<256x2048xi32>
    %reduce_min3A_50 = arith.constant dense<2147483647> : vector<256xi32>
    %reduce_min3A_51 = vector.multi_reduction <minsi>, %select_n3A_49, %reduce_min3A_50 [1] : vector<256x2048xi32> to vector<256xi32>
    %broadcast_in_dim3A_52 = vector.shape_cast %reduce_min3A_51 : vector<256xi32> to vector<256x1xi32>
    %eq3A_53 = vector.broadcast %broadcast_in_dim3A_52 : vector<256x1xi32> to vector<256x2048xi32>
    %eq3A_54 = arith.cmpi eq, %iota3A, %eq3A_53 : vector<256x2048xi32>
    %jit3A_55 = arith.constant -3.000000e+38 : f32
    %broadcast_in_dim3A_56 = vector.broadcast %jit3A_55 : f32 to vector<256x2048xf32>
    %select_n3A_57 = arith.select %eq3A_54, %broadcast_in_dim3A_56, %get3A_41 : vector<256x2048xi1>, vector<256x2048xf32>
    %swap3A_58 = arith.constant 0 : index
    %swap3A_59 = arith.constant 0 : index
    %swap3A_60 = vector.load %arg7[%swap3A_58, %swap3A_59] : memref<256x2048xf32, #tpu.memory_space<vmem>>, vector<256x2048xf32>
    tpu.vector_store %arg7[%swap3A_58, %swap3A_59], %select_n3A_57 {strides = array<i32>} : memref<256x2048xf32, #tpu.memory_space<vmem>>, vector<256x2048xf32>,
    %get3A_61 = arith.constant 0 : index
    %get3A_62 = arith.constant 0 : index
    %get3A_63 = vector.load %arg7[%get3A_61, %get3A_62] : memref<256x2048xf32, #tpu.memory_space<vmem>>, vector<256x2048xf32>
    %reduce_max3A_64 = arith.constant dense<0xFF800000> : vector<256xf32>
    %reduce_max3A_65 = vector.multi_reduction <maximumf>, %get3A_63, %reduce_max3A_64 [1] : vector<256x2048xf32> to vector<256xf32>
    %broadcast_in_dim3A_66 = vector.shape_cast %reduce_max3A_65 : vector<256xf32> to vector<256x1xf32>
    %eq3A_67 = vector.broadcast %broadcast_in_dim3A_66 : vector<256x1xf32> to vector<256x2048xf32>
    %eq3A_68 = arith.cmpf oeq, %get3A_63, %eq3A_67 : vector<256x2048xf32>
    %jit3A_69 = arith.constant 2048 : i32
    %broadcast_in_dim3A_70 = vector.broadcast %jit3A_69 : i32 to vector<256x2048xi32>
    %select_n3A_71 = arith.select %eq3A_68, %iota3A, %broadcast_in_dim3A_70 : vector<256x2048xi1>, vector<256x2048xi32>
    %reduce_min3A_72 = arith.constant dense<2147483647> : vector<256xi32>
    %reduce_min3A_73 = vector.multi_reduction <minsi>, %select_n3A_71, %reduce_min3A_72 [1] : vector<256x2048xi32> to vector<256xi32>
    %broadcast_in_dim3A_74 = vector.shape_cast %reduce_min3A_73 : vector<256xi32> to vector<256x1xi32>
    %eq3A_75 = vector.broadcast %broadcast_in_dim3A_74 : vector<256x1xi32> to vector<256x2048xi32>
    %eq3A_76 = arith.cmpi eq, %iota3A, %eq3A_75 : vector<256x2048xi32>
    %jit3A_77 = arith.constant -3.000000e+38 : f32
    %broadcast_in_dim3A_78 = vector.broadcast %jit3A_77 : f32 to vector<256x2048xf32>
    %select_n3A_79 = arith.select %eq3A_76, %broadcast_in_dim3A_78, %get3A_63 : vector<256x2048xi1>, vector<256x2048xf32>
    %swap3A_80 = arith.constant 0 : index
    %swap3A_81 = arith.constant 0 : index
    %swap3A_82 = vector.load %arg7[%swap3A_80, %swap3A_81] : memref<256x2048xf32, #tpu.memory_space<vmem>>, vector<256x2048xf32>
    tpu.vector_store %arg7[%swap3A_80, %swap3A_81], %select_n3A_79 {strides = array<i32>} : memref<256x2048xf32, #tpu.memory_space<vmem>>, vector<256x2048xf32>,
    %get3A_83 = arith.constant 0 : index
    %get3A_84 = arith.constant 0 : index
    %get3A_85 = vector.load %arg7[%get3A_83, %get3A_84] : memref<256x2048xf32, #tpu.memory_space<vmem>>, vector<256x2048xf32>
    %reduce_max3A_86 = arith.constant dense<0xFF800000> : vector<256xf32>
    %reduce_max3A_87 = vector.multi_reduction <maximumf>, %get3A_85, %reduce_max3A_86 [1] : vector<256x2048xf32> to vector<256xf32>
    %broadcast_in_dim3A_88 = vector.shape_cast %reduce_max3A_87 : vector<256xf32> to vector<256x1xf32>
    %eq3A_89 = vector.broadcast %broadcast_in_dim3A_88 : vector<256x1xf32> to vector<256x2048xf32>
    %eq3A_90 = arith.cmpf oeq, %get3A_85, %eq3A_89 : vector<256x2048xf32>
    %jit3A_91 = arith.constant 2048 : i32
    %broadcast_in_dim3A_92 = vector.broadcast %jit3A_91 : i32 to vector<256x2048xi32>
    %select_n3A_93 = arith.select %eq3A_90, %iota3A, %broadcast_in_dim3A_92 : vector<256x2048xi1>, vector<256x2048xi32>
    %reduce_min3A_94 = arith.constant dense<2147483647> : vector<256xi32>
    %reduce_min3A_95 = vector.multi_reduction <minsi>, %select_n3A_93, %reduce_min3A_94 [1] : vector<256x2048xi32> to vector<256xi32>
    %broadcast_in_dim3A_96 = vector.shape_cast %reduce_min3A_95 : vector<256xi32> to vector<256x1xi32>
    %eq3A_97 = vector.broadcast %broadcast_in_dim3A_96 : vector<256x1xi32> to vector<256x2048xi32>
    %eq3A_98 = arith.cmpi eq, %iota3A, %eq3A_97 : vector<256x2048xi32>
    %jit3A_99 = arith.constant -3.000000e+38 : f32
    %broadcast_in_dim3A_100 = vector.broadcast %jit3A_99 : f32 to vector<256x2048xf32>
    %select_n3A_101 = arith.select %eq3A_98, %broadcast_in_dim3A_100, %get3A_85 : vector<256x2048xi1>, vector<256x2048xf32>
    %swap3A_102 = arith.constant 0 : index
    %swap3A_103 = arith.constant 0 : index
    %swap3A_104 = vector.load %arg7[%swap3A_102, %swap3A_103] : memref<256x2048xf32, #tpu.memory_space<vmem>>, vector<256x2048xf32>
    tpu.vector_store %arg7[%swap3A_102, %swap3A_103], %select_n3A_101 {strides = array<i32>} : memref<256x2048xf32, #tpu.memory_space<vmem>>, vector<256x2048xf32>,
    %get3A_105 = arith.constant 0 : index
    %get3A_106 = arith.constant 0 : index
    %get3A_107 = vector.load %arg7[%get3A_105, %get3A_106] : memref<256x2048xf32, #tpu.memory_space<vmem>>, vector<256x2048xf32>
    %reduce_max3A_108 = arith.constant dense<0xFF800000> : vector<256xf32>
    %reduce_max3A_109 = vector.multi_reduction <maximumf>, %get3A_107, %reduce_max3A_108 [1] : vector<256x2048xf32> to vector<256xf32>
    %broadcast_in_dim3A_110 = vector.shape_cast %reduce_max3A_109 : vector<256xf32> to vector<256x1xf32>
    %eq3A_111 = vector.broadcast %broadcast_in_dim3A_110 : vector<256x1xf32> to vector<256x2048xf32>
    %eq3A_112 = arith.cmpf oeq, %get3A_107, %eq3A_111 : vector<256x2048xf32>
    %jit3A_113 = arith.constant 2048 : i32
    %broadcast_in_dim3A_114 = vector.broadcast %jit3A_113 : i32 to vector<256x2048xi32>
    %select_n3A_115 = arith.select %eq3A_112, %iota3A, %broadcast_in_dim3A_114 : vector<256x2048xi1>, vector<256x2048xi32>
    %reduce_min3A_116 = arith.constant dense<2147483647> : vector<256xi32>
    %reduce_min3A_117 = vector.multi_reduction <minsi>, %select_n3A_115, %reduce_min3A_116 [1] : vector<256x2048xi32> to vector<256xi32>
    %broadcast_in_dim3A_118 = vector.shape_cast %reduce_min3A_117 : vector<256xi32> to vector<256x1xi32>
    %eq3A_119 = vector.broadcast %broadcast_in_dim3A_118 : vector<256x1xi32> to vector<256x2048xi32>
    %eq3A_120 = arith.cmpi eq, %iota3A, %eq3A_119 : vector<256x2048xi32>
    %jit3A_121 = arith.constant -3.000000e+38 : f32
    %broadcast_in_dim3A_122 = vector.broadcast %jit3A_121 : f32 to vector<256x2048xf32>
    %select_n3A_123 = arith.select %eq3A_120, %broadcast_in_dim3A_122, %get3A_107 : vector<256x2048xi1>, vector<256x2048xf32>
    %swap3A_124 = arith.constant 0 : index
    %swap3A_125 = arith.constant 0 : index
    %swap3A_126 = vector.load %arg7[%swap3A_124, %swap3A_125] : memref<256x2048xf32, #tpu.memory_space<vmem>>, vector<256x2048xf32>
    tpu.vector_store %arg7[%swap3A_124, %swap3A_125], %select_n3A_123 {strides = array<i32>} : memref<256x2048xf32, #tpu.memory_space<vmem>>, vector<256x2048xf32>,
    %get3A_127 = arith.constant 0 : index
    %get3A_128 = arith.constant 0 : index
    %get3A_129 = vector.load %arg7[%get3A_127, %get3A_128] : memref<256x2048xf32, #tpu.memory_space<vmem>>, vector<256x2048xf32>
    %reduce_max3A_130 = arith.constant dense<0xFF800000> : vector<256xf32>
    %reduce_max3A_131 = vector.multi_reduction <maximumf>, %get3A_129, %reduce_max3A_130 [1] : vector<256x2048xf32> to vector<256xf32>
    %broadcast_in_dim3A_132 = vector.shape_cast %reduce_max3A_131 : vector<256xf32> to vector<256x1xf32>
    %eq3A_133 = vector.broadcast %broadcast_in_dim3A_132 : vector<256x1xf32> to vector<256x2048xf32>
    %eq3A_134 = arith.cmpf oeq, %get3A_129, %eq3A_133 : vector<256x2048xf32>
    %jit3A_135 = arith.constant 2048 : i32
    %broadcast_in_dim3A_136 = vector.broadcast %jit3A_135 : i32 to vector<256x2048xi32>
    %select_n3A_137 = arith.select %eq3A_134, %iota3A, %broadcast_in_dim3A_136 : vector<256x2048xi1>, vector<256x2048xi32>
    %reduce_min3A_138 = arith.constant dense<2147483647> : vector<256xi32>
    %reduce_min3A_139 = vector.multi_reduction <minsi>, %select_n3A_137, %reduce_min3A_138 [1] : vector<256x2048xi32> to vector<256xi32>
    %broadcast_in_dim3A_140 = vector.shape_cast %reduce_min3A_139 : vector<256xi32> to vector<256x1xi32>
    %eq3A_141 = vector.broadcast %broadcast_in_dim3A_140 : vector<256x1xi32> to vector<256x2048xi32>
    %eq3A_142 = arith.cmpi eq, %iota3A, %eq3A_141 : vector<256x2048xi32>
    %jit3A_143 = arith.constant -3.000000e+38 : f32
    %broadcast_in_dim3A_144 = vector.broadcast %jit3A_143 : f32 to vector<256x2048xf32>
    %select_n3A_145 = arith.select %eq3A_142, %broadcast_in_dim3A_144, %get3A_129 : vector<256x2048xi1>, vector<256x2048xf32>
    %swap3A_146 = arith.constant 0 : index
    %swap3A_147 = arith.constant 0 : index
    %swap3A_148 = vector.load %arg7[%swap3A_146, %swap3A_147] : memref<256x2048xf32, #tpu.memory_space<vmem>>, vector<256x2048xf32>
    tpu.vector_store %arg7[%swap3A_146, %swap3A_147], %select_n3A_145 {strides = array<i32>} : memref<256x2048xf32, #tpu.memory_space<vmem>>, vector<256x2048xf32>,
    %get3A_149 = arith.constant 0 : index
    %get3A_150 = arith.constant 0 : index
    %get3A_151 = vector.load %arg7[%get3A_149, %get3A_150] : memref<256x2048xf32, #tpu.memory_space<vmem>>, vector<256x2048xf32>
    %reduce_max3A_152 = arith.constant dense<0xFF800000> : vector<256xf32>
    %reduce_max3A_153 = vector.multi_reduction <maximumf>, %get3A_151, %reduce_max3A_152 [1] : vector<256x2048xf32> to vector<256xf32>
    %broadcast_in_dim3A_154 = vector.shape_cast %reduce_max3A_153 : vector<256xf32> to vector<256x1xf32>
    %eq3A_155 = vector.broadcast %broadcast_in_dim3A_154 : vector<256x1xf32> to vector<256x2048xf32>
    %eq3A_156 = arith.cmpf oeq, %get3A_151, %eq3A_155 : vector<256x2048xf32>
    %jit3A_157 = arith.constant 2048 : i32
    %broadcast_in_dim3A_158 = vector.broadcast %jit3A_157 : i32 to vector<256x2048xi32>
    %select_n3A_159 = arith.select %eq3A_156, %iota3A, %broadcast_in_dim3A_158 : vector<256x2048xi1>, vector<256x2048xi32>
    %reduce_min3A_160 = arith.constant dense<2147483647> : vector<256xi32>
    %reduce_min3A_161 = vector.multi_reduction <minsi>, %select_n3A_159, %reduce_min3A_160 [1] : vector<256x2048xi32> to vector<256xi32>
    %broadcast_in_dim3A_162 = vector.shape_cast %reduce_min3A_161 : vector<256xi32> to vector<256x1xi32>
    %eq3A_163 = vector.broadcast %broadcast_in_dim3A_162 : vector<256x1xi32> to vector<256x2048xi32>
    %eq3A_164 = arith.cmpi eq, %iota3A, %eq3A_163 : vector<256x2048xi32>
    %jit3A_165 = arith.constant -3.000000e+38 : f32
    %broadcast_in_dim3A_166 = vector.broadcast %jit3A_165 : f32 to vector<256x2048xf32>
    %select_n3A_167 = arith.select %eq3A_164, %broadcast_in_dim3A_166, %get3A_151 : vector<256x2048xi1>, vector<256x2048xf32>
    %swap3A_168 = arith.constant 0 : index
    %swap3A_169 = arith.constant 0 : index
    %swap3A_170 = vector.load %arg7[%swap3A_168, %swap3A_169] : memref<256x2048xf32, #tpu.memory_space<vmem>>, vector<256x2048xf32>
    tpu.vector_store %arg7[%swap3A_168, %swap3A_169], %select_n3A_167 {strides = array<i32>} : memref<256x2048xf32, #tpu.memory_space<vmem>>, vector<256x2048xf32>,
    %get3A_171 = arith.constant 0 : index
    %get3A_172 = arith.constant 0 : index
    %get3A_173 = vector.load %arg7[%get3A_171, %get3A_172] : memref<256x2048xf32, #tpu.memory_space<vmem>>, vector<256x2048xf32>
    %reduce_max3A_174 = arith.constant dense<0xFF800000> : vector<256xf32>
    %reduce_max3A_175 = vector.multi_reduction <maximumf>, %get3A_173, %reduce_max3A_174 [1] : vector<256x2048xf32> to vector<256xf32>
    %broadcast_in_dim3A_176 = vector.shape_cast %reduce_max3A_175 : vector<256xf32> to vector<256x1xf32>
    %eq3A_177 = vector.broadcast %broadcast_in_dim3A_176 : vector<256x1xf32> to vector<256x2048xf32>
    %eq3A_178 = arith.cmpf oeq, %get3A_173, %eq3A_177 : vector<256x2048xf32>
    %jit3A_179 = arith.constant 2048 : i32
    %broadcast_in_dim3A_180 = vector.broadcast %jit3A_179 : i32 to vector<256x2048xi32>
    %select_n3A_181 = arith.select %eq3A_178, %iota3A, %broadcast_in_dim3A_180 : vector<256x2048xi1>, vector<256x2048xi32>
    %reduce_min3A_182 = arith.constant dense<2147483647> : vector<256xi32>
    %reduce_min3A_183 = vector.multi_reduction <minsi>, %select_n3A_181, %reduce_min3A_182 [1] : vector<256x2048xi32> to vector<256xi32>
    %broadcast_in_dim3A_184 = vector.shape_cast %reduce_min3A_183 : vector<256xi32> to vector<256x1xi32>
    %eq3A_185 = vector.broadcast %broadcast_in_dim3A_184 : vector<256x1xi32> to vector<256x2048xi32>
    %eq3A_186 = arith.cmpi eq, %iota3A, %eq3A_185 : vector<256x2048xi32>
    %jit3A_187 = arith.constant -3.000000e+38 : f32
    %broadcast_in_dim3A_188 = vector.broadcast %jit3A_187 : f32 to vector<256x2048xf32>
    %select_n3A_189 = arith.select %eq3A_186, %broadcast_in_dim3A_188, %get3A_173 : vector<256x2048xi1>, vector<256x2048xf32>
    %swap3A_190 = arith.constant 0 : index
    %swap3A_191 = arith.constant 0 : index
    %swap3A_192 = vector.load %arg7[%swap3A_190, %swap3A_191] : memref<256x2048xf32, #tpu.memory_space<vmem>>, vector<256x2048xf32>
    tpu.vector_store %arg7[%swap3A_190, %swap3A_191], %select_n3A_189 {strides = array<i32>} : memref<256x2048xf32, #tpu.memory_space<vmem>>, vector<256x2048xf32>,
    %get3A_193 = arith.constant 0 : index
    %get3A_194 = arith.constant 0 : index
    %get3A_195 = vector.load %arg7[%get3A_193, %get3A_194] : memref<256x2048xf32, #tpu.memory_space<vmem>>, vector<256x2048xf32>
    %reduce_max3A_196 = arith.constant dense<0xFF800000> : vector<256xf32>
    %reduce_max3A_197 = vector.multi_reduction <maximumf>, %get3A_195, %reduce_max3A_196 [1] : vector<256x2048xf32> to vector<256xf32>
    %broadcast_in_dim3A_198 = vector.shape_cast %reduce_max3A_197 : vector<256xf32> to vector<256x1xf32>
    %eq3A_199 = vector.broadcast %broadcast_in_dim3A_198 : vector<256x1xf32> to vector<256x2048xf32>
    %eq3A_200 = arith.cmpf oeq, %get3A_195, %eq3A_199 : vector<256x2048xf32>
    %jit3A_201 = arith.constant 2048 : i32
    %broadcast_in_dim3A_202 = vector.broadcast %jit3A_201 : i32 to vector<256x2048xi32>
    %select_n3A_203 = arith.select %eq3A_200, %iota3A, %broadcast_in_dim3A_202 : vector<256x2048xi1>, vector<256x2048xi32>
    %reduce_min3A_204 = arith.constant dense<2147483647> : vector<256xi32>
    %reduce_min3A_205 = vector.multi_reduction <minsi>, %select_n3A_203, %reduce_min3A_204 [1] : vector<256x2048xi32> to vector<256xi32>
    %broadcast_in_dim3A_206 = vector.shape_cast %reduce_min3A_205 : vector<256xi32> to vector<256x1xi32>
    %eq3A_207 = vector.broadcast %broadcast_in_dim3A_206 : vector<256x1xi32> to vector<256x2048xi32>
    %eq3A_208 = arith.cmpi eq, %iota3A, %eq3A_207 : vector<256x2048xi32>
    %jit3A_209 = arith.constant -3.000000e+38 : f32
    %broadcast_in_dim3A_210 = vector.broadcast %jit3A_209 : f32 to vector<256x2048xf32>
    %select_n3A_211 = arith.select %eq3A_208, %broadcast_in_dim3A_210, %get3A_195 : vector<256x2048xi1>, vector<256x2048xf32>
    %swap3A_212 = arith.constant 0 : index
    %swap3A_213 = arith.constant 0 : index
    %swap3A_214 = vector.load %arg7[%swap3A_212, %swap3A_213] : memref<256x2048xf32, #tpu.memory_space<vmem>>, vector<256x2048xf32>
    tpu.vector_store %arg7[%swap3A_212, %swap3A_213], %select_n3A_211 {strides = array<i32>} : memref<256x2048xf32, #tpu.memory_space<vmem>>, vector<256x2048xf32>,
    %get3A_215 = arith.constant 0 : index
    %get3A_216 = arith.constant 0 : index
    %get3A_217 = vector.load %arg7[%get3A_215, %get3A_216] : memref<256x2048xf32, #tpu.memory_space<vmem>>, vector<256x2048xf32>
    %reduce_max3A_218 = arith.constant dense<0xFF800000> : vector<256xf32>
    %reduce_max3A_219 = vector.multi_reduction <maximumf>, %get3A_217, %reduce_max3A_218 [1] : vector<256x2048xf32> to vector<256xf32>
    %broadcast_in_dim3A_220 = vector.shape_cast %reduce_max3A_219 : vector<256xf32> to vector<256x1xf32>
    %eq3A_221 = vector.broadcast %broadcast_in_dim3A_220 : vector<256x1xf32> to vector<256x2048xf32>
    %eq3A_222 = arith.cmpf oeq, %get3A_217, %eq3A_221 : vector<256x2048xf32>
    %jit3A_223 = arith.constant 2048 : i32
    %broadcast_in_dim3A_224 = vector.broadcast %jit3A_223 : i32 to vector<256x2048xi32>
    %select_n3A_225 = arith.select %eq3A_222, %iota3A, %broadcast_in_dim3A_224 : vector<256x2048xi1>, vector<256x2048xi32>
    %reduce_min3A_226 = arith.constant dense<2147483647> : vector<256xi32>
    %reduce_min3A_227 = vector.multi_reduction <minsi>, %select_n3A_225, %reduce_min3A_226 [1] : vector<256x2048xi32> to vector<256xi32>
    %broadcast_in_dim3A_228 = vector.shape_cast %reduce_min3A_227 : vector<256xi32> to vector<256x1xi32>
    %eq3A_229 = vector.broadcast %broadcast_in_dim3A_228 : vector<256x1xi32> to vector<256x2048xi32>
    %eq3A_230 = arith.cmpi eq, %iota3A, %eq3A_229 : vector<256x2048xi32>
    %jit3A_231 = arith.constant -3.000000e+38 : f32
    %broadcast_in_dim3A_232 = vector.broadcast %jit3A_231 : f32 to vector<256x2048xf32>
    %select_n3A_233 = arith.select %eq3A_230, %broadcast_in_dim3A_232, %get3A_217 : vector<256x2048xi1>, vector<256x2048xf32>
    %swap3A_234 = arith.constant 0 : index
    %swap3A_235 = arith.constant 0 : index
    %swap3A_236 = vector.load %arg7[%swap3A_234, %swap3A_235] : memref<256x2048xf32, #tpu.memory_space<vmem>>, vector<256x2048xf32>
    tpu.vector_store %arg7[%swap3A_234, %swap3A_235], %select_n3A_233 {strides = array<i32>} : memref<256x2048xf32, #tpu.memory_space<vmem>>, vector<256x2048xf32>,
    %get3A_237 = arith.constant 0 : index
    %get3A_238 = arith.constant 0 : index
    %get3A_239 = vector.load %arg7[%get3A_237, %get3A_238] : memref<256x2048xf32, #tpu.memory_space<vmem>>, vector<256x2048xf32>
    %reduce_max3A_240 = arith.constant dense<0xFF800000> : vector<256xf32>
    %reduce_max3A_241 = vector.multi_reduction <maximumf>, %get3A_239, %reduce_max3A_240 [1] : vector<256x2048xf32> to vector<256xf32>
    %broadcast_in_dim3A_242 = vector.shape_cast %reduce_max3A_241 : vector<256xf32> to vector<256x1xf32>
    %eq3A_243 = vector.broadcast %broadcast_in_dim3A_242 : vector<256x1xf32> to vector<256x2048xf32>
    %eq3A_244 = arith.cmpf oeq, %get3A_239, %eq3A_243 : vector<256x2048xf32>
    %jit3A_245 = arith.constant 2048 : i32
    %broadcast_in_dim3A_246 = vector.broadcast %jit3A_245 : i32 to vector<256x2048xi32>
    %select_n3A_247 = arith.select %eq3A_244, %iota3A, %broadcast_in_dim3A_246 : vector<256x2048xi1>, vector<256x2048xi32>
    %reduce_min3A_248 = arith.constant dense<2147483647> : vector<256xi32>
    %reduce_min3A_249 = vector.multi_reduction <minsi>, %select_n3A_247, %reduce_min3A_248 [1] : vector<256x2048xi32> to vector<256xi32>
    %broadcast_in_dim3A_250 = vector.shape_cast %reduce_min3A_249 : vector<256xi32> to vector<256x1xi32>
    %eq3A_251 = vector.broadcast %broadcast_in_dim3A_250 : vector<256x1xi32> to vector<256x2048xi32>
    %eq3A_252 = arith.cmpi eq, %iota3A, %eq3A_251 : vector<256x2048xi32>
    %jit3A_253 = arith.constant -3.000000e+38 : f32
    %broadcast_in_dim3A_254 = vector.broadcast %jit3A_253 : f32 to vector<256x2048xf32>
    %select_n3A_255 = arith.select %eq3A_252, %broadcast_in_dim3A_254, %get3A_239 : vector<256x2048xi1>, vector<256x2048xf32>
    %swap3A_256 = arith.constant 0 : index
    %swap3A_257 = arith.constant 0 : index
    %swap3A_258 = vector.load %arg7[%swap3A_256, %swap3A_257] : memref<256x2048xf32, #tpu.memory_space<vmem>>, vector<256x2048xf32>
    tpu.vector_store %arg7[%swap3A_256, %swap3A_257], %select_n3A_255 {strides = array<i32>} : memref<256x2048xf32, #tpu.memory_space<vmem>>, vector<256x2048xf32>,
    %get3A_259 = arith.constant 0 : index
    %get3A_260 = arith.constant 0 : index
    %get3A_261 = vector.load %arg7[%get3A_259, %get3A_260] : memref<256x2048xf32, #tpu.memory_space<vmem>>, vector<256x2048xf32>
    %reduce_max3A_262 = arith.constant dense<0xFF800000> : vector<256xf32>
    %reduce_max3A_263 = vector.multi_reduction <maximumf>, %get3A_261, %reduce_max3A_262 [1] : vector<256x2048xf32> to vector<256xf32>
    %broadcast_in_dim3A_264 = vector.shape_cast %reduce_max3A_263 : vector<256xf32> to vector<256x1xf32>
    %eq3A_265 = vector.broadcast %broadcast_in_dim3A_264 : vector<256x1xf32> to vector<256x2048xf32>
    %eq3A_266 = arith.cmpf oeq, %get3A_261, %eq3A_265 : vector<256x2048xf32>
    %jit3A_267 = arith.constant 2048 : i32
    %broadcast_in_dim3A_268 = vector.broadcast %jit3A_267 : i32 to vector<256x2048xi32>
    %select_n3A_269 = arith.select %eq3A_266, %iota3A, %broadcast_in_dim3A_268 : vector<256x2048xi1>, vector<256x2048xi32>
    %reduce_min3A_270 = arith.constant dense<2147483647> : vector<256xi32>
    %reduce_min3A_271 = vector.multi_reduction <minsi>, %select_n3A_269, %reduce_min3A_270 [1] : vector<256x2048xi32> to vector<256xi32>
    %broadcast_in_dim3A_272 = vector.shape_cast %reduce_min3A_271 : vector<256xi32> to vector<256x1xi32>
    %eq3A_273 = vector.broadcast %broadcast_in_dim3A_272 : vector<256x1xi32> to vector<256x2048xi32>
    %eq3A_274 = arith.cmpi eq, %iota3A, %eq3A_273 : vector<256x2048xi32>
    %jit3A_275 = arith.constant -3.000000e+38 : f32
    %broadcast_in_dim3A_276 = vector.broadcast %jit3A_275 : f32 to vector<256x2048xf32>
    %select_n3A_277 = arith.select %eq3A_274, %broadcast_in_dim3A_276, %get3A_261 : vector<256x2048xi1>, vector<256x2048xf32>
    %swap3A_278 = arith.constant 0 : index
    %swap3A_279 = arith.constant 0 : index
    %swap3A_280 = vector.load %arg7[%swap3A_278, %swap3A_279] : memref<256x2048xf32, #tpu.memory_space<vmem>>, vector<256x2048xf32>
    tpu.vector_store %arg7[%swap3A_278, %swap3A_279], %select_n3A_277 {strides = array<i32>} : memref<256x2048xf32, #tpu.memory_space<vmem>>, vector<256x2048xf32>,
    %get3A_281 = arith.constant 0 : index
    %get3A_282 = arith.constant 0 : index
    %get3A_283 = vector.load %arg7[%get3A_281, %get3A_282] : memref<256x2048xf32, #tpu.memory_space<vmem>>, vector<256x2048xf32>
    %reduce_max3A_284 = arith.constant dense<0xFF800000> : vector<256xf32>
    %reduce_max3A_285 = vector.multi_reduction <maximumf>, %get3A_283, %reduce_max3A_284 [1] : vector<256x2048xf32> to vector<256xf32>
    %broadcast_in_dim3A_286 = vector.shape_cast %reduce_max3A_285 : vector<256xf32> to vector<256x1xf32>
    %eq3A_287 = vector.broadcast %broadcast_in_dim3A_286 : vector<256x1xf32> to vector<256x2048xf32>
    %eq3A_288 = arith.cmpf oeq, %get3A_283, %eq3A_287 : vector<256x2048xf32>
    %jit3A_289 = arith.constant 2048 : i32
    %broadcast_in_dim3A_290 = vector.broadcast %jit3A_289 : i32 to vector<256x2048xi32>
    %select_n3A_291 = arith.select %eq3A_288, %iota3A, %broadcast_in_dim3A_290 : vector<256x2048xi1>, vector<256x2048xi32>
    %reduce_min3A_292 = arith.constant dense<2147483647> : vector<256xi32>
    %reduce_min3A_293 = vector.multi_reduction <minsi>, %select_n3A_291, %reduce_min3A_292 [1] : vector<256x2048xi32> to vector<256xi32>
    %broadcast_in_dim3A_294 = vector.shape_cast %reduce_min3A_293 : vector<256xi32> to vector<256x1xi32>
    %eq3A_295 = vector.broadcast %broadcast_in_dim3A_294 : vector<256x1xi32> to vector<256x2048xi32>
    %eq3A_296 = arith.cmpi eq, %iota3A, %eq3A_295 : vector<256x2048xi32>
    %jit3A_297 = arith.constant -3.000000e+38 : f32
    %broadcast_in_dim3A_298 = vector.broadcast %jit3A_297 : f32 to vector<256x2048xf32>
    %select_n3A_299 = arith.select %eq3A_296, %broadcast_in_dim3A_298, %get3A_283 : vector<256x2048xi1>, vector<256x2048xf32>
    %swap3A_300 = arith.constant 0 : index
    %swap3A_301 = arith.constant 0 : index
    %swap3A_302 = vector.load %arg7[%swap3A_300, %swap3A_301] : memref<256x2048xf32, #tpu.memory_space<vmem>>, vector<256x2048xf32>
    tpu.vector_store %arg7[%swap3A_300, %swap3A_301], %select_n3A_299 {strides = array<i32>} : memref<256x2048xf32, #tpu.memory_space<vmem>>, vector<256x2048xf32>,
    %get3A_303 = arith.constant 0 : index
    %get3A_304 = arith.constant 0 : index
    %get3A_305 = vector.load %arg7[%get3A_303, %get3A_304] : memref<256x2048xf32, #tpu.memory_space<vmem>>, vector<256x2048xf32>
    %reduce_max3A_306 = arith.constant dense<0xFF800000> : vector<256xf32>
    %reduce_max3A_307 = vector.multi_reduction <maximumf>, %get3A_305, %reduce_max3A_306 [1] : vector<256x2048xf32> to vector<256xf32>
    %broadcast_in_dim3A_308 = vector.shape_cast %reduce_max3A_307 : vector<256xf32> to vector<256x1xf32>
    %eq3A_309 = vector.broadcast %broadcast_in_dim3A_308 : vector<256x1xf32> to vector<256x2048xf32>
    %eq3A_310 = arith.cmpf oeq, %get3A_305, %eq3A_309 : vector<256x2048xf32>
    %jit3A_311 = arith.constant 2048 : i32
    %broadcast_in_dim3A_312 = vector.broadcast %jit3A_311 : i32 to vector<256x2048xi32>
    %select_n3A_313 = arith.select %eq3A_310, %iota3A, %broadcast_in_dim3A_312 : vector<256x2048xi1>, vector<256x2048xi32>
    %reduce_min3A_314 = arith.constant dense<2147483647> : vector<256xi32>
    %reduce_min3A_315 = vector.multi_reduction <minsi>, %select_n3A_313, %reduce_min3A_314 [1] : vector<256x2048xi32> to vector<256xi32>
    %broadcast_in_dim3A_316 = vector.shape_cast %reduce_min3A_315 : vector<256xi32> to vector<256x1xi32>
    %eq3A_317 = vector.broadcast %broadcast_in_dim3A_316 : vector<256x1xi32> to vector<256x2048xi32>
    %eq3A_318 = arith.cmpi eq, %iota3A, %eq3A_317 : vector<256x2048xi32>
    %jit3A_319 = arith.constant -3.000000e+38 : f32
    %broadcast_in_dim3A_320 = vector.broadcast %jit3A_319 : f32 to vector<256x2048xf32>
    %select_n3A_321 = arith.select %eq3A_318, %broadcast_in_dim3A_320, %get3A_305 : vector<256x2048xi1>, vector<256x2048xf32>
    %swap3A_322 = arith.constant 0 : index
    %swap3A_323 = arith.constant 0 : index
    %swap3A_324 = vector.load %arg7[%swap3A_322, %swap3A_323] : memref<256x2048xf32, #tpu.memory_space<vmem>>, vector<256x2048xf32>
    tpu.vector_store %arg7[%swap3A_322, %swap3A_323], %select_n3A_321 {strides = array<i32>} : memref<256x2048xf32, #tpu.memory_space<vmem>>, vector<256x2048xf32>,
    %get3A_325 = arith.constant 0 : index
    %get3A_326 = arith.constant 0 : index
    %get3A_327 = vector.load %arg7[%get3A_325, %get3A_326] : memref<256x2048xf32, #tpu.memory_space<vmem>>, vector<256x2048xf32>
    %reduce_max3A_328 = arith.constant dense<0xFF800000> : vector<256xf32>
    %reduce_max3A_329 = vector.multi_reduction <maximumf>, %get3A_327, %reduce_max3A_328 [1] : vector<256x2048xf32> to vector<256xf32>
    %broadcast_in_dim3A_330 = vector.shape_cast %reduce_max3A_329 : vector<256xf32> to vector<256x1xf32>
    %eq3A_331 = vector.broadcast %broadcast_in_dim3A_330 : vector<256x1xf32> to vector<256x2048xf32>
    %eq3A_332 = arith.cmpf oeq, %get3A_327, %eq3A_331 : vector<256x2048xf32>
    %jit3A_333 = arith.constant 2048 : i32
    %broadcast_in_dim3A_334 = vector.broadcast %jit3A_333 : i32 to vector<256x2048xi32>
    %select_n3A_335 = arith.select %eq3A_332, %iota3A, %broadcast_in_dim3A_334 : vector<256x2048xi1>, vector<256x2048xi32>
    %reduce_min3A_336 = arith.constant dense<2147483647> : vector<256xi32>
    %reduce_min3A_337 = vector.multi_reduction <minsi>, %select_n3A_335, %reduce_min3A_336 [1] : vector<256x2048xi32> to vector<256xi32>
    %broadcast_in_dim3A_338 = vector.shape_cast %reduce_min3A_337 : vector<256xi32> to vector<256x1xi32>
    %eq3A_339 = vector.broadcast %broadcast_in_dim3A_338 : vector<256x1xi32> to vector<256x2048xi32>
    %eq3A_340 = arith.cmpi eq, %iota3A, %eq3A_339 : vector<256x2048xi32>
    %jit3A_341 = arith.constant -3.000000e+38 : f32
    %broadcast_in_dim3A_342 = vector.broadcast %jit3A_341 : f32 to vector<256x2048xf32>
    %select_n3A_343 = arith.select %eq3A_340, %broadcast_in_dim3A_342, %get3A_327 : vector<256x2048xi1>, vector<256x2048xf32>
    %swap3A_344 = arith.constant 0 : index
    %swap3A_345 = arith.constant 0 : index
    %swap3A_346 = vector.load %arg7[%swap3A_344, %swap3A_345] : memref<256x2048xf32, #tpu.memory_space<vmem>>, vector<256x2048xf32>
    tpu.vector_store %arg7[%swap3A_344, %swap3A_345], %select_n3A_343 {strides = array<i32>} : memref<256x2048xf32, #tpu.memory_space<vmem>>, vector<256x2048xf32>,
    %get3A_347 = arith.constant 0 : index
    %get3A_348 = arith.constant 0 : index
    %get3A_349 = vector.load %arg7[%get3A_347, %get3A_348] : memref<256x2048xf32, #tpu.memory_space<vmem>>, vector<256x2048xf32>
    %reduce_max3A_350 = arith.constant dense<0xFF800000> : vector<256xf32>
    %reduce_max3A_351 = vector.multi_reduction <maximumf>, %get3A_349, %reduce_max3A_350 [1] : vector<256x2048xf32> to vector<256xf32>
    %broadcast_in_dim3A_352 = vector.shape_cast %reduce_max3A_351 : vector<256xf32> to vector<256x1xf32>
    %eq3A_353 = vector.broadcast %broadcast_in_dim3A_352 : vector<256x1xf32> to vector<256x2048xf32>
    %eq3A_354 = arith.cmpf oeq, %get3A_349, %eq3A_353 : vector<256x2048xf32>
    %jit3A_355 = arith.constant 2048 : i32
    %broadcast_in_dim3A_356 = vector.broadcast %jit3A_355 : i32 to vector<256x2048xi32>
    %select_n3A_357 = arith.select %eq3A_354, %iota3A, %broadcast_in_dim3A_356 : vector<256x2048xi1>, vector<256x2048xi32>
    %reduce_min3A_358 = arith.constant dense<2147483647> : vector<256xi32>
    %reduce_min3A_359 = vector.multi_reduction <minsi>, %select_n3A_357, %reduce_min3A_358 [1] : vector<256x2048xi32> to vector<256xi32>
    %broadcast_in_dim3A_360 = vector.shape_cast %reduce_min3A_359 : vector<256xi32> to vector<256x1xi32>
    %eq3A_361 = vector.broadcast %broadcast_in_dim3A_360 : vector<256x1xi32> to vector<256x2048xi32>
    %eq3A_362 = arith.cmpi eq, %iota3A, %eq3A_361 : vector<256x2048xi32>
    %jit3A_363 = arith.constant -3.000000e+38 : f32
    %broadcast_in_dim3A_364 = vector.broadcast %jit3A_363 : f32 to vector<256x2048xf32>
    %select_n3A_365 = arith.select %eq3A_362, %broadcast_in_dim3A_364, %get3A_349 : vector<256x2048xi1>, vector<256x2048xf32>
    %swap3A_366 = arith.constant 0 : index
    %swap3A_367 = arith.constant 0 : index
    %swap3A_368 = vector.load %arg7[%swap3A_366, %swap3A_367] : memref<256x2048xf32, #tpu.memory_space<vmem>>, vector<256x2048xf32>
    tpu.vector_store %arg7[%swap3A_366, %swap3A_367], %select_n3A_365 {strides = array<i32>} : memref<256x2048xf32, #tpu.memory_space<vmem>>, vector<256x2048xf32>,
    %get3A_369 = arith.constant 0 : index
    %get3A_370 = arith.constant 0 : index
    %get3A_371 = vector.load %arg7[%get3A_369, %get3A_370] : memref<256x2048xf32, #tpu.memory_space<vmem>>, vector<256x2048xf32>
    %reduce_max3A_372 = arith.constant dense<0xFF800000> : vector<256xf32>
    %reduce_max3A_373 = vector.multi_reduction <maximumf>, %get3A_371, %reduce_max3A_372 [1] : vector<256x2048xf32> to vector<256xf32>
    %broadcast_in_dim3A_374 = vector.shape_cast %reduce_max3A_373 : vector<256xf32> to vector<256x1xf32>
    %eq3A_375 = vector.broadcast %broadcast_in_dim3A_374 : vector<256x1xf32> to vector<256x2048xf32>
    %eq3A_376 = arith.cmpf oeq, %get3A_371, %eq3A_375 : vector<256x2048xf32>
    %jit3A_377 = arith.constant 2048 : i32
    %broadcast_in_dim3A_378 = vector.broadcast %jit3A_377 : i32 to vector<256x2048xi32>
    %select_n3A_379 = arith.select %eq3A_376, %iota3A, %broadcast_in_dim3A_378 : vector<256x2048xi1>, vector<256x2048xi32>
    %reduce_min3A_380 = arith.constant dense<2147483647> : vector<256xi32>
    %reduce_min3A_381 = vector.multi_reduction <minsi>, %select_n3A_379, %reduce_min3A_380 [1] : vector<256x2048xi32> to vector<256xi32>
    %broadcast_in_dim3A_382 = vector.shape_cast %reduce_min3A_381 : vector<256xi32> to vector<256x1xi32>
    %eq3A_383 = vector.broadcast %broadcast_in_dim3A_382 : vector<256x1xi32> to vector<256x2048xi32>
    %eq3A_384 = arith.cmpi eq, %iota3A, %eq3A_383 : vector<256x2048xi32>
    %jit3A_385 = arith.constant -3.000000e+38 : f32
    %broadcast_in_dim3A_386 = vector.broadcast %jit3A_385 : f32 to vector<256x2048xf32>
    %select_n3A_387 = arith.select %eq3A_384, %broadcast_in_dim3A_386, %get3A_371 : vector<256x2048xi1>, vector<256x2048xf32>
    %swap3A_388 = arith.constant 0 : index
    %swap3A_389 = arith.constant 0 : index
    %swap3A_390 = vector.load %arg7[%swap3A_388, %swap3A_389] : memref<256x2048xf32, #tpu.memory_space<vmem>>, vector<256x2048xf32>
    tpu.vector_store %arg7[%swap3A_388, %swap3A_389], %select_n3A_387 {strides = array<i32>} : memref<256x2048xf32, #tpu.memory_space<vmem>>, vector<256x2048xf32>,
    %get3A_391 = arith.constant 0 : index
    %get3A_392 = arith.constant 0 : index
    %get3A_393 = vector.load %arg7[%get3A_391, %get3A_392] : memref<256x2048xf32, #tpu.memory_space<vmem>>, vector<256x2048xf32>
    %reduce_max3A_394 = arith.constant dense<0xFF800000> : vector<256xf32>
    %reduce_max3A_395 = vector.multi_reduction <maximumf>, %get3A_393, %reduce_max3A_394 [1] : vector<256x2048xf32> to vector<256xf32>
    %broadcast_in_dim3A_396 = vector.shape_cast %reduce_max3A_395 : vector<256xf32> to vector<256x1xf32>
    %eq3A_397 = vector.broadcast %broadcast_in_dim3A_396 : vector<256x1xf32> to vector<256x2048xf32>
    %eq3A_398 = arith.cmpf oeq, %get3A_393, %eq3A_397 : vector<256x2048xf32>
    %jit3A_399 = arith.constant 2048 : i32
    %broadcast_in_dim3A_400 = vector.broadcast %jit3A_399 : i32 to vector<256x2048xi32>
    %select_n3A_401 = arith.select %eq3A_398, %iota3A, %broadcast_in_dim3A_400 : vector<256x2048xi1>, vector<256x2048xi32>
    %reduce_min3A_402 = arith.constant dense<2147483647> : vector<256xi32>
    %reduce_min3A_403 = vector.multi_reduction <minsi>, %select_n3A_401, %reduce_min3A_402 [1] : vector<256x2048xi32> to vector<256xi32>
    %broadcast_in_dim3A_404 = vector.shape_cast %reduce_min3A_403 : vector<256xi32> to vector<256x1xi32>
    %eq3A_405 = vector.broadcast %broadcast_in_dim3A_404 : vector<256x1xi32> to vector<256x2048xi32>
    %eq3A_406 = arith.cmpi eq, %iota3A, %eq3A_405 : vector<256x2048xi32>
    %jit3A_407 = arith.constant -3.000000e+38 : f32
    %broadcast_in_dim3A_408 = vector.broadcast %jit3A_407 : f32 to vector<256x2048xf32>
    %select_n3A_409 = arith.select %eq3A_406, %broadcast_in_dim3A_408, %get3A_393 : vector<256x2048xi1>, vector<256x2048xf32>
    %swap3A_410 = arith.constant 0 : index
    %swap3A_411 = arith.constant 0 : index
    %swap3A_412 = vector.load %arg7[%swap3A_410, %swap3A_411] : memref<256x2048xf32, #tpu.memory_space<vmem>>, vector<256x2048xf32>
    tpu.vector_store %arg7[%swap3A_410, %swap3A_411], %select_n3A_409 {strides = array<i32>} : memref<256x2048xf32, #tpu.memory_space<vmem>>, vector<256x2048xf32>,
    %get3A_413 = arith.constant 0 : index
    %get3A_414 = arith.constant 0 : index
    %get3A_415 = vector.load %arg7[%get3A_413, %get3A_414] : memref<256x2048xf32, #tpu.memory_space<vmem>>, vector<256x2048xf32>
    %reduce_max3A_416 = arith.constant dense<0xFF800000> : vector<256xf32>
    %reduce_max3A_417 = vector.multi_reduction <maximumf>, %get3A_415, %reduce_max3A_416 [1] : vector<256x2048xf32> to vector<256xf32>
    %broadcast_in_dim3A_418 = vector.shape_cast %reduce_max3A_417 : vector<256xf32> to vector<256x1xf32>
    %eq3A_419 = vector.broadcast %broadcast_in_dim3A_418 : vector<256x1xf32> to vector<256x2048xf32>
    %eq3A_420 = arith.cmpf oeq, %get3A_415, %eq3A_419 : vector<256x2048xf32>
    %jit3A_421 = arith.constant 2048 : i32
    %broadcast_in_dim3A_422 = vector.broadcast %jit3A_421 : i32 to vector<256x2048xi32>
    %select_n3A_423 = arith.select %eq3A_420, %iota3A, %broadcast_in_dim3A_422 : vector<256x2048xi1>, vector<256x2048xi32>
    %reduce_min3A_424 = arith.constant dense<2147483647> : vector<256xi32>
    %reduce_min3A_425 = vector.multi_reduction <minsi>, %select_n3A_423, %reduce_min3A_424 [1] : vector<256x2048xi32> to vector<256xi32>
    %broadcast_in_dim3A_426 = vector.shape_cast %reduce_min3A_425 : vector<256xi32> to vector<256x1xi32>
    %eq3A_427 = vector.broadcast %broadcast_in_dim3A_426 : vector<256x1xi32> to vector<256x2048xi32>
    %eq3A_428 = arith.cmpi eq, %iota3A, %eq3A_427 : vector<256x2048xi32>
    %jit3A_429 = arith.constant -3.000000e+38 : f32
    %broadcast_in_dim3A_430 = vector.broadcast %jit3A_429 : f32 to vector<256x2048xf32>
    %select_n3A_431 = arith.select %eq3A_428, %broadcast_in_dim3A_430, %get3A_415 : vector<256x2048xi1>, vector<256x2048xf32>
    %swap3A_432 = arith.constant 0 : index
    %swap3A_433 = arith.constant 0 : index
    %swap3A_434 = vector.load %arg7[%swap3A_432, %swap3A_433] : memref<256x2048xf32, #tpu.memory_space<vmem>>, vector<256x2048xf32>
    tpu.vector_store %arg7[%swap3A_432, %swap3A_433], %select_n3A_431 {strides = array<i32>} : memref<256x2048xf32, #tpu.memory_space<vmem>>, vector<256x2048xf32>,
    %get3A_435 = arith.constant 0 : index
    %get3A_436 = arith.constant 0 : index
    %get3A_437 = vector.load %arg7[%get3A_435, %get3A_436] : memref<256x2048xf32, #tpu.memory_space<vmem>>, vector<256x2048xf32>
    %reduce_max3A_438 = arith.constant dense<0xFF800000> : vector<256xf32>
    %reduce_max3A_439 = vector.multi_reduction <maximumf>, %get3A_437, %reduce_max3A_438 [1] : vector<256x2048xf32> to vector<256xf32>
    %broadcast_in_dim3A_440 = vector.shape_cast %reduce_max3A_439 : vector<256xf32> to vector<256x1xf32>
    %eq3A_441 = vector.broadcast %broadcast_in_dim3A_440 : vector<256x1xf32> to vector<256x2048xf32>
    %eq3A_442 = arith.cmpf oeq, %get3A_437, %eq3A_441 : vector<256x2048xf32>
    %jit3A_443 = arith.constant 2048 : i32
    %broadcast_in_dim3A_444 = vector.broadcast %jit3A_443 : i32 to vector<256x2048xi32>
    %select_n3A_445 = arith.select %eq3A_442, %iota3A, %broadcast_in_dim3A_444 : vector<256x2048xi1>, vector<256x2048xi32>
    %reduce_min3A_446 = arith.constant dense<2147483647> : vector<256xi32>
    %reduce_min3A_447 = vector.multi_reduction <minsi>, %select_n3A_445, %reduce_min3A_446 [1] : vector<256x2048xi32> to vector<256xi32>
    %broadcast_in_dim3A_448 = vector.shape_cast %reduce_min3A_447 : vector<256xi32> to vector<256x1xi32>
    %eq3A_449 = vector.broadcast %broadcast_in_dim3A_448 : vector<256x1xi32> to vector<256x2048xi32>
    %eq3A_450 = arith.cmpi eq, %iota3A, %eq3A_449 : vector<256x2048xi32>
    %jit3A_451 = arith.constant -3.000000e+38 : f32
    %broadcast_in_dim3A_452 = vector.broadcast %jit3A_451 : f32 to vector<256x2048xf32>
    %select_n3A_453 = arith.select %eq3A_450, %broadcast_in_dim3A_452, %get3A_437 : vector<256x2048xi1>, vector<256x2048xf32>
    %swap3A_454 = arith.constant 0 : index
    %swap3A_455 = arith.constant 0 : index
    %swap3A_456 = vector.load %arg7[%swap3A_454, %swap3A_455] : memref<256x2048xf32, #tpu.memory_space<vmem>>, vector<256x2048xf32>
    tpu.vector_store %arg7[%swap3A_454, %swap3A_455], %select_n3A_453 {strides = array<i32>} : memref<256x2048xf32, #tpu.memory_space<vmem>>, vector<256x2048xf32>,
    %concatenate3A = tpu.concatenate %broadcast_in_dim3A_30, %broadcast_in_dim3A_52, %broadcast_in_dim3A_74, %broadcast_in_dim3A_96, %broadcast_in_dim3A_118, %broadcast_in_dim3A_140, %broadcast_in_dim3A_162, %broadcast_in_dim3A_184, %broadcast_in_dim3A_206, %broadcast_in_dim3A_228, %broadcast_in_dim3A_250, %broadcast_in_dim3A_272, %broadcast_in_dim3A_294, %broadcast_in_dim3A_316, %broadcast_in_dim3A_338, %broadcast_in_dim3A_360, %broadcast_in_dim3A_382, %broadcast_in_dim3A_404, %broadcast_in_dim3A_426, %broadcast_in_dim3A_448 in 1 : vector<256x1xi32>, vector<256x1xi32>, vector<256x1xi32>, vector<256x1xi32>, vector<256x1xi32>, vector<256x1xi32>, vector<256x1xi32>, vector<256x1xi32>, vector<256x1xi32>, vector<256x1xi32>, vector<256x1xi32>, vector<256x1xi32>, vector<256x1xi32>, vector<256x1xi32>, vector<256x1xi32>, vector<256x1xi32>, vector<256x1xi32>, vector<256x1xi32>, vector<256x1xi32>, vector<256x1xi32> -> vector<256x20xi32>
    %mul3A_457 = arith.constant 2048 : i32
    %mul3A_458 = arith.muli %arg0, %mul3A_457 : i32
    %add3A = vector.broadcast %mul3A_458 : i32 to vector<256x20xi32>
    %add3A_459 = arith.addi %concatenate3A, %add3A : vector<256x20xi32>
    %swap3A_460 = arith.constant 0 : index
    %swap3A_461 = arith.constant 0 : index
    %swap3A_462 = vector.load %arg6[%swap3A_460, %swap3A_461] : memref<256x20xi32, #tpu.memory_space<vmem>>, vector<256x20xi32>
    tpu.vector_store %arg6[%swap3A_460, %swap3A_461], %add3A_459 {strides = array<i32>} : memref<256x20xi32, #tpu.memory_space<vmem>>, vector<256x20xi32>,
    return
  }
  func.func @transform_0(%arg0: i32, %arg1: i32) -> (i32, i32) {
    %mul3A = arith.constant 8 : i32
    %mul3A_0 = arith.muli %arg0, %mul3A : i32
    %add3A = arith.addi %mul3A_0, %arg1 : i32
    %c0_i32 = arith.constant 0 : i32
    %c0_i32_1 = arith.constant 0 : i32
    return %add3A, %c0_i32 : i32, i32
  }
  func.func @transform_1(%arg0: i32, %arg1: i32) -> (i32, i32, i32) {
    %c0_i32 = arith.constant 0 : i32
    %c0_i32_0 = arith.constant 0 : i32
    %c0_i32_1 = arith.constant 0 : i32
    return %arg0, %c0_i32, %c0_i32_0 : i32, i32, i32
  }
  func.func @transform_2(%arg0: i32, %arg1: i32) -> (i32, i32) {
    %mul3A = arith.constant 8 : i32
    %mul3A_0 = arith.muli %arg0, %mul3A : i32
    %add3A = arith.addi %mul3A_0, %arg1 : i32
    %c0_i32 = arith.constant 0 : i32
    %c0_i32_1 = arith.constant 0 : i32
    return %add3A, %c0_i32 : i32, i32
  }
  func.func @transform_3(%arg0: i32, %arg1: i32) -> (i32, i32, i32) {
    %c0_i32 = arith.constant 0 : i32
    %c0_i32_0 = arith.constant 0 : i32
    %c0_i32_1 = arith.constant 0 : i32
    return %arg0, %c0_i32, %c0_i32_0 : i32, i32, i32
  }
  func.func @transform_4(%arg0: i32, %arg1: i32) -> (i32, i32) {
    %mul3A = arith.constant 8 : i32
    %mul3A_0 = arith.muli %arg0, %mul3A : i32
    %add3A = arith.addi %mul3A_0, %arg1 : i32
    %c0_i32 = arith.constant 0 : i32
    %c0_i32_1 = arith.constant 0 : i32
    return %add3A, %c0_i32 : i32, i32
  }
}

module attributes {stable_mosaic.version = 14 : i64} {
  func.func @_conv_body(%arg0: i32, %arg1: memref<2560x128xf32, #tpu.memory_space<vmem>>, %arg2: memref<128x128xf32, #tpu.memory_space<vmem>>, %arg3: memref<256x256xf32, #tpu.memory_space<vmem>>, %arg4: memref<128x256xf32, #tpu.memory_space<vmem>>, %arg5: memref<8x256xf32, #tpu.memory_space<vmem>>) attributes {dimension_semantics = [#tpu.dimension_semantics<arbitrary>], iteration_bounds = array<i64: 128>, scalar_prefetch = 0 : i64, scratch_operands = 0 : i64, tpu.core_type = #tpu.core_type<tc>, window_params = [{transform_indices = @transform_0, window_bounds = array<i64: 2560, 128>}, {transform_indices = @transform_1, window_bounds = array<i64: 128, 128>}, {pipeline_mode = #tpu.pipeline_mode<synchronous>, transform_indices = @transform_2, window_bounds = array<i64: 256, 256>}, {transform_indices = @transform_3, window_bounds = array<i64: 128, 256>}, {pipeline_mode = #tpu.pipeline_mode<synchronous>, transform_indices = @transform_4, window_bounds = array<i64: 8, 256>}]} {
    %get3A = arith.constant 0 : index
    %get3A_0 = arith.constant 0 : index
    %get3A_1 = vector.load %arg1[%get3A, %get3A_0] : memref<2560x128xf32, #tpu.memory_space<vmem>>, vector<2560x128xf32>
    %get3A_2 = arith.constant 0 : index
    %get3A_3 = arith.constant 0 : index
    %get3A_4 = vector.load %arg2[%get3A_2, %get3A_3] : memref<128x128xf32, #tpu.memory_space<vmem>>, vector<128x128xf32>
    %broadcast_in_dim3A = vector.shape_cast %get3A_4 : vector<128x128xf32> to vector<128x1x128xf32>
    %broadcast_in_dim3A_5 = vector.shape_cast %broadcast_in_dim3A : vector<128x1x128xf32> to vector<128x1x128xf32>
    %broadcast_in_dim3A_6 = vector.broadcast %broadcast_in_dim3A_5 : vector<128x1x128xf32> to vector<128x20x128xf32>
    %reshape3A = vector.shape_cast %broadcast_in_dim3A_6 : vector<128x20x128xf32> to vector<2560x128xf32>
    %sub3A = arith.subf %get3A_1, %reshape3A : vector<2560x128xf32>
    %concatenate3A = tpu.concatenate %sub3A, %reshape3A in 1 : vector<2560x128xf32>, vector<2560x128xf32> -> vector<2560x256xf32>
    %get3A_7 = arith.constant 0 : index
    %get3A_8 = arith.constant 0 : index
    %get3A_9 = vector.load %arg3[%get3A_7, %get3A_8] : memref<256x256xf32, #tpu.memory_space<vmem>>, vector<256x256xf32>
    %dot_general3A = arith.constant dense<0.000000e+00> : vector<2560x256xf32>
    %dot_general3A_10 = tpu.matmul %concatenate3A, %get3A_9, %dot_general3A {dimension_numbers = #tpu.dot_dimension_numbers<[1], [0], [0], [1], [0, 0, 1, 1], [], []>, transpose_lhs_hint = false} : vector<2560x256xf32>, vector<256x256xf32>, vector<2560x256xf32> -> vector<2560x256xf32>
    %reshape3A_11 = vector.shape_cast %dot_general3A_10 : vector<2560x256xf32> to vector<128x20x256xf32>
    %reduce_max3A = arith.constant dense<0xFF800000> : vector<128x256xf32>
    %reduce_max3A_12 = vector.multi_reduction <maximumf>, %reshape3A_11, %reduce_max3A [1] : vector<128x20x256xf32> to vector<128x256xf32>
    %swap3A = arith.constant 0 : index
    %swap3A_13 = arith.constant 0 : index
    %swap3A_14 = vector.load %arg4[%swap3A, %swap3A_13] : memref<128x256xf32, #tpu.memory_space<vmem>>, vector<128x256xf32>
    tpu.vector_store %arg4[%swap3A, %swap3A_13], %reduce_max3A_12 {strides = array<i32>} : memref<128x256xf32, #tpu.memory_space<vmem>>, vector<128x256xf32>,
    %reduce_sum3A = arith.constant dense<0.000000e+00> : vector<256xf32>
    %reduce_sum3A_15 = vector.multi_reduction <add>, %dot_general3A_10, %reduce_sum3A [0] : vector<2560x256xf32> to vector<256xf32>
    %broadcast_in_dim3A_16 = vector.shape_cast %reduce_sum3A_15 : vector<256xf32> to vector<1x256xf32>
    %mul3A = arith.mulf %dot_general3A_10, %dot_general3A_10 : vector<2560x256xf32>
    %reduce_sum3A_17 = arith.constant dense<0.000000e+00> : vector<256xf32>
    %reduce_sum3A_18 = vector.multi_reduction <add>, %mul3A, %reduce_sum3A_17 [0] : vector<2560x256xf32> to vector<256xf32>
    %broadcast_in_dim3A_19 = vector.shape_cast %reduce_sum3A_18 : vector<256xf32> to vector<1x256xf32>
    %broadcast_in_dim3A_20 = arith.constant 0.000000e+00 : f32
    %broadcast_in_dim3A_21 = vector.broadcast %broadcast_in_dim3A_20 : f32 to vector<6x256xf32>
    %concatenate3A_22 = tpu.concatenate %broadcast_in_dim3A_16, %broadcast_in_dim3A_19, %broadcast_in_dim3A_21 in 0 : vector<1x256xf32>, vector<1x256xf32>, vector<6x256xf32> -> vector<8x256xf32>
    %eq3A = arith.constant 0 : i32
    %eq3A_23 = arith.cmpi eq, %arg0, %eq3A : i32
    %convert_element_type3A = arith.extui %eq3A_23 : i1 to i32
    %cond3A = arith.constant 0 : i32
    %cond3A_24 = arith.cmpi ne, %convert_element_type3A, %cond3A : i32
    scf.if %cond3A_24 {
      %broadcast_in_dim3A_31 = arith.constant 0.000000e+00 : f32
      %broadcast_in_dim3A_32 = vector.broadcast %broadcast_in_dim3A_31 : f32 to vector<8x256xf32>
      %swap3A_33 = arith.constant 0 : index
      %swap3A_34 = arith.constant 0 : index
      %swap3A_35 = vector.load %arg5[%swap3A_33, %swap3A_34] : memref<8x256xf32, #tpu.memory_space<vmem>>, vector<8x256xf32>
      tpu.vector_store %arg5[%swap3A_33, %swap3A_34], %broadcast_in_dim3A_32 {strides = array<i32>} : memref<8x256xf32, #tpu.memory_space<vmem>>, vector<8x256xf32>,
    } else {
    }
    %get3A_25 = arith.constant 0 : index
    %get3A_26 = arith.constant 0 : index
    %get3A_27 = vector.load %arg5[%get3A_25, %get3A_26] : memref<8x256xf32, #tpu.memory_space<vmem>>, vector<8x256xf32>
    %add3A = arith.addf %get3A_27, %concatenate3A_22 : vector<8x256xf32>
    %swap3A_28 = arith.constant 0 : index
    %swap3A_29 = arith.constant 0 : index
    %swap3A_30 = vector.load %arg5[%swap3A_28, %swap3A_29] : memref<8x256xf32, #tpu.memory_space<vmem>>, vector<8x256xf32>
    tpu.vector_store %arg5[%swap3A_28, %swap3A_29], %add3A {strides = array<i32>} : memref<8x256xf32, #tpu.memory_space<vmem>>, vector<8x256xf32>,
    return
  }
  func.func @transform_0(%arg0: i32) -> (i32, i32) {
    %c0_i32 = arith.constant 0 : i32
    %c0_i32_0 = arith.constant 0 : i32
    return %arg0, %c0_i32 : i32, i32
  }
  func.func @transform_1(%arg0: i32) -> (i32, i32) {
    %c0_i32 = arith.constant 0 : i32
    %c0_i32_0 = arith.constant 0 : i32
    return %arg0, %c0_i32 : i32, i32
  }
  func.func @transform_2(%arg0: i32) -> (i32, i32) {
    %c0_i32 = arith.constant 0 : i32
    %c0_i32_0 = arith.constant 0 : i32
    %c0_i32_1 = arith.constant 0 : i32
    return %c0_i32, %c0_i32_0 : i32, i32
  }
  func.func @transform_3(%arg0: i32) -> (i32, i32) {
    %c0_i32 = arith.constant 0 : i32
    %c0_i32_0 = arith.constant 0 : i32
    return %arg0, %c0_i32 : i32, i32
  }
  func.func @transform_4(%arg0: i32) -> (i32, i32) {
    %c0_i32 = arith.constant 0 : i32
    %c0_i32_0 = arith.constant 0 : i32
    %c0_i32_1 = arith.constant 0 : i32
    return %c0_i32, %c0_i32_0 : i32, i32
  }
}

module attributes {stable_mosaic.version = 14 : i64} {
  func.func @_norm_body(%arg0: i32, %arg1: memref<2048x256xf32, #tpu.memory_space<vmem>>, %arg2: memref<1x256xf32, #tpu.memory_space<vmem>>, %arg3: memref<1x256xf32, #tpu.memory_space<vmem>>, %arg4: memref<1x256xf32, #tpu.memory_space<vmem>>, %arg5: memref<1x256xf32, #tpu.memory_space<vmem>>, %arg6: memref<2048x256xf32, #tpu.memory_space<vmem>>) attributes {dimension_semantics = [#tpu.dimension_semantics<arbitrary>], iteration_bounds = array<i64: 8>, scalar_prefetch = 0 : i64, scratch_operands = 0 : i64, tpu.core_type = #tpu.core_type<tc>, window_params = [{transform_indices = @transform_0, window_bounds = array<i64: 2048, 256>}, {pipeline_mode = #tpu.pipeline_mode<synchronous>, transform_indices = @transform_1, window_bounds = array<i64: 1, 256>}, {pipeline_mode = #tpu.pipeline_mode<synchronous>, transform_indices = @transform_2, window_bounds = array<i64: 1, 256>}, {pipeline_mode = #tpu.pipeline_mode<synchronous>, transform_indices = @transform_3, window_bounds = array<i64: 1, 256>}, {pipeline_mode = #tpu.pipeline_mode<synchronous>, transform_indices = @transform_4, window_bounds = array<i64: 1, 256>}, {transform_indices = @transform_5, window_bounds = array<i64: 2048, 256>}]} {
    %get3A = arith.constant 0 : index
    %get3A_0 = arith.constant 0 : index
    %get3A_1 = vector.load %arg4[%get3A, %get3A_0] : memref<1x256xf32, #tpu.memory_space<vmem>>, vector<1x256xf32>
    %get3A_2 = arith.constant 0 : index
    %get3A_3 = arith.constant 0 : index
    %get3A_4 = vector.load %arg1[%get3A_2, %get3A_3] : memref<2048x256xf32, #tpu.memory_space<vmem>>, vector<2048x256xf32>
    %get3A_5 = arith.constant 0 : index
    %get3A_6 = arith.constant 0 : index
    %get3A_7 = vector.load %arg2[%get3A_5, %get3A_6] : memref<1x256xf32, #tpu.memory_space<vmem>>, vector<1x256xf32>
    %sub3A = vector.broadcast %get3A_7 : vector<1x256xf32> to vector<2048x256xf32>
    %sub3A_8 = arith.subf %get3A_4, %sub3A : vector<2048x256xf32>
    %mul3A = vector.broadcast %get3A_1 : vector<1x256xf32> to vector<2048x256xf32>
    %mul3A_9 = arith.mulf %mul3A, %sub3A_8 : vector<2048x256xf32>
    %get3A_10 = arith.constant 0 : index
    %get3A_11 = arith.constant 0 : index
    %get3A_12 = vector.load %arg3[%get3A_10, %get3A_11] : memref<1x256xf32, #tpu.memory_space<vmem>>, vector<1x256xf32>
    %div3A = vector.broadcast %get3A_12 : vector<1x256xf32> to vector<2048x256xf32>
    %div3A_13 = arith.divf %mul3A_9, %div3A : vector<2048x256xf32>
    %get3A_14 = arith.constant 0 : index
    %get3A_15 = arith.constant 0 : index
    %get3A_16 = vector.load %arg5[%get3A_14, %get3A_15] : memref<1x256xf32, #tpu.memory_space<vmem>>, vector<1x256xf32>
    %add3A = vector.broadcast %get3A_16 : vector<1x256xf32> to vector<2048x256xf32>
    %add3A_17 = arith.addf %div3A_13, %add3A : vector<2048x256xf32>
    %ge3A = arith.constant 0.000000e+00 : f32
    %ge3A_18 = vector.broadcast %ge3A : f32 to vector<2048x256xf32>
    %ge3A_19 = arith.cmpf oge, %add3A_17, %ge3A_18 : vector<2048x256xf32>
    %mul3A_20 = arith.constant 2.000000e-01 : f32
    %mul3A_21 = vector.broadcast %mul3A_20 : f32 to vector<2048x256xf32>
    %mul3A_22 = arith.mulf %mul3A_21, %add3A_17 : vector<2048x256xf32>
    %select_n3A = arith.select %ge3A_19, %add3A_17, %mul3A_22 : vector<2048x256xi1>, vector<2048x256xf32>
    %swap3A = arith.constant 0 : index
    %swap3A_23 = arith.constant 0 : index
    %swap3A_24 = vector.load %arg6[%swap3A, %swap3A_23] : memref<2048x256xf32, #tpu.memory_space<vmem>>, vector<2048x256xf32>
    tpu.vector_store %arg6[%swap3A, %swap3A_23], %select_n3A {strides = array<i32>} : memref<2048x256xf32, #tpu.memory_space<vmem>>, vector<2048x256xf32>,
    return
  }
  func.func @transform_0(%arg0: i32) -> (i32, i32) {
    %c0_i32 = arith.constant 0 : i32
    %c0_i32_0 = arith.constant 0 : i32
    return %arg0, %c0_i32 : i32, i32
  }
  func.func @transform_1(%arg0: i32) -> (i32, i32) {
    %c0_i32 = arith.constant 0 : i32
    %c0_i32_0 = arith.constant 0 : i32
    %c0_i32_1 = arith.constant 0 : i32
    return %c0_i32, %c0_i32_0 : i32, i32
  }
  func.func @transform_2(%arg0: i32) -> (i32, i32) {
    %c0_i32 = arith.constant 0 : i32
    %c0_i32_0 = arith.constant 0 : i32
    %c0_i32_1 = arith.constant 0 : i32
    return %c0_i32, %c0_i32_0 : i32, i32
  }
  func.func @transform_3(%arg0: i32) -> (i32, i32) {
    %c0_i32 = arith.constant 0 : i32
    %c0_i32_0 = arith.constant 0 : i32
    %c0_i32_1 = arith.constant 0 : i32
    return %c0_i32, %c0_i32_0 : i32, i32
  }
  func.func @transform_4(%arg0: i32) -> (i32, i32) {
    %c0_i32 = arith.constant 0 : i32
    %c0_i32_0 = arith.constant 0 : i32
    %c0_i32_1 = arith.constant 0 : i32
    return %c0_i32, %c0_i32_0 : i32, i32
  }
  func.func @transform_5(%arg0: i32) -> (i32, i32) {
    %c0_i32 = arith.constant 0 : i32
    %c0_i32_0 = arith.constant 0 : i32
    return %arg0, %c0_i32 : i32, i32
  }
}

module attributes {stable_mosaic.version = 14 : i64} {
  func.func @_head5_body(%arg0: i32, %arg1: memref<2048x512xf32, #tpu.memory_space<vmem>>, %arg2: memref<512x256xf32, #tpu.memory_space<vmem>>, %arg3: memref<256x256xf32, #tpu.memory_space<vmem>>, %arg4: memref<1x256xf32, #tpu.memory_space<vmem>>, %arg5: memref<1x256xf32, #tpu.memory_space<vmem>>, %arg6: memref<2048x256xf32, #tpu.memory_space<vmem>>, %arg7: memref<1x1x256xf32, #tpu.memory_space<vmem>>, %arg8: memref<1x1x256xf32, #tpu.memory_space<vmem>>) attributes {dimension_semantics = [#tpu.dimension_semantics<arbitrary>], iteration_bounds = array<i64: 8>, scalar_prefetch = 0 : i64, scratch_operands = 0 : i64, tpu.core_type = #tpu.core_type<tc>, window_params = [{transform_indices = @transform_0, window_bounds = array<i64: 2048, 512>}, {pipeline_mode = #tpu.pipeline_mode<synchronous>, transform_indices = @transform_1, window_bounds = array<i64: 512, 256>}, {pipeline_mode = #tpu.pipeline_mode<synchronous>, transform_indices = @transform_2, window_bounds = array<i64: 256, 256>}, {pipeline_mode = #tpu.pipeline_mode<synchronous>, transform_indices = @transform_3, window_bounds = array<i64: 1, 256>}, {pipeline_mode = #tpu.pipeline_mode<synchronous>, transform_indices = @transform_4, window_bounds = array<i64: 1, 256>}, {transform_indices = @transform_5, window_bounds = array<i64: 2048, 256>}, {transform_indices = @transform_6, window_bounds = array<i64: 1, 1, 256>}, {transform_indices = @transform_7, window_bounds = array<i64: 1, 1, 256>}]} {
    %get3A = arith.constant 0 : index
    %get3A_0 = arith.constant 0 : index
    %get3A_1 = vector.load %arg1[%get3A, %get3A_0] : memref<2048x512xf32, #tpu.memory_space<vmem>>, vector<2048x512xf32>
    %get3A_2 = arith.constant 0 : index
    %get3A_3 = arith.constant 0 : index
    %get3A_4 = vector.load %arg2[%get3A_2, %get3A_3] : memref<512x256xf32, #tpu.memory_space<vmem>>, vector<512x256xf32>
    %dot_general3A = arith.constant dense<0.000000e+00> : vector<2048x256xf32>
    %dot_general3A_5 = tpu.matmul %get3A_1, %get3A_4, %dot_general3A {dimension_numbers = #tpu.dot_dimension_numbers<[1], [0], [0], [1], [0, 0, 1, 1], [], []>, transpose_lhs_hint = false} : vector<2048x512xf32>, vector<512x256xf32>, vector<2048x256xf32> -> vector<2048x256xf32>
    %reduce_sum3A = arith.constant dense<0.000000e+00> : vector<256xf32>
    %reduce_sum3A_6 = vector.multi_reduction <add>, %dot_general3A_5, %reduce_sum3A [0] : vector<2048x256xf32> to vector<256xf32>
    %broadcast_in_dim3A = vector.shape_cast %reduce_sum3A_6 : vector<256xf32> to vector<1x256xf32>
    %mul3A = arith.mulf %dot_general3A_5, %dot_general3A_5 : vector<2048x256xf32>
    %reduce_sum3A_7 = arith.constant dense<0.000000e+00> : vector<256xf32>
    %reduce_sum3A_8 = vector.multi_reduction <add>, %mul3A, %reduce_sum3A_7 [0] : vector<2048x256xf32> to vector<256xf32>
    %broadcast_in_dim3A_9 = vector.shape_cast %reduce_sum3A_8 : vector<256xf32> to vector<1x256xf32>
    %broadcast_in_dim3A_10 = arith.constant 0.000000e+00 : f32
    %broadcast_in_dim3A_11 = vector.broadcast %broadcast_in_dim3A_10 : f32 to vector<6x256xf32>
    %concatenate3A = tpu.concatenate %broadcast_in_dim3A, %broadcast_in_dim3A_9, %broadcast_in_dim3A_11 in 0 : vector<1x256xf32>, vector<1x256xf32>, vector<6x256xf32> -> vector<8x256xf32>
    %get3A_12 = arith.constant 0 : index
    %get3A_13 = arith.constant 0 : index
    %get3A_14 = vector.load %arg3[%get3A_12, %get3A_13] : memref<256x256xf32, #tpu.memory_space<vmem>>, vector<256x256xf32>
    %dot_general3A_15 = arith.constant dense<0.000000e+00> : vector<8x256xf32>
    %dot_general3A_16 = tpu.matmul %concatenate3A, %get3A_14, %dot_general3A_15 {dimension_numbers = #tpu.dot_dimension_numbers<[1], [0], [0], [1], [0, 0, 1, 1], [], []>, transpose_lhs_hint = false} : vector<8x256xf32>, vector<256x256xf32>, vector<8x256xf32> -> vector<8x256xf32>
    %slice3A = vector.extract_strided_slice %dot_general3A_16 {offsets = [0, 0], sizes = [1, 256], strides = [1, 1]} : vector<8x256xf32> to vector<1x256xf32>
    %div3A = arith.constant 1.638400e+04 : f32
    %div3A_17 = vector.broadcast %div3A : f32 to vector<1x256xf32>
    %div3A_18 = arith.divf %slice3A, %div3A_17 : vector<1x256xf32>
    %slice3A_19 = vector.extract_strided_slice %dot_general3A_16 {offsets = [1, 0], sizes = [1, 256], strides = [1, 1]} : vector<8x256xf32> to vector<1x256xf32>
    %div3A_20 = arith.constant 1.638400e+04 : f32
    %div3A_21 = vector.broadcast %div3A_20 : f32 to vector<1x256xf32>
    %div3A_22 = arith.divf %slice3A_19, %div3A_21 : vector<1x256xf32>
    %mul3A_23 = arith.mulf %div3A_18, %div3A_18 : vector<1x256xf32>
    %sub3A = arith.subf %div3A_22, %mul3A_23 : vector<1x256xf32>
    %get3A_24 = arith.constant 0 : index
    %get3A_25 = arith.constant 0 : index
    %get3A_26 = vector.load %arg4[%get3A_24, %get3A_25] : memref<1x256xf32, #tpu.memory_space<vmem>>, vector<1x256xf32>
    %sub3A_27 = vector.broadcast %div3A_18 : vector<1x256xf32> to vector<2048x256xf32>
    %sub3A_28 = arith.subf %dot_general3A_5, %sub3A_27 : vector<2048x256xf32>
    %mul3A_29 = vector.broadcast %get3A_26 : vector<1x256xf32> to vector<2048x256xf32>
    %mul3A_30 = arith.mulf %mul3A_29, %sub3A_28 : vector<2048x256xf32>
    %add3A = arith.constant 9.99999974E-6 : f32
    %add3A_31 = vector.broadcast %add3A : f32 to vector<1x256xf32>
    %add3A_32 = arith.addf %sub3A, %add3A_31 : vector<1x256xf32>
    %sqrt3A = math.sqrt %add3A_32 : vector<1x256xf32>
    %div3A_33 = vector.broadcast %sqrt3A : vector<1x256xf32> to vector<2048x256xf32>
    %div3A_34 = arith.divf %mul3A_30, %div3A_33 : vector<2048x256xf32>
    %get3A_35 = arith.constant 0 : index
    %get3A_36 = arith.constant 0 : index
    %get3A_37 = vector.load %arg5[%get3A_35, %get3A_36] : memref<1x256xf32, #tpu.memory_space<vmem>>, vector<1x256xf32>
    %add3A_38 = vector.broadcast %get3A_37 : vector<1x256xf32> to vector<2048x256xf32>
    %add3A_39 = arith.addf %div3A_34, %add3A_38 : vector<2048x256xf32>
    %ge3A = arith.constant 0.000000e+00 : f32
    %ge3A_40 = vector.broadcast %ge3A : f32 to vector<2048x256xf32>
    %ge3A_41 = arith.cmpf oge, %add3A_39, %ge3A_40 : vector<2048x256xf32>
    %mul3A_42 = arith.constant 2.000000e-01 : f32
    %mul3A_43 = vector.broadcast %mul3A_42 : f32 to vector<2048x256xf32>
    %mul3A_44 = arith.mulf %mul3A_43, %add3A_39 : vector<2048x256xf32>
    %select_n3A = arith.select %ge3A_41, %add3A_39, %mul3A_44 : vector<2048x256xi1>, vector<2048x256xf32>
    %swap3A = arith.constant 0 : index
    %swap3A_45 = arith.constant 0 : index
    %swap3A_46 = vector.load %arg6[%swap3A, %swap3A_45] : memref<2048x256xf32, #tpu.memory_space<vmem>>, vector<2048x256xf32>
    tpu.vector_store %arg6[%swap3A, %swap3A_45], %select_n3A {strides = array<i32>} : memref<2048x256xf32, #tpu.memory_space<vmem>>, vector<2048x256xf32>,
    %reduce_max3A = arith.constant dense<0xFF800000> : vector<256xf32>
    %reduce_max3A_47 = vector.multi_reduction <maximumf>, %select_n3A, %reduce_max3A [0] : vector<2048x256xf32> to vector<256xf32>
    %broadcast_in_dim3A_48 = vector.shape_cast %reduce_max3A_47 : vector<256xf32> to vector<1x256xf32>
    %swap3A_49 = arith.constant 0 : index
    %swap3A_50 = arith.constant 0 : index
    %swap3A_51 = arith.constant 0 : index
    %swap3A_52 = vector.load %arg7[%swap3A_49, %swap3A_50, %swap3A_51] : memref<1x1x256xf32, #tpu.memory_space<vmem>>, vector<1x1x256xf32>
    %swap3A_53 = vector.shape_cast %swap3A_52 : vector<1x1x256xf32> to vector<1x256xf32>
    %swap3A_54 = vector.shape_cast %broadcast_in_dim3A_48 : vector<1x256xf32> to vector<1x1x256xf32>
    tpu.vector_store %arg7[%swap3A_49, %swap3A_50, %swap3A_51], %swap3A_54 {strides = array<i32>} : memref<1x1x256xf32, #tpu.memory_space<vmem>>, vector<1x1x256xf32>,
    %reduce_sum3A_55 = arith.constant dense<0.000000e+00> : vector<256xf32>
    %reduce_sum3A_56 = vector.multi_reduction <add>, %select_n3A, %reduce_sum3A_55 [0] : vector<2048x256xf32> to vector<256xf32>
    %broadcast_in_dim3A_57 = vector.shape_cast %reduce_sum3A_56 : vector<256xf32> to vector<1x256xf32>
    %swap3A_58 = arith.constant 0 : index
    %swap3A_59 = arith.constant 0 : index
    %swap3A_60 = arith.constant 0 : index
    %swap3A_61 = vector.load %arg8[%swap3A_58, %swap3A_59, %swap3A_60] : memref<1x1x256xf32, #tpu.memory_space<vmem>>, vector<1x1x256xf32>
    %swap3A_62 = vector.shape_cast %swap3A_61 : vector<1x1x256xf32> to vector<1x256xf32>
    %swap3A_63 = vector.shape_cast %broadcast_in_dim3A_57 : vector<1x256xf32> to vector<1x1x256xf32>
    tpu.vector_store %arg8[%swap3A_58, %swap3A_59, %swap3A_60], %swap3A_63 {strides = array<i32>} : memref<1x1x256xf32, #tpu.memory_space<vmem>>, vector<1x1x256xf32>,
    return
  }
  func.func @transform_0(%arg0: i32) -> (i32, i32) {
    %c0_i32 = arith.constant 0 : i32
    %c0_i32_0 = arith.constant 0 : i32
    return %arg0, %c0_i32 : i32, i32
  }
  func.func @transform_1(%arg0: i32) -> (i32, i32) {
    %c0_i32 = arith.constant 0 : i32
    %c0_i32_0 = arith.constant 0 : i32
    %c0_i32_1 = arith.constant 0 : i32
    return %c0_i32, %c0_i32_0 : i32, i32
  }
  func.func @transform_2(%arg0: i32) -> (i32, i32) {
    %c0_i32 = arith.constant 0 : i32
    %c0_i32_0 = arith.constant 0 : i32
    %c0_i32_1 = arith.constant 0 : i32
    return %c0_i32, %c0_i32_0 : i32, i32
  }
  func.func @transform_3(%arg0: i32) -> (i32, i32) {
    %c0_i32 = arith.constant 0 : i32
    %c0_i32_0 = arith.constant 0 : i32
    %c0_i32_1 = arith.constant 0 : i32
    return %c0_i32, %c0_i32_0 : i32, i32
  }
  func.func @transform_4(%arg0: i32) -> (i32, i32) {
    %c0_i32 = arith.constant 0 : i32
    %c0_i32_0 = arith.constant 0 : i32
    %c0_i32_1 = arith.constant 0 : i32
    return %c0_i32, %c0_i32_0 : i32, i32
  }
  func.func @transform_5(%arg0: i32) -> (i32, i32) {
    %c0_i32 = arith.constant 0 : i32
    %c0_i32_0 = arith.constant 0 : i32
    return %arg0, %c0_i32 : i32, i32
  }
  func.func @transform_6(%arg0: i32) -> (i32, i32, i32) {
    %c0_i32 = arith.constant 0 : i32
    %c0_i32_0 = arith.constant 0 : i32
    %c0_i32_1 = arith.constant 0 : i32
    return %arg0, %c0_i32, %c0_i32_0 : i32, i32, i32
  }
  func.func @transform_7(%arg0: i32) -> (i32, i32, i32) {
    %c0_i32 = arith.constant 0 : i32
    %c0_i32_0 = arith.constant 0 : i32
    %c0_i32_1 = arith.constant 0 : i32
    return %arg0, %c0_i32, %c0_i32_0 : i32, i32, i32
  }
}

module attributes {stable_mosaic.version = 14 : i64} {
  func.func @_mlp1_body(%arg0: i32, %arg1: memref<2048x512xf32, #tpu.memory_space<vmem>>, %arg2: memref<1x1x512xf32, #tpu.memory_space<vmem>>, %arg3: memref<512x512xf32, #tpu.memory_space<vmem>>, %arg4: memref<512x512xf32, #tpu.memory_space<vmem>>, %arg5: memref<1x512xf32, #tpu.memory_space<vmem>>, %arg6: memref<512x512xf32, #tpu.memory_space<vmem>>, %arg7: memref<1x512xf32, #tpu.memory_space<vmem>>, %arg8: memref<1x512xf32, #tpu.memory_space<vmem>>, %arg9: memref<2048x512xf32, #tpu.memory_space<vmem>>) attributes {dimension_semantics = [#tpu.dimension_semantics<arbitrary>], iteration_bounds = array<i64: 8>, scalar_prefetch = 0 : i64, scratch_operands = 0 : i64, tpu.core_type = #tpu.core_type<tc>, window_params = [{transform_indices = @transform_0, window_bounds = array<i64: 2048, 512>}, {transform_indices = @transform_1, window_bounds = array<i64: 1, 1, 512>}, {pipeline_mode = #tpu.pipeline_mode<synchronous>, transform_indices = @transform_2, window_bounds = array<i64: 512, 512>}, {pipeline_mode = #tpu.pipeline_mode<synchronous>, transform_indices = @transform_3, window_bounds = array<i64: 512, 512>}, {pipeline_mode = #tpu.pipeline_mode<synchronous>, transform_indices = @transform_4, window_bounds = array<i64: 1, 512>}, {pipeline_mode = #tpu.pipeline_mode<synchronous>, transform_indices = @transform_5, window_bounds = array<i64: 512, 512>}, {pipeline_mode = #tpu.pipeline_mode<synchronous>, transform_indices = @transform_6, window_bounds = array<i64: 1, 512>}, {pipeline_mode = #tpu.pipeline_mode<synchronous>, transform_indices = @transform_7, window_bounds = array<i64: 1, 512>}, {transform_indices = @transform_8, window_bounds = array<i64: 2048, 512>}]} {
    %get3A = arith.constant 0 : index
    %get3A_0 = arith.constant 0 : index
    %get3A_1 = vector.load %arg1[%get3A, %get3A_0] : memref<2048x512xf32, #tpu.memory_space<vmem>>, vector<2048x512xf32>
    %get3A_2 = arith.constant 0 : index
    %get3A_3 = arith.constant 0 : index
    %get3A_4 = vector.load %arg3[%get3A_2, %get3A_3] : memref<512x512xf32, #tpu.memory_space<vmem>>, vector<512x512xf32>
    %dot_general3A = arith.constant dense<0.000000e+00> : vector<2048x512xf32>
    %dot_general3A_5 = tpu.matmul %get3A_1, %get3A_4, %dot_general3A {dimension_numbers = #tpu.dot_dimension_numbers<[1], [0], [0], [1], [0, 0, 1, 1], [], []>, transpose_lhs_hint = false} : vector<2048x512xf32>, vector<512x512xf32>, vector<2048x512xf32> -> vector<2048x512xf32>
    %get3A_6 = arith.constant 0 : index
    %get3A_7 = arith.constant 0 : index
    %get3A_8 = arith.constant 0 : index
    %get3A_9 = vector.load %arg2[%get3A_6, %get3A_7, %get3A_8] : memref<1x1x512xf32, #tpu.memory_space<vmem>>, vector<1x1x512xf32>
    %get3A_10 = vector.shape_cast %get3A_9 : vector<1x1x512xf32> to vector<1x512xf32>
    %get3A_11 = arith.constant 0 : index
    %get3A_12 = arith.constant 0 : index
    %get3A_13 = vector.load %arg4[%get3A_11, %get3A_12] : memref<512x512xf32, #tpu.memory_space<vmem>>, vector<512x512xf32>
    %dot_general3A_14 = arith.constant dense<0.000000e+00> : vector<1x512xf32>
    %dot_general3A_15 = tpu.matmul %get3A_10, %get3A_13, %dot_general3A_14 {dimension_numbers = #tpu.dot_dimension_numbers<[1], [0], [0], [1], [0, 0, 1, 1], [], []>, transpose_lhs_hint = false} : vector<1x512xf32>, vector<512x512xf32>, vector<1x512xf32> -> vector<1x512xf32>
    %add3A = vector.broadcast %dot_general3A_15 : vector<1x512xf32> to vector<2048x512xf32>
    %add3A_16 = arith.addf %dot_general3A_5, %add3A : vector<2048x512xf32>
    %get3A_17 = arith.constant 0 : index
    %get3A_18 = arith.constant 0 : index
    %get3A_19 = vector.load %arg5[%get3A_17, %get3A_18] : memref<1x512xf32, #tpu.memory_space<vmem>>, vector<1x512xf32>
    %add3A_20 = vector.broadcast %get3A_19 : vector<1x512xf32> to vector<2048x512xf32>
    %add3A_21 = arith.addf %add3A_16, %add3A_20 : vector<2048x512xf32>
    %reduce_sum3A = arith.constant dense<0.000000e+00> : vector<512xf32>
    %reduce_sum3A_22 = vector.multi_reduction <add>, %add3A_21, %reduce_sum3A [0] : vector<2048x512xf32> to vector<512xf32>
    %broadcast_in_dim3A = vector.shape_cast %reduce_sum3A_22 : vector<512xf32> to vector<1x512xf32>
    %mul3A = arith.mulf %add3A_21, %add3A_21 : vector<2048x512xf32>
    %reduce_sum3A_23 = arith.constant dense<0.000000e+00> : vector<512xf32>
    %reduce_sum3A_24 = vector.multi_reduction <add>, %mul3A, %reduce_sum3A_23 [0] : vector<2048x512xf32> to vector<512xf32>
    %broadcast_in_dim3A_25 = vector.shape_cast %reduce_sum3A_24 : vector<512xf32> to vector<1x512xf32>
    %broadcast_in_dim3A_26 = arith.constant 0.000000e+00 : f32
    %broadcast_in_dim3A_27 = vector.broadcast %broadcast_in_dim3A_26 : f32 to vector<6x512xf32>
    %concatenate3A = tpu.concatenate %broadcast_in_dim3A, %broadcast_in_dim3A_25, %broadcast_in_dim3A_27 in 0 : vector<1x512xf32>, vector<1x512xf32>, vector<6x512xf32> -> vector<8x512xf32>
    %get3A_28 = arith.constant 0 : index
    %get3A_29 = arith.constant 0 : index
    %get3A_30 = vector.load %arg6[%get3A_28, %get3A_29] : memref<512x512xf32, #tpu.memory_space<vmem>>, vector<512x512xf32>
    %dot_general3A_31 = arith.constant dense<0.000000e+00> : vector<8x512xf32>
    %dot_general3A_32 = tpu.matmul %concatenate3A, %get3A_30, %dot_general3A_31 {dimension_numbers = #tpu.dot_dimension_numbers<[1], [0], [0], [1], [0, 0, 1, 1], [], []>, transpose_lhs_hint = false} : vector<8x512xf32>, vector<512x512xf32>, vector<8x512xf32> -> vector<8x512xf32>
    %slice3A = vector.extract_strided_slice %dot_general3A_32 {offsets = [0, 0], sizes = [1, 512], strides = [1, 1]} : vector<8x512xf32> to vector<1x512xf32>
    %div3A = arith.constant 3.276800e+04 : f32
    %div3A_33 = vector.broadcast %div3A : f32 to vector<1x512xf32>
    %div3A_34 = arith.divf %slice3A, %div3A_33 : vector<1x512xf32>
    %slice3A_35 = vector.extract_strided_slice %dot_general3A_32 {offsets = [1, 0], sizes = [1, 512], strides = [1, 1]} : vector<8x512xf32> to vector<1x512xf32>
    %div3A_36 = arith.constant 3.276800e+04 : f32
    %div3A_37 = vector.broadcast %div3A_36 : f32 to vector<1x512xf32>
    %div3A_38 = arith.divf %slice3A_35, %div3A_37 : vector<1x512xf32>
    %mul3A_39 = arith.mulf %div3A_34, %div3A_34 : vector<1x512xf32>
    %sub3A = arith.subf %div3A_38, %mul3A_39 : vector<1x512xf32>
    %get3A_40 = arith.constant 0 : index
    %get3A_41 = arith.constant 0 : index
    %get3A_42 = vector.load %arg7[%get3A_40, %get3A_41] : memref<1x512xf32, #tpu.memory_space<vmem>>, vector<1x512xf32>
    %sub3A_43 = vector.broadcast %div3A_34 : vector<1x512xf32> to vector<2048x512xf32>
    %sub3A_44 = arith.subf %add3A_21, %sub3A_43 : vector<2048x512xf32>
    %mul3A_45 = vector.broadcast %get3A_42 : vector<1x512xf32> to vector<2048x512xf32>
    %mul3A_46 = arith.mulf %mul3A_45, %sub3A_44 : vector<2048x512xf32>
    %add3A_47 = arith.constant 9.99999974E-6 : f32
    %add3A_48 = vector.broadcast %add3A_47 : f32 to vector<1x512xf32>
    %add3A_49 = arith.addf %sub3A, %add3A_48 : vector<1x512xf32>
    %sqrt3A = math.sqrt %add3A_49 : vector<1x512xf32>
    %div3A_50 = vector.broadcast %sqrt3A : vector<1x512xf32> to vector<2048x512xf32>
    %div3A_51 = arith.divf %mul3A_46, %div3A_50 : vector<2048x512xf32>
    %get3A_52 = arith.constant 0 : index
    %get3A_53 = arith.constant 0 : index
    %get3A_54 = vector.load %arg8[%get3A_52, %get3A_53] : memref<1x512xf32, #tpu.memory_space<vmem>>, vector<1x512xf32>
    %add3A_55 = vector.broadcast %get3A_54 : vector<1x512xf32> to vector<2048x512xf32>
    %add3A_56 = arith.addf %div3A_51, %add3A_55 : vector<2048x512xf32>
    %max3A = arith.constant 0.000000e+00 : f32
    %max3A_57 = vector.broadcast %max3A : f32 to vector<2048x512xf32>
    %max3A_58 = arith.maximumf %add3A_56, %max3A_57 : vector<2048x512xf32>
    %swap3A = arith.constant 0 : index
    %swap3A_59 = arith.constant 0 : index
    %swap3A_60 = vector.load %arg9[%swap3A, %swap3A_59] : memref<2048x512xf32, #tpu.memory_space<vmem>>, vector<2048x512xf32>
    tpu.vector_store %arg9[%swap3A, %swap3A_59], %max3A_58 {strides = array<i32>} : memref<2048x512xf32, #tpu.memory_space<vmem>>, vector<2048x512xf32>,
    return
  }
  func.func @transform_0(%arg0: i32) -> (i32, i32) {
    %c0_i32 = arith.constant 0 : i32
    %c0_i32_0 = arith.constant 0 : i32
    return %arg0, %c0_i32 : i32, i32
  }
  func.func @transform_1(%arg0: i32) -> (i32, i32, i32) {
    %c0_i32 = arith.constant 0 : i32
    %c0_i32_0 = arith.constant 0 : i32
    %c0_i32_1 = arith.constant 0 : i32
    return %arg0, %c0_i32, %c0_i32_0 : i32, i32, i32
  }
  func.func @transform_2(%arg0: i32) -> (i32, i32) {
    %c0_i32 = arith.constant 0 : i32
    %c0_i32_0 = arith.constant 0 : i32
    %c0_i32_1 = arith.constant 0 : i32
    return %c0_i32, %c0_i32_0 : i32, i32
  }
  func.func @transform_3(%arg0: i32) -> (i32, i32) {
    %c0_i32 = arith.constant 0 : i32
    %c0_i32_0 = arith.constant 0 : i32
    %c0_i32_1 = arith.constant 0 : i32
    return %c0_i32, %c0_i32_0 : i32, i32
  }
  func.func @transform_4(%arg0: i32) -> (i32, i32) {
    %c0_i32 = arith.constant 0 : i32
    %c0_i32_0 = arith.constant 0 : i32
    %c0_i32_1 = arith.constant 0 : i32
    return %c0_i32, %c0_i32_0 : i32, i32
  }
  func.func @transform_5(%arg0: i32) -> (i32, i32) {
    %c0_i32 = arith.constant 0 : i32
    %c0_i32_0 = arith.constant 0 : i32
    %c0_i32_1 = arith.constant 0 : i32
    return %c0_i32, %c0_i32_0 : i32, i32
  }
  func.func @transform_6(%arg0: i32) -> (i32, i32) {
    %c0_i32 = arith.constant 0 : i32
    %c0_i32_0 = arith.constant 0 : i32
    %c0_i32_1 = arith.constant 0 : i32
    return %c0_i32, %c0_i32_0 : i32, i32
  }
  func.func @transform_7(%arg0: i32) -> (i32, i32) {
    %c0_i32 = arith.constant 0 : i32
    %c0_i32_0 = arith.constant 0 : i32
    %c0_i32_1 = arith.constant 0 : i32
    return %c0_i32, %c0_i32_0 : i32, i32
  }
  func.func @transform_8(%arg0: i32) -> (i32, i32) {
    %c0_i32 = arith.constant 0 : i32
    %c0_i32_0 = arith.constant 0 : i32
    return %arg0, %c0_i32 : i32, i32
  }
}

module attributes {stable_mosaic.version = 14 : i64} {
  func.func @_mlp_body(%arg0: i32, %arg1: memref<2048x512xf32, #tpu.memory_space<vmem>>, %arg2: memref<512x256xf32, #tpu.memory_space<vmem>>, %arg3: memref<1x256xf32, #tpu.memory_space<vmem>>, %arg4: memref<256x256xf32, #tpu.memory_space<vmem>>, %arg5: memref<1x256xf32, #tpu.memory_space<vmem>>, %arg6: memref<1x256xf32, #tpu.memory_space<vmem>>, %arg7: memref<2048x256xf32, #tpu.memory_space<vmem>>) attributes {dimension_semantics = [#tpu.dimension_semantics<arbitrary>], iteration_bounds = array<i64: 8>, scalar_prefetch = 0 : i64, scratch_operands = 0 : i64, tpu.core_type = #tpu.core_type<tc>, window_params = [{transform_indices = @transform_0, window_bounds = array<i64: 2048, 512>}, {pipeline_mode = #tpu.pipeline_mode<synchronous>, transform_indices = @transform_1, window_bounds = array<i64: 512, 256>}, {pipeline_mode = #tpu.pipeline_mode<synchronous>, transform_indices = @transform_2, window_bounds = array<i64: 1, 256>}, {pipeline_mode = #tpu.pipeline_mode<synchronous>, transform_indices = @transform_3, window_bounds = array<i64: 256, 256>}, {pipeline_mode = #tpu.pipeline_mode<synchronous>, transform_indices = @transform_4, window_bounds = array<i64: 1, 256>}, {pipeline_mode = #tpu.pipeline_mode<synchronous>, transform_indices = @transform_5, window_bounds = array<i64: 1, 256>}, {transform_indices = @transform_6, window_bounds = array<i64: 2048, 256>}]} {
    %get3A = arith.constant 0 : index
    %get3A_0 = arith.constant 0 : index
    %get3A_1 = vector.load %arg1[%get3A, %get3A_0] : memref<2048x512xf32, #tpu.memory_space<vmem>>, vector<2048x512xf32>
    %get3A_2 = arith.constant 0 : index
    %get3A_3 = arith.constant 0 : index
    %get3A_4 = vector.load %arg2[%get3A_2, %get3A_3] : memref<512x256xf32, #tpu.memory_space<vmem>>, vector<512x256xf32>
    %dot_general3A = arith.constant dense<0.000000e+00> : vector<2048x256xf32>
    %dot_general3A_5 = tpu.matmul %get3A_1, %get3A_4, %dot_general3A {dimension_numbers = #tpu.dot_dimension_numbers<[1], [0], [0], [1], [0, 0, 1, 1], [], []>, transpose_lhs_hint = false} : vector<2048x512xf32>, vector<512x256xf32>, vector<2048x256xf32> -> vector<2048x256xf32>
    %get3A_6 = arith.constant 0 : index
    %get3A_7 = arith.constant 0 : index
    %get3A_8 = vector.load %arg3[%get3A_6, %get3A_7] : memref<1x256xf32, #tpu.memory_space<vmem>>, vector<1x256xf32>
    %add3A = vector.broadcast %get3A_8 : vector<1x256xf32> to vector<2048x256xf32>
    %add3A_9 = arith.addf %dot_general3A_5, %add3A : vector<2048x256xf32>
    %reduce_sum3A = arith.constant dense<0.000000e+00> : vector<256xf32>
    %reduce_sum3A_10 = vector.multi_reduction <add>, %add3A_9, %reduce_sum3A [0] : vector<2048x256xf32> to vector<256xf32>
    %broadcast_in_dim3A = vector.shape_cast %reduce_sum3A_10 : vector<256xf32> to vector<1x256xf32>
    %mul3A = arith.mulf %add3A_9, %add3A_9 : vector<2048x256xf32>
    %reduce_sum3A_11 = arith.constant dense<0.000000e+00> : vector<256xf32>
    %reduce_sum3A_12 = vector.multi_reduction <add>, %mul3A, %reduce_sum3A_11 [0] : vector<2048x256xf32> to vector<256xf32>
    %broadcast_in_dim3A_13 = vector.shape_cast %reduce_sum3A_12 : vector<256xf32> to vector<1x256xf32>
    %broadcast_in_dim3A_14 = arith.constant 0.000000e+00 : f32
    %broadcast_in_dim3A_15 = vector.broadcast %broadcast_in_dim3A_14 : f32 to vector<6x256xf32>
    %concatenate3A = tpu.concatenate %broadcast_in_dim3A, %broadcast_in_dim3A_13, %broadcast_in_dim3A_15 in 0 : vector<1x256xf32>, vector<1x256xf32>, vector<6x256xf32> -> vector<8x256xf32>
    %get3A_16 = arith.constant 0 : index
    %get3A_17 = arith.constant 0 : index
    %get3A_18 = vector.load %arg4[%get3A_16, %get3A_17] : memref<256x256xf32, #tpu.memory_space<vmem>>, vector<256x256xf32>
    %dot_general3A_19 = arith.constant dense<0.000000e+00> : vector<8x256xf32>
    %dot_general3A_20 = tpu.matmul %concatenate3A, %get3A_18, %dot_general3A_19 {dimension_numbers = #tpu.dot_dimension_numbers<[1], [0], [0], [1], [0, 0, 1, 1], [], []>, transpose_lhs_hint = false} : vector<8x256xf32>, vector<256x256xf32>, vector<8x256xf32> -> vector<8x256xf32>
    %slice3A = vector.extract_strided_slice %dot_general3A_20 {offsets = [0, 0], sizes = [1, 256], strides = [1, 1]} : vector<8x256xf32> to vector<1x256xf32>
    %div3A = arith.constant 1.638400e+04 : f32
    %div3A_21 = vector.broadcast %div3A : f32 to vector<1x256xf32>
    %div3A_22 = arith.divf %slice3A, %div3A_21 : vector<1x256xf32>
    %slice3A_23 = vector.extract_strided_slice %dot_general3A_20 {offsets = [1, 0], sizes = [1, 256], strides = [1, 1]} : vector<8x256xf32> to vector<1x256xf32>
    %div3A_24 = arith.constant 1.638400e+04 : f32
    %div3A_25 = vector.broadcast %div3A_24 : f32 to vector<1x256xf32>
    %div3A_26 = arith.divf %slice3A_23, %div3A_25 : vector<1x256xf32>
    %mul3A_27 = arith.mulf %div3A_22, %div3A_22 : vector<1x256xf32>
    %sub3A = arith.subf %div3A_26, %mul3A_27 : vector<1x256xf32>
    %get3A_28 = arith.constant 0 : index
    %get3A_29 = arith.constant 0 : index
    %get3A_30 = vector.load %arg5[%get3A_28, %get3A_29] : memref<1x256xf32, #tpu.memory_space<vmem>>, vector<1x256xf32>
    %sub3A_31 = vector.broadcast %div3A_22 : vector<1x256xf32> to vector<2048x256xf32>
    %sub3A_32 = arith.subf %add3A_9, %sub3A_31 : vector<2048x256xf32>
    %mul3A_33 = vector.broadcast %get3A_30 : vector<1x256xf32> to vector<2048x256xf32>
    %mul3A_34 = arith.mulf %mul3A_33, %sub3A_32 : vector<2048x256xf32>
    %add3A_35 = arith.constant 9.99999974E-6 : f32
    %add3A_36 = vector.broadcast %add3A_35 : f32 to vector<1x256xf32>
    %add3A_37 = arith.addf %sub3A, %add3A_36 : vector<1x256xf32>
    %sqrt3A = math.sqrt %add3A_37 : vector<1x256xf32>
    %div3A_38 = vector.broadcast %sqrt3A : vector<1x256xf32> to vector<2048x256xf32>
    %div3A_39 = arith.divf %mul3A_34, %div3A_38 : vector<2048x256xf32>
    %get3A_40 = arith.constant 0 : index
    %get3A_41 = arith.constant 0 : index
    %get3A_42 = vector.load %arg6[%get3A_40, %get3A_41] : memref<1x256xf32, #tpu.memory_space<vmem>>, vector<1x256xf32>
    %add3A_43 = vector.broadcast %get3A_42 : vector<1x256xf32> to vector<2048x256xf32>
    %add3A_44 = arith.addf %div3A_39, %add3A_43 : vector<2048x256xf32>
    %max3A = arith.constant 0.000000e+00 : f32
    %max3A_45 = vector.broadcast %max3A : f32 to vector<2048x256xf32>
    %max3A_46 = arith.maximumf %add3A_44, %max3A_45 : vector<2048x256xf32>
    %swap3A = arith.constant 0 : index
    %swap3A_47 = arith.constant 0 : index
    %swap3A_48 = vector.load %arg7[%swap3A, %swap3A_47] : memref<2048x256xf32, #tpu.memory_space<vmem>>, vector<2048x256xf32>
    tpu.vector_store %arg7[%swap3A, %swap3A_47], %max3A_46 {strides = array<i32>} : memref<2048x256xf32, #tpu.memory_space<vmem>>, vector<2048x256xf32>,
    return
  }
  func.func @transform_0(%arg0: i32) -> (i32, i32) {
    %c0_i32 = arith.constant 0 : i32
    %c0_i32_0 = arith.constant 0 : i32
    return %arg0, %c0_i32 : i32, i32
  }
  func.func @transform_1(%arg0: i32) -> (i32, i32) {
    %c0_i32 = arith.constant 0 : i32
    %c0_i32_0 = arith.constant 0 : i32
    %c0_i32_1 = arith.constant 0 : i32
    return %c0_i32, %c0_i32_0 : i32, i32
  }
  func.func @transform_2(%arg0: i32) -> (i32, i32) {
    %c0_i32 = arith.constant 0 : i32
    %c0_i32_0 = arith.constant 0 : i32
    %c0_i32_1 = arith.constant 0 : i32
    return %c0_i32, %c0_i32_0 : i32, i32
  }
  func.func @transform_3(%arg0: i32) -> (i32, i32) {
    %c0_i32 = arith.constant 0 : i32
    %c0_i32_0 = arith.constant 0 : i32
    %c0_i32_1 = arith.constant 0 : i32
    return %c0_i32, %c0_i32_0 : i32, i32
  }
  func.func @transform_4(%arg0: i32) -> (i32, i32) {
    %c0_i32 = arith.constant 0 : i32
    %c0_i32_0 = arith.constant 0 : i32
    %c0_i32_1 = arith.constant 0 : i32
    return %c0_i32, %c0_i32_0 : i32, i32
  }
  func.func @transform_5(%arg0: i32) -> (i32, i32) {
    %c0_i32 = arith.constant 0 : i32
    %c0_i32_0 = arith.constant 0 : i32
    %c0_i32_1 = arith.constant 0 : i32
    return %c0_i32, %c0_i32_0 : i32, i32
  }
  func.func @transform_6(%arg0: i32) -> (i32, i32) {
    %c0_i32 = arith.constant 0 : i32
    %c0_i32_0 = arith.constant 0 : i32
    return %arg0, %c0_i32 : i32, i32
  }
}

module attributes {stable_mosaic.version = 14 : i64} {
  func.func @_mlp_body(%arg0: i32, %arg1: memref<2048x256xf32, #tpu.memory_space<vmem>>, %arg2: memref<256x128xf32, #tpu.memory_space<vmem>>, %arg3: memref<1x128xf32, #tpu.memory_space<vmem>>, %arg4: memref<128x128xf32, #tpu.memory_space<vmem>>, %arg5: memref<1x128xf32, #tpu.memory_space<vmem>>, %arg6: memref<1x128xf32, #tpu.memory_space<vmem>>, %arg7: memref<2048x128xf32, #tpu.memory_space<vmem>>) attributes {dimension_semantics = [#tpu.dimension_semantics<arbitrary>], iteration_bounds = array<i64: 8>, scalar_prefetch = 0 : i64, scratch_operands = 0 : i64, tpu.core_type = #tpu.core_type<tc>, window_params = [{transform_indices = @transform_0, window_bounds = array<i64: 2048, 256>}, {pipeline_mode = #tpu.pipeline_mode<synchronous>, transform_indices = @transform_1, window_bounds = array<i64: 256, 128>}, {pipeline_mode = #tpu.pipeline_mode<synchronous>, transform_indices = @transform_2, window_bounds = array<i64: 1, 128>}, {pipeline_mode = #tpu.pipeline_mode<synchronous>, transform_indices = @transform_3, window_bounds = array<i64: 128, 128>}, {pipeline_mode = #tpu.pipeline_mode<synchronous>, transform_indices = @transform_4, window_bounds = array<i64: 1, 128>}, {pipeline_mode = #tpu.pipeline_mode<synchronous>, transform_indices = @transform_5, window_bounds = array<i64: 1, 128>}, {transform_indices = @transform_6, window_bounds = array<i64: 2048, 128>}]} {
    %get3A = arith.constant 0 : index
    %get3A_0 = arith.constant 0 : index
    %get3A_1 = vector.load %arg1[%get3A, %get3A_0] : memref<2048x256xf32, #tpu.memory_space<vmem>>, vector<2048x256xf32>
    %get3A_2 = arith.constant 0 : index
    %get3A_3 = arith.constant 0 : index
    %get3A_4 = vector.load %arg2[%get3A_2, %get3A_3] : memref<256x128xf32, #tpu.memory_space<vmem>>, vector<256x128xf32>
    %dot_general3A = arith.constant dense<0.000000e+00> : vector<2048x128xf32>
    %dot_general3A_5 = tpu.matmul %get3A_1, %get3A_4, %dot_general3A {dimension_numbers = #tpu.dot_dimension_numbers<[1], [0], [0], [1], [0, 0, 1, 1], [], []>, transpose_lhs_hint = false} : vector<2048x256xf32>, vector<256x128xf32>, vector<2048x128xf32> -> vector<2048x128xf32>
    %get3A_6 = arith.constant 0 : index
    %get3A_7 = arith.constant 0 : index
    %get3A_8 = vector.load %arg3[%get3A_6, %get3A_7] : memref<1x128xf32, #tpu.memory_space<vmem>>, vector<1x128xf32>
    %add3A = vector.broadcast %get3A_8 : vector<1x128xf32> to vector<2048x128xf32>
    %add3A_9 = arith.addf %dot_general3A_5, %add3A : vector<2048x128xf32>
    %reduce_sum3A = arith.constant dense<0.000000e+00> : vector<128xf32>
    %reduce_sum3A_10 = vector.multi_reduction <add>, %add3A_9, %reduce_sum3A [0] : vector<2048x128xf32> to vector<128xf32>
    %broadcast_in_dim3A = vector.shape_cast %reduce_sum3A_10 : vector<128xf32> to vector<1x128xf32>
    %mul3A = arith.mulf %add3A_9, %add3A_9 : vector<2048x128xf32>
    %reduce_sum3A_11 = arith.constant dense<0.000000e+00> : vector<128xf32>
    %reduce_sum3A_12 = vector.multi_reduction <add>, %mul3A, %reduce_sum3A_11 [0] : vector<2048x128xf32> to vector<128xf32>
    %broadcast_in_dim3A_13 = vector.shape_cast %reduce_sum3A_12 : vector<128xf32> to vector<1x128xf32>
    %broadcast_in_dim3A_14 = arith.constant 0.000000e+00 : f32
    %broadcast_in_dim3A_15 = vector.broadcast %broadcast_in_dim3A_14 : f32 to vector<6x128xf32>
    %concatenate3A = tpu.concatenate %broadcast_in_dim3A, %broadcast_in_dim3A_13, %broadcast_in_dim3A_15 in 0 : vector<1x128xf32>, vector<1x128xf32>, vector<6x128xf32> -> vector<8x128xf32>
    %get3A_16 = arith.constant 0 : index
    %get3A_17 = arith.constant 0 : index
    %get3A_18 = vector.load %arg4[%get3A_16, %get3A_17] : memref<128x128xf32, #tpu.memory_space<vmem>>, vector<128x128xf32>
    %dot_general3A_19 = arith.constant dense<0.000000e+00> : vector<8x128xf32>
    %dot_general3A_20 = tpu.matmul %concatenate3A, %get3A_18, %dot_general3A_19 {dimension_numbers = #tpu.dot_dimension_numbers<[1], [0], [0], [1], [0, 0, 1, 1], [], []>, transpose_lhs_hint = false} : vector<8x128xf32>, vector<128x128xf32>, vector<8x128xf32> -> vector<8x128xf32>
    %slice3A = vector.extract_strided_slice %dot_general3A_20 {offsets = [0, 0], sizes = [1, 128], strides = [1, 1]} : vector<8x128xf32> to vector<1x128xf32>
    %div3A = arith.constant 8.192000e+03 : f32
    %div3A_21 = vector.broadcast %div3A : f32 to vector<1x128xf32>
    %div3A_22 = arith.divf %slice3A, %div3A_21 : vector<1x128xf32>
    %slice3A_23 = vector.extract_strided_slice %dot_general3A_20 {offsets = [1, 0], sizes = [1, 128], strides = [1, 1]} : vector<8x128xf32> to vector<1x128xf32>
    %div3A_24 = arith.constant 8.192000e+03 : f32
    %div3A_25 = vector.broadcast %div3A_24 : f32 to vector<1x128xf32>
    %div3A_26 = arith.divf %slice3A_23, %div3A_25 : vector<1x128xf32>
    %mul3A_27 = arith.mulf %div3A_22, %div3A_22 : vector<1x128xf32>
    %sub3A = arith.subf %div3A_26, %mul3A_27 : vector<1x128xf32>
    %get3A_28 = arith.constant 0 : index
    %get3A_29 = arith.constant 0 : index
    %get3A_30 = vector.load %arg5[%get3A_28, %get3A_29] : memref<1x128xf32, #tpu.memory_space<vmem>>, vector<1x128xf32>
    %sub3A_31 = vector.broadcast %div3A_22 : vector<1x128xf32> to vector<2048x128xf32>
    %sub3A_32 = arith.subf %add3A_9, %sub3A_31 : vector<2048x128xf32>
    %mul3A_33 = vector.broadcast %get3A_30 : vector<1x128xf32> to vector<2048x128xf32>
    %mul3A_34 = arith.mulf %mul3A_33, %sub3A_32 : vector<2048x128xf32>
    %add3A_35 = arith.constant 9.99999974E-6 : f32
    %add3A_36 = vector.broadcast %add3A_35 : f32 to vector<1x128xf32>
    %add3A_37 = arith.addf %sub3A, %add3A_36 : vector<1x128xf32>
    %sqrt3A = math.sqrt %add3A_37 : vector<1x128xf32>
    %div3A_38 = vector.broadcast %sqrt3A : vector<1x128xf32> to vector<2048x128xf32>
    %div3A_39 = arith.divf %mul3A_34, %div3A_38 : vector<2048x128xf32>
    %get3A_40 = arith.constant 0 : index
    %get3A_41 = arith.constant 0 : index
    %get3A_42 = vector.load %arg6[%get3A_40, %get3A_41] : memref<1x128xf32, #tpu.memory_space<vmem>>, vector<1x128xf32>
    %add3A_43 = vector.broadcast %get3A_42 : vector<1x128xf32> to vector<2048x128xf32>
    %add3A_44 = arith.addf %div3A_39, %add3A_43 : vector<2048x128xf32>
    %max3A = arith.constant 0.000000e+00 : f32
    %max3A_45 = vector.broadcast %max3A : f32 to vector<2048x128xf32>
    %max3A_46 = arith.maximumf %add3A_44, %max3A_45 : vector<2048x128xf32>
    %swap3A = arith.constant 0 : index
    %swap3A_47 = arith.constant 0 : index
    %swap3A_48 = vector.load %arg7[%swap3A, %swap3A_47] : memref<2048x128xf32, #tpu.memory_space<vmem>>, vector<2048x128xf32>
    tpu.vector_store %arg7[%swap3A, %swap3A_47], %max3A_46 {strides = array<i32>} : memref<2048x128xf32, #tpu.memory_space<vmem>>, vector<2048x128xf32>,
    return
  }
  func.func @transform_0(%arg0: i32) -> (i32, i32) {
    %c0_i32 = arith.constant 0 : i32
    %c0_i32_0 = arith.constant 0 : i32
    return %arg0, %c0_i32 : i32, i32
  }
  func.func @transform_1(%arg0: i32) -> (i32, i32) {
    %c0_i32 = arith.constant 0 : i32
    %c0_i32_0 = arith.constant 0 : i32
    %c0_i32_1 = arith.constant 0 : i32
    return %c0_i32, %c0_i32_0 : i32, i32
  }
  func.func @transform_2(%arg0: i32) -> (i32, i32) {
    %c0_i32 = arith.constant 0 : i32
    %c0_i32_0 = arith.constant 0 : i32
    %c0_i32_1 = arith.constant 0 : i32
    return %c0_i32, %c0_i32_0 : i32, i32
  }
  func.func @transform_3(%arg0: i32) -> (i32, i32) {
    %c0_i32 = arith.constant 0 : i32
    %c0_i32_0 = arith.constant 0 : i32
    %c0_i32_1 = arith.constant 0 : i32
    return %c0_i32, %c0_i32_0 : i32, i32
  }
  func.func @transform_4(%arg0: i32) -> (i32, i32) {
    %c0_i32 = arith.constant 0 : i32
    %c0_i32_0 = arith.constant 0 : i32
    %c0_i32_1 = arith.constant 0 : i32
    return %c0_i32, %c0_i32_0 : i32, i32
  }
  func.func @transform_5(%arg0: i32) -> (i32, i32) {
    %c0_i32 = arith.constant 0 : i32
    %c0_i32_0 = arith.constant 0 : i32
    %c0_i32_1 = arith.constant 0 : i32
    return %c0_i32, %c0_i32_0 : i32, i32
  }
  func.func @transform_6(%arg0: i32) -> (i32, i32) {
    %c0_i32 = arith.constant 0 : i32
    %c0_i32_0 = arith.constant 0 : i32
    return %arg0, %c0_i32 : i32, i32
  }
}

</mosaic_0001>

<sc_bundles>
// kernel: kernel.22.cloned.1.call-start
scs
__scs_entry_jumppad:
0x0: {  	(pc) =	sbr.rel $0x88, $3  }
0x1: {  	(tag) =	ssettag $0x0;
	lr =	simm.s32 $0x1  }
0x2: {  	[smem:$0x3F85] =	sst lr;
	_ =	strace $0xD0000000  }
0x3: {  	_ = 	snop  }
0x4: {  	_ = 	snop  }
0x5: {  	_ = 	snop  }
0x6: {  	_ = 	snop  }
0x7: {  	_ = 	snop  }
__scs_overlays_trampoline_lowered:
0x8: {  	[smem:$0x3F94] =	sst s0  }
0x9: {  	[smem:$0x3F95] =	sst s1  }
0xa: {  	[smem:$0x3F96] =	sst s2  }
0xb: {  	[smem:$0x3F97] =	sst s3  }
0xc: {  	[smem:$0x3F98] =	sst s4  }
0xd: {  	[smem:$0x3F99] =	sst s5  }
0xe: {  	[smem:$0x3F9A] =	sst s6  }
0xf: {  	[smem:$0x3F9B] =	sst s7  }
0x10: {  	[smem:$0x3F9C] =	sst s8  }
0x11: {  	[smem:$0x3F9D] =	sst s9;
	s0 =	simm.s32 @!p0 $0x0  }
0x12: {  	s1 =	sld [smem:$0x3F83];
	s0 =	simm.s32 @p0 $0x1  }
0x13: {  	[smem:$0x3F9E] =	sst s0;
	s0 =	simm.s32 @!p1 $0x0  }
0x14: {  	s2 =	sld [smem:$0x3F82];
	s0 =	simm.s32 @p1 $0x1  }
0x15: {  	[smem:$0x3F9F] =	sst s0;
	s0 =	simm.s32 @!p2 $0x0  }
0x16: {  	s3 =	sld [smem:$0x3FDB];
	s0 =	simm.s32 @p2 $0x1  }
0x17: {  	s4 =	simm.s32 $0x1BF5;
	[smem:$0x3FA1] =	sst s0  }
0x18: {  	s0 =	sld [smem:$0x3F84];
	_ =	swait.ge [sflag:s4], $0x0  }
0x19: {  	s7 =	sld [smem:$0x3F85]  }
0x1a: {  	s8 =	sadd.s32 $0xFFFFE003, lr  }
0x1b: {  	s9 =	sadd.s32 $0xFFFFFEF7, lr;
	s5 =	simm.s32 $0xFFFFFFFF;
	p2 =	slt.u32 s8, $0xFFFFF086  }
0x1c: {  	p1 =	slt.u32 s9, $0xF7A;
	s5 =	simm.s32 @!p2 $0x0  }
0x1d: {  	s5 =	simm.s32 @p1 $0x1;
	p0 =	seq.s32 s7, s2  }
0x1e: {  	s7 =	smul.u32 @!p0 $0xF7A, s2;
	p2 =	seq.s32 @!p0 s5, $0x0  }
0x1f: {  	s9 =	smul.u32 $0xF7A, s1;
	s8 =	simm.s32 @!p0 $0x1BF5;
	p2 =	por !p2, p0  }
0x20: {  	[sflag:s8] =	ssyncset.s32 @!p0 $0xFFFFF086;
	s6 =	sadd.s32 @!p0 s3, s7;
	s7 =	simm.s32 @!p0 $0x108  }
0x21: {  	s3 =	sadd.s32 s3, s9;
	s6 =	sadd.s32 @!p0 $0x88, s6;
	s7 =	simm.s32 @p2 $0x1082  }
0x22: {  	[simem:s7], [sflag:s8] =	dma.local @!p0 [hbm:s6], $0xF7A  }
0x23: {  	s9 =	sor.u32 $0xD0000000, s2;
	s6 =	simm.s32 $0x108;
	_ =	swait.ge @!p0 [sflag:s8], $0x0  }
0x24: {  	s3 =	sadd.s32 $0x88, s3;
	s6 =	simm.s32 @!p1 $0x1082;
	[sflag:s4] =	ssyncset.s32 $0xFFFFF086  }
0x25: {  	[simem:s6], [sflag:s4] =	dma.local [hbm:s3], $0xF7A  }
0x26: {  	[smem:$0x3F85] =	sst s1;
	(tag) =	ssettag s2;
	_ =	strace s9  }
0x27: {  	s1 =	sld [smem:$0x3F95]  }
0x28: {  	s2 =	sld [smem:$0x3F96]  }
0x29: {  	s4 =	sld [smem:$0x3F98]  }
0x2a: {  	p0 =	seq.s32 s5, $0x0;
	s5 =	sld [smem:$0x3F99]  }
0x2b: {  	s6 =	sld [smem:$0x3F9A]  }
0x2c: {  	s7 =	sld [smem:$0x3F9B]  }
0x2d: {  	s3 =	simm.s32 $0x108;
	s8 =	sld [smem:$0x3F9C]  }
0x2e: {  	s3 =	simm.s32 @!p0 $0x1082;
	s9 =	sld [smem:$0x3F9D]  }
0x2f: {  	lr =	sadd.s32 s0, s3;
	s0 =	sld [smem:$0x3F94]  }
0x30: {  	s3 =	sld [smem:$0x3F97]  }
0x31: {  	[smem:$0x3FA0] =	sst s10  }
0x32: {  	s10 =	sld [smem:$0x3F9E];
	_ =	sdelay $0x3  }
0x33: {  	p0 =	seq.s32 s10, $0x1;
	s10 =	sld [smem:$0x3FA0];
	_ =	sdelay $0x3  }
0x34: {  	[smem:$0x3FA0] =	sst s10  }
0x35: {  	s10 =	sld [smem:$0x3F9F];
	_ =	sdelay $0x3  }
0x36: {  	p1 =	seq.s32 s10, $0x1;
	s10 =	sld [smem:$0x3FA0];
	_ =	sdelay $0x3  }
0x37: {  	[smem:$0x3FA0] =	sst s10  }
0x38: {  	s10 =	sld [smem:$0x3FA1]  }
0x39: {  	_ = 	snop;
	(pc) =	sbr.ind lr, $3  }
0x3a: {  	_ = 	snop  }
0x3b: {  	_ = 	snop  }
0x3c: {  	p2 =	seq.s32 s10, $0x1;
	s10 =	sld [smem:$0x3FA0]  }
0x3d: {  	_ =	shalt  }
0x3e: {  	_ =	shalt  }
0x3f: {  	_ =	shalt  }
0x40: {  	_ =	shalt  }
0x41: {  	_ =	shalt  }
0x42: {  	_ =	shalt  }
0x43: {  	_ =	shalt  }
0x44: {  	_ =	shalt  }
0x45: {  	_ =	shalt  }
0x46: {  	_ =	shalt  }
0x47: {  	_ =	shalt  }
0x48: {  	_ =	shalt  }
0x49: {  	_ =	shalt  }
0x4a: {  	_ =	shalt  }
0x4b: {  	_ =	shalt  }
0x4c: {  	_ =	shalt  }
0x4d: {  	_ =	shalt  }
0x4e: {  	_ =	shalt  }
0x4f: {  	_ =	shalt  }
0x50: {  	_ =	shalt  }
0x51: {  	_ =	shalt  }
0x52: {  	_ =	shalt  }
0x53: {  	_ =	shalt  }
0x54: {  	_ =	shalt  }
0x55: {  	_ =	shalt  }
0x56: {  	_ =	shalt  }
0x57: {  	_ =	shalt  }
0x58: {  	_ =	shalt  }
0x59: {  	_ =	shalt  }
0x5a: {  	_ =	shalt  }
0x5b: {  	_ =	shalt  }
0x5c: {  	_ =	shalt  }
0x5d: {  	_ =	shalt  }
0x5e: {  	_ =	shalt  }
0x5f: {  	_ =	shalt  }
0x60: {  	_ =	shalt  }
0x61: {  	_ =	shalt  }
0x62: {  	_ =	shalt  }
0x63: {  	_ =	shalt  }
0x64: {  	_ =	shalt  }
0x65: {  	_ =	shalt  }
0x66: {  	_ =	shalt  }
0x67: {  	_ =	shalt  }
0x68: {  	_ =	shalt  }
0x69: {  	_ =	shalt  }
0x6a: {  	_ =	shalt  }
0x6b: {  	_ =	shalt  }
0x6c: {  	_ =	shalt  }
0x6d: {  	_ =	shalt  }
0x6e: {  	_ =	shalt  }
0x6f: {  	_ =	shalt  }
0x70: {  	_ =	shalt  }
0x71: {  	_ =	shalt  }
0x72: {  	_ =	shalt  }
0x73: {  	_ =	shalt  }
0x74: {  	_ =	shalt  }
0x75: {  	_ =	shalt  }
0x76: {  	_ =	shalt  }
0x77: {  	_ =	shalt  }
0x78: {  	_ =	shalt  }
0x79: {  	_ =	shalt  }
0x7a: {  	_ =	shalt  }
0x7b: {  	_ =	shalt  }
0x7c: {  	_ =	shalt  }
0x7d: {  	_ =	shalt  }
0x7e: {  	_ =	shalt  }
0x7f: {  	_ =	shalt  }
0x80: {  	_ =	shalt  }
0x81: {  	_ =	shalt  }
0x82: {  	_ =	shalt  }
0x83: {  	_ =	shalt  }
0x84: {  	_ =	shalt  }
0x85: {  	_ =	shalt  }
0x86: {  	_ =	shalt  }
0x87: {  	_ =	shalt  }
.Lfunc_end0:
.L_simem_size_0:
called_computation_lowered:
.L_overlay_start_0:
0x88: {  	s2 =	sld [smem:$0x3FD9]  }
0x89: {  	s3 =	sld [smem:$0x3FFE];
	_ =	sdelay $0x1  }
0x8a: {  	s1 =	srdreg.scid  }
0x8b: {  	s0 =	sand.u32 $0x1, s1  }
0x8c: {  	s14 =	sshll.u32 s0, $0xA;
	s2 =	sadd.s32 s3, s2  }
0x8d: {  	s2 =	sadd.s32 s2, s14  }
0x8e: {  	[smem:$0x3FAC] =	sst s2  }
0x8f: {  	_ = 	snop  }
0x90: {  	s2 =	sld [smem:$0x3FD0];
	_ =	sdelay $0x2  }
0x91: {  	s15 =	simm.s32 $0xA;
	s4 =	simm.s32 $0x10  }
0x92: {  	[smem:s4], [sflag:s15] =	dma.local [hbm:s2], $0x1  }
0x93: {  	_ =	swait.eq [sflag:s15], $0x1  }
0x94: {  	[sflag:s15] =	ssyncset.done $0x0  }
0x95: {  	[sflag:s15] =	ssyncadd.s32 $0xFFFFFFFF  }
0x96: {  	s16 =	sld [smem:$0x10];
	(tm) =	ssettm $0x1  }
0x97: {  	s17 =	sld [smem:$0x3FFB];
	_ =	sdelay $0x3  }
0x98: {  	_ =	strace s17  }
0x99: {  	s3 =	sld [smem:$0x3FFC];
	_ =	sdelay $0x3  }
0x9a: {  	_ =	strace s3  }
0x9b: {  	s3 =	sld [smem:$0x3FFD];
	_ =	sdelay $0x3  }
0x9c: {  	_ =	strace s3  }
0x9d: {  	_ =	strace $0x8FFFFFFF  }
0x9e: {  	s18 =	sld [smem:$0x3FDB];
	_ =	sdelay $0x1  }
0x9f: {  	s19 =	simm.s32 $_scs_section_size  }
0xa0: {  	s5 =	simm.s32 $_size__tile_overlayer_lowered;
	s6 =	simm.s32 $_tile_overlayer_lowered  }
0xa1: {  	s22 =	simm.s32 $0x1BFF;
	s21 =	sshll.u32 s6, $0x1;
	s3 =	sadd.s32 s19, s18  }
0xa2: {  	s7 =	simm.s32 $0x0;
	s20 =	sshll.u32 s5, $0x1;
	s5 =	sadd.s32 s21, s3  }
0xa3: {  	[timem:s7], [sflag:s22] =	dma.local [hbm:s5], s20  }
0xa4: {  	_ =	swait.ge [sflag:s22], s20  }
0xa5: {  	s4 =	ssub.s32 $0x0, s20;
	[sflag:s22] =	ssyncset.done $0x0  }
0xa6: {  	[sflag:s22] =	ssyncadd.s32 s4;
	_ =	sdelay $0x1  }
0xa7: {  	s23 =	simm.s32 $0x1B8B  }
0xa8: {  	_ =	swait.ge [sflag:s23], $0x1  }
0xa9: {  	[sflag:s23] =	ssyncset.done $0x0  }
0xaa: {  	s25 =	simm.s32 $0x1B8E;
	s24 =	sld [smem:$0x3FFE];
	[sflag:s23] =	ssyncadd.s32 $0xFFFFFFFF  }
0xab: {  	s26 =	simm.s32 $execute0_lowered;
	[smem:$0x3FD2] =	sst s25  }
0xac: {  	s5 =	sshll.u32 s26, $0x1;
	_ =	strace $0x80000046;
	[dreg:$0x1] =	wrdreg $0xFFFFFFFF  }
0xad: {  	s28 =	simm.s32 $_size_execute0_lowered;
	s3 =	sadd.s32 s3, s5;
	[dreg:$0x0] =	wrdreg $0x0  }
0xae: {  	s5 =	sshll.u32 s28, $0x1;
	[dreg:$0x2] =	wrdreg s3  }
0xaf: {  	[dreg:$0x3] =	wrdreg s5  }
0xb0: {  	[dreg:$0x4] =	wrdreg $0xC0  }
0xb1: {  	_ =	task [dreg:s7], $0x5FFFF  }
0xb2: {  	[dreg:$0x1] =	wrdreg $0xFFFFFFFF  }
0xb3: {  	[dreg:$0x0] =	wrdreg $0x60  }
0xb4: {  	[dreg:$0x2] =	wrdreg s24  }
0xb5: {  	[dreg:$0x3] =	wrdreg s16  }
0xb6: {  	[dreg:$0x4] =	wrdreg $0x9  }
0xb7: {  	_ =	task.clear_ibuf [dreg:s7], $0x5FFFF;
	_ =	strace $0x90000046  }
0xb8: {  	s29 =	simm.s32 $0x9;
	_ =	strace $0x80000048  }
0xb9: {  	_ =	swait.ge [sflag:s29], $0x1  }
0xba: {  	[sflag:s29] =	ssyncadd.s32 $0xFFFFFFFF  }
0xbb: {  	_ =	strace $0x90000048  }
0xbc: {  	_ =	sfence  }
0xbd: {  	s30 =	sld [smem:$0x0];
	_ =	sdelay $0x2  }
0xbe: {  	s31 =	sshll.u32 s1, $0xD;
	s1 =	sshrl.u32 s1, $0x2  }
0xbf: {  	s3 =	sand.u32 $0x4000, s31;
	s1 =	sadd.s32 s1, s30  }
0xc0: {  	s0 =	sor.u32 s3, s0;
	s1 =	sshll.u32 s1, $0x11  }
0xc1: {  	s0 =	sor.u32 s1, s0  }
0xc2: {  	s0 =	sadd.s32 $0x8F2B, s0  }
0xc3: {  	[sflag:s0] =	ssyncadd.remote.s32 $0x1  }
0xc4: {  	_ =	sfence.sel $0xFFFF  }
0xc5: {  	[dreg:$0x0] =	wrdreg $0xFFFFFFFF;
	(pc) =	sbr.abs _section_cstart, $3  }
0xc6: {  	[dreg:$0x1] =	wrdreg $0xFFFFFFFF  }
0xc7: {  	_ =	task.clear_ibuf [dreg:s7], $0x2FFFF;
	_ =	strace $0x9FFFFFFF  }
0xc8: {  	(tm) =	ssettm $0x7FFFFFFF  }
0xc9: {  	_ =	shalt  }
tec
execute0_lowered:
.L_overlay_start_1:
0x0: {  	(tag) =	ssettag $0x1  }
0x1: {  	s4 =	rddreg [dreg:$0x0]  }
0x2: {  	s5 =	rddreg [dreg:$0x1]  }
0x3: {  	s0 =	rddreg [dreg:$0x2];
	s1 =	stileid.u32  }
0x4: {  	s3 =	srdreg.scid;
	s2 =	simm.s32 $0x0;
	s10 =	simm.s32 $0x50  }
0x5: {  	s11 =	simm.s32 $0x5000;
	s12 =	simm.s32 $0x2;
	s6 =	sand.u32 $0x1, s3  }
0x6: {  	s30 =	sshll.u32 s1, $0x1;
	[smem:$0x7FF] =	sst s2;
	s7 =	smul.u32 $0x50000, s1  }
0x7: {  	s3 =	sor.u32 s6, s30;
	s9 =	ssub.s32 $0x2, s6;
	s6 =	smul.u32 $0x28000, s6  }
0x8: {  	s13 =	simm.s32 $0x0;
	_ =	strace $0x80000047;
	s8 =	smul.u32 $0x2800, s3  }
0x9: {  	s3 =	sadd.s32 $0x6A00, s4;
	s7 =	sadd.s32 s7, s4;
	s31 =	sshrl.u32 s9, $0x1  }
0xa: {  	s9 =	ssub.s32 s9, s31;
	s6 =	sadd.s32 s6, s7;
	s8 =	sshrl.u32 s8, $0x3  }
0xb: {  	s7 =	simm.s32 $0x3;
	s6 =	sadd.s32 $0x46A00, s6;
	s4 =	sadd.s32 s5, s8  }
0xc: {  	s5 =	smax.u32 s9, $0x1;
	s8 =	simm.s32 $0x2800;
	s9 =	simm.s32 $0x1  }
.LBB2_1:
0xd: {  	[tilespmem:s2], [sflag:$0x3] =	stream.linear.gather [hbm4b:s4+s2], $0x2800, $0x38;
	[tilespmem:$0x7800] =	vst v63  }
0xe: {  	_ =	swait.ge [sflag:s7], $0x2800  }
0xf: {  	[sflag:s7] =	ssyncset.done $0x0  }
0x10: {  	[sflag:s7] =	ssyncadd.s32 $0xFFFFD800  }
0x11: {  	[tilespmem:s8], [sflag:$0x1] =	stream.indirect.gather [hbm4b:s3+s10], $0x80, s2, s10, $0xb8;
	[tilespmem:$0x7800] =	vst v63  }
0x12: {  	_ =	swait.ge [sflag:s9], $0x2800  }
0x13: {  	[sflag:s9] =	ssyncset.done $0x0  }
0x14: {  	[sflag:s9] =	ssyncadd.s32 $0xFFFFD800  }
0x15: {  	[tilespmem:s11], [sflag:$0x1] =	stream.indirect.gather [hbm4b:s3+s10], $0x80, s10, s10, $0xb8;
	[tilespmem:$0x7800] =	vst v63  }
0x16: {  	_ = 	snop  }
0x17: {  	[hbm4b:s6+s2] =	stream.linear.scatter [tilespmem:s8], [sflag:$0x2], $0x2800, $0x38;
	[tilespmem:$0x7800] =	vst v63  }
0x18: {  	_ =	swait.ge [sflag:s9], $0x2800  }
0x19: {  	[sflag:s9] =	ssyncset.done $0x0  }
0x1a: {  	s14 =	sand.u32 $0x7E, s12;
	[sflag:s9] =	ssyncadd.s32 $0xFFFFD800  }
0x1b: {  	s14 =	smul.u32 $0x140, s14;
	_ =	swait.ge [sflag:s12], $0x2800  }
0x1c: {  	[sflag:s12] =	ssyncset.done $0x0  }
0x1d: {  	s14 =	sshrl.u32 s14, $0x2;
	[sflag:s12] =	ssyncadd.s32 $0xFFFFD800  }
0x1e: {  	[tilespmem:s8], [sflag:$0x1] =	stream.indirect.gather [hbm4b:s3+s10], $0x80, s14, s10, $0xb8;
	[tilespmem:$0x7800] =	vst v63  }
0x1f: {  	s31 =	sadd.s32 $0x500, s6  }
0x20: {  	[hbm4b:s31+s2] =	stream.linear.scatter [tilespmem:s11], [sflag:$0x2], $0x2800, $0x38;
	[tilespmem:$0x7800] =	vst v63  }
0x21: {  	_ =	swait.ge [sflag:s9], $0x2800  }
0x22: {  	[sflag:s9] =	ssyncset.done $0x0  }
0x23: {  	[sflag:s9] =	ssyncadd.s32 $0xFFFFD800  }
0x24: {  	s15 =	smov.u32 s6;
	_ =	swait.ge [sflag:s12], $0x2800  }
0x25: {  	s16 =	simm.s32 $0x50;
	s14 =	simm.s32 $0x4;
	[sflag:s12] =	ssyncset.done $0x0  }
.LBB2_2:
0x26: {  	[sflag:s12] =	ssyncadd.s32 $0xFFFFD800;
	s15 =	sadd.s32 $0xA00, s15;
	s16 =	sadd.s32 $0xA0, s16  }
0x27: {  	[tilespmem:s11], [sflag:$0x1] =	stream.indirect.gather [hbm4b:s3+s10], $0x80, s16, s10, $0xb8;
	[tilespmem:$0x7800] =	vst v63  }
0x28: {  	p0 =	sne.s32 s14, $0x80;
	s17 =	smov.u32 s14;
	s14 =	sadd.s32 $0x2, s14  }
0x29: {  	[hbm4b:s15+s2] =	stream.linear.scatter [tilespmem:s8], [sflag:$0x2], $0x2800, $0x38;
	[tilespmem:$0x7800] =	vst v63  }
0x2a: {  	_ =	swait.ge [sflag:s9], $0x2800  }
0x2b: {  	[sflag:s9] =	ssyncset.done $0x0  }
0x2c: {  	s17 =	sand.u32 $0x7E, s17;
	[sflag:s9] =	ssyncadd.s32 $0xFFFFD800  }
0x2d: {  	s17 =	smul.u32 $0x140, s17;
	_ =	swait.ge [sflag:s12], $0x2800  }
0x2e: {  	[sflag:s12] =	ssyncset.done $0x0  }
0x2f: {  	s17 =	sshrl.u32 s17, $0x2;
	[sflag:s12] =	ssyncadd.s32 $0xFFFFD800  }
0x30: {  	[tilespmem:s8], [sflag:$0x1] =	stream.indirect.gather [hbm4b:s3+s10], $0x80, s17, s10, $0xb8;
	[tilespmem:$0x7800] =	vst v63  }
0x31: {  	s17 =	sadd.s32 $0x500, s15  }
0x32: {  	[hbm4b:s17+s2] =	stream.linear.scatter [tilespmem:s11], [sflag:$0x2], $0x2800, $0x38;
	[tilespmem:$0x7800] =	vst v63  }
.Ltmp0:
0x33: {  	_ =	swait.ge [sflag:s9], $0x2800;
	(pc) =	sbr.rel @p0 .LBB2_2-.Ltmp0, $4  }
0x34: {  	[sflag:s9] =	ssyncset.done $0x0  }
0x35: {  	[sflag:s9] =	ssyncadd.s32 $0xFFFFD800  }
0x36: {  	_ =	swait.ge [sflag:s12], $0x2800  }
0x37: {  	[sflag:s12] =	ssyncset.done $0x0  }
0x38: {  	s13 =	sadd.s32 $0x1, s13  }
0x39: {  	p0 =	sne.s32 s13, s5  }
.Ltmp1:
0x3a: {  	_ = 	snop;
	(pc) =	sbr.rel @p0 .LBB2_1-.Ltmp1, $2  }
0x3b: {  	_ =	sdelay $0x2  }
0x3c: {  	[sflag:s12] =	ssyncadd.s32 $0xFFFFD800  }
0x3d: {  	_ =	sfence.sel $0x180000  }
0x3e: {  	[bflag:$0x0] =	sbarrier.arrive $0xFFFF  }
0x3f: {  	p0 =	sne.s32 s1, $0x0;
	_ =	strace $0x90000047  }
0x40: {  	s0 =	sadd.s32 @!p0 $0x100000, s0;
	[bflag:$0x2] =	sbarrier.arrive $0xFFFF  }
0x41: {  	[sflag:s0] =	ssyncadd.tile.s32 @!p0 $0x1;
	_ =	shalt  }
.Lfunc_end2:
_tile_overlayer_lowered:
.L_overlay_start_2:
0x42: {  	(tag) =	ssettag $0x2  }
0x43: {  	s0 =	rddreg [dreg:$0x0];
	s2 =	stileid.u32  }
0x44: {  	s1 =	rddreg [dreg:$0x1];
	p0 =	sne.s32 s2, $0x0  }
0x45: {  	s3 =	rddreg [dreg:$0x2];
	[bflag:$0x3] =	sbarrier.arrive $0xFFFF;
	s2 =	simm.s32 @!p0 $0x1C03  }
0x46: {  	[timem:s3], [sflag:s2] =	dma.local @!p0 [hbm:s0], s1  }
0x47: {  	s0 =	simm.s32 @!p0 $0x3  }
0x48: {  	_ =	swait.ge @!p0 [sflag:s0], s1  }
0x49: {  	s1 =	ssub.s32 @!p0 $0x0, s1;
	[sflag:s0] =	ssyncset.done @!p0 $0x0  }
0x4a: {  	[sflag:s0] =	ssyncadd.s32 @!p0 s1  }
0x4b: {  	[bflag:$0x3] =	sbarrier.arrive $0xFFFF  }
0x4c: {  	_ =	shalt  }

// kernel: kernel.25.cloned.1.call-start
scs
__scs_entry_jumppad:
0x0: {  	(pc) =	sbr.rel $0x88, $3  }
0x1: {  	(tag) =	ssettag $0x0;
	lr =	simm.s32 $0x1  }
0x2: {  	[smem:$0x3F85] =	sst lr;
	_ =	strace $0xD0000000  }
0x3: {  	_ = 	snop  }
0x4: {  	_ = 	snop  }
0x5: {  	_ = 	snop  }
0x6: {  	_ = 	snop  }
0x7: {  	_ = 	snop  }
__scs_overlays_trampoline_lowered:
0x8: {  	[smem:$0x3F94] =	sst s0  }
0x9: {  	[smem:$0x3F95] =	sst s1  }
0xa: {  	[smem:$0x3F96] =	sst s2  }
0xb: {  	[smem:$0x3F97] =	sst s3  }
0xc: {  	[smem:$0x3F98] =	sst s4  }
0xd: {  	[smem:$0x3F99] =	sst s5  }
0xe: {  	[smem:$0x3F9A] =	sst s6  }
0xf: {  	[smem:$0x3F9B] =	sst s7  }
0x10: {  	[smem:$0x3F9C] =	sst s8  }
0x11: {  	[smem:$0x3F9D] =	sst s9;
	s0 =	simm.s32 @!p0 $0x0  }
0x12: {  	s1 =	sld [smem:$0x3F83];
	s0 =	simm.s32 @p0 $0x1  }
0x13: {  	[smem:$0x3F9E] =	sst s0;
	s0 =	simm.s32 @!p1 $0x0  }
0x14: {  	s2 =	sld [smem:$0x3F82];
	s0 =	simm.s32 @p1 $0x1  }
0x15: {  	[smem:$0x3F9F] =	sst s0;
	s0 =	simm.s32 @!p2 $0x0  }
0x16: {  	s3 =	sld [smem:$0x3FDB];
	s0 =	simm.s32 @p2 $0x1  }
0x17: {  	s4 =	simm.s32 $0x1BF5;
	[smem:$0x3FA1] =	sst s0  }
0x18: {  	s0 =	sld [smem:$0x3F84];
	_ =	swait.ge [sflag:s4], $0x0  }
0x19: {  	s7 =	sld [smem:$0x3F85]  }
0x1a: {  	s8 =	sadd.s32 $0xFFFFE003, lr  }
0x1b: {  	s9 =	sadd.s32 $0xFFFFFEF7, lr;
	s5 =	simm.s32 $0xFFFFFFFF;
	p2 =	slt.u32 s8, $0xFFFFF086  }
0x1c: {  	p1 =	slt.u32 s9, $0xF7A;
	s5 =	simm.s32 @!p2 $0x0  }
0x1d: {  	s5 =	simm.s32 @p1 $0x1;
	p0 =	seq.s32 s7, s2  }
0x1e: {  	s7 =	smul.u32 @!p0 $0xF7A, s2;
	p2 =	seq.s32 @!p0 s5, $0x0  }
0x1f: {  	s9 =	smul.u32 $0xF7A, s1;
	s8 =	simm.s32 @!p0 $0x1BF5;
	p2 =	por !p2, p0  }
0x20: {  	[sflag:s8] =	ssyncset.s32 @!p0 $0xFFFFF086;
	s6 =	sadd.s32 @!p0 s3, s7;
	s7 =	simm.s32 @!p0 $0x108  }
0x21: {  	s3 =	sadd.s32 s3, s9;
	s6 =	sadd.s32 @!p0 $0x88, s6;
	s7 =	simm.s32 @p2 $0x1082  }
0x22: {  	[simem:s7], [sflag:s8] =	dma.local @!p0 [hbm:s6], $0xF7A  }
0x23: {  	s9 =	sor.u32 $0xD0000000, s2;
	s6 =	simm.s32 $0x108;
	_ =	swait.ge @!p0 [sflag:s8], $0x0  }
0x24: {  	s3 =	sadd.s32 $0x88, s3;
	s6 =	simm.s32 @!p1 $0x1082;
	[sflag:s4] =	ssyncset.s32 $0xFFFFF086  }
0x25: {  	[simem:s6], [sflag:s4] =	dma.local [hbm:s3], $0xF7A  }
0x26: {  	[smem:$0x3F85] =	sst s1;
	(tag) =	ssettag s2;
	_ =	strace s9  }
0x27: {  	s1 =	sld [smem:$0x3F95]  }
0x28: {  	s2 =	sld [smem:$0x3F96]  }
0x29: {  	s4 =	sld [smem:$0x3F98]  }
0x2a: {  	p0 =	seq.s32 s5, $0x0;
	s5 =	sld [smem:$0x3F99]  }
0x2b: {  	s6 =	sld [smem:$0x3F9A]  }
0x2c: {  	s7 =	sld [smem:$0x3F9B]  }
0x2d: {  	s3 =	simm.s32 $0x108;
	s8 =	sld [smem:$0x3F9C]  }
0x2e: {  	s3 =	simm.s32 @!p0 $0x1082;
	s9 =	sld [smem:$0x3F9D]  }
0x2f: {  	lr =	sadd.s32 s0, s3;
	s0 =	sld [smem:$0x3F94]  }
0x30: {  	s3 =	sld [smem:$0x3F97]  }
0x31: {  	[smem:$0x3FA0] =	sst s10  }
0x32: {  	s10 =	sld [smem:$0x3F9E];
	_ =	sdelay $0x3  }
0x33: {  	p0 =	seq.s32 s10, $0x1;
	s10 =	sld [smem:$0x3FA0];
	_ =	sdelay $0x3  }
0x34: {  	[smem:$0x3FA0] =	sst s10  }
0x35: {  	s10 =	sld [smem:$0x3F9F];
	_ =	sdelay $0x3  }
0x36: {  	p1 =	seq.s32 s10, $0x1;
	s10 =	sld [smem:$0x3FA0];
	_ =	sdelay $0x3  }
0x37: {  	[smem:$0x3FA0] =	sst s10  }
0x38: {  	s10 =	sld [smem:$0x3FA1]  }
0x39: {  	_ = 	snop;
	(pc) =	sbr.ind lr, $3  }
0x3a: {  	_ = 	snop  }
0x3b: {  	_ = 	snop  }
0x3c: {  	p2 =	seq.s32 s10, $0x1;
	s10 =	sld [smem:$0x3FA0]  }
0x3d: {  	_ =	shalt  }
0x3e: {  	_ =	shalt  }
0x3f: {  	_ =	shalt  }
0x40: {  	_ =	shalt  }
0x41: {  	_ =	shalt  }
0x42: {  	_ =	shalt  }
0x43: {  	_ =	shalt  }
0x44: {  	_ =	shalt  }
0x45: {  	_ =	shalt  }
0x46: {  	_ =	shalt  }
0x47: {  	_ =	shalt  }
0x48: {  	_ =	shalt  }
0x49: {  	_ =	shalt  }
0x4a: {  	_ =	shalt  }
0x4b: {  	_ =	shalt  }
0x4c: {  	_ =	shalt  }
0x4d: {  	_ =	shalt  }
0x4e: {  	_ =	shalt  }
0x4f: {  	_ =	shalt  }
0x50: {  	_ =	shalt  }
0x51: {  	_ =	shalt  }
0x52: {  	_ =	shalt  }
0x53: {  	_ =	shalt  }
0x54: {  	_ =	shalt  }
0x55: {  	_ =	shalt  }
0x56: {  	_ =	shalt  }
0x57: {  	_ =	shalt  }
0x58: {  	_ =	shalt  }
0x59: {  	_ =	shalt  }
0x5a: {  	_ =	shalt  }
0x5b: {  	_ =	shalt  }
0x5c: {  	_ =	shalt  }
0x5d: {  	_ =	shalt  }
0x5e: {  	_ =	shalt  }
0x5f: {  	_ =	shalt  }
0x60: {  	_ =	shalt  }
0x61: {  	_ =	shalt  }
0x62: {  	_ =	shalt  }
0x63: {  	_ =	shalt  }
0x64: {  	_ =	shalt  }
0x65: {  	_ =	shalt  }
0x66: {  	_ =	shalt  }
0x67: {  	_ =	shalt  }
0x68: {  	_ =	shalt  }
0x69: {  	_ =	shalt  }
0x6a: {  	_ =	shalt  }
0x6b: {  	_ =	shalt  }
0x6c: {  	_ =	shalt  }
0x6d: {  	_ =	shalt  }
0x6e: {  	_ =	shalt  }
0x6f: {  	_ =	shalt  }
0x70: {  	_ =	shalt  }
0x71: {  	_ =	shalt  }
0x72: {  	_ =	shalt  }
0x73: {  	_ =	shalt  }
0x74: {  	_ =	shalt  }
0x75: {  	_ =	shalt  }
0x76: {  	_ =	shalt  }
0x77: {  	_ =	shalt  }
0x78: {  	_ =	shalt  }
0x79: {  	_ =	shalt  }
0x7a: {  	_ =	shalt  }
0x7b: {  	_ =	shalt  }
0x7c: {  	_ =	shalt  }
0x7d: {  	_ =	shalt  }
0x7e: {  	_ =	shalt  }
0x7f: {  	_ =	shalt  }
0x80: {  	_ =	shalt  }
0x81: {  	_ =	shalt  }
0x82: {  	_ =	shalt  }
0x83: {  	_ =	shalt  }
0x84: {  	_ =	shalt  }
0x85: {  	_ =	shalt  }
0x86: {  	_ =	shalt  }
0x87: {  	_ =	shalt  }
.Lfunc_end0:
.L_simem_size_0:
called_computation.1_lowered:
.L_overlay_start_0:
0x88: {  	s2 =	sld [smem:$0x3FD9]  }
0x89: {  	s3 =	sld [smem:$0x3FFE];
	_ =	sdelay $0x1  }
0x8a: {  	s1 =	srdreg.scid  }
0x8b: {  	s0 =	sand.u32 $0x1, s1  }
0x8c: {  	s14 =	sshll.u32 s0, $0xA;
	s2 =	sadd.s32 s3, s2  }
0x8d: {  	s2 =	sadd.s32 s2, s14  }
0x8e: {  	[smem:$0x3FAC] =	sst s2  }
0x8f: {  	_ = 	snop  }
0x90: {  	s2 =	sld [smem:$0x3FD0];
	_ =	sdelay $0x2  }
0x91: {  	s15 =	simm.s32 $0xA;
	s4 =	simm.s32 $0x10  }
0x92: {  	[smem:s4], [sflag:s15] =	dma.local [hbm:s2], $0x1  }
0x93: {  	_ =	swait.eq [sflag:s15], $0x1  }
0x94: {  	[sflag:s15] =	ssyncset.done $0x0  }
0x95: {  	[sflag:s15] =	ssyncadd.s32 $0xFFFFFFFF  }
0x96: {  	s16 =	sld [smem:$0x10];
	(tm) =	ssettm $0x1  }
0x97: {  	s17 =	sld [smem:$0x3FFB];
	_ =	sdelay $0x3  }
0x98: {  	_ =	strace s17  }
0x99: {  	s3 =	sld [smem:$0x3FFC];
	_ =	sdelay $0x3  }
0x9a: {  	_ =	strace s3  }
0x9b: {  	s3 =	sld [smem:$0x3FFD];
	_ =	sdelay $0x3  }
0x9c: {  	_ =	strace s3  }
0x9d: {  	_ =	strace $0x8FFFFFFF  }
0x9e: {  	s18 =	sld [smem:$0x3FDB];
	_ =	sdelay $0x1  }
0x9f: {  	s19 =	simm.s32 $_scs_section_size  }
0xa0: {  	s5 =	simm.s32 $_size__tile_overlayer_lowered;
	s6 =	simm.s32 $_tile_overlayer_lowered  }
0xa1: {  	s22 =	simm.s32 $0x1BFF;
	s21 =	sshll.u32 s6, $0x1;
	s3 =	sadd.s32 s19, s18  }
0xa2: {  	s7 =	simm.s32 $0x0;
	s20 =	sshll.u32 s5, $0x1;
	s5 =	sadd.s32 s21, s3  }
0xa3: {  	[timem:s7], [sflag:s22] =	dma.local [hbm:s5], s20  }
0xa4: {  	_ =	swait.ge [sflag:s22], s20  }
0xa5: {  	s4 =	ssub.s32 $0x0, s20;
	[sflag:s22] =	ssyncset.done $0x0  }
0xa6: {  	[sflag:s22] =	ssyncadd.s32 s4;
	_ =	sdelay $0x1  }
0xa7: {  	s23 =	simm.s32 $0x1B8B  }
0xa8: {  	_ =	swait.ge [sflag:s23], $0x1  }
0xa9: {  	[sflag:s23] =	ssyncset.done $0x0  }
0xaa: {  	s25 =	simm.s32 $0x1B8E;
	s24 =	sld [smem:$0x3FFE];
	[sflag:s23] =	ssyncadd.s32 $0xFFFFFFFF  }
0xab: {  	s26 =	simm.s32 $execute0_lowered;
	[smem:$0x3FD2] =	sst s25  }
0xac: {  	s5 =	sshll.u32 s26, $0x1;
	_ =	strace $0x80000049;
	[dreg:$0x1] =	wrdreg $0xFFFFFFFF  }
0xad: {  	s28 =	simm.s32 $_size_execute0_lowered;
	s3 =	sadd.s32 s3, s5;
	[dreg:$0x0] =	wrdreg $0x0  }
0xae: {  	s5 =	sshll.u32 s28, $0x1;
	[dreg:$0x2] =	wrdreg s3  }
0xaf: {  	[dreg:$0x3] =	wrdreg s5  }
0xb0: {  	[dreg:$0x4] =	wrdreg $0xC0  }
0xb1: {  	_ =	task [dreg:s7], $0x5FFFF  }
0xb2: {  	[dreg:$0x1] =	wrdreg $0xFFFFFFFF  }
0xb3: {  	[dreg:$0x0] =	wrdreg $0x60  }
0xb4: {  	[dreg:$0x2] =	wrdreg s16  }
0xb5: {  	[dreg:$0x3] =	wrdreg s24  }
0xb6: {  	[dreg:$0x4] =	wrdreg $0x9  }
0xb7: {  	_ =	task.clear_ibuf [dreg:s7], $0x5FFFF;
	_ =	strace $0x90000049  }
0xb8: {  	s29 =	simm.s32 $0x9;
	_ =	strace $0x8000004B  }
0xb9: {  	_ =	swait.ge [sflag:s29], $0x1  }
0xba: {  	[sflag:s29] =	ssyncadd.s32 $0xFFFFFFFF  }
0xbb: {  	_ =	strace $0x9000004B  }
0xbc: {  	_ =	sfence  }
0xbd: {  	s30 =	sld [smem:$0x0];
	_ =	sdelay $0x2  }
0xbe: {  	s31 =	sshll.u32 s1, $0xD;
	s1 =	sshrl.u32 s1, $0x2  }
0xbf: {  	s3 =	sand.u32 $0x4000, s31;
	s1 =	sadd.s32 s1, s30  }
0xc0: {  	s0 =	sor.u32 s3, s0;
	s1 =	sshll.u32 s1, $0x11  }
0xc1: {  	s0 =	sor.u32 s1, s0  }
0xc2: {  	s0 =	sadd.s32 $0x8F2B, s0  }
0xc3: {  	[sflag:s0] =	ssyncadd.remote.s32 $0x1  }
0xc4: {  	_ =	sfence.sel $0xFFFF  }
0xc5: {  	[dreg:$0x0] =	wrdreg $0xFFFFFFFF;
	(pc) =	sbr.abs _section_cstart, $3  }
0xc6: {  	[dreg:$0x1] =	wrdreg $0xFFFFFFFF  }
0xc7: {  	_ =	task.clear_ibuf [dreg:s7], $0x2FFFF;
	_ =	strace $0x9FFFFFFF  }
0xc8: {  	(tm) =	ssettm $0x7FFFFFFF  }
0xc9: {  	_ =	shalt  }
tec
execute0_lowered:
.L_overlay_start_1:
0x0: {  	(tag) =	ssettag $0x1  }
0x1: {  	s2 =	rddreg [dreg:$0x0];
	s1 =	srdreg.scid  }
0x2: {  	s0 =	stileid.u32;
	s4 =	rddreg [dreg:$0x1]  }
0x3: {  	s3 =	simm.s32 $0x0;
	s9 =	simm.s32 $0x1;
	s10 =	simm.s32 $0x50  }
0x4: {  	s11 =	simm.s32 $0x5000;
	s12 =	simm.s32 $0x2;
	s5 =	sand.u32 $0x1, s1  }
0x5: {  	s6 =	sshll.u32 s0, $0x1;
	s1 =	rddreg [dreg:$0x2];
	s7 =	smul.u32 $0x50000, s0  }
0x6: {  	s6 =	sor.u32 s5, s6;
	s8 =	ssub.s32 $0x2, s5;
	s5 =	smul.u32 $0x28000, s5  }
0x7: {  	s13 =	simm.s32 $0x0;
	[smem:$0x7FF] =	sst s3;
	s6 =	smul.u32 $0x2800, s6  }
0x8: {  	_ =	strace $0x8000004A;
	s7 =	sadd.s32 s7, s4;
	s30 =	sshrl.u32 s8, $0x1  }
0x9: {  	s8 =	ssub.s32 s8, s30;
	s31 =	sadd.s32 s5, s7;
	s6 =	sshrl.u32 s6, $0x3  }
0xa: {  	s7 =	simm.s32 $0x3;
	s5 =	smax.u32 s8, $0x1;
	s6 =	sadd.s32 s6, s4  }
0xb: {  	s8 =	simm.s32 $0x2800;
	s4 =	sadd.s32 $0x6A00, s6;
	s6 =	sadd.s32 $0x10A00, s31  }
.LBB2_1:
0xc: {  	[tilespmem:s3], [sflag:$0x3] =	stream.linear.gather [hbm4b:s4+s3], $0x2800, $0x38;
	[tilespmem:$0x7800] =	vst v63  }
0xd: {  	_ =	swait.ge [sflag:s7], $0x2800  }
0xe: {  	[sflag:s7] =	ssyncset.done $0x0  }
0xf: {  	[sflag:s7] =	ssyncadd.s32 $0xFFFFD800  }
0x10: {  	[tilespmem:s8], [sflag:$0x1] =	stream.indirect.gather [hbm4b:s2+s10], $0x80, s3, s10, $0xb8;
	[tilespmem:$0x7800] =	vst v63  }
0x11: {  	_ =	swait.ge [sflag:s9], $0x2800  }
0x12: {  	[sflag:s9] =	ssyncset.done $0x0  }
0x13: {  	[sflag:s9] =	ssyncadd.s32 $0xFFFFD800  }
0x14: {  	[tilespmem:s11], [sflag:$0x1] =	stream.indirect.gather [hbm4b:s2+s10], $0x80, s10, s10, $0xb8;
	[tilespmem:$0x7800] =	vst v63  }
0x15: {  	_ = 	snop  }
0x16: {  	[hbm4b:s6+s3] =	stream.linear.scatter [tilespmem:s8], [sflag:$0x2], $0x2800, $0x38;
	[tilespmem:$0x7800] =	vst v63  }
0x17: {  	_ =	swait.ge [sflag:s9], $0x2800  }
0x18: {  	[sflag:s9] =	ssyncset.done $0x0  }
0x19: {  	s14 =	sand.u32 $0x7E, s12;
	[sflag:s9] =	ssyncadd.s32 $0xFFFFD800  }
0x1a: {  	s14 =	smul.u32 $0x140, s14;
	_ =	swait.ge [sflag:s12], $0x2800  }
0x1b: {  	[sflag:s12] =	ssyncset.done $0x0  }
0x1c: {  	s14 =	sshrl.u32 s14, $0x2;
	[sflag:s12] =	ssyncadd.s32 $0xFFFFD800  }
0x1d: {  	[tilespmem:s8], [sflag:$0x1] =	stream.indirect.gather [hbm4b:s2+s10], $0x80, s14, s10, $0xb8;
	[tilespmem:$0x7800] =	vst v63  }
0x1e: {  	s31 =	sadd.s32 $0x500, s6  }
0x1f: {  	[hbm4b:s31+s3] =	stream.linear.scatter [tilespmem:s11], [sflag:$0x2], $0x2800, $0x38;
	[tilespmem:$0x7800] =	vst v63  }
0x20: {  	_ =	swait.ge [sflag:s9], $0x2800  }
0x21: {  	[sflag:s9] =	ssyncset.done $0x0  }
0x22: {  	[sflag:s9] =	ssyncadd.s32 $0xFFFFD800  }
0x23: {  	s15 =	smov.u32 s6;
	_ =	swait.ge [sflag:s12], $0x2800  }
0x24: {  	s16 =	simm.s32 $0x50;
	s14 =	simm.s32 $0x4;
	[sflag:s12] =	ssyncset.done $0x0  }
.LBB2_2:
0x25: {  	[sflag:s12] =	ssyncadd.s32 $0xFFFFD800;
	s15 =	sadd.s32 $0xA00, s15;
	s16 =	sadd.s32 $0xA0, s16  }
0x26: {  	[tilespmem:s11], [sflag:$0x1] =	stream.indirect.gather [hbm4b:s2+s10], $0x80, s16, s10, $0xb8;
	[tilespmem:$0x7800] =	vst v63  }
0x27: {  	p0 =	sne.s32 s14, $0x80;
	s17 =	smov.u32 s14;
	s14 =	sadd.s32 $0x2, s14  }
0x28: {  	[hbm4b:s15+s3] =	stream.linear.scatter [tilespmem:s8], [sflag:$0x2], $0x2800, $0x38;
	[tilespmem:$0x7800] =	vst v63  }
0x29: {  	_ =	swait.ge [sflag:s9], $0x2800  }
0x2a: {  	[sflag:s9] =	ssyncset.done $0x0  }
0x2b: {  	s17 =	sand.u32 $0x7E, s17;
	[sflag:s9] =	ssyncadd.s32 $0xFFFFD800  }
0x2c: {  	s17 =	smul.u32 $0x140, s17;
	_ =	swait.ge [sflag:s12], $0x2800  }
0x2d: {  	[sflag:s12] =	ssyncset.done $0x0  }
0x2e: {  	s17 =	sshrl.u32 s17, $0x2;
	[sflag:s12] =	ssyncadd.s32 $0xFFFFD800  }
0x2f: {  	[tilespmem:s8], [sflag:$0x1] =	stream.indirect.gather [hbm4b:s2+s10], $0x80, s17, s10, $0xb8;
	[tilespmem:$0x7800] =	vst v63  }
0x30: {  	s17 =	sadd.s32 $0x500, s15  }
0x31: {  	[hbm4b:s17+s3] =	stream.linear.scatter [tilespmem:s11], [sflag:$0x2], $0x2800, $0x38;
	[tilespmem:$0x7800] =	vst v63  }
.Ltmp0:
0x32: {  	_ =	swait.ge [sflag:s9], $0x2800;
	(pc) =	sbr.rel @p0 .LBB2_2-.Ltmp0, $4  }
0x33: {  	[sflag:s9] =	ssyncset.done $0x0  }
0x34: {  	[sflag:s9] =	ssyncadd.s32 $0xFFFFD800  }
0x35: {  	_ =	swait.ge [sflag:s12], $0x2800  }
0x36: {  	[sflag:s12] =	ssyncset.done $0x0  }
0x37: {  	s13 =	sadd.s32 $0x1, s13  }
0x38: {  	p0 =	sne.s32 s13, s5  }
.Ltmp1:
0x39: {  	_ = 	snop;
	(pc) =	sbr.rel @p0 .LBB2_1-.Ltmp1, $2  }
0x3a: {  	_ =	sdelay $0x2  }
0x3b: {  	[sflag:s12] =	ssyncadd.s32 $0xFFFFD800  }
0x3c: {  	_ =	sfence.sel $0x180000  }
0x3d: {  	[bflag:$0x0] =	sbarrier.arrive $0xFFFF  }
0x3e: {  	p0 =	sne.s32 s0, $0x0;
	_ =	strace $0x9000004A  }
0x3f: {  	s0 =	sadd.s32 @!p0 $0x100000, s1;
	[bflag:$0x2] =	sbarrier.arrive $0xFFFF  }
0x40: {  	[sflag:s0] =	ssyncadd.tile.s32 @!p0 $0x1;
	_ =	shalt  }
.Lfunc_end2:
_tile_overlayer_lowered:
.L_overlay_start_2:
0x41: {  	(tag) =	ssettag $0x2  }
0x42: {  	s0 =	rddreg [dreg:$0x0];
	s2 =	stileid.u32  }
0x43: {  	s1 =	rddreg [dreg:$0x1];
	p0 =	sne.s32 s2, $0x0  }
0x44: {  	s3 =	rddreg [dreg:$0x2];
	[bflag:$0x3] =	sbarrier.arrive $0xFFFF;
	s2 =	simm.s32 @!p0 $0x1C03  }
0x45: {  	[timem:s3], [sflag:s2] =	dma.local @!p0 [hbm:s0], s1  }
0x46: {  	s0 =	simm.s32 @!p0 $0x3  }
0x47: {  	_ =	swait.ge @!p0 [sflag:s0], s1  }
0x48: {  	s1 =	ssub.s32 @!p0 $0x0, s1;
	[sflag:s0] =	ssyncset.done @!p0 $0x0  }
0x49: {  	[sflag:s0] =	ssyncadd.s32 @!p0 s1  }
0x4a: {  	[bflag:$0x3] =	sbarrier.arrive $0xFFFF  }
0x4b: {  	_ =	shalt  }

// kernel: kernel.28.cloned.1.call-start
scs
__scs_entry_jumppad:
0x0: {  	(pc) =	sbr.rel $0x88, $3  }
0x1: {  	(tag) =	ssettag $0x0;
	lr =	simm.s32 $0x1  }
0x2: {  	[smem:$0x3F85] =	sst lr;
	_ =	strace $0xD0000000  }
0x3: {  	_ = 	snop  }
0x4: {  	_ = 	snop  }
0x5: {  	_ = 	snop  }
0x6: {  	_ = 	snop  }
0x7: {  	_ = 	snop  }
__scs_overlays_trampoline_lowered:
0x8: {  	[smem:$0x3F94] =	sst s0  }
0x9: {  	[smem:$0x3F95] =	sst s1  }
0xa: {  	[smem:$0x3F96] =	sst s2  }
0xb: {  	[smem:$0x3F97] =	sst s3  }
0xc: {  	[smem:$0x3F98] =	sst s4  }
0xd: {  	[smem:$0x3F99] =	sst s5  }
0xe: {  	[smem:$0x3F9A] =	sst s6  }
0xf: {  	[smem:$0x3F9B] =	sst s7  }
0x10: {  	[smem:$0x3F9C] =	sst s8  }
0x11: {  	[smem:$0x3F9D] =	sst s9;
	s0 =	simm.s32 @!p0 $0x0  }
0x12: {  	s1 =	sld [smem:$0x3F83];
	s0 =	simm.s32 @p0 $0x1  }
0x13: {  	[smem:$0x3F9E] =	sst s0;
	s0 =	simm.s32 @!p1 $0x0  }
0x14: {  	s2 =	sld [smem:$0x3F82];
	s0 =	simm.s32 @p1 $0x1  }
0x15: {  	[smem:$0x3F9F] =	sst s0;
	s0 =	simm.s32 @!p2 $0x0  }
0x16: {  	s3 =	sld [smem:$0x3FDB];
	s0 =	simm.s32 @p2 $0x1  }
0x17: {  	s4 =	simm.s32 $0x1BF5;
	[smem:$0x3FA1] =	sst s0  }
0x18: {  	s0 =	sld [smem:$0x3F84];
	_ =	swait.ge [sflag:s4], $0x0  }
0x19: {  	s7 =	sld [smem:$0x3F85]  }
0x1a: {  	s8 =	sadd.s32 $0xFFFFE003, lr  }
0x1b: {  	s9 =	sadd.s32 $0xFFFFFEF7, lr;
	s5 =	simm.s32 $0xFFFFFFFF;
	p2 =	slt.u32 s8, $0xFFFFF086  }
0x1c: {  	p1 =	slt.u32 s9, $0xF7A;
	s5 =	simm.s32 @!p2 $0x0  }
0x1d: {  	s5 =	simm.s32 @p1 $0x1;
	p0 =	seq.s32 s7, s2  }
0x1e: {  	s7 =	smul.u32 @!p0 $0xF7A, s2;
	p2 =	seq.s32 @!p0 s5, $0x0  }
0x1f: {  	s9 =	smul.u32 $0xF7A, s1;
	s8 =	simm.s32 @!p0 $0x1BF5;
	p2 =	por !p2, p0  }
0x20: {  	[sflag:s8] =	ssyncset.s32 @!p0 $0xFFFFF086;
	s6 =	sadd.s32 @!p0 s3, s7;
	s7 =	simm.s32 @!p0 $0x108  }
0x21: {  	s3 =	sadd.s32 s3, s9;
	s6 =	sadd.s32 @!p0 $0x88, s6;
	s7 =	simm.s32 @p2 $0x1082  }
0x22: {  	[simem:s7], [sflag:s8] =	dma.local @!p0 [hbm:s6], $0xF7A  }
0x23: {  	s9 =	sor.u32 $0xD0000000, s2;
	s6 =	simm.s32 $0x108;
	_ =	swait.ge @!p0 [sflag:s8], $0x0  }
0x24: {  	s3 =	sadd.s32 $0x88, s3;
	s6 =	simm.s32 @!p1 $0x1082;
	[sflag:s4] =	ssyncset.s32 $0xFFFFF086  }
0x25: {  	[simem:s6], [sflag:s4] =	dma.local [hbm:s3], $0xF7A  }
0x26: {  	[smem:$0x3F85] =	sst s1;
	(tag) =	ssettag s2;
	_ =	strace s9  }
0x27: {  	s1 =	sld [smem:$0x3F95]  }
0x28: {  	s2 =	sld [smem:$0x3F96]  }
0x29: {  	s4 =	sld [smem:$0x3F98]  }
0x2a: {  	p0 =	seq.s32 s5, $0x0;
	s5 =	sld [smem:$0x3F99]  }
0x2b: {  	s6 =	sld [smem:$0x3F9A]  }
0x2c: {  	s7 =	sld [smem:$0x3F9B]  }
0x2d: {  	s3 =	simm.s32 $0x108;
	s8 =	sld [smem:$0x3F9C]  }
0x2e: {  	s3 =	simm.s32 @!p0 $0x1082;
	s9 =	sld [smem:$0x3F9D]  }
0x2f: {  	lr =	sadd.s32 s0, s3;
	s0 =	sld [smem:$0x3F94]  }
0x30: {  	s3 =	sld [smem:$0x3F97]  }
0x31: {  	[smem:$0x3FA0] =	sst s10  }
0x32: {  	s10 =	sld [smem:$0x3F9E];
	_ =	sdelay $0x3  }
0x33: {  	p0 =	seq.s32 s10, $0x1;
	s10 =	sld [smem:$0x3FA0];
	_ =	sdelay $0x3  }
0x34: {  	[smem:$0x3FA0] =	sst s10  }
0x35: {  	s10 =	sld [smem:$0x3F9F];
	_ =	sdelay $0x3  }
0x36: {  	p1 =	seq.s32 s10, $0x1;
	s10 =	sld [smem:$0x3FA0];
	_ =	sdelay $0x3  }
0x37: {  	[smem:$0x3FA0] =	sst s10  }
0x38: {  	s10 =	sld [smem:$0x3FA1]  }
0x39: {  	_ = 	snop;
	(pc) =	sbr.ind lr, $3  }
0x3a: {  	_ = 	snop  }
0x3b: {  	_ = 	snop  }
0x3c: {  	p2 =	seq.s32 s10, $0x1;
	s10 =	sld [smem:$0x3FA0]  }
0x3d: {  	_ =	shalt  }
0x3e: {  	_ =	shalt  }
0x3f: {  	_ =	shalt  }
0x40: {  	_ =	shalt  }
0x41: {  	_ =	shalt  }
0x42: {  	_ =	shalt  }
0x43: {  	_ =	shalt  }
0x44: {  	_ =	shalt  }
0x45: {  	_ =	shalt  }
0x46: {  	_ =	shalt  }
0x47: {  	_ =	shalt  }
0x48: {  	_ =	shalt  }
0x49: {  	_ =	shalt  }
0x4a: {  	_ =	shalt  }
0x4b: {  	_ =	shalt  }
0x4c: {  	_ =	shalt  }
0x4d: {  	_ =	shalt  }
0x4e: {  	_ =	shalt  }
0x4f: {  	_ =	shalt  }
0x50: {  	_ =	shalt  }
0x51: {  	_ =	shalt  }
0x52: {  	_ =	shalt  }
0x53: {  	_ =	shalt  }
0x54: {  	_ =	shalt  }
0x55: {  	_ =	shalt  }
0x56: {  	_ =	shalt  }
0x57: {  	_ =	shalt  }
0x58: {  	_ =	shalt  }
0x59: {  	_ =	shalt  }
0x5a: {  	_ =	shalt  }
0x5b: {  	_ =	shalt  }
0x5c: {  	_ =	shalt  }
0x5d: {  	_ =	shalt  }
0x5e: {  	_ =	shalt  }
0x5f: {  	_ =	shalt  }
0x60: {  	_ =	shalt  }
0x61: {  	_ =	shalt  }
0x62: {  	_ =	shalt  }
0x63: {  	_ =	shalt  }
0x64: {  	_ =	shalt  }
0x65: {  	_ =	shalt  }
0x66: {  	_ =	shalt  }
0x67: {  	_ =	shalt  }
0x68: {  	_ =	shalt  }
0x69: {  	_ =	shalt  }
0x6a: {  	_ =	shalt  }
0x6b: {  	_ =	shalt  }
0x6c: {  	_ =	shalt  }
0x6d: {  	_ =	shalt  }
0x6e: {  	_ =	shalt  }
0x6f: {  	_ =	shalt  }
0x70: {  	_ =	shalt  }
0x71: {  	_ =	shalt  }
0x72: {  	_ =	shalt  }
0x73: {  	_ =	shalt  }
0x74: {  	_ =	shalt  }
0x75: {  	_ =	shalt  }
0x76: {  	_ =	shalt  }
0x77: {  	_ =	shalt  }
0x78: {  	_ =	shalt  }
0x79: {  	_ =	shalt  }
0x7a: {  	_ =	shalt  }
0x7b: {  	_ =	shalt  }
0x7c: {  	_ =	shalt  }
0x7d: {  	_ =	shalt  }
0x7e: {  	_ =	shalt  }
0x7f: {  	_ =	shalt  }
0x80: {  	_ =	shalt  }
0x81: {  	_ =	shalt  }
0x82: {  	_ =	shalt  }
0x83: {  	_ =	shalt  }
0x84: {  	_ =	shalt  }
0x85: {  	_ =	shalt  }
0x86: {  	_ =	shalt  }
0x87: {  	_ =	shalt  }
.Lfunc_end0:
.L_simem_size_0:
called_computation.2_lowered:
.L_overlay_start_0:
0x88: {  	s2 =	sld [smem:$0x3FD9]  }
0x89: {  	s3 =	sld [smem:$0x3FFE];
	_ =	sdelay $0x1  }
0x8a: {  	s1 =	srdreg.scid  }
0x8b: {  	s0 =	sand.u32 $0x1, s1  }
0x8c: {  	s16 =	sshll.u32 s0, $0xA;
	s2 =	sadd.s32 s3, s2  }
0x8d: {  	s2 =	sadd.s32 s2, s16  }
0x8e: {  	[smem:$0x3FAC] =	sst s2  }
0x8f: {  	_ = 	snop  }
0x90: {  	(tm) =	ssettm $0x1  }
0x91: {  	s17 =	sld [smem:$0x3FFB];
	_ =	sdelay $0x3  }
0x92: {  	_ =	strace s17  }
0x93: {  	s2 =	sld [smem:$0x3FFC];
	_ =	sdelay $0x3  }
0x94: {  	_ =	strace s2  }
0x95: {  	s2 =	sld [smem:$0x3FFD];
	_ =	sdelay $0x3  }
0x96: {  	_ =	strace s2  }
0x97: {  	_ =	strace $0x8FFFFFFF  }
0x98: {  	s18 =	sld [smem:$0x3FDB];
	_ =	sdelay $0x1  }
0x99: {  	s19 =	simm.s32 $_scs_section_size  }
0x9a: {  	s4 =	simm.s32 $_size__tile_overlayer_lowered;
	s5 =	simm.s32 $_tile_overlayer_lowered  }
0x9b: {  	s22 =	simm.s32 $0x1BFF;
	s21 =	sshll.u32 s5, $0x1;
	s2 =	sadd.s32 s19, s18  }
0x9c: {  	s6 =	simm.s32 $0x0;
	s20 =	sshll.u32 s4, $0x1;
	s4 =	sadd.s32 s21, s2  }
0x9d: {  	[timem:s6], [sflag:s22] =	dma.local [hbm:s4], s20  }
0x9e: {  	_ =	swait.ge [sflag:s22], s20  }
0x9f: {  	s3 =	ssub.s32 $0x0, s20;
	[sflag:s22] =	ssyncset.done $0x0  }
0xa0: {  	[sflag:s22] =	ssyncadd.s32 s3;
	_ =	sdelay $0x1  }
0xa1: {  	s23 =	simm.s32 $0x1B8B  }
0xa2: {  	_ =	swait.ge [sflag:s23], $0x1  }
0xa3: {  	[sflag:s23] =	ssyncset.done $0x0  }
0xa4: {  	s25 =	simm.s32 $0x1B8E;
	s24 =	sld [smem:$0x3FFE];
	[sflag:s23] =	ssyncadd.s32 $0xFFFFFFFF  }
0xa5: {  	s26 =	simm.s32 $execute0_lowered;
	[smem:$0x3FD2] =	sst s25  }
0xa6: {  	s4 =	sshll.u32 s26, $0x1;
	_ =	strace $0x8000004C;
	[dreg:$0x1] =	wrdreg $0xFFFFFFFF  }
0xa7: {  	s28 =	simm.s32 $_size_execute0_lowered;
	s2 =	sadd.s32 s2, s4;
	[dreg:$0x0] =	wrdreg $0x0  }
0xa8: {  	s4 =	sshll.u32 s28, $0x1;
	[dreg:$0x2] =	wrdreg s2  }
0xa9: {  	[dreg:$0x3] =	wrdreg s4  }
0xaa: {  	[dreg:$0x4] =	wrdreg $0xC0  }
0xab: {  	_ =	task [dreg:s6], $0x5FFFF  }
0xac: {  	[dreg:$0x1] =	wrdreg $0xFFFFFFFF  }
0xad: {  	[dreg:$0x0] =	wrdreg $0x60  }
0xae: {  	[dreg:$0x2] =	wrdreg s24  }
0xaf: {  	[dreg:$0x3] =	wrdreg $0x9  }
0xb0: {  	_ =	task.clear_ibuf [dreg:s6], $0x4FFFF;
	_ =	strace $0x9000004C  }
0xb1: {  	s29 =	simm.s32 $0x9;
	_ =	strace $0x8000004E  }
0xb2: {  	_ =	swait.ge [sflag:s29], $0x1  }
0xb3: {  	[sflag:s29] =	ssyncadd.s32 $0xFFFFFFFF  }
0xb4: {  	_ =	strace $0x9000004E  }
0xb5: {  	_ =	sfence  }
0xb6: {  	s30 =	sld [smem:$0x0];
	_ =	sdelay $0x2  }
0xb7: {  	s31 =	sshll.u32 s1, $0xD;
	s1 =	sshrl.u32 s1, $0x2  }
0xb8: {  	s3 =	sand.u32 $0x4000, s31;
	s1 =	sadd.s32 s1, s30  }
0xb9: {  	s0 =	sor.u32 s3, s0;
	s1 =	sshll.u32 s1, $0x11  }
0xba: {  	s0 =	sor.u32 s1, s0  }
0xbb: {  	s0 =	sadd.s32 $0x8F2B, s0  }
0xbc: {  	[sflag:s0] =	ssyncadd.remote.s32 $0x1  }
0xbd: {  	_ =	sfence.sel $0xFFFF  }
0xbe: {  	[dreg:$0x0] =	wrdreg $0xFFFFFFFF;
	(pc) =	sbr.abs _section_cstart, $3  }
0xbf: {  	[dreg:$0x1] =	wrdreg $0xFFFFFFFF  }
0xc0: {  	_ =	task.clear_ibuf [dreg:s6], $0x2FFFF;
	_ =	strace $0x9FFFFFFF  }
0xc1: {  	(tm) =	ssettm $0x7FFFFFFF  }
tec
execute0_lowered:
.L_overlay_start_1:
0x0: {  	(tag) =	ssettag $0x1  }
0x1: {  	s1 =	srdreg.scid  }
0x2: {  	s0 =	stileid.u32;
	s4 =	rddreg [dreg:$0x0];
	s2 =	simm.s32 $0x0  }
0x3: {  	s9 =	simm.s32 $0x1;
	s10 =	simm.s32 $0x50;
	s11 =	simm.s32 $0x5000  }
0x4: {  	s12 =	simm.s32 $0x2;
	s13 =	simm.s32 $0x0;
	s5 =	sand.u32 $0x1, s1  }
0x5: {  	s3 =	sshll.u32 s0, $0x1;
	[smem:$0x7FF] =	sst s2;
	s7 =	smul.u32 $0x50000, s0  }
0x6: {  	s3 =	sor.u32 s5, s3;
	s8 =	ssub.s32 $0x2, s5;
	s5 =	smul.u32 $0x28000, s5  }
0x7: {  	s1 =	rddreg [dreg:$0x1];
	_ =	strace $0x8000004D;
	s6 =	smul.u32 $0x2800, s3  }
0x8: {  	s3 =	sadd.s32 $0x6A00, s4;
	s7 =	sadd.s32 s7, s4;
	s30 =	sshrl.u32 s8, $0x1  }
0x9: {  	s8 =	ssub.s32 s8, s30;
	s31 =	sadd.s32 s5, s7;
	s6 =	sshrl.u32 s6, $0x3  }
0xa: {  	s7 =	simm.s32 $0x3;
	s5 =	smax.u32 s8, $0x1;
	s6 =	sadd.s32 s6, s4  }
0xb: {  	s8 =	simm.s32 $0x2800;
	s4 =	sadd.s32 $0x46A00, s6;
	s6 =	sadd.s32 $0x50A00, s31  }
.LBB2_1:
0xc: {  	[tilespmem:s2], [sflag:$0x3] =	stream.linear.gather [hbm4b:s4+s2], $0x2800, $0x38;
	[tilespmem:$0x7800] =	vst v63  }
0xd: {  	_ =	swait.ge [sflag:s7], $0x2800  }
0xe: {  	[sflag:s7] =	ssyncset.done $0x0  }
0xf: {  	[sflag:s7] =	ssyncadd.s32 $0xFFFFD800  }
0x10: {  	[tilespmem:s8], [sflag:$0x1] =	stream.indirect.gather [hbm4b:s3+s10], $0x80, s2, s10, $0xb8;
	[tilespmem:$0x7800] =	vst v63  }
0x11: {  	_ =	swait.ge [sflag:s9], $0x2800  }
0x12: {  	[sflag:s9] =	ssyncset.done $0x0  }
0x13: {  	[sflag:s9] =	ssyncadd.s32 $0xFFFFD800  }
0x14: {  	[tilespmem:s11], [sflag:$0x1] =	stream.indirect.gather [hbm4b:s3+s10], $0x80, s10, s10, $0xb8;
	[tilespmem:$0x7800] =	vst v63  }
0x15: {  	_ = 	snop  }
0x16: {  	[hbm4b:s6+s2] =	stream.linear.scatter [tilespmem:s8], [sflag:$0x2], $0x2800, $0x38;
	[tilespmem:$0x7800] =	vst v63  }
0x17: {  	_ =	swait.ge [sflag:s9], $0x2800  }
0x18: {  	[sflag:s9] =	ssyncset.done $0x0  }
0x19: {  	s14 =	sand.u32 $0x7E, s12;
	[sflag:s9] =	ssyncadd.s32 $0xFFFFD800  }
0x1a: {  	s14 =	smul.u32 $0x140, s14;
	_ =	swait.ge [sflag:s12], $0x2800  }
0x1b: {  	[sflag:s12] =	ssyncset.done $0x0  }
0x1c: {  	s14 =	sshrl.u32 s14, $0x2;
	[sflag:s12] =	ssyncadd.s32 $0xFFFFD800  }
0x1d: {  	[tilespmem:s8], [sflag:$0x1] =	stream.indirect.gather [hbm4b:s3+s10], $0x80, s14, s10, $0xb8;
	[tilespmem:$0x7800] =	vst v63  }
0x1e: {  	s31 =	sadd.s32 $0x500, s6  }
0x1f: {  	[hbm4b:s31+s2] =	stream.linear.scatter [tilespmem:s11], [sflag:$0x2], $0x2800, $0x38;
	[tilespmem:$0x7800] =	vst v63  }
0x20: {  	_ =	swait.ge [sflag:s9], $0x2800  }
0x21: {  	[sflag:s9] =	ssyncset.done $0x0  }
0x22: {  	[sflag:s9] =	ssyncadd.s32 $0xFFFFD800  }
0x23: {  	s15 =	smov.u32 s6;
	_ =	swait.ge [sflag:s12], $0x2800  }
0x24: {  	s16 =	simm.s32 $0x50;
	s14 =	simm.s32 $0x4;
	[sflag:s12] =	ssyncset.done $0x0  }
.LBB2_2:
0x25: {  	[sflag:s12] =	ssyncadd.s32 $0xFFFFD800;
	s15 =	sadd.s32 $0xA00, s15;
	s16 =	sadd.s32 $0xA0, s16  }
0x26: {  	[tilespmem:s11], [sflag:$0x1] =	stream.indirect.gather [hbm4b:s3+s10], $0x80, s16, s10, $0xb8;
	[tilespmem:$0x7800] =	vst v63  }
0x27: {  	p0 =	sne.s32 s14, $0x80;
	s17 =	smov.u32 s14;
	s14 =	sadd.s32 $0x2, s14  }
0x28: {  	[hbm4b:s15+s2] =	stream.linear.scatter [tilespmem:s8], [sflag:$0x2], $0x2800, $0x38;
	[tilespmem:$0x7800] =	vst v63  }
0x29: {  	_ =	swait.ge [sflag:s9], $0x2800  }
0x2a: {  	[sflag:s9] =	ssyncset.done $0x0  }
0x2b: {  	s17 =	sand.u32 $0x7E, s17;
	[sflag:s9] =	ssyncadd.s32 $0xFFFFD800  }
0x2c: {  	s17 =	smul.u32 $0x140, s17;
	_ =	swait.ge [sflag:s12], $0x2800  }
0x2d: {  	[sflag:s12] =	ssyncset.done $0x0  }
0x2e: {  	s17 =	sshrl.u32 s17, $0x2;
	[sflag:s12] =	ssyncadd.s32 $0xFFFFD800  }
0x2f: {  	[tilespmem:s8], [sflag:$0x1] =	stream.indirect.gather [hbm4b:s3+s10], $0x80, s17, s10, $0xb8;
	[tilespmem:$0x7800] =	vst v63  }
0x30: {  	s17 =	sadd.s32 $0x500, s15  }
0x31: {  	[hbm4b:s17+s2] =	stream.linear.scatter [tilespmem:s11], [sflag:$0x2], $0x2800, $0x38;
	[tilespmem:$0x7800] =	vst v63  }
.Ltmp0:
0x32: {  	_ =	swait.ge [sflag:s9], $0x2800;
	(pc) =	sbr.rel @p0 .LBB2_2-.Ltmp0, $4  }
0x33: {  	[sflag:s9] =	ssyncset.done $0x0  }
0x34: {  	[sflag:s9] =	ssyncadd.s32 $0xFFFFD800  }
0x35: {  	_ =	swait.ge [sflag:s12], $0x2800  }
0x36: {  	[sflag:s12] =	ssyncset.done $0x0  }
0x37: {  	s13 =	sadd.s32 $0x1, s13  }
0x38: {  	p0 =	sne.s32 s13, s5  }
.Ltmp1:
0x39: {  	_ = 	snop;
	(pc) =	sbr.rel @p0 .LBB2_1-.Ltmp1, $2  }
0x3a: {  	_ =	sdelay $0x2  }
0x3b: {  	[sflag:s12] =	ssyncadd.s32 $0xFFFFD800  }
0x3c: {  	_ =	sfence.sel $0x180000  }
0x3d: {  	[bflag:$0x0] =	sbarrier.arrive $0xFFFF  }
0x3e: {  	p0 =	sne.s32 s0, $0x0;
	_ =	strace $0x9000004D  }
0x3f: {  	s0 =	sadd.s32 @!p0 $0x100000, s1;
	[bflag:$0x2] =	sbarrier.arrive $0xFFFF  }
0x40: {  	[sflag:s0] =	ssyncadd.tile.s32 @!p0 $0x1;
	_ =	shalt  }
.Lfunc_end2:
_tile_overlayer_lowered:
.L_overlay_start_2:
0x41: {  	(tag) =	ssettag $0x2  }
0x42: {  	s0 =	rddreg [dreg:$0x0];
	s2 =	stileid.u32  }
0x43: {  	s1 =	rddreg [dreg:$0x1];
	p0 =	sne.s32 s2, $0x0  }
0x44: {  	s3 =	rddreg [dreg:$0x2];
	[bflag:$0x3] =	sbarrier.arrive $0xFFFF;
	s2 =	simm.s32 @!p0 $0x1C03  }
0x45: {  	[timem:s3], [sflag:s2] =	dma.local @!p0 [hbm:s0], s1  }
0x46: {  	s0 =	simm.s32 @!p0 $0x3  }
0x47: {  	_ =	swait.ge @!p0 [sflag:s0], s1  }
0x48: {  	s1 =	ssub.s32 @!p0 $0x0, s1;
	[sflag:s0] =	ssyncset.done @!p0 $0x0  }
0x49: {  	[sflag:s0] =	ssyncadd.s32 @!p0 s1  }
0x4a: {  	[bflag:$0x3] =	sbarrier.arrive $0xFFFF  }
0x4b: {  	_ =	shalt  }

// kernel: kernel.31.cloned.1.call-start
scs
__scs_entry_jumppad:
0x0: {  	(pc) =	sbr.rel $0x88, $3  }
0x1: {  	(tag) =	ssettag $0x0;
	lr =	simm.s32 $0x1  }
0x2: {  	[smem:$0x3F85] =	sst lr;
	_ =	strace $0xD0000000  }
0x3: {  	_ = 	snop  }
0x4: {  	_ = 	snop  }
0x5: {  	_ = 	snop  }
0x6: {  	_ = 	snop  }
0x7: {  	_ = 	snop  }
__scs_overlays_trampoline_lowered:
0x8: {  	[smem:$0x3F94] =	sst s0  }
0x9: {  	[smem:$0x3F95] =	sst s1  }
0xa: {  	[smem:$0x3F96] =	sst s2  }
0xb: {  	[smem:$0x3F97] =	sst s3  }
0xc: {  	[smem:$0x3F98] =	sst s4  }
0xd: {  	[smem:$0x3F99] =	sst s5  }
0xe: {  	[smem:$0x3F9A] =	sst s6  }
0xf: {  	[smem:$0x3F9B] =	sst s7  }
0x10: {  	[smem:$0x3F9C] =	sst s8  }
0x11: {  	[smem:$0x3F9D] =	sst s9;
	s0 =	simm.s32 @!p0 $0x0  }
0x12: {  	s1 =	sld [smem:$0x3F83];
	s0 =	simm.s32 @p0 $0x1  }
0x13: {  	[smem:$0x3F9E] =	sst s0;
	s0 =	simm.s32 @!p1 $0x0  }
0x14: {  	s2 =	sld [smem:$0x3F82];
	s0 =	simm.s32 @p1 $0x1  }
0x15: {  	[smem:$0x3F9F] =	sst s0;
	s0 =	simm.s32 @!p2 $0x0  }
0x16: {  	s3 =	sld [smem:$0x3FDB];
	s0 =	simm.s32 @p2 $0x1  }
0x17: {  	s4 =	simm.s32 $0x1BF5;
	[smem:$0x3FA1] =	sst s0  }
0x18: {  	s0 =	sld [smem:$0x3F84];
	_ =	swait.ge [sflag:s4], $0x0  }
0x19: {  	s7 =	sld [smem:$0x3F85]  }
0x1a: {  	s8 =	sadd.s32 $0xFFFFE003, lr  }
0x1b: {  	s9 =	sadd.s32 $0xFFFFFEF7, lr;
	s5 =	simm.s32 $0xFFFFFFFF;
	p2 =	slt.u32 s8, $0xFFFFF086  }
0x1c: {  	p1 =	slt.u32 s9, $0xF7A;
	s5 =	simm.s32 @!p2 $0x0  }
0x1d: {  	s5 =	simm.s32 @p1 $0x1;
	p0 =	seq.s32 s7, s2  }
0x1e: {  	s7 =	smul.u32 @!p0 $0xF7A, s2;
	p2 =	seq.s32 @!p0 s5, $0x0  }
0x1f: {  	s9 =	smul.u32 $0xF7A, s1;
	s8 =	simm.s32 @!p0 $0x1BF5;
	p2 =	por !p2, p0  }
0x20: {  	[sflag:s8] =	ssyncset.s32 @!p0 $0xFFFFF086;
	s6 =	sadd.s32 @!p0 s3, s7;
	s7 =	simm.s32 @!p0 $0x108  }
0x21: {  	s3 =	sadd.s32 s3, s9;
	s6 =	sadd.s32 @!p0 $0x88, s6;
	s7 =	simm.s32 @p2 $0x1082  }
0x22: {  	[simem:s7], [sflag:s8] =	dma.local @!p0 [hbm:s6], $0xF7A  }
0x23: {  	s9 =	sor.u32 $0xD0000000, s2;
	s6 =	simm.s32 $0x108;
	_ =	swait.ge @!p0 [sflag:s8], $0x0  }
0x24: {  	s3 =	sadd.s32 $0x88, s3;
	s6 =	simm.s32 @!p1 $0x1082;
	[sflag:s4] =	ssyncset.s32 $0xFFFFF086  }
0x25: {  	[simem:s6], [sflag:s4] =	dma.local [hbm:s3], $0xF7A  }
0x26: {  	[smem:$0x3F85] =	sst s1;
	(tag) =	ssettag s2;
	_ =	strace s9  }
0x27: {  	s1 =	sld [smem:$0x3F95]  }
0x28: {  	s2 =	sld [smem:$0x3F96]  }
0x29: {  	s4 =	sld [smem:$0x3F98]  }
0x2a: {  	p0 =	seq.s32 s5, $0x0;
	s5 =	sld [smem:$0x3F99]  }
0x2b: {  	s6 =	sld [smem:$0x3F9A]  }
0x2c: {  	s7 =	sld [smem:$0x3F9B]  }
0x2d: {  	s3 =	simm.s32 $0x108;
	s8 =	sld [smem:$0x3F9C]  }
0x2e: {  	s3 =	simm.s32 @!p0 $0x1082;
	s9 =	sld [smem:$0x3F9D]  }
0x2f: {  	lr =	sadd.s32 s0, s3;
	s0 =	sld [smem:$0x3F94]  }
0x30: {  	s3 =	sld [smem:$0x3F97]  }
0x31: {  	[smem:$0x3FA0] =	sst s10  }
0x32: {  	s10 =	sld [smem:$0x3F9E];
	_ =	sdelay $0x3  }
0x33: {  	p0 =	seq.s32 s10, $0x1;
	s10 =	sld [smem:$0x3FA0];
	_ =	sdelay $0x3  }
0x34: {  	[smem:$0x3FA0] =	sst s10  }
0x35: {  	s10 =	sld [smem:$0x3F9F];
	_ =	sdelay $0x3  }
0x36: {  	p1 =	seq.s32 s10, $0x1;
	s10 =	sld [smem:$0x3FA0];
	_ =	sdelay $0x3  }
0x37: {  	[smem:$0x3FA0] =	sst s10  }
0x38: {  	s10 =	sld [smem:$0x3FA1]  }
0x39: {  	_ = 	snop;
	(pc) =	sbr.ind lr, $3  }
0x3a: {  	_ = 	snop  }
0x3b: {  	_ = 	snop  }
0x3c: {  	p2 =	seq.s32 s10, $0x1;
	s10 =	sld [smem:$0x3FA0]  }
0x3d: {  	_ =	shalt  }
0x3e: {  	_ =	shalt  }
0x3f: {  	_ =	shalt  }
0x40: {  	_ =	shalt  }
0x41: {  	_ =	shalt  }
0x42: {  	_ =	shalt  }
0x43: {  	_ =	shalt  }
0x44: {  	_ =	shalt  }
0x45: {  	_ =	shalt  }
0x46: {  	_ =	shalt  }
0x47: {  	_ =	shalt  }
0x48: {  	_ =	shalt  }
0x49: {  	_ =	shalt  }
0x4a: {  	_ =	shalt  }
0x4b: {  	_ =	shalt  }
0x4c: {  	_ =	shalt  }
0x4d: {  	_ =	shalt  }
0x4e: {  	_ =	shalt  }
0x4f: {  	_ =	shalt  }
0x50: {  	_ =	shalt  }
0x51: {  	_ =	shalt  }
0x52: {  	_ =	shalt  }
0x53: {  	_ =	shalt  }
0x54: {  	_ =	shalt  }
0x55: {  	_ =	shalt  }
0x56: {  	_ =	shalt  }
0x57: {  	_ =	shalt  }
0x58: {  	_ =	shalt  }
0x59: {  	_ =	shalt  }
0x5a: {  	_ =	shalt  }
0x5b: {  	_ =	shalt  }
0x5c: {  	_ =	shalt  }
0x5d: {  	_ =	shalt  }
0x5e: {  	_ =	shalt  }
0x5f: {  	_ =	shalt  }
0x60: {  	_ =	shalt  }
0x61: {  	_ =	shalt  }
0x62: {  	_ =	shalt  }
0x63: {  	_ =	shalt  }
0x64: {  	_ =	shalt  }
0x65: {  	_ =	shalt  }
0x66: {  	_ =	shalt  }
0x67: {  	_ =	shalt  }
0x68: {  	_ =	shalt  }
0x69: {  	_ =	shalt  }
0x6a: {  	_ =	shalt  }
0x6b: {  	_ =	shalt  }
0x6c: {  	_ =	shalt  }
0x6d: {  	_ =	shalt  }
0x6e: {  	_ =	shalt  }
0x6f: {  	_ =	shalt  }
0x70: {  	_ =	shalt  }
0x71: {  	_ =	shalt  }
0x72: {  	_ =	shalt  }
0x73: {  	_ =	shalt  }
0x74: {  	_ =	shalt  }
0x75: {  	_ =	shalt  }
0x76: {  	_ =	shalt  }
0x77: {  	_ =	shalt  }
0x78: {  	_ =	shalt  }
0x79: {  	_ =	shalt  }
0x7a: {  	_ =	shalt  }
0x7b: {  	_ =	shalt  }
0x7c: {  	_ =	shalt  }
0x7d: {  	_ =	shalt  }
0x7e: {  	_ =	shalt  }
0x7f: {  	_ =	shalt  }
0x80: {  	_ =	shalt  }
0x81: {  	_ =	shalt  }
0x82: {  	_ =	shalt  }
0x83: {  	_ =	shalt  }
0x84: {  	_ =	shalt  }
0x85: {  	_ =	shalt  }
0x86: {  	_ =	shalt  }
0x87: {  	_ =	shalt  }
.Lfunc_end0:
.L_simem_size_0:
called_computation.3_lowered:
.L_overlay_start_0:
0x88: {  	s2 =	sld [smem:$0x3FD9]  }
0x89: {  	s3 =	sld [smem:$0x3FFE];
	_ =	sdelay $0x1  }
0x8a: {  	s1 =	srdreg.scid  }
0x8b: {  	s0 =	sand.u32 $0x1, s1  }
0x8c: {  	s16 =	sshll.u32 s0, $0xA;
	s2 =	sadd.s32 s3, s2  }
0x8d: {  	s2 =	sadd.s32 s2, s16  }
0x8e: {  	[smem:$0x3FAC] =	sst s2  }
0x8f: {  	_ = 	snop  }
0x90: {  	(tm) =	ssettm $0x1  }
0x91: {  	s17 =	sld [smem:$0x3FFB];
	_ =	sdelay $0x3  }
0x92: {  	_ =	strace s17  }
0x93: {  	s2 =	sld [smem:$0x3FFC];
	_ =	sdelay $0x3  }
0x94: {  	_ =	strace s2  }
0x95: {  	s2 =	sld [smem:$0x3FFD];
	_ =	sdelay $0x3  }
0x96: {  	_ =	strace s2  }
0x97: {  	_ =	strace $0x8FFFFFFF  }
0x98: {  	s18 =	sld [smem:$0x3FDB];
	_ =	sdelay $0x1  }
0x99: {  	s19 =	simm.s32 $_scs_section_size  }
0x9a: {  	s4 =	simm.s32 $_size__tile_overlayer_lowered;
	s5 =	simm.s32 $_tile_overlayer_lowered  }
0x9b: {  	s22 =	simm.s32 $0x1BFF;
	s21 =	sshll.u32 s5, $0x1;
	s2 =	sadd.s32 s19, s18  }
0x9c: {  	s6 =	simm.s32 $0x0;
	s20 =	sshll.u32 s4, $0x1;
	s4 =	sadd.s32 s21, s2  }
0x9d: {  	[timem:s6], [sflag:s22] =	dma.local [hbm:s4], s20  }
0x9e: {  	_ =	swait.ge [sflag:s22], s20  }
0x9f: {  	s3 =	ssub.s32 $0x0, s20;
	[sflag:s22] =	ssyncset.done $0x0  }
0xa0: {  	[sflag:s22] =	ssyncadd.s32 s3;
	_ =	sdelay $0x1  }
0xa1: {  	s23 =	simm.s32 $0x1B8B  }
0xa2: {  	_ =	swait.ge [sflag:s23], $0x1  }
0xa3: {  	[sflag:s23] =	ssyncset.done $0x0  }
0xa4: {  	s25 =	simm.s32 $0x1B8E;
	s24 =	sld [smem:$0x3FFE];
	[sflag:s23] =	ssyncadd.s32 $0xFFFFFFFF  }
0xa5: {  	s26 =	simm.s32 $execute0_lowered;
	[smem:$0x3FD2] =	sst s25  }
0xa6: {  	s4 =	sshll.u32 s26, $0x1;
	_ =	strace $0x8000004F;
	[dreg:$0x1] =	wrdreg $0xFFFFFFFF  }
0xa7: {  	s28 =	simm.s32 $_size_execute0_lowered;
	s2 =	sadd.s32 s2, s4;
	[dreg:$0x0] =	wrdreg $0x0  }
0xa8: {  	s4 =	sshll.u32 s28, $0x1;
	[dreg:$0x2] =	wrdreg s2  }
0xa9: {  	[dreg:$0x3] =	wrdreg s4  }
0xaa: {  	[dreg:$0x4] =	wrdreg $0xC0  }
0xab: {  	_ =	task [dreg:s6], $0x5FFFF  }
0xac: {  	[dreg:$0x1] =	wrdreg $0xFFFFFFFF  }
0xad: {  	[dreg:$0x0] =	wrdreg $0x60  }
0xae: {  	[dreg:$0x2] =	wrdreg s24  }
0xaf: {  	[dreg:$0x3] =	wrdreg $0x9  }
0xb0: {  	_ =	task.clear_ibuf [dreg:s6], $0x4FFFF;
	_ =	strace $0x9000004F  }
0xb1: {  	s29 =	simm.s32 $0x9;
	_ =	strace $0x80000051  }
0xb2: {  	_ =	swait.ge [sflag:s29], $0x1  }
0xb3: {  	[sflag:s29] =	ssyncadd.s32 $0xFFFFFFFF  }
0xb4: {  	_ =	strace $0x90000051  }
0xb5: {  	_ =	sfence  }
0xb6: {  	s30 =	sld [smem:$0x0];
	_ =	sdelay $0x2  }
0xb7: {  	s31 =	sshll.u32 s1, $0xD;
	s1 =	sshrl.u32 s1, $0x2  }
0xb8: {  	s3 =	sand.u32 $0x4000, s31;
	s1 =	sadd.s32 s1, s30  }
0xb9: {  	s0 =	sor.u32 s3, s0;
	s1 =	sshll.u32 s1, $0x11  }
0xba: {  	s0 =	sor.u32 s1, s0  }
0xbb: {  	s0 =	sadd.s32 $0x8F2B, s0  }
0xbc: {  	[sflag:s0] =	ssyncadd.remote.s32 $0x1  }
0xbd: {  	_ =	sfence.sel $0xFFFF  }
0xbe: {  	[dreg:$0x0] =	wrdreg $0xFFFFFFFF;
	(pc) =	sbr.abs _section_cstart, $3  }
0xbf: {  	[dreg:$0x1] =	wrdreg $0xFFFFFFFF  }
0xc0: {  	_ =	task.clear_ibuf [dreg:s6], $0x2FFFF;
	_ =	strace $0x9FFFFFFF  }
0xc1: {  	(tm) =	ssettm $0x7FFFFFFF  }
tec
execute0_lowered:
.L_overlay_start_1:
0x0: {  	(tag) =	ssettag $0x1  }
0x1: {  	s1 =	srdreg.scid  }
0x2: {  	s0 =	stileid.u32;
	s4 =	rddreg [dreg:$0x0];
	s2 =	simm.s32 $0x0  }
0x3: {  	s9 =	simm.s32 $0x1;
	s10 =	simm.s32 $0x50;
	s11 =	simm.s32 $0x5000  }
0x4: {  	s12 =	simm.s32 $0x2;
	s13 =	simm.s32 $0x0;
	s5 =	sand.u32 $0x1, s1  }
0x5: {  	s3 =	sshll.u32 s0, $0x1;
	[smem:$0x7FF] =	sst s2;
	s7 =	smul.u32 $0x50000, s0  }
0x6: {  	s3 =	sor.u32 s5, s3;
	s8 =	ssub.s32 $0x2, s5;
	s5 =	smul.u32 $0x28000, s5  }
0x7: {  	s1 =	rddreg [dreg:$0x1];
	_ =	strace $0x80000050;
	s6 =	smul.u32 $0x2800, s3  }
0x8: {  	s3 =	sadd.s32 $0x46A00, s4;
	s7 =	sadd.s32 s7, s4;
	s30 =	sshrl.u32 s8, $0x1  }
0x9: {  	s8 =	ssub.s32 s8, s30;
	s31 =	sadd.s32 s5, s7;
	s6 =	sshrl.u32 s6, $0x3  }
0xa: {  	s7 =	simm.s32 $0x3;
	s5 =	smax.u32 s8, $0x1;
	s6 =	sadd.s32 s6, s4  }
0xb: {  	s8 =	simm.s32 $0x2800;
	s4 =	sadd.s32 $0x86A00, s6;
	s6 =	sadd.s32 $0x90A00, s31  }
.LBB2_1:
0xc: {  	[tilespmem:s2], [sflag:$0x3] =	stream.linear.gather [hbm4b:s4+s2], $0x2800, $0x38;
	[tilespmem:$0x7800] =	vst v63  }
0xd: {  	_ =	swait.ge [sflag:s7], $0x2800  }
0xe: {  	[sflag:s7] =	ssyncset.done $0x0  }
0xf: {  	[sflag:s7] =	ssyncadd.s32 $0xFFFFD800  }
0x10: {  	[tilespmem:s8], [sflag:$0x1] =	stream.indirect.gather [hbm4b:s3+s10], $0x80, s2, s10, $0xb8;
	[tilespmem:$0x7800] =	vst v63  }
0x11: {  	_ =	swait.ge [sflag:s9], $0x2800  }
0x12: {  	[sflag:s9] =	ssyncset.done $0x0  }
0x13: {  	[sflag:s9] =	ssyncadd.s32 $0xFFFFD800  }
0x14: {  	[tilespmem:s11], [sflag:$0x1] =	stream.indirect.gather [hbm4b:s3+s10], $0x80, s10, s10, $0xb8;
	[tilespmem:$0x7800] =	vst v63  }
0x15: {  	_ = 	snop  }
0x16: {  	[hbm4b:s6+s2] =	stream.linear.scatter [tilespmem:s8], [sflag:$0x2], $0x2800, $0x38;
	[tilespmem:$0x7800] =	vst v63  }
0x17: {  	_ =	swait.ge [sflag:s9], $0x2800  }
0x18: {  	[sflag:s9] =	ssyncset.done $0x0  }
0x19: {  	s14 =	sand.u32 $0x7E, s12;
	[sflag:s9] =	ssyncadd.s32 $0xFFFFD800  }
0x1a: {  	s14 =	smul.u32 $0x140, s14;
	_ =	swait.ge [sflag:s12], $0x2800  }
0x1b: {  	[sflag:s12] =	ssyncset.done $0x0  }
0x1c: {  	s14 =	sshrl.u32 s14, $0x2;
	[sflag:s12] =	ssyncadd.s32 $0xFFFFD800  }
0x1d: {  	[tilespmem:s8], [sflag:$0x1] =	stream.indirect.gather [hbm4b:s3+s10], $0x80, s14, s10, $0xb8;
	[tilespmem:$0x7800] =	vst v63  }
0x1e: {  	s31 =	sadd.s32 $0x500, s6  }
0x1f: {  	[hbm4b:s31+s2] =	stream.linear.scatter [tilespmem:s11], [sflag:$0x2], $0x2800, $0x38;
	[tilespmem:$0x7800] =	vst v63  }
0x20: {  	_ =	swait.ge [sflag:s9], $0x2800  }
0x21: {  	[sflag:s9] =	ssyncset.done $0x0  }
0x22: {  	[sflag:s9] =	ssyncadd.s32 $0xFFFFD800  }
0x23: {  	s15 =	smov.u32 s6;
	_ =	swait.ge [sflag:s12], $0x2800  }
0x24: {  	s16 =	simm.s32 $0x50;
	s14 =	simm.s32 $0x4;
	[sflag:s12] =	ssyncset.done $0x0  }
.LBB2_2:
0x25: {  	[sflag:s12] =	ssyncadd.s32 $0xFFFFD800;
	s15 =	sadd.s32 $0xA00, s15;
	s16 =	sadd.s32 $0xA0, s16  }
0x26: {  	[tilespmem:s11], [sflag:$0x1] =	stream.indirect.gather [hbm4b:s3+s10], $0x80, s16, s10, $0xb8;
	[tilespmem:$0x7800] =	vst v63  }
0x27: {  	p0 =	sne.s32 s14, $0x80;
	s17 =	smov.u32 s14;
	s14 =	sadd.s32 $0x2, s14  }
0x28: {  	[hbm4b:s15+s2] =	stream.linear.scatter [tilespmem:s8], [sflag:$0x2], $0x2800, $0x38;
	[tilespmem:$0x7800] =	vst v63  }
0x29: {  	_ =	swait.ge [sflag:s9], $0x2800  }
0x2a: {  	[sflag:s9] =	ssyncset.done $0x0  }
0x2b: {  	s17 =	sand.u32 $0x7E, s17;
	[sflag:s9] =	ssyncadd.s32 $0xFFFFD800  }
0x2c: {  	s17 =	smul.u32 $0x140, s17;
	_ =	swait.ge [sflag:s12], $0x2800  }
0x2d: {  	[sflag:s12] =	ssyncset.done $0x0  }
0x2e: {  	s17 =	sshrl.u32 s17, $0x2;
	[sflag:s12] =	ssyncadd.s32 $0xFFFFD800  }
0x2f: {  	[tilespmem:s8], [sflag:$0x1] =	stream.indirect.gather [hbm4b:s3+s10], $0x80, s17, s10, $0xb8;
	[tilespmem:$0x7800] =	vst v63  }
0x30: {  	s17 =	sadd.s32 $0x500, s15  }
0x31: {  	[hbm4b:s17+s2] =	stream.linear.scatter [tilespmem:s11], [sflag:$0x2], $0x2800, $0x38;
	[tilespmem:$0x7800] =	vst v63  }
.Ltmp0:
0x32: {  	_ =	swait.ge [sflag:s9], $0x2800;
	(pc) =	sbr.rel @p0 .LBB2_2-.Ltmp0, $4  }
0x33: {  	[sflag:s9] =	ssyncset.done $0x0  }
0x34: {  	[sflag:s9] =	ssyncadd.s32 $0xFFFFD800  }
0x35: {  	_ =	swait.ge [sflag:s12], $0x2800  }
0x36: {  	[sflag:s12] =	ssyncset.done $0x0  }
0x37: {  	s13 =	sadd.s32 $0x1, s13  }
0x38: {  	p0 =	sne.s32 s13, s5  }
.Ltmp1:
0x39: {  	_ = 	snop;
	(pc) =	sbr.rel @p0 .LBB2_1-.Ltmp1, $2  }
0x3a: {  	_ =	sdelay $0x2  }
0x3b: {  	[sflag:s12] =	ssyncadd.s32 $0xFFFFD800  }
0x3c: {  	_ =	sfence.sel $0x180000  }
0x3d: {  	[bflag:$0x0] =	sbarrier.arrive $0xFFFF  }
0x3e: {  	p0 =	sne.s32 s0, $0x0;
	_ =	strace $0x90000050  }
0x3f: {  	s0 =	sadd.s32 @!p0 $0x100000, s1;
	[bflag:$0x2] =	sbarrier.arrive $0xFFFF  }
0x40: {  	[sflag:s0] =	ssyncadd.tile.s32 @!p0 $0x1;
	_ =	shalt  }
.Lfunc_end2:
_tile_overlayer_lowered:
.L_overlay_start_2:
0x41: {  	(tag) =	ssettag $0x2  }
0x42: {  	s0 =	rddreg [dreg:$0x0];
	s2 =	stileid.u32  }
0x43: {  	s1 =	rddreg [dreg:$0x1];
	p0 =	sne.s32 s2, $0x0  }
0x44: {  	s3 =	rddreg [dreg:$0x2];
	[bflag:$0x3] =	sbarrier.arrive $0xFFFF;
	s2 =	simm.s32 @!p0 $0x1C03  }
0x45: {  	[timem:s3], [sflag:s2] =	dma.local @!p0 [hbm:s0], s1  }
0x46: {  	s0 =	simm.s32 @!p0 $0x3  }
0x47: {  	_ =	swait.ge @!p0 [sflag:s0], s1  }
0x48: {  	s1 =	ssub.s32 @!p0 $0x0, s1;
	[sflag:s0] =	ssyncset.done @!p0 $0x0  }
0x49: {  	[sflag:s0] =	ssyncadd.s32 @!p0 s1  }
0x4a: {  	[bflag:$0x3] =	sbarrier.arrive $0xFFFF  }
0x4b: {  	_ =	shalt  }

</sc_bundles>
